<compile_context>
chip_gen: v7x
topology: tpu7x:2x2x1
jax: 0.10.2.dev20260603
libtpu: 0.0.44.dev20260713+nightly
codegen_flags: <defaults>
</compile_context>

<pallas_src>
import functools

import jax
import jax.numpy as jnp
from jax import lax
from jax.experimental import pallas as pl
from jax.experimental.pallas import tpu as pltpu
from jax.experimental.pallas import tpu_sc as plsc

_B = 16384
_D = 64
_NC = 2
_NS = 16
_NW = _NC * _NS
_ROWS_PER_W = _B // _NW
_CH = 64
_NCH = _ROWS_PER_W // _CH
_G = 16

_mesh = plsc.VectorSubcoreMesh(core_axis_name="c", subcore_axis_name="s")


@functools.partial(
    pl.kernel,
    out_type=jax.ShapeDtypeStruct((_B,), jnp.float32),
    mesh=_mesh,
    compiler_params=pltpu.CompilerParams(needs_layout_passes=False),
    scratch_types=[
        pltpu.VMEM((_CH, _D), jnp.float32),
        pltpu.VMEM((_CH, _D), jnp.float32),
        pltpu.VMEM((_CH, _D), jnp.float32),
        pltpu.VMEM((_CH, _D), jnp.float32),
        pltpu.VMEM((_CH, _D), jnp.float32),
        pltpu.VMEM((_CH, _D), jnp.float32),
        pltpu.VMEM((_CH, _D), jnp.float32),
        pltpu.VMEM((_CH, _D), jnp.float32),
        pltpu.VMEM((_CH,), jnp.float32),
        pltpu.VMEM((_CH,), jnp.float32),
        pltpu.SemaphoreType.DMA,
        pltpu.SemaphoreType.DMA,
    ],
)
def _sc_dot_kernel(
    gu, gi, gut, git, out,
    bu0, bi0, but0, bit0, bu1, bi1, but1, bit1, bout0, bout1,
    sem_in, sem_out,
):
    wid = lax.axis_index("s") * _NC + lax.axis_index("c")
    base = wid * _ROWS_PER_W
    lane = lax.iota(jnp.int32, _G)

    bufs = ((bu0, bi0, but0, bit0), (bu1, bi1, but1, bit1))
    bouts = (bout0, bout1)

    def fire(c, slot):
        r0 = base + c * _CH
        cu, ci, cut, cit = bufs[slot]
        pltpu.async_copy(gu.at[pl.ds(r0, _CH), :], cu, sem_in)
        pltpu.async_copy(gi.at[pl.ds(r0, _CH), :], ci, sem_in)
        pltpu.async_copy(gut.at[pl.ds(r0, _CH), :], cut, sem_in)
        pltpu.async_copy(git.at[pl.ds(r0, _CH), :], cit, sem_in)

    def drain(slot):
        cu, ci, cut, cit = bufs[slot]
        pltpu.make_async_copy(gu.at[pl.ds(0, _CH), :], cu, sem_in).wait()
        pltpu.make_async_copy(gi.at[pl.ds(0, _CH), :], ci, sem_in).wait()
        pltpu.make_async_copy(gut.at[pl.ds(0, _CH), :], cut, sem_in).wait()
        pltpu.make_async_copy(git.at[pl.ds(0, _CH), :], cit, sem_in).wait()

    fire(0, 0)

    for c in range(_NCH):
        slot = c % 2
        drain(slot)
        if c + 1 < _NCH:
            fire(c + 1, 1 - slot)

        cu, ci, cut, cit = bufs[slot]
        bout = bouts[slot]

        def group_body(g, _):
            row = g * _G + lane
            zero = jnp.zeros((_G,), jnp.float32)

            def d_body(d, carry):
                acc0, acc1, col = carry
                acc0 += plsc.load_gather(cu, [row, col]) * plsc.load_gather(
                    ci, [row, col]
                )
                acc1 += plsc.load_gather(cut, [row, col]) * plsc.load_gather(
                    cit, [row, col]
                )
                col += 1
                col = jnp.where(col == _D, 0, col)
                return acc0, acc1, col

            acc0, acc1, _ = lax.fori_loop(
                0, _D, d_body, (zero, zero, lane), unroll=16
            )
            bout[pl.ds(g * _G, _G)] = acc0 + acc1
            return ()

        lax.fori_loop(0, _CH // _G, group_body, ())

        r0 = base + c * _CH
        if c >= 2:
            pltpu.make_async_copy(bouts[1 - slot], out.at[pl.ds(0, _CH)], sem_out).wait()
        pltpu.async_copy(bout, out.at[pl.ds(r0, _CH)], sem_out)

    pltpu.make_async_copy(bouts[0], out.at[pl.ds(0, _CH)], sem_out).wait()
    pltpu.make_async_copy(bouts[1], out.at[pl.ds(0, _CH)], sem_out).wait()


def kernel(gu, gi, gut, git):
    return _sc_dot_kernel(gu, gi, gut, git)

# --- scband reference (transcript-rebuilt; emitter-appended) ---
"""Pipeline reference for scband-egcfv2-model-78623671320996 (READ-ONLY COPY).

The authoritative reference and input builder live on the scoring server;
editing this copy changes nothing except your own understanding.
"""

import jax, jax.numpy as jnp
import numpy as np

B = 16384
D = 64

def setup_inputs(seed: int = 0) -> dict:
    key = jax.random.key(seed)
    k1, k2, k3, k4 = jax.random.split(key, 4)
    gu = jax.random.normal(k1, (B, D), dtype=jnp.float32)
    gi = jax.random.normal(k2, (B, D), dtype=jnp.float32)
    gut = jax.random.normal(k3, (B, D), dtype=jnp.float32)
    git = jax.random.normal(k4, (B, D), dtype=jnp.float32)
    return {"gu": gu, "gi": gi, "gut": gut, "git": git}

def reference(gu, gi, gut, git):
    # EGCFv2Model.forward: inputs = (gu, gi, gut, git)
    gamma_u = jnp.squeeze(gu)
    gamma_i = jnp.squeeze(gi)
    gamma_u_t = jnp.squeeze(gut)
    gamma_i_t = jnp.squeeze(git)
    xui = jnp.sum(gamma_u * gamma_i, axis=1) + jnp.sum(gamma_u_t * gamma_i_t, axis=1)
    return xui

if __name__ == "__main__":
    import jax
    _d = setup_inputs()
    print(jax.jit(kernel)(*tuple(_d.values())))

</pallas_src>

<mosaic_0001>
#map = affine_map<(d0, d1) -> (0, 0)>
#map1 = affine_map<(d0, d1) -> (0)>
module attributes {stable_mosaic.version = 14 : i64} {
  func.func @_sc_dot_kernel(%arg0: i32, %arg1: i32, %arg2: memref<16384x64xf32, #tpu.memory_space<hbm>>, %arg3: memref<16384x64xf32, #tpu.memory_space<hbm>>, %arg4: memref<16384x64xf32, #tpu.memory_space<hbm>>, %arg5: memref<16384x64xf32, #tpu.memory_space<hbm>>, %arg6: memref<16384xf32, #tpu.memory_space<hbm>>, %arg7: memref<64x64xf32, #tpu.memory_space<vmem>>, %arg8: memref<64x64xf32, #tpu.memory_space<vmem>>, %arg9: memref<64x64xf32, #tpu.memory_space<vmem>>, %arg10: memref<64x64xf32, #tpu.memory_space<vmem>>, %arg11: memref<64x64xf32, #tpu.memory_space<vmem>>, %arg12: memref<64x64xf32, #tpu.memory_space<vmem>>, %arg13: memref<64x64xf32, #tpu.memory_space<vmem>>, %arg14: memref<64x64xf32, #tpu.memory_space<vmem>>, %arg15: memref<64xf32, #tpu.memory_space<vmem>>, %arg16: memref<64xf32, #tpu.memory_space<vmem>>, %arg17: memref<!tpu.dma_semaphore, #tpu.memory_space<semaphore_mem>>, %arg18: memref<!tpu.dma_semaphore, #tpu.memory_space<semaphore_mem>>) attributes {dimension_semantics = [#tpu.dimension_semantics<core_parallel>, #tpu.dimension_semantics<subcore_parallel>], iteration_bounds = array<i64: 2, 16>, scalar_prefetch = 0 : i64, scratch_operands = 12 : i64, tpu.core_type = #tpu.core_type<sc_vector_subcore>, window_params = [{transform_indices = #map}, {transform_indices = #map}, {transform_indices = #map}, {transform_indices = #map}, {transform_indices = #map1}]} {
    %mul3A = arith.constant 2 : i32
    %mul3A_0 = arith.muli %arg1, %mul3A : i32
    %add3A = arith.addi %mul3A_0, %arg0 : i32
    %mul3A_1 = arith.constant 512 : i32
    %mul3A_2 = arith.muli %add3A, %mul3A_1 : i32
    %iota3A = tpu.iota {dimensions = array<i32: 0>} : vector<16xi32>
    %add3A_3 = arith.constant 0 : i32
    %add3A_4 = arith.addi %mul3A_2, %add3A_3 : i32
    %dma_start3A = arith.constant 0 : i32
    %dma_start3A_5 = tpu.memref_slice %arg2[%add3A_4, %dma_start3A] : memref<16384x64xf32, #tpu.memory_space<hbm>> -> memref<64x64xf32, #tpu.memory_space<hbm>>
    %dma_start3A_6 = arith.constant 0 : i32
    %dma_start3A_7 = tpu.memref_slice %arg2[%add3A_4, %dma_start3A_6] : memref<16384x64xf32, #tpu.memory_space<hbm>> -> memref<64x64xf32, #tpu.memory_space<hbm>>
    tpu.enqueue_dma source(%dma_start3A_7 : memref<64x64xf32, #tpu.memory_space<hbm>>) target(%arg7 : memref<64x64xf32, #tpu.memory_space<vmem>>) target_semaphore(%arg17 : memref<!tpu.dma_semaphore, #tpu.memory_space<semaphore_mem>>)
    %dma_start3A_8 = arith.constant 0 : i32
    %dma_start3A_9 = tpu.memref_slice %arg3[%add3A_4, %dma_start3A_8] : memref<16384x64xf32, #tpu.memory_space<hbm>> -> memref<64x64xf32, #tpu.memory_space<hbm>>
    %dma_start3A_10 = arith.constant 0 : i32
    %dma_start3A_11 = tpu.memref_slice %arg3[%add3A_4, %dma_start3A_10] : memref<16384x64xf32, #tpu.memory_space<hbm>> -> memref<64x64xf32, #tpu.memory_space<hbm>>
    tpu.enqueue_dma source(%dma_start3A_11 : memref<64x64xf32, #tpu.memory_space<hbm>>) target(%arg8 : memref<64x64xf32, #tpu.memory_space<vmem>>) target_semaphore(%arg17 : memref<!tpu.dma_semaphore, #tpu.memory_space<semaphore_mem>>)
    %dma_start3A_12 = arith.constant 0 : i32
    %dma_start3A_13 = tpu.memref_slice %arg4[%add3A_4, %dma_start3A_12] : memref<16384x64xf32, #tpu.memory_space<hbm>> -> memref<64x64xf32, #tpu.memory_space<hbm>>
    %dma_start3A_14 = arith.constant 0 : i32
    %dma_start3A_15 = tpu.memref_slice %arg4[%add3A_4, %dma_start3A_14] : memref<16384x64xf32, #tpu.memory_space<hbm>> -> memref<64x64xf32, #tpu.memory_space<hbm>>
    tpu.enqueue_dma source(%dma_start3A_15 : memref<64x64xf32, #tpu.memory_space<hbm>>) target(%arg9 : memref<64x64xf32, #tpu.memory_space<vmem>>) target_semaphore(%arg17 : memref<!tpu.dma_semaphore, #tpu.memory_space<semaphore_mem>>)
    %dma_start3A_16 = arith.constant 0 : i32
    %dma_start3A_17 = tpu.memref_slice %arg5[%add3A_4, %dma_start3A_16] : memref<16384x64xf32, #tpu.memory_space<hbm>> -> memref<64x64xf32, #tpu.memory_space<hbm>>
    %dma_start3A_18 = arith.constant 0 : i32
    %dma_start3A_19 = tpu.memref_slice %arg5[%add3A_4, %dma_start3A_18] : memref<16384x64xf32, #tpu.memory_space<hbm>> -> memref<64x64xf32, #tpu.memory_space<hbm>>
    tpu.enqueue_dma source(%dma_start3A_19 : memref<64x64xf32, #tpu.memory_space<hbm>>) target(%arg10 : memref<64x64xf32, #tpu.memory_space<vmem>>) target_semaphore(%arg17 : memref<!tpu.dma_semaphore, #tpu.memory_space<semaphore_mem>>)
    %dma_wait3A = arith.constant 0 : i32
    %dma_wait3A_20 = arith.constant 0 : i32
    %dma_wait3A_21 = tpu.memref_slice %arg2[%dma_wait3A, %dma_wait3A_20] : memref<16384x64xf32, #tpu.memory_space<hbm>> -> memref<64x64xf32, #tpu.memory_space<hbm>>
    %dma_wait3A_22 = arith.constant 0 : i32
    %dma_wait3A_23 = arith.constant 0 : i32
    %dma_wait3A_24 = tpu.memref_slice %arg2[%dma_wait3A_22, %dma_wait3A_23] : memref<16384x64xf32, #tpu.memory_space<hbm>> -> memref<64x64xf32, #tpu.memory_space<hbm>>
    tpu.wait_dma2 semaphore(%arg17 : memref<!tpu.dma_semaphore, #tpu.memory_space<semaphore_mem>>) src(%dma_wait3A_24 : memref<64x64xf32, #tpu.memory_space<hbm>>) dst(%arg7 : memref<64x64xf32, #tpu.memory_space<vmem>>)
    %dma_wait3A_25 = arith.constant 0 : i32
    %dma_wait3A_26 = arith.constant 0 : i32
    %dma_wait3A_27 = tpu.memref_slice %arg3[%dma_wait3A_25, %dma_wait3A_26] : memref<16384x64xf32, #tpu.memory_space<hbm>> -> memref<64x64xf32, #tpu.memory_space<hbm>>
    %dma_wait3A_28 = arith.constant 0 : i32
    %dma_wait3A_29 = arith.constant 0 : i32
    %dma_wait3A_30 = tpu.memref_slice %arg3[%dma_wait3A_28, %dma_wait3A_29] : memref<16384x64xf32, #tpu.memory_space<hbm>> -> memref<64x64xf32, #tpu.memory_space<hbm>>
    tpu.wait_dma2 semaphore(%arg17 : memref<!tpu.dma_semaphore, #tpu.memory_space<semaphore_mem>>) src(%dma_wait3A_30 : memref<64x64xf32, #tpu.memory_space<hbm>>) dst(%arg8 : memref<64x64xf32, #tpu.memory_space<vmem>>)
    %dma_wait3A_31 = arith.constant 0 : i32
    %dma_wait3A_32 = arith.constant 0 : i32
    %dma_wait3A_33 = tpu.memref_slice %arg4[%dma_wait3A_31, %dma_wait3A_32] : memref<16384x64xf32, #tpu.memory_space<hbm>> -> memref<64x64xf32, #tpu.memory_space<hbm>>
    %dma_wait3A_34 = arith.constant 0 : i32
    %dma_wait3A_35 = arith.constant 0 : i32
    %dma_wait3A_36 = tpu.memref_slice %arg4[%dma_wait3A_34, %dma_wait3A_35] : memref<16384x64xf32, #tpu.memory_space<hbm>> -> memref<64x64xf32, #tpu.memory_space<hbm>>
    tpu.wait_dma2 semaphore(%arg17 : memref<!tpu.dma_semaphore, #tpu.memory_space<semaphore_mem>>) src(%dma_wait3A_36 : memref<64x64xf32, #tpu.memory_space<hbm>>) dst(%arg9 : memref<64x64xf32, #tpu.memory_space<vmem>>)
    %dma_wait3A_37 = arith.constant 0 : i32
    %dma_wait3A_38 = arith.constant 0 : i32
    %dma_wait3A_39 = tpu.memref_slice %arg5[%dma_wait3A_37, %dma_wait3A_38] : memref<16384x64xf32, #tpu.memory_space<hbm>> -> memref<64x64xf32, #tpu.memory_space<hbm>>
    %dma_wait3A_40 = arith.constant 0 : i32
    %dma_wait3A_41 = arith.constant 0 : i32
    %dma_wait3A_42 = tpu.memref_slice %arg5[%dma_wait3A_40, %dma_wait3A_41] : memref<16384x64xf32, #tpu.memory_space<hbm>> -> memref<64x64xf32, #tpu.memory_space<hbm>>
    tpu.wait_dma2 semaphore(%arg17 : memref<!tpu.dma_semaphore, #tpu.memory_space<semaphore_mem>>) src(%dma_wait3A_42 : memref<64x64xf32, #tpu.memory_space<hbm>>) dst(%arg10 : memref<64x64xf32, #tpu.memory_space<vmem>>)
    %add3A_43 = arith.constant 64 : i32
    %add3A_44 = arith.addi %mul3A_2, %add3A_43 : i32
    %dma_start3A_45 = arith.constant 0 : i32
    %dma_start3A_46 = tpu.memref_slice %arg2[%add3A_44, %dma_start3A_45] : memref<16384x64xf32, #tpu.memory_space<hbm>> -> memref<64x64xf32, #tpu.memory_space<hbm>>
    %dma_start3A_47 = arith.constant 0 : i32
    %dma_start3A_48 = tpu.memref_slice %arg2[%add3A_44, %dma_start3A_47] : memref<16384x64xf32, #tpu.memory_space<hbm>> -> memref<64x64xf32, #tpu.memory_space<hbm>>
    tpu.enqueue_dma source(%dma_start3A_48 : memref<64x64xf32, #tpu.memory_space<hbm>>) target(%arg11 : memref<64x64xf32, #tpu.memory_space<vmem>>) target_semaphore(%arg17 : memref<!tpu.dma_semaphore, #tpu.memory_space<semaphore_mem>>)
    %dma_start3A_49 = arith.constant 0 : i32
    %dma_start3A_50 = tpu.memref_slice %arg3[%add3A_44, %dma_start3A_49] : memref<16384x64xf32, #tpu.memory_space<hbm>> -> memref<64x64xf32, #tpu.memory_space<hbm>>
    %dma_start3A_51 = arith.constant 0 : i32
    %dma_start3A_52 = tpu.memref_slice %arg3[%add3A_44, %dma_start3A_51] : memref<16384x64xf32, #tpu.memory_space<hbm>> -> memref<64x64xf32, #tpu.memory_space<hbm>>
    tpu.enqueue_dma source(%dma_start3A_52 : memref<64x64xf32, #tpu.memory_space<hbm>>) target(%arg12 : memref<64x64xf32, #tpu.memory_space<vmem>>) target_semaphore(%arg17 : memref<!tpu.dma_semaphore, #tpu.memory_space<semaphore_mem>>)
    %dma_start3A_53 = arith.constant 0 : i32
    %dma_start3A_54 = tpu.memref_slice %arg4[%add3A_44, %dma_start3A_53] : memref<16384x64xf32, #tpu.memory_space<hbm>> -> memref<64x64xf32, #tpu.memory_space<hbm>>
    %dma_start3A_55 = arith.constant 0 : i32
    %dma_start3A_56 = tpu.memref_slice %arg4[%add3A_44, %dma_start3A_55] : memref<16384x64xf32, #tpu.memory_space<hbm>> -> memref<64x64xf32, #tpu.memory_space<hbm>>
    tpu.enqueue_dma source(%dma_start3A_56 : memref<64x64xf32, #tpu.memory_space<hbm>>) target(%arg13 : memref<64x64xf32, #tpu.memory_space<vmem>>) target_semaphore(%arg17 : memref<!tpu.dma_semaphore, #tpu.memory_space<semaphore_mem>>)
    %dma_start3A_57 = arith.constant 0 : i32
    %dma_start3A_58 = tpu.memref_slice %arg5[%add3A_44, %dma_start3A_57] : memref<16384x64xf32, #tpu.memory_space<hbm>> -> memref<64x64xf32, #tpu.memory_space<hbm>>
    %dma_start3A_59 = arith.constant 0 : i32
    %dma_start3A_60 = tpu.memref_slice %arg5[%add3A_44, %dma_start3A_59] : memref<16384x64xf32, #tpu.memory_space<hbm>> -> memref<64x64xf32, #tpu.memory_space<hbm>>
    tpu.enqueue_dma source(%dma_start3A_60 : memref<64x64xf32, #tpu.memory_space<hbm>>) target(%arg14 : memref<64x64xf32, #tpu.memory_space<vmem>>) target_semaphore(%arg17 : memref<!tpu.dma_semaphore, #tpu.memory_space<semaphore_mem>>)
    %scan3A = arith.constant 0 : i32
    %scan3A_61 = arith.constant 4 : i32
    %scan3A_62 = arith.addi %scan3A, %scan3A_61 : i32
    %scan3A_63 = arith.constant 1 : i32
    scf.for %scan3A_440 = %scan3A to %scan3A_62 step %scan3A_63  : i32 {
      %mul3A_441 = arith.constant 16 : i32
      %mul3A_442 = arith.muli %scan3A_440, %mul3A_441 : i32
      %add3A_443 = vector.broadcast %mul3A_442 : i32 to vector<16xi32>
      %add3A_444 = arith.addi %add3A_443, %iota3A : vector<16xi32>
      %broadcast_in_dim3A = arith.constant 0.000000e+00 : f32
      %broadcast_in_dim3A_445 = vector.broadcast %broadcast_in_dim3A : f32 to vector<16xf32>
      %scan3A_446 = arith.constant 0 : i32
      %scan3A_447 = arith.constant 64 : i32
      %scan3A_448 = arith.addi %scan3A_446, %scan3A_447 : i32
      %scan3A_449 = arith.constant 16 : i32
      %scan3A_450:3 = scf.for %scan3A_456 = %scan3A_446 to %scan3A_448 step %scan3A_449 iter_args(%scan3A_457 = %broadcast_in_dim3A_445, %scan3A_458 = %broadcast_in_dim3A_445, %scan3A_459 = %iota3A) -> (vector<16xf32>, vector<16xf32>, vector<16xi32>)  : i32 {
        %gather3A = tpu.vector_load_idx %arg7[%add3A_444, %scan3A_459] : memref<64x64xf32, #tpu.memory_space<vmem>>[vector<16xi32>, vector<16xi32>], vector<16xf32>,
        %gather3A_460 = tpu.vector_load_idx %arg8[%add3A_444, %scan3A_459] : memref<64x64xf32, #tpu.memory_space<vmem>>[vector<16xi32>, vector<16xi32>], vector<16xf32>,
        %mul3A_461 = arith.mulf %gather3A, %gather3A_460 : vector<16xf32>
        %add3A_462 = arith.addf %scan3A_457, %mul3A_461 : vector<16xf32>
        %gather3A_463 = tpu.vector_load_idx %arg9[%add3A_444, %scan3A_459] : memref<64x64xf32, #tpu.memory_space<vmem>>[vector<16xi32>, vector<16xi32>], vector<16xf32>,
        %gather3A_464 = tpu.vector_load_idx %arg10[%add3A_444, %scan3A_459] : memref<64x64xf32, #tpu.memory_space<vmem>>[vector<16xi32>, vector<16xi32>], vector<16xf32>,
        %mul3A_465 = arith.mulf %gather3A_463, %gather3A_464 : vector<16xf32>
        %add3A_466 = arith.addf %scan3A_458, %mul3A_465 : vector<16xf32>
        %add3A_467 = arith.constant 1 : i32
        %add3A_468 = vector.broadcast %add3A_467 : i32 to vector<16xi32>
        %add3A_469 = arith.addi %scan3A_459, %add3A_468 : vector<16xi32>
        %eq3A = arith.constant 64 : i32
        %eq3A_470 = vector.broadcast %eq3A : i32 to vector<16xi32>
        %eq3A_471 = arith.cmpi eq, %add3A_469, %eq3A_470 : vector<16xi32>
        %jit3A = arith.constant 0 : i32
        %broadcast_in_dim3A_472 = vector.broadcast %jit3A : i32 to vector<16xi32>
        %select_n3A = arith.select %eq3A_471, %broadcast_in_dim3A_472, %add3A_469 : vector<16xi1>, vector<16xi32>
        %scan3A_473 = arith.constant 1 : i32
        %scan3A_474 = arith.addi %scan3A_456, %scan3A_473 : i32
        %gather3A_475 = tpu.vector_load_idx %arg7[%add3A_444, %select_n3A] : memref<64x64xf32, #tpu.memory_space<vmem>>[vector<16xi32>, vector<16xi32>], vector<16xf32>,
        %gather3A_476 = tpu.vector_load_idx %arg8[%add3A_444, %select_n3A] : memref<64x64xf32, #tpu.memory_space<vmem>>[vector<16xi32>, vector<16xi32>], vector<16xf32>,
        %mul3A_477 = arith.mulf %gather3A_475, %gather3A_476 : vector<16xf32>
        %add3A_478 = arith.addf %add3A_462, %mul3A_477 : vector<16xf32>
        %gather3A_479 = tpu.vector_load_idx %arg9[%add3A_444, %select_n3A] : memref<64x64xf32, #tpu.memory_space<vmem>>[vector<16xi32>, vector<16xi32>], vector<16xf32>,
        %gather3A_480 = tpu.vector_load_idx %arg10[%add3A_444, %select_n3A] : memref<64x64xf32, #tpu.memory_space<vmem>>[vector<16xi32>, vector<16xi32>], vector<16xf32>,
        %mul3A_481 = arith.mulf %gather3A_479, %gather3A_480 : vector<16xf32>
        %add3A_482 = arith.addf %add3A_466, %mul3A_481 : vector<16xf32>
        %add3A_483 = arith.constant 1 : i32
        %add3A_484 = vector.broadcast %add3A_483 : i32 to vector<16xi32>
        %add3A_485 = arith.addi %select_n3A, %add3A_484 : vector<16xi32>
        %eq3A_486 = arith.constant 64 : i32
        %eq3A_487 = vector.broadcast %eq3A_486 : i32 to vector<16xi32>
        %eq3A_488 = arith.cmpi eq, %add3A_485, %eq3A_487 : vector<16xi32>
        %jit3A_489 = arith.constant 0 : i32
        %broadcast_in_dim3A_490 = vector.broadcast %jit3A_489 : i32 to vector<16xi32>
        %select_n3A_491 = arith.select %eq3A_488, %broadcast_in_dim3A_490, %add3A_485 : vector<16xi1>, vector<16xi32>
        %scan3A_492 = arith.constant 2 : i32
        %scan3A_493 = arith.addi %scan3A_456, %scan3A_492 : i32
        %gather3A_494 = tpu.vector_load_idx %arg7[%add3A_444, %select_n3A_491] : memref<64x64xf32, #tpu.memory_space<vmem>>[vector<16xi32>, vector<16xi32>], vector<16xf32>,
        %gather3A_495 = tpu.vector_load_idx %arg8[%add3A_444, %select_n3A_491] : memref<64x64xf32, #tpu.memory_space<vmem>>[vector<16xi32>, vector<16xi32>], vector<16xf32>,
        %mul3A_496 = arith.mulf %gather3A_494, %gather3A_495 : vector<16xf32>
        %add3A_497 = arith.addf %add3A_478, %mul3A_496 : vector<16xf32>
        %gather3A_498 = tpu.vector_load_idx %arg9[%add3A_444, %select_n3A_491] : memref<64x64xf32, #tpu.memory_space<vmem>>[vector<16xi32>, vector<16xi32>], vector<16xf32>,
        %gather3A_499 = tpu.vector_load_idx %arg10[%add3A_444, %select_n3A_491] : memref<64x64xf32, #tpu.memory_space<vmem>>[vector<16xi32>, vector<16xi32>], vector<16xf32>,
        %mul3A_500 = arith.mulf %gather3A_498, %gather3A_499 : vector<16xf32>
        %add3A_501 = arith.addf %add3A_482, %mul3A_500 : vector<16xf32>
        %add3A_502 = arith.constant 1 : i32
        %add3A_503 = vector.broadcast %add3A_502 : i32 to vector<16xi32>
        %add3A_504 = arith.addi %select_n3A_491, %add3A_503 : vector<16xi32>
        %eq3A_505 = arith.constant 64 : i32
        %eq3A_506 = vector.broadcast %eq3A_505 : i32 to vector<16xi32>
        %eq3A_507 = arith.cmpi eq, %add3A_504, %eq3A_506 : vector<16xi32>
        %jit3A_508 = arith.constant 0 : i32
        %broadcast_in_dim3A_509 = vector.broadcast %jit3A_508 : i32 to vector<16xi32>
        %select_n3A_510 = arith.select %eq3A_507, %broadcast_in_dim3A_509, %add3A_504 : vector<16xi1>, vector<16xi32>
        %scan3A_511 = arith.constant 3 : i32
        %scan3A_512 = arith.addi %scan3A_456, %scan3A_511 : i32
        %gather3A_513 = tpu.vector_load_idx %arg7[%add3A_444, %select_n3A_510] : memref<64x64xf32, #tpu.memory_space<vmem>>[vector<16xi32>, vector<16xi32>], vector<16xf32>,
        %gather3A_514 = tpu.vector_load_idx %arg8[%add3A_444, %select_n3A_510] : memref<64x64xf32, #tpu.memory_space<vmem>>[vector<16xi32>, vector<16xi32>], vector<16xf32>,
        %mul3A_515 = arith.mulf %gather3A_513, %gather3A_514 : vector<16xf32>
        %add3A_516 = arith.addf %add3A_497, %mul3A_515 : vector<16xf32>
        %gather3A_517 = tpu.vector_load_idx %arg9[%add3A_444, %select_n3A_510] : memref<64x64xf32, #tpu.memory_space<vmem>>[vector<16xi32>, vector<16xi32>], vector<16xf32>,
        %gather3A_518 = tpu.vector_load_idx %arg10[%add3A_444, %select_n3A_510] : memref<64x64xf32, #tpu.memory_space<vmem>>[vector<16xi32>, vector<16xi32>], vector<16xf32>,
        %mul3A_519 = arith.mulf %gather3A_517, %gather3A_518 : vector<16xf32>
        %add3A_520 = arith.addf %add3A_501, %mul3A_519 : vector<16xf32>
        %add3A_521 = arith.constant 1 : i32
        %add3A_522 = vector.broadcast %add3A_521 : i32 to vector<16xi32>
        %add3A_523 = arith.addi %select_n3A_510, %add3A_522 : vector<16xi32>
        %eq3A_524 = arith.constant 64 : i32
        %eq3A_525 = vector.broadcast %eq3A_524 : i32 to vector<16xi32>
        %eq3A_526 = arith.cmpi eq, %add3A_523, %eq3A_525 : vector<16xi32>
        %jit3A_527 = arith.constant 0 : i32
        %broadcast_in_dim3A_528 = vector.broadcast %jit3A_527 : i32 to vector<16xi32>
        %select_n3A_529 = arith.select %eq3A_526, %broadcast_in_dim3A_528, %add3A_523 : vector<16xi1>, vector<16xi32>
        %scan3A_530 = arith.constant 4 : i32
        %scan3A_531 = arith.addi %scan3A_456, %scan3A_530 : i32
        %gather3A_532 = tpu.vector_load_idx %arg7[%add3A_444, %select_n3A_529] : memref<64x64xf32, #tpu.memory_space<vmem>>[vector<16xi32>, vector<16xi32>], vector<16xf32>,
        %gather3A_533 = tpu.vector_load_idx %arg8[%add3A_444, %select_n3A_529] : memref<64x64xf32, #tpu.memory_space<vmem>>[vector<16xi32>, vector<16xi32>], vector<16xf32>,
        %mul3A_534 = arith.mulf %gather3A_532, %gather3A_533 : vector<16xf32>
        %add3A_535 = arith.addf %add3A_516, %mul3A_534 : vector<16xf32>
        %gather3A_536 = tpu.vector_load_idx %arg9[%add3A_444, %select_n3A_529] : memref<64x64xf32, #tpu.memory_space<vmem>>[vector<16xi32>, vector<16xi32>], vector<16xf32>,
        %gather3A_537 = tpu.vector_load_idx %arg10[%add3A_444, %select_n3A_529] : memref<64x64xf32, #tpu.memory_space<vmem>>[vector<16xi32>, vector<16xi32>], vector<16xf32>,
        %mul3A_538 = arith.mulf %gather3A_536, %gather3A_537 : vector<16xf32>
        %add3A_539 = arith.addf %add3A_520, %mul3A_538 : vector<16xf32>
        %add3A_540 = arith.constant 1 : i32
        %add3A_541 = vector.broadcast %add3A_540 : i32 to vector<16xi32>
        %add3A_542 = arith.addi %select_n3A_529, %add3A_541 : vector<16xi32>
        %eq3A_543 = arith.constant 64 : i32
        %eq3A_544 = vector.broadcast %eq3A_543 : i32 to vector<16xi32>
        %eq3A_545 = arith.cmpi eq, %add3A_542, %eq3A_544 : vector<16xi32>
        %jit3A_546 = arith.constant 0 : i32
        %broadcast_in_dim3A_547 = vector.broadcast %jit3A_546 : i32 to vector<16xi32>
        %select_n3A_548 = arith.select %eq3A_545, %broadcast_in_dim3A_547, %add3A_542 : vector<16xi1>, vector<16xi32>
        %scan3A_549 = arith.constant 5 : i32
        %scan3A_550 = arith.addi %scan3A_456, %scan3A_549 : i32
        %gather3A_551 = tpu.vector_load_idx %arg7[%add3A_444, %select_n3A_548] : memref<64x64xf32, #tpu.memory_space<vmem>>[vector<16xi32>, vector<16xi32>], vector<16xf32>,
        %gather3A_552 = tpu.vector_load_idx %arg8[%add3A_444, %select_n3A_548] : memref<64x64xf32, #tpu.memory_space<vmem>>[vector<16xi32>, vector<16xi32>], vector<16xf32>,
        %mul3A_553 = arith.mulf %gather3A_551, %gather3A_552 : vector<16xf32>
        %add3A_554 = arith.addf %add3A_535, %mul3A_553 : vector<16xf32>
        %gather3A_555 = tpu.vector_load_idx %arg9[%add3A_444, %select_n3A_548] : memref<64x64xf32, #tpu.memory_space<vmem>>[vector<16xi32>, vector<16xi32>], vector<16xf32>,
        %gather3A_556 = tpu.vector_load_idx %arg10[%add3A_444, %select_n3A_548] : memref<64x64xf32, #tpu.memory_space<vmem>>[vector<16xi32>, vector<16xi32>], vector<16xf32>,
        %mul3A_557 = arith.mulf %gather3A_555, %gather3A_556 : vector<16xf32>
        %add3A_558 = arith.addf %add3A_539, %mul3A_557 : vector<16xf32>
        %add3A_559 = arith.constant 1 : i32
        %add3A_560 = vector.broadcast %add3A_559 : i32 to vector<16xi32>
        %add3A_561 = arith.addi %select_n3A_548, %add3A_560 : vector<16xi32>
        %eq3A_562 = arith.constant 64 : i32
        %eq3A_563 = vector.broadcast %eq3A_562 : i32 to vector<16xi32>
        %eq3A_564 = arith.cmpi eq, %add3A_561, %eq3A_563 : vector<16xi32>
        %jit3A_565 = arith.constant 0 : i32
        %broadcast_in_dim3A_566 = vector.broadcast %jit3A_565 : i32 to vector<16xi32>
        %select_n3A_567 = arith.select %eq3A_564, %broadcast_in_dim3A_566, %add3A_561 : vector<16xi1>, vector<16xi32>
        %scan3A_568 = arith.constant 6 : i32
        %scan3A_569 = arith.addi %scan3A_456, %scan3A_568 : i32
        %gather3A_570 = tpu.vector_load_idx %arg7[%add3A_444, %select_n3A_567] : memref<64x64xf32, #tpu.memory_space<vmem>>[vector<16xi32>, vector<16xi32>], vector<16xf32>,
        %gather3A_571 = tpu.vector_load_idx %arg8[%add3A_444, %select_n3A_567] : memref<64x64xf32, #tpu.memory_space<vmem>>[vector<16xi32>, vector<16xi32>], vector<16xf32>,
        %mul3A_572 = arith.mulf %gather3A_570, %gather3A_571 : vector<16xf32>
        %add3A_573 = arith.addf %add3A_554, %mul3A_572 : vector<16xf32>
        %gather3A_574 = tpu.vector_load_idx %arg9[%add3A_444, %select_n3A_567] : memref<64x64xf32, #tpu.memory_space<vmem>>[vector<16xi32>, vector<16xi32>], vector<16xf32>,
        %gather3A_575 = tpu.vector_load_idx %arg10[%add3A_444, %select_n3A_567] : memref<64x64xf32, #tpu.memory_space<vmem>>[vector<16xi32>, vector<16xi32>], vector<16xf32>,
        %mul3A_576 = arith.mulf %gather3A_574, %gather3A_575 : vector<16xf32>
        %add3A_577 = arith.addf %add3A_558, %mul3A_576 : vector<16xf32>
        %add3A_578 = arith.constant 1 : i32
        %add3A_579 = vector.broadcast %add3A_578 : i32 to vector<16xi32>
        %add3A_580 = arith.addi %select_n3A_567, %add3A_579 : vector<16xi32>
        %eq3A_581 = arith.constant 64 : i32
        %eq3A_582 = vector.broadcast %eq3A_581 : i32 to vector<16xi32>
        %eq3A_583 = arith.cmpi eq, %add3A_580, %eq3A_582 : vector<16xi32>
        %jit3A_584 = arith.constant 0 : i32
        %broadcast_in_dim3A_585 = vector.broadcast %jit3A_584 : i32 to vector<16xi32>
        %select_n3A_586 = arith.select %eq3A_583, %broadcast_in_dim3A_585, %add3A_580 : vector<16xi1>, vector<16xi32>
        %scan3A_587 = arith.constant 7 : i32
        %scan3A_588 = arith.addi %scan3A_456, %scan3A_587 : i32
        %gather3A_589 = tpu.vector_load_idx %arg7[%add3A_444, %select_n3A_586] : memref<64x64xf32, #tpu.memory_space<vmem>>[vector<16xi32>, vector<16xi32>], vector<16xf32>,
        %gather3A_590 = tpu.vector_load_idx %arg8[%add3A_444, %select_n3A_586] : memref<64x64xf32, #tpu.memory_space<vmem>>[vector<16xi32>, vector<16xi32>], vector<16xf32>,
        %mul3A_591 = arith.mulf %gather3A_589, %gather3A_590 : vector<16xf32>
        %add3A_592 = arith.addf %add3A_573, %mul3A_591 : vector<16xf32>
        %gather3A_593 = tpu.vector_load_idx %arg9[%add3A_444, %select_n3A_586] : memref<64x64xf32, #tpu.memory_space<vmem>>[vector<16xi32>, vector<16xi32>], vector<16xf32>,
        %gather3A_594 = tpu.vector_load_idx %arg10[%add3A_444, %select_n3A_586] : memref<64x64xf32, #tpu.memory_space<vmem>>[vector<16xi32>, vector<16xi32>], vector<16xf32>,
        %mul3A_595 = arith.mulf %gather3A_593, %gather3A_594 : vector<16xf32>
        %add3A_596 = arith.addf %add3A_577, %mul3A_595 : vector<16xf32>
        %add3A_597 = arith.constant 1 : i32
        %add3A_598 = vector.broadcast %add3A_597 : i32 to vector<16xi32>
        %add3A_599 = arith.addi %select_n3A_586, %add3A_598 : vector<16xi32>
        %eq3A_600 = arith.constant 64 : i32
        %eq3A_601 = vector.broadcast %eq3A_600 : i32 to vector<16xi32>
        %eq3A_602 = arith.cmpi eq, %add3A_599, %eq3A_601 : vector<16xi32>
        %jit3A_603 = arith.constant 0 : i32
        %broadcast_in_dim3A_604 = vector.broadcast %jit3A_603 : i32 to vector<16xi32>
        %select_n3A_605 = arith.select %eq3A_602, %broadcast_in_dim3A_604, %add3A_599 : vector<16xi1>, vector<16xi32>
        %scan3A_606 = arith.constant 8 : i32
        %scan3A_607 = arith.addi %scan3A_456, %scan3A_606 : i32
        %gather3A_608 = tpu.vector_load_idx %arg7[%add3A_444, %select_n3A_605] : memref<64x64xf32, #tpu.memory_space<vmem>>[vector<16xi32>, vector<16xi32>], vector<16xf32>,
        %gather3A_609 = tpu.vector_load_idx %arg8[%add3A_444, %select_n3A_605] : memref<64x64xf32, #tpu.memory_space<vmem>>[vector<16xi32>, vector<16xi32>], vector<16xf32>,
        %mul3A_610 = arith.mulf %gather3A_608, %gather3A_609 : vector<16xf32>
        %add3A_611 = arith.addf %add3A_592, %mul3A_610 : vector<16xf32>
        %gather3A_612 = tpu.vector_load_idx %arg9[%add3A_444, %select_n3A_605] : memref<64x64xf32, #tpu.memory_space<vmem>>[vector<16xi32>, vector<16xi32>], vector<16xf32>,
        %gather3A_613 = tpu.vector_load_idx %arg10[%add3A_444, %select_n3A_605] : memref<64x64xf32, #tpu.memory_space<vmem>>[vector<16xi32>, vector<16xi32>], vector<16xf32>,
        %mul3A_614 = arith.mulf %gather3A_612, %gather3A_613 : vector<16xf32>
        %add3A_615 = arith.addf %add3A_596, %mul3A_614 : vector<16xf32>
        %add3A_616 = arith.constant 1 : i32
        %add3A_617 = vector.broadcast %add3A_616 : i32 to vector<16xi32>
        %add3A_618 = arith.addi %select_n3A_605, %add3A_617 : vector<16xi32>
        %eq3A_619 = arith.constant 64 : i32
        %eq3A_620 = vector.broadcast %eq3A_619 : i32 to vector<16xi32>
        %eq3A_621 = arith.cmpi eq, %add3A_618, %eq3A_620 : vector<16xi32>
        %jit3A_622 = arith.constant 0 : i32
        %broadcast_in_dim3A_623 = vector.broadcast %jit3A_622 : i32 to vector<16xi32>
        %select_n3A_624 = arith.select %eq3A_621, %broadcast_in_dim3A_623, %add3A_618 : vector<16xi1>, vector<16xi32>
        %scan3A_625 = arith.constant 9 : i32
        %scan3A_626 = arith.addi %scan3A_456, %scan3A_625 : i32
        %gather3A_627 = tpu.vector_load_idx %arg7[%add3A_444, %select_n3A_624] : memref<64x64xf32, #tpu.memory_space<vmem>>[vector<16xi32>, vector<16xi32>], vector<16xf32>,
        %gather3A_628 = tpu.vector_load_idx %arg8[%add3A_444, %select_n3A_624] : memref<64x64xf32, #tpu.memory_space<vmem>>[vector<16xi32>, vector<16xi32>], vector<16xf32>,
        %mul3A_629 = arith.mulf %gather3A_627, %gather3A_628 : vector<16xf32>
        %add3A_630 = arith.addf %add3A_611, %mul3A_629 : vector<16xf32>
        %gather3A_631 = tpu.vector_load_idx %arg9[%add3A_444, %select_n3A_624] : memref<64x64xf32, #tpu.memory_space<vmem>>[vector<16xi32>, vector<16xi32>], vector<16xf32>,
        %gather3A_632 = tpu.vector_load_idx %arg10[%add3A_444, %select_n3A_624] : memref<64x64xf32, #tpu.memory_space<vmem>>[vector<16xi32>, vector<16xi32>], vector<16xf32>,
        %mul3A_633 = arith.mulf %gather3A_631, %gather3A_632 : vector<16xf32>
        %add3A_634 = arith.addf %add3A_615, %mul3A_633 : vector<16xf32>
        %add3A_635 = arith.constant 1 : i32
        %add3A_636 = vector.broadcast %add3A_635 : i32 to vector<16xi32>
        %add3A_637 = arith.addi %select_n3A_624, %add3A_636 : vector<16xi32>
        %eq3A_638 = arith.constant 64 : i32
        %eq3A_639 = vector.broadcast %eq3A_638 : i32 to vector<16xi32>
        %eq3A_640 = arith.cmpi eq, %add3A_637, %eq3A_639 : vector<16xi32>
        %jit3A_641 = arith.constant 0 : i32
        %broadcast_in_dim3A_642 = vector.broadcast %jit3A_641 : i32 to vector<16xi32>
        %select_n3A_643 = arith.select %eq3A_640, %broadcast_in_dim3A_642, %add3A_637 : vector<16xi1>, vector<16xi32>
        %scan3A_644 = arith.constant 10 : i32
        %scan3A_645 = arith.addi %scan3A_456, %scan3A_644 : i32
        %gather3A_646 = tpu.vector_load_idx %arg7[%add3A_444, %select_n3A_643] : memref<64x64xf32, #tpu.memory_space<vmem>>[vector<16xi32>, vector<16xi32>], vector<16xf32>,
        %gather3A_647 = tpu.vector_load_idx %arg8[%add3A_444, %select_n3A_643] : memref<64x64xf32, #tpu.memory_space<vmem>>[vector<16xi32>, vector<16xi32>], vector<16xf32>,
        %mul3A_648 = arith.mulf %gather3A_646, %gather3A_647 : vector<16xf32>
        %add3A_649 = arith.addf %add3A_630, %mul3A_648 : vector<16xf32>
        %gather3A_650 = tpu.vector_load_idx %arg9[%add3A_444, %select_n3A_643] : memref<64x64xf32, #tpu.memory_space<vmem>>[vector<16xi32>, vector<16xi32>], vector<16xf32>,
        %gather3A_651 = tpu.vector_load_idx %arg10[%add3A_444, %select_n3A_643] : memref<64x64xf32, #tpu.memory_space<vmem>>[vector<16xi32>, vector<16xi32>], vector<16xf32>,
        %mul3A_652 = arith.mulf %gather3A_650, %gather3A_651 : vector<16xf32>
        %add3A_653 = arith.addf %add3A_634, %mul3A_652 : vector<16xf32>
        %add3A_654 = arith.constant 1 : i32
        %add3A_655 = vector.broadcast %add3A_654 : i32 to vector<16xi32>
        %add3A_656 = arith.addi %select_n3A_643, %add3A_655 : vector<16xi32>
        %eq3A_657 = arith.constant 64 : i32
        %eq3A_658 = vector.broadcast %eq3A_657 : i32 to vector<16xi32>
        %eq3A_659 = arith.cmpi eq, %add3A_656, %eq3A_658 : vector<16xi32>
        %jit3A_660 = arith.constant 0 : i32
        %broadcast_in_dim3A_661 = vector.broadcast %jit3A_660 : i32 to vector<16xi32>
        %select_n3A_662 = arith.select %eq3A_659, %broadcast_in_dim3A_661, %add3A_656 : vector<16xi1>, vector<16xi32>
        %scan3A_663 = arith.constant 11 : i32
        %scan3A_664 = arith.addi %scan3A_456, %scan3A_663 : i32
        %gather3A_665 = tpu.vector_load_idx %arg7[%add3A_444, %select_n3A_662] : memref<64x64xf32, #tpu.memory_space<vmem>>[vector<16xi32>, vector<16xi32>], vector<16xf32>,
        %gather3A_666 = tpu.vector_load_idx %arg8[%add3A_444, %select_n3A_662] : memref<64x64xf32, #tpu.memory_space<vmem>>[vector<16xi32>, vector<16xi32>], vector<16xf32>,
        %mul3A_667 = arith.mulf %gather3A_665, %gather3A_666 : vector<16xf32>
        %add3A_668 = arith.addf %add3A_649, %mul3A_667 : vector<16xf32>
        %gather3A_669 = tpu.vector_load_idx %arg9[%add3A_444, %select_n3A_662] : memref<64x64xf32, #tpu.memory_space<vmem>>[vector<16xi32>, vector<16xi32>], vector<16xf32>,
        %gather3A_670 = tpu.vector_load_idx %arg10[%add3A_444, %select_n3A_662] : memref<64x64xf32, #tpu.memory_space<vmem>>[vector<16xi32>, vector<16xi32>], vector<16xf32>,
        %mul3A_671 = arith.mulf %gather3A_669, %gather3A_670 : vector<16xf32>
        %add3A_672 = arith.addf %add3A_653, %mul3A_671 : vector<16xf32>
        %add3A_673 = arith.constant 1 : i32
        %add3A_674 = vector.broadcast %add3A_673 : i32 to vector<16xi32>
        %add3A_675 = arith.addi %select_n3A_662, %add3A_674 : vector<16xi32>
        %eq3A_676 = arith.constant 64 : i32
        %eq3A_677 = vector.broadcast %eq3A_676 : i32 to vector<16xi32>
        %eq3A_678 = arith.cmpi eq, %add3A_675, %eq3A_677 : vector<16xi32>
        %jit3A_679 = arith.constant 0 : i32
        %broadcast_in_dim3A_680 = vector.broadcast %jit3A_679 : i32 to vector<16xi32>
        %select_n3A_681 = arith.select %eq3A_678, %broadcast_in_dim3A_680, %add3A_675 : vector<16xi1>, vector<16xi32>
        %scan3A_682 = arith.constant 12 : i32
        %scan3A_683 = arith.addi %scan3A_456, %scan3A_682 : i32
        %gather3A_684 = tpu.vector_load_idx %arg7[%add3A_444, %select_n3A_681] : memref<64x64xf32, #tpu.memory_space<vmem>>[vector<16xi32>, vector<16xi32>], vector<16xf32>,
        %gather3A_685 = tpu.vector_load_idx %arg8[%add3A_444, %select_n3A_681] : memref<64x64xf32, #tpu.memory_space<vmem>>[vector<16xi32>, vector<16xi32>], vector<16xf32>,
        %mul3A_686 = arith.mulf %gather3A_684, %gather3A_685 : vector<16xf32>
        %add3A_687 = arith.addf %add3A_668, %mul3A_686 : vector<16xf32>
        %gather3A_688 = tpu.vector_load_idx %arg9[%add3A_444, %select_n3A_681] : memref<64x64xf32, #tpu.memory_space<vmem>>[vector<16xi32>, vector<16xi32>], vector<16xf32>,
        %gather3A_689 = tpu.vector_load_idx %arg10[%add3A_444, %select_n3A_681] : memref<64x64xf32, #tpu.memory_space<vmem>>[vector<16xi32>, vector<16xi32>], vector<16xf32>,
        %mul3A_690 = arith.mulf %gather3A_688, %gather3A_689 : vector<16xf32>
        %add3A_691 = arith.addf %add3A_672, %mul3A_690 : vector<16xf32>
        %add3A_692 = arith.constant 1 : i32
        %add3A_693 = vector.broadcast %add3A_692 : i32 to vector<16xi32>
        %add3A_694 = arith.addi %select_n3A_681, %add3A_693 : vector<16xi32>
        %eq3A_695 = arith.constant 64 : i32
        %eq3A_696 = vector.broadcast %eq3A_695 : i32 to vector<16xi32>
        %eq3A_697 = arith.cmpi eq, %add3A_694, %eq3A_696 : vector<16xi32>
        %jit3A_698 = arith.constant 0 : i32
        %broadcast_in_dim3A_699 = vector.broadcast %jit3A_698 : i32 to vector<16xi32>
        %select_n3A_700 = arith.select %eq3A_697, %broadcast_in_dim3A_699, %add3A_694 : vector<16xi1>, vector<16xi32>
        %scan3A_701 = arith.constant 13 : i32
        %scan3A_702 = arith.addi %scan3A_456, %scan3A_701 : i32
        %gather3A_703 = tpu.vector_load_idx %arg7[%add3A_444, %select_n3A_700] : memref<64x64xf32, #tpu.memory_space<vmem>>[vector<16xi32>, vector<16xi32>], vector<16xf32>,
        %gather3A_704 = tpu.vector_load_idx %arg8[%add3A_444, %select_n3A_700] : memref<64x64xf32, #tpu.memory_space<vmem>>[vector<16xi32>, vector<16xi32>], vector<16xf32>,
        %mul3A_705 = arith.mulf %gather3A_703, %gather3A_704 : vector<16xf32>
        %add3A_706 = arith.addf %add3A_687, %mul3A_705 : vector<16xf32>
        %gather3A_707 = tpu.vector_load_idx %arg9[%add3A_444, %select_n3A_700] : memref<64x64xf32, #tpu.memory_space<vmem>>[vector<16xi32>, vector<16xi32>], vector<16xf32>,
        %gather3A_708 = tpu.vector_load_idx %arg10[%add3A_444, %select_n3A_700] : memref<64x64xf32, #tpu.memory_space<vmem>>[vector<16xi32>, vector<16xi32>], vector<16xf32>,
        %mul3A_709 = arith.mulf %gather3A_707, %gather3A_708 : vector<16xf32>
        %add3A_710 = arith.addf %add3A_691, %mul3A_709 : vector<16xf32>
        %add3A_711 = arith.constant 1 : i32
        %add3A_712 = vector.broadcast %add3A_711 : i32 to vector<16xi32>
        %add3A_713 = arith.addi %select_n3A_700, %add3A_712 : vector<16xi32>
        %eq3A_714 = arith.constant 64 : i32
        %eq3A_715 = vector.broadcast %eq3A_714 : i32 to vector<16xi32>
        %eq3A_716 = arith.cmpi eq, %add3A_713, %eq3A_715 : vector<16xi32>
        %jit3A_717 = arith.constant 0 : i32
        %broadcast_in_dim3A_718 = vector.broadcast %jit3A_717 : i32 to vector<16xi32>
        %select_n3A_719 = arith.select %eq3A_716, %broadcast_in_dim3A_718, %add3A_713 : vector<16xi1>, vector<16xi32>
        %scan3A_720 = arith.constant 14 : i32
        %scan3A_721 = arith.addi %scan3A_456, %scan3A_720 : i32
        %gather3A_722 = tpu.vector_load_idx %arg7[%add3A_444, %select_n3A_719] : memref<64x64xf32, #tpu.memory_space<vmem>>[vector<16xi32>, vector<16xi32>], vector<16xf32>,
        %gather3A_723 = tpu.vector_load_idx %arg8[%add3A_444, %select_n3A_719] : memref<64x64xf32, #tpu.memory_space<vmem>>[vector<16xi32>, vector<16xi32>], vector<16xf32>,
        %mul3A_724 = arith.mulf %gather3A_722, %gather3A_723 : vector<16xf32>
        %add3A_725 = arith.addf %add3A_706, %mul3A_724 : vector<16xf32>
        %gather3A_726 = tpu.vector_load_idx %arg9[%add3A_444, %select_n3A_719] : memref<64x64xf32, #tpu.memory_space<vmem>>[vector<16xi32>, vector<16xi32>], vector<16xf32>,
        %gather3A_727 = tpu.vector_load_idx %arg10[%add3A_444, %select_n3A_719] : memref<64x64xf32, #tpu.memory_space<vmem>>[vector<16xi32>, vector<16xi32>], vector<16xf32>,
        %mul3A_728 = arith.mulf %gather3A_726, %gather3A_727 : vector<16xf32>
        %add3A_729 = arith.addf %add3A_710, %mul3A_728 : vector<16xf32>
        %add3A_730 = arith.constant 1 : i32
        %add3A_731 = vector.broadcast %add3A_730 : i32 to vector<16xi32>
        %add3A_732 = arith.addi %select_n3A_719, %add3A_731 : vector<16xi32>
        %eq3A_733 = arith.constant 64 : i32
        %eq3A_734 = vector.broadcast %eq3A_733 : i32 to vector<16xi32>
        %eq3A_735 = arith.cmpi eq, %add3A_732, %eq3A_734 : vector<16xi32>
        %jit3A_736 = arith.constant 0 : i32
        %broadcast_in_dim3A_737 = vector.broadcast %jit3A_736 : i32 to vector<16xi32>
        %select_n3A_738 = arith.select %eq3A_735, %broadcast_in_dim3A_737, %add3A_732 : vector<16xi1>, vector<16xi32>
        %scan3A_739 = arith.constant 15 : i32
        %scan3A_740 = arith.addi %scan3A_456, %scan3A_739 : i32
        %gather3A_741 = tpu.vector_load_idx %arg7[%add3A_444, %select_n3A_738] : memref<64x64xf32, #tpu.memory_space<vmem>>[vector<16xi32>, vector<16xi32>], vector<16xf32>,
        %gather3A_742 = tpu.vector_load_idx %arg8[%add3A_444, %select_n3A_738] : memref<64x64xf32, #tpu.memory_space<vmem>>[vector<16xi32>, vector<16xi32>], vector<16xf32>,
        %mul3A_743 = arith.mulf %gather3A_741, %gather3A_742 : vector<16xf32>
        %add3A_744 = arith.addf %add3A_725, %mul3A_743 : vector<16xf32>
        %gather3A_745 = tpu.vector_load_idx %arg9[%add3A_444, %select_n3A_738] : memref<64x64xf32, #tpu.memory_space<vmem>>[vector<16xi32>, vector<16xi32>], vector<16xf32>,
        %gather3A_746 = tpu.vector_load_idx %arg10[%add3A_444, %select_n3A_738] : memref<64x64xf32, #tpu.memory_space<vmem>>[vector<16xi32>, vector<16xi32>], vector<16xf32>,
        %mul3A_747 = arith.mulf %gather3A_745, %gather3A_746 : vector<16xf32>
        %add3A_748 = arith.addf %add3A_729, %mul3A_747 : vector<16xf32>
        %add3A_749 = arith.constant 1 : i32
        %add3A_750 = vector.broadcast %add3A_749 : i32 to vector<16xi32>
        %add3A_751 = arith.addi %select_n3A_738, %add3A_750 : vector<16xi32>
        %eq3A_752 = arith.constant 64 : i32
        %eq3A_753 = vector.broadcast %eq3A_752 : i32 to vector<16xi32>
        %eq3A_754 = arith.cmpi eq, %add3A_751, %eq3A_753 : vector<16xi32>
        %jit3A_755 = arith.constant 0 : i32
        %broadcast_in_dim3A_756 = vector.broadcast %jit3A_755 : i32 to vector<16xi32>
        %select_n3A_757 = arith.select %eq3A_754, %broadcast_in_dim3A_756, %add3A_751 : vector<16xi1>, vector<16xi32>
        scf.yield %add3A_744, %add3A_748, %select_n3A_757 : vector<16xf32>, vector<16xf32>, vector<16xi32>
      }
      %scan3A_451 = arith.constant 64 : i32
      %add3A_452 = arith.addf %scan3A_450#0, %scan3A_450#1 : vector<16xf32>
      %mul3A_453 = arith.constant 16 : i32
      %mul3A_454 = arith.muli %scan3A_440, %mul3A_453 : i32
      %swap3A = arith.index_cast %mul3A_454 : i32 to index
      %swap3A_455 = tpu.vector_load %arg15[%swap3A] {strides = array<i32>} : memref<64xf32, #tpu.memory_space<vmem>>, vector<16xf32>,
      tpu.vector_store %arg15[%swap3A], %add3A_452 {strides = array<i32>} : memref<64xf32, #tpu.memory_space<vmem>>, vector<16xf32>,
    }
    %scan3A_64 = arith.constant 4 : i32
    %add3A_65 = arith.constant 0 : i32
    %add3A_66 = arith.addi %mul3A_2, %add3A_65 : i32
    %dma_start3A_67 = tpu.memref_slice %arg6[%add3A_66] : memref<16384xf32, #tpu.memory_space<hbm>> -> memref<64xf32, #tpu.memory_space<hbm>>
    %dma_start3A_68 = tpu.memref_slice %arg6[%add3A_66] : memref<16384xf32, #tpu.memory_space<hbm>> -> memref<64xf32, #tpu.memory_space<hbm>>
    tpu.enqueue_dma source(%arg15 : memref<64xf32, #tpu.memory_space<vmem>>) target(%dma_start3A_68 : memref<64xf32, #tpu.memory_space<hbm>>) target_semaphore(%arg18 : memref<!tpu.dma_semaphore, #tpu.memory_space<semaphore_mem>>)
    %dma_wait3A_69 = arith.constant 0 : i32
    %dma_wait3A_70 = arith.constant 0 : i32
    %dma_wait3A_71 = tpu.memref_slice %arg2[%dma_wait3A_69, %dma_wait3A_70] : memref<16384x64xf32, #tpu.memory_space<hbm>> -> memref<64x64xf32, #tpu.memory_space<hbm>>
    %dma_wait3A_72 = arith.constant 0 : i32
    %dma_wait3A_73 = arith.constant 0 : i32
    %dma_wait3A_74 = tpu.memref_slice %arg2[%dma_wait3A_72, %dma_wait3A_73] : memref<16384x64xf32, #tpu.memory_space<hbm>> -> memref<64x64xf32, #tpu.memory_space<hbm>>
    tpu.wait_dma2 semaphore(%arg17 : memref<!tpu.dma_semaphore, #tpu.memory_space<semaphore_mem>>) src(%dma_wait3A_74 : memref<64x64xf32, #tpu.memory_space<hbm>>) dst(%arg11 : memref<64x64xf32, #tpu.memory_space<vmem>>)
    %dma_wait3A_75 = arith.constant 0 : i32
    %dma_wait3A_76 = arith.constant 0 : i32
    %dma_wait3A_77 = tpu.memref_slice %arg3[%dma_wait3A_75, %dma_wait3A_76] : memref<16384x64xf32, #tpu.memory_space<hbm>> -> memref<64x64xf32, #tpu.memory_space<hbm>>
    %dma_wait3A_78 = arith.constant 0 : i32
    %dma_wait3A_79 = arith.constant 0 : i32
    %dma_wait3A_80 = tpu.memref_slice %arg3[%dma_wait3A_78, %dma_wait3A_79] : memref<16384x64xf32, #tpu.memory_space<hbm>> -> memref<64x64xf32, #tpu.memory_space<hbm>>
    tpu.wait_dma2 semaphore(%arg17 : memref<!tpu.dma_semaphore, #tpu.memory_space<semaphore_mem>>) src(%dma_wait3A_80 : memref<64x64xf32, #tpu.memory_space<hbm>>) dst(%arg12 : memref<64x64xf32, #tpu.memory_space<vmem>>)
    %dma_wait3A_81 = arith.constant 0 : i32
    %dma_wait3A_82 = arith.constant 0 : i32
    %dma_wait3A_83 = tpu.memref_slice %arg4[%dma_wait3A_81, %dma_wait3A_82] : memref<16384x64xf32, #tpu.memory_space<hbm>> -> memref<64x64xf32, #tpu.memory_space<hbm>>
    %dma_wait3A_84 = arith.constant 0 : i32
    %dma_wait3A_85 = arith.constant 0 : i32
    %dma_wait3A_86 = tpu.memref_slice %arg4[%dma_wait3A_84, %dma_wait3A_85] : memref<16384x64xf32, #tpu.memory_space<hbm>> -> memref<64x64xf32, #tpu.memory_space<hbm>>
    tpu.wait_dma2 semaphore(%arg17 : memref<!tpu.dma_semaphore, #tpu.memory_space<semaphore_mem>>) src(%dma_wait3A_86 : memref<64x64xf32, #tpu.memory_space<hbm>>) dst(%arg13 : memref<64x64xf32, #tpu.memory_space<vmem>>)
    %dma_wait3A_87 = arith.constant 0 : i32
    %dma_wait3A_88 = arith.constant 0 : i32
    %dma_wait3A_89 = tpu.memref_slice %arg5[%dma_wait3A_87, %dma_wait3A_88] : memref<16384x64xf32, #tpu.memory_space<hbm>> -> memref<64x64xf32, #tpu.memory_space<hbm>>
    %dma_wait3A_90 = arith.constant 0 : i32
    %dma_wait3A_91 = arith.constant 0 : i32
    %dma_wait3A_92 = tpu.memref_slice %arg5[%dma_wait3A_90, %dma_wait3A_91] : memref<16384x64xf32, #tpu.memory_space<hbm>> -> memref<64x64xf32, #tpu.memory_space<hbm>>
    tpu.wait_dma2 semaphore(%arg17 : memref<!tpu.dma_semaphore, #tpu.memory_space<semaphore_mem>>) src(%dma_wait3A_92 : memref<64x64xf32, #tpu.memory_space<hbm>>) dst(%arg14 : memref<64x64xf32, #tpu.memory_space<vmem>>)
    %add3A_93 = arith.constant 128 : i32
    %add3A_94 = arith.addi %mul3A_2, %add3A_93 : i32
    %dma_start3A_95 = arith.constant 0 : i32
    %dma_start3A_96 = tpu.memref_slice %arg2[%add3A_94, %dma_start3A_95] : memref<16384x64xf32, #tpu.memory_space<hbm>> -> memref<64x64xf32, #tpu.memory_space<hbm>>
    %dma_start3A_97 = arith.constant 0 : i32
    %dma_start3A_98 = tpu.memref_slice %arg2[%add3A_94, %dma_start3A_97] : memref<16384x64xf32, #tpu.memory_space<hbm>> -> memref<64x64xf32, #tpu.memory_space<hbm>>
    tpu.enqueue_dma source(%dma_start3A_98 : memref<64x64xf32, #tpu.memory_space<hbm>>) target(%arg7 : memref<64x64xf32, #tpu.memory_space<vmem>>) target_semaphore(%arg17 : memref<!tpu.dma_semaphore, #tpu.memory_space<semaphore_mem>>)
    %dma_start3A_99 = arith.constant 0 : i32
    %dma_start3A_100 = tpu.memref_slice %arg3[%add3A_94, %dma_start3A_99] : memref<16384x64xf32, #tpu.memory_space<hbm>> -> memref<64x64xf32, #tpu.memory_space<hbm>>
    %dma_start3A_101 = arith.constant 0 : i32
    %dma_start3A_102 = tpu.memref_slice %arg3[%add3A_94, %dma_start3A_101] : memref<16384x64xf32, #tpu.memory_space<hbm>> -> memref<64x64xf32, #tpu.memory_space<hbm>>
    tpu.enqueue_dma source(%dma_start3A_102 : memref<64x64xf32, #tpu.memory_space<hbm>>) target(%arg8 : memref<64x64xf32, #tpu.memory_space<vmem>>) target_semaphore(%arg17 : memref<!tpu.dma_semaphore, #tpu.memory_space<semaphore_mem>>)
    %dma_start3A_103 = arith.constant 0 : i32
    %dma_start3A_104 = tpu.memref_slice %arg4[%add3A_94, %dma_start3A_103] : memref<16384x64xf32, #tpu.memory_space<hbm>> -> memref<64x64xf32, #tpu.memory_space<hbm>>
    %dma_start3A_105 = arith.constant 0 : i32
    %dma_start3A_106 = tpu.memref_slice %arg4[%add3A_94, %dma_start3A_105] : memref<16384x64xf32, #tpu.memory_space<hbm>> -> memref<64x64xf32, #tpu.memory_space<hbm>>
    tpu.enqueue_dma source(%dma_start3A_106 : memref<64x64xf32, #tpu.memory_space<hbm>>) target(%arg9 : memref<64x64xf32, #tpu.memory_space<vmem>>) target_semaphore(%arg17 : memref<!tpu.dma_semaphore, #tpu.memory_space<semaphore_mem>>)
    %dma_start3A_107 = arith.constant 0 : i32
    %dma_start3A_108 = tpu.memref_slice %arg5[%add3A_94, %dma_start3A_107] : memref<16384x64xf32, #tpu.memory_space<hbm>> -> memref<64x64xf32, #tpu.memory_space<hbm>>
    %dma_start3A_109 = arith.constant 0 : i32
    %dma_start3A_110 = tpu.memref_slice %arg5[%add3A_94, %dma_start3A_109] : memref<16384x64xf32, #tpu.memory_space<hbm>> -> memref<64x64xf32, #tpu.memory_space<hbm>>
    tpu.enqueue_dma source(%dma_start3A_110 : memref<64x64xf32, #tpu.memory_space<hbm>>) target(%arg10 : memref<64x64xf32, #tpu.memory_space<vmem>>) target_semaphore(%arg17 : memref<!tpu.dma_semaphore, #tpu.memory_space<semaphore_mem>>)
    %scan3A_111 = arith.constant 0 : i32
    %scan3A_112 = arith.constant 4 : i32
    %scan3A_113 = arith.addi %scan3A_111, %scan3A_112 : i32
    %scan3A_114 = arith.constant 1 : i32
    scf.for %scan3A_440 = %scan3A_111 to %scan3A_113 step %scan3A_114  : i32 {
      %mul3A_441 = arith.constant 16 : i32
      %mul3A_442 = arith.muli %scan3A_440, %mul3A_441 : i32
      %add3A_443 = vector.broadcast %mul3A_442 : i32 to vector<16xi32>
      %add3A_444 = arith.addi %add3A_443, %iota3A : vector<16xi32>
      %broadcast_in_dim3A = arith.constant 0.000000e+00 : f32
      %broadcast_in_dim3A_445 = vector.broadcast %broadcast_in_dim3A : f32 to vector<16xf32>
      %scan3A_446 = arith.constant 0 : i32
      %scan3A_447 = arith.constant 64 : i32
      %scan3A_448 = arith.addi %scan3A_446, %scan3A_447 : i32
      %scan3A_449 = arith.constant 16 : i32
      %scan3A_450:3 = scf.for %scan3A_456 = %scan3A_446 to %scan3A_448 step %scan3A_449 iter_args(%scan3A_457 = %broadcast_in_dim3A_445, %scan3A_458 = %broadcast_in_dim3A_445, %scan3A_459 = %iota3A) -> (vector<16xf32>, vector<16xf32>, vector<16xi32>)  : i32 {
        %gather3A = tpu.vector_load_idx %arg11[%add3A_444, %scan3A_459] : memref<64x64xf32, #tpu.memory_space<vmem>>[vector<16xi32>, vector<16xi32>], vector<16xf32>,
        %gather3A_460 = tpu.vector_load_idx %arg12[%add3A_444, %scan3A_459] : memref<64x64xf32, #tpu.memory_space<vmem>>[vector<16xi32>, vector<16xi32>], vector<16xf32>,
        %mul3A_461 = arith.mulf %gather3A, %gather3A_460 : vector<16xf32>
        %add3A_462 = arith.addf %scan3A_457, %mul3A_461 : vector<16xf32>
        %gather3A_463 = tpu.vector_load_idx %arg13[%add3A_444, %scan3A_459] : memref<64x64xf32, #tpu.memory_space<vmem>>[vector<16xi32>, vector<16xi32>], vector<16xf32>,
        %gather3A_464 = tpu.vector_load_idx %arg14[%add3A_444, %scan3A_459] : memref<64x64xf32, #tpu.memory_space<vmem>>[vector<16xi32>, vector<16xi32>], vector<16xf32>,
        %mul3A_465 = arith.mulf %gather3A_463, %gather3A_464 : vector<16xf32>
        %add3A_466 = arith.addf %scan3A_458, %mul3A_465 : vector<16xf32>
        %add3A_467 = arith.constant 1 : i32
        %add3A_468 = vector.broadcast %add3A_467 : i32 to vector<16xi32>
        %add3A_469 = arith.addi %scan3A_459, %add3A_468 : vector<16xi32>
        %eq3A = arith.constant 64 : i32
        %eq3A_470 = vector.broadcast %eq3A : i32 to vector<16xi32>
        %eq3A_471 = arith.cmpi eq, %add3A_469, %eq3A_470 : vector<16xi32>
        %jit3A = arith.constant 0 : i32
        %broadcast_in_dim3A_472 = vector.broadcast %jit3A : i32 to vector<16xi32>
        %select_n3A = arith.select %eq3A_471, %broadcast_in_dim3A_472, %add3A_469 : vector<16xi1>, vector<16xi32>
        %scan3A_473 = arith.constant 1 : i32
        %scan3A_474 = arith.addi %scan3A_456, %scan3A_473 : i32
        %gather3A_475 = tpu.vector_load_idx %arg11[%add3A_444, %select_n3A] : memref<64x64xf32, #tpu.memory_space<vmem>>[vector<16xi32>, vector<16xi32>], vector<16xf32>,
        %gather3A_476 = tpu.vector_load_idx %arg12[%add3A_444, %select_n3A] : memref<64x64xf32, #tpu.memory_space<vmem>>[vector<16xi32>, vector<16xi32>], vector<16xf32>,
        %mul3A_477 = arith.mulf %gather3A_475, %gather3A_476 : vector<16xf32>
        %add3A_478 = arith.addf %add3A_462, %mul3A_477 : vector<16xf32>
        %gather3A_479 = tpu.vector_load_idx %arg13[%add3A_444, %select_n3A] : memref<64x64xf32, #tpu.memory_space<vmem>>[vector<16xi32>, vector<16xi32>], vector<16xf32>,
        %gather3A_480 = tpu.vector_load_idx %arg14[%add3A_444, %select_n3A] : memref<64x64xf32, #tpu.memory_space<vmem>>[vector<16xi32>, vector<16xi32>], vector<16xf32>,
        %mul3A_481 = arith.mulf %gather3A_479, %gather3A_480 : vector<16xf32>
        %add3A_482 = arith.addf %add3A_466, %mul3A_481 : vector<16xf32>
        %add3A_483 = arith.constant 1 : i32
        %add3A_484 = vector.broadcast %add3A_483 : i32 to vector<16xi32>
        %add3A_485 = arith.addi %select_n3A, %add3A_484 : vector<16xi32>
        %eq3A_486 = arith.constant 64 : i32
        %eq3A_487 = vector.broadcast %eq3A_486 : i32 to vector<16xi32>
        %eq3A_488 = arith.cmpi eq, %add3A_485, %eq3A_487 : vector<16xi32>
        %jit3A_489 = arith.constant 0 : i32
        %broadcast_in_dim3A_490 = vector.broadcast %jit3A_489 : i32 to vector<16xi32>
        %select_n3A_491 = arith.select %eq3A_488, %broadcast_in_dim3A_490, %add3A_485 : vector<16xi1>, vector<16xi32>
        %scan3A_492 = arith.constant 2 : i32
        %scan3A_493 = arith.addi %scan3A_456, %scan3A_492 : i32
        %gather3A_494 = tpu.vector_load_idx %arg11[%add3A_444, %select_n3A_491] : memref<64x64xf32, #tpu.memory_space<vmem>>[vector<16xi32>, vector<16xi32>], vector<16xf32>,
        %gather3A_495 = tpu.vector_load_idx %arg12[%add3A_444, %select_n3A_491] : memref<64x64xf32, #tpu.memory_space<vmem>>[vector<16xi32>, vector<16xi32>], vector<16xf32>,
        %mul3A_496 = arith.mulf %gather3A_494, %gather3A_495 : vector<16xf32>
        %add3A_497 = arith.addf %add3A_478, %mul3A_496 : vector<16xf32>
        %gather3A_498 = tpu.vector_load_idx %arg13[%add3A_444, %select_n3A_491] : memref<64x64xf32, #tpu.memory_space<vmem>>[vector<16xi32>, vector<16xi32>], vector<16xf32>,
        %gather3A_499 = tpu.vector_load_idx %arg14[%add3A_444, %select_n3A_491] : memref<64x64xf32, #tpu.memory_space<vmem>>[vector<16xi32>, vector<16xi32>], vector<16xf32>,
        %mul3A_500 = arith.mulf %gather3A_498, %gather3A_499 : vector<16xf32>
        %add3A_501 = arith.addf %add3A_482, %mul3A_500 : vector<16xf32>
        %add3A_502 = arith.constant 1 : i32
        %add3A_503 = vector.broadcast %add3A_502 : i32 to vector<16xi32>
        %add3A_504 = arith.addi %select_n3A_491, %add3A_503 : vector<16xi32>
        %eq3A_505 = arith.constant 64 : i32
        %eq3A_506 = vector.broadcast %eq3A_505 : i32 to vector<16xi32>
        %eq3A_507 = arith.cmpi eq, %add3A_504, %eq3A_506 : vector<16xi32>
        %jit3A_508 = arith.constant 0 : i32
        %broadcast_in_dim3A_509 = vector.broadcast %jit3A_508 : i32 to vector<16xi32>
        %select_n3A_510 = arith.select %eq3A_507, %broadcast_in_dim3A_509, %add3A_504 : vector<16xi1>, vector<16xi32>
        %scan3A_511 = arith.constant 3 : i32
        %scan3A_512 = arith.addi %scan3A_456, %scan3A_511 : i32
        %gather3A_513 = tpu.vector_load_idx %arg11[%add3A_444, %select_n3A_510] : memref<64x64xf32, #tpu.memory_space<vmem>>[vector<16xi32>, vector<16xi32>], vector<16xf32>,
        %gather3A_514 = tpu.vector_load_idx %arg12[%add3A_444, %select_n3A_510] : memref<64x64xf32, #tpu.memory_space<vmem>>[vector<16xi32>, vector<16xi32>], vector<16xf32>,
        %mul3A_515 = arith.mulf %gather3A_513, %gather3A_514 : vector<16xf32>
        %add3A_516 = arith.addf %add3A_497, %mul3A_515 : vector<16xf32>
        %gather3A_517 = tpu.vector_load_idx %arg13[%add3A_444, %select_n3A_510] : memref<64x64xf32, #tpu.memory_space<vmem>>[vector<16xi32>, vector<16xi32>], vector<16xf32>,
        %gather3A_518 = tpu.vector_load_idx %arg14[%add3A_444, %select_n3A_510] : memref<64x64xf32, #tpu.memory_space<vmem>>[vector<16xi32>, vector<16xi32>], vector<16xf32>,
        %mul3A_519 = arith.mulf %gather3A_517, %gather3A_518 : vector<16xf32>
        %add3A_520 = arith.addf %add3A_501, %mul3A_519 : vector<16xf32>
        %add3A_521 = arith.constant 1 : i32
        %add3A_522 = vector.broadcast %add3A_521 : i32 to vector<16xi32>
        %add3A_523 = arith.addi %select_n3A_510, %add3A_522 : vector<16xi32>
        %eq3A_524 = arith.constant 64 : i32
        %eq3A_525 = vector.broadcast %eq3A_524 : i32 to vector<16xi32>
        %eq3A_526 = arith.cmpi eq, %add3A_523, %eq3A_525 : vector<16xi32>
        %jit3A_527 = arith.constant 0 : i32
        %broadcast_in_dim3A_528 = vector.broadcast %jit3A_527 : i32 to vector<16xi32>
        %select_n3A_529 = arith.select %eq3A_526, %broadcast_in_dim3A_528, %add3A_523 : vector<16xi1>, vector<16xi32>
        %scan3A_530 = arith.constant 4 : i32
        %scan3A_531 = arith.addi %scan3A_456, %scan3A_530 : i32
        %gather3A_532 = tpu.vector_load_idx %arg11[%add3A_444, %select_n3A_529] : memref<64x64xf32, #tpu.memory_space<vmem>>[vector<16xi32>, vector<16xi32>], vector<16xf32>,
        %gather3A_533 = tpu.vector_load_idx %arg12[%add3A_444, %select_n3A_529] : memref<64x64xf32, #tpu.memory_space<vmem>>[vector<16xi32>, vector<16xi32>], vector<16xf32>,
        %mul3A_534 = arith.mulf %gather3A_532, %gather3A_533 : vector<16xf32>
        %add3A_535 = arith.addf %add3A_516, %mul3A_534 : vector<16xf32>
        %gather3A_536 = tpu.vector_load_idx %arg13[%add3A_444, %select_n3A_529] : memref<64x64xf32, #tpu.memory_space<vmem>>[vector<16xi32>, vector<16xi32>], vector<16xf32>,
        %gather3A_537 = tpu.vector_load_idx %arg14[%add3A_444, %select_n3A_529] : memref<64x64xf32, #tpu.memory_space<vmem>>[vector<16xi32>, vector<16xi32>], vector<16xf32>,
        %mul3A_538 = arith.mulf %gather3A_536, %gather3A_537 : vector<16xf32>
        %add3A_539 = arith.addf %add3A_520, %mul3A_538 : vector<16xf32>
        %add3A_540 = arith.constant 1 : i32
        %add3A_541 = vector.broadcast %add3A_540 : i32 to vector<16xi32>
        %add3A_542 = arith.addi %select_n3A_529, %add3A_541 : vector<16xi32>
        %eq3A_543 = arith.constant 64 : i32
        %eq3A_544 = vector.broadcast %eq3A_543 : i32 to vector<16xi32>
        %eq3A_545 = arith.cmpi eq, %add3A_542, %eq3A_544 : vector<16xi32>
        %jit3A_546 = arith.constant 0 : i32
        %broadcast_in_dim3A_547 = vector.broadcast %jit3A_546 : i32 to vector<16xi32>
        %select_n3A_548 = arith.select %eq3A_545, %broadcast_in_dim3A_547, %add3A_542 : vector<16xi1>, vector<16xi32>
        %scan3A_549 = arith.constant 5 : i32
        %scan3A_550 = arith.addi %scan3A_456, %scan3A_549 : i32
        %gather3A_551 = tpu.vector_load_idx %arg11[%add3A_444, %select_n3A_548] : memref<64x64xf32, #tpu.memory_space<vmem>>[vector<16xi32>, vector<16xi32>], vector<16xf32>,
        %gather3A_552 = tpu.vector_load_idx %arg12[%add3A_444, %select_n3A_548] : memref<64x64xf32, #tpu.memory_space<vmem>>[vector<16xi32>, vector<16xi32>], vector<16xf32>,
        %mul3A_553 = arith.mulf %gather3A_551, %gather3A_552 : vector<16xf32>
        %add3A_554 = arith.addf %add3A_535, %mul3A_553 : vector<16xf32>
        %gather3A_555 = tpu.vector_load_idx %arg13[%add3A_444, %select_n3A_548] : memref<64x64xf32, #tpu.memory_space<vmem>>[vector<16xi32>, vector<16xi32>], vector<16xf32>,
        %gather3A_556 = tpu.vector_load_idx %arg14[%add3A_444, %select_n3A_548] : memref<64x64xf32, #tpu.memory_space<vmem>>[vector<16xi32>, vector<16xi32>], vector<16xf32>,
        %mul3A_557 = arith.mulf %gather3A_555, %gather3A_556 : vector<16xf32>
        %add3A_558 = arith.addf %add3A_539, %mul3A_557 : vector<16xf32>
        %add3A_559 = arith.constant 1 : i32
        %add3A_560 = vector.broadcast %add3A_559 : i32 to vector<16xi32>
        %add3A_561 = arith.addi %select_n3A_548, %add3A_560 : vector<16xi32>
        %eq3A_562 = arith.constant 64 : i32
        %eq3A_563 = vector.broadcast %eq3A_562 : i32 to vector<16xi32>
        %eq3A_564 = arith.cmpi eq, %add3A_561, %eq3A_563 : vector<16xi32>
        %jit3A_565 = arith.constant 0 : i32
        %broadcast_in_dim3A_566 = vector.broadcast %jit3A_565 : i32 to vector<16xi32>
        %select_n3A_567 = arith.select %eq3A_564, %broadcast_in_dim3A_566, %add3A_561 : vector<16xi1>, vector<16xi32>
        %scan3A_568 = arith.constant 6 : i32
        %scan3A_569 = arith.addi %scan3A_456, %scan3A_568 : i32
        %gather3A_570 = tpu.vector_load_idx %arg11[%add3A_444, %select_n3A_567] : memref<64x64xf32, #tpu.memory_space<vmem>>[vector<16xi32>, vector<16xi32>], vector<16xf32>,
        %gather3A_571 = tpu.vector_load_idx %arg12[%add3A_444, %select_n3A_567] : memref<64x64xf32, #tpu.memory_space<vmem>>[vector<16xi32>, vector<16xi32>], vector<16xf32>,
        %mul3A_572 = arith.mulf %gather3A_570, %gather3A_571 : vector<16xf32>
        %add3A_573 = arith.addf %add3A_554, %mul3A_572 : vector<16xf32>
        %gather3A_574 = tpu.vector_load_idx %arg13[%add3A_444, %select_n3A_567] : memref<64x64xf32, #tpu.memory_space<vmem>>[vector<16xi32>, vector<16xi32>], vector<16xf32>,
        %gather3A_575 = tpu.vector_load_idx %arg14[%add3A_444, %select_n3A_567] : memref<64x64xf32, #tpu.memory_space<vmem>>[vector<16xi32>, vector<16xi32>], vector<16xf32>,
        %mul3A_576 = arith.mulf %gather3A_574, %gather3A_575 : vector<16xf32>
        %add3A_577 = arith.addf %add3A_558, %mul3A_576 : vector<16xf32>
        %add3A_578 = arith.constant 1 : i32
        %add3A_579 = vector.broadcast %add3A_578 : i32 to vector<16xi32>
        %add3A_580 = arith.addi %select_n3A_567, %add3A_579 : vector<16xi32>
        %eq3A_581 = arith.constant 64 : i32
        %eq3A_582 = vector.broadcast %eq3A_581 : i32 to vector<16xi32>
        %eq3A_583 = arith.cmpi eq, %add3A_580, %eq3A_582 : vector<16xi32>
        %jit3A_584 = arith.constant 0 : i32
        %broadcast_in_dim3A_585 = vector.broadcast %jit3A_584 : i32 to vector<16xi32>
        %select_n3A_586 = arith.select %eq3A_583, %broadcast_in_dim3A_585, %add3A_580 : vector<16xi1>, vector<16xi32>
        %scan3A_587 = arith.constant 7 : i32
        %scan3A_588 = arith.addi %scan3A_456, %scan3A_587 : i32
        %gather3A_589 = tpu.vector_load_idx %arg11[%add3A_444, %select_n3A_586] : memref<64x64xf32, #tpu.memory_space<vmem>>[vector<16xi32>, vector<16xi32>], vector<16xf32>,
        %gather3A_590 = tpu.vector_load_idx %arg12[%add3A_444, %select_n3A_586] : memref<64x64xf32, #tpu.memory_space<vmem>>[vector<16xi32>, vector<16xi32>], vector<16xf32>,
        %mul3A_591 = arith.mulf %gather3A_589, %gather3A_590 : vector<16xf32>
        %add3A_592 = arith.addf %add3A_573, %mul3A_591 : vector<16xf32>
        %gather3A_593 = tpu.vector_load_idx %arg13[%add3A_444, %select_n3A_586] : memref<64x64xf32, #tpu.memory_space<vmem>>[vector<16xi32>, vector<16xi32>], vector<16xf32>,
        %gather3A_594 = tpu.vector_load_idx %arg14[%add3A_444, %select_n3A_586] : memref<64x64xf32, #tpu.memory_space<vmem>>[vector<16xi32>, vector<16xi32>], vector<16xf32>,
        %mul3A_595 = arith.mulf %gather3A_593, %gather3A_594 : vector<16xf32>
        %add3A_596 = arith.addf %add3A_577, %mul3A_595 : vector<16xf32>
        %add3A_597 = arith.constant 1 : i32
        %add3A_598 = vector.broadcast %add3A_597 : i32 to vector<16xi32>
        %add3A_599 = arith.addi %select_n3A_586, %add3A_598 : vector<16xi32>
        %eq3A_600 = arith.constant 64 : i32
        %eq3A_601 = vector.broadcast %eq3A_600 : i32 to vector<16xi32>
        %eq3A_602 = arith.cmpi eq, %add3A_599, %eq3A_601 : vector<16xi32>
        %jit3A_603 = arith.constant 0 : i32
        %broadcast_in_dim3A_604 = vector.broadcast %jit3A_603 : i32 to vector<16xi32>
        %select_n3A_605 = arith.select %eq3A_602, %broadcast_in_dim3A_604, %add3A_599 : vector<16xi1>, vector<16xi32>
        %scan3A_606 = arith.constant 8 : i32
        %scan3A_607 = arith.addi %scan3A_456, %scan3A_606 : i32
        %gather3A_608 = tpu.vector_load_idx %arg11[%add3A_444, %select_n3A_605] : memref<64x64xf32, #tpu.memory_space<vmem>>[vector<16xi32>, vector<16xi32>], vector<16xf32>,
        %gather3A_609 = tpu.vector_load_idx %arg12[%add3A_444, %select_n3A_605] : memref<64x64xf32, #tpu.memory_space<vmem>>[vector<16xi32>, vector<16xi32>], vector<16xf32>,
        %mul3A_610 = arith.mulf %gather3A_608, %gather3A_609 : vector<16xf32>
        %add3A_611 = arith.addf %add3A_592, %mul3A_610 : vector<16xf32>
        %gather3A_612 = tpu.vector_load_idx %arg13[%add3A_444, %select_n3A_605] : memref<64x64xf32, #tpu.memory_space<vmem>>[vector<16xi32>, vector<16xi32>], vector<16xf32>,
        %gather3A_613 = tpu.vector_load_idx %arg14[%add3A_444, %select_n3A_605] : memref<64x64xf32, #tpu.memory_space<vmem>>[vector<16xi32>, vector<16xi32>], vector<16xf32>,
        %mul3A_614 = arith.mulf %gather3A_612, %gather3A_613 : vector<16xf32>
        %add3A_615 = arith.addf %add3A_596, %mul3A_614 : vector<16xf32>
        %add3A_616 = arith.constant 1 : i32
        %add3A_617 = vector.broadcast %add3A_616 : i32 to vector<16xi32>
        %add3A_618 = arith.addi %select_n3A_605, %add3A_617 : vector<16xi32>
        %eq3A_619 = arith.constant 64 : i32
        %eq3A_620 = vector.broadcast %eq3A_619 : i32 to vector<16xi32>
        %eq3A_621 = arith.cmpi eq, %add3A_618, %eq3A_620 : vector<16xi32>
        %jit3A_622 = arith.constant 0 : i32
        %broadcast_in_dim3A_623 = vector.broadcast %jit3A_622 : i32 to vector<16xi32>
        %select_n3A_624 = arith.select %eq3A_621, %broadcast_in_dim3A_623, %add3A_618 : vector<16xi1>, vector<16xi32>
        %scan3A_625 = arith.constant 9 : i32
        %scan3A_626 = arith.addi %scan3A_456, %scan3A_625 : i32
        %gather3A_627 = tpu.vector_load_idx %arg11[%add3A_444, %select_n3A_624] : memref<64x64xf32, #tpu.memory_space<vmem>>[vector<16xi32>, vector<16xi32>], vector<16xf32>,
        %gather3A_628 = tpu.vector_load_idx %arg12[%add3A_444, %select_n3A_624] : memref<64x64xf32, #tpu.memory_space<vmem>>[vector<16xi32>, vector<16xi32>], vector<16xf32>,
        %mul3A_629 = arith.mulf %gather3A_627, %gather3A_628 : vector<16xf32>
        %add3A_630 = arith.addf %add3A_611, %mul3A_629 : vector<16xf32>
        %gather3A_631 = tpu.vector_load_idx %arg13[%add3A_444, %select_n3A_624] : memref<64x64xf32, #tpu.memory_space<vmem>>[vector<16xi32>, vector<16xi32>], vector<16xf32>,
        %gather3A_632 = tpu.vector_load_idx %arg14[%add3A_444, %select_n3A_624] : memref<64x64xf32, #tpu.memory_space<vmem>>[vector<16xi32>, vector<16xi32>], vector<16xf32>,
        %mul3A_633 = arith.mulf %gather3A_631, %gather3A_632 : vector<16xf32>
        %add3A_634 = arith.addf %add3A_615, %mul3A_633 : vector<16xf32>
        %add3A_635 = arith.constant 1 : i32
        %add3A_636 = vector.broadcast %add3A_635 : i32 to vector<16xi32>
        %add3A_637 = arith.addi %select_n3A_624, %add3A_636 : vector<16xi32>
        %eq3A_638 = arith.constant 64 : i32
        %eq3A_639 = vector.broadcast %eq3A_638 : i32 to vector<16xi32>
        %eq3A_640 = arith.cmpi eq, %add3A_637, %eq3A_639 : vector<16xi32>
        %jit3A_641 = arith.constant 0 : i32
        %broadcast_in_dim3A_642 = vector.broadcast %jit3A_641 : i32 to vector<16xi32>
        %select_n3A_643 = arith.select %eq3A_640, %broadcast_in_dim3A_642, %add3A_637 : vector<16xi1>, vector<16xi32>
        %scan3A_644 = arith.constant 10 : i32
        %scan3A_645 = arith.addi %scan3A_456, %scan3A_644 : i32
        %gather3A_646 = tpu.vector_load_idx %arg11[%add3A_444, %select_n3A_643] : memref<64x64xf32, #tpu.memory_space<vmem>>[vector<16xi32>, vector<16xi32>], vector<16xf32>,
        %gather3A_647 = tpu.vector_load_idx %arg12[%add3A_444, %select_n3A_643] : memref<64x64xf32, #tpu.memory_space<vmem>>[vector<16xi32>, vector<16xi32>], vector<16xf32>,
        %mul3A_648 = arith.mulf %gather3A_646, %gather3A_647 : vector<16xf32>
        %add3A_649 = arith.addf %add3A_630, %mul3A_648 : vector<16xf32>
        %gather3A_650 = tpu.vector_load_idx %arg13[%add3A_444, %select_n3A_643] : memref<64x64xf32, #tpu.memory_space<vmem>>[vector<16xi32>, vector<16xi32>], vector<16xf32>,
        %gather3A_651 = tpu.vector_load_idx %arg14[%add3A_444, %select_n3A_643] : memref<64x64xf32, #tpu.memory_space<vmem>>[vector<16xi32>, vector<16xi32>], vector<16xf32>,
        %mul3A_652 = arith.mulf %gather3A_650, %gather3A_651 : vector<16xf32>
        %add3A_653 = arith.addf %add3A_634, %mul3A_652 : vector<16xf32>
        %add3A_654 = arith.constant 1 : i32
        %add3A_655 = vector.broadcast %add3A_654 : i32 to vector<16xi32>
        %add3A_656 = arith.addi %select_n3A_643, %add3A_655 : vector<16xi32>
        %eq3A_657 = arith.constant 64 : i32
        %eq3A_658 = vector.broadcast %eq3A_657 : i32 to vector<16xi32>
        %eq3A_659 = arith.cmpi eq, %add3A_656, %eq3A_658 : vector<16xi32>
        %jit3A_660 = arith.constant 0 : i32
        %broadcast_in_dim3A_661 = vector.broadcast %jit3A_660 : i32 to vector<16xi32>
        %select_n3A_662 = arith.select %eq3A_659, %broadcast_in_dim3A_661, %add3A_656 : vector<16xi1>, vector<16xi32>
        %scan3A_663 = arith.constant 11 : i32
        %scan3A_664 = arith.addi %scan3A_456, %scan3A_663 : i32
        %gather3A_665 = tpu.vector_load_idx %arg11[%add3A_444, %select_n3A_662] : memref<64x64xf32, #tpu.memory_space<vmem>>[vector<16xi32>, vector<16xi32>], vector<16xf32>,
        %gather3A_666 = tpu.vector_load_idx %arg12[%add3A_444, %select_n3A_662] : memref<64x64xf32, #tpu.memory_space<vmem>>[vector<16xi32>, vector<16xi32>], vector<16xf32>,
        %mul3A_667 = arith.mulf %gather3A_665, %gather3A_666 : vector<16xf32>
        %add3A_668 = arith.addf %add3A_649, %mul3A_667 : vector<16xf32>
        %gather3A_669 = tpu.vector_load_idx %arg13[%add3A_444, %select_n3A_662] : memref<64x64xf32, #tpu.memory_space<vmem>>[vector<16xi32>, vector<16xi32>], vector<16xf32>,
        %gather3A_670 = tpu.vector_load_idx %arg14[%add3A_444, %select_n3A_662] : memref<64x64xf32, #tpu.memory_space<vmem>>[vector<16xi32>, vector<16xi32>], vector<16xf32>,
        %mul3A_671 = arith.mulf %gather3A_669, %gather3A_670 : vector<16xf32>
        %add3A_672 = arith.addf %add3A_653, %mul3A_671 : vector<16xf32>
        %add3A_673 = arith.constant 1 : i32
        %add3A_674 = vector.broadcast %add3A_673 : i32 to vector<16xi32>
        %add3A_675 = arith.addi %select_n3A_662, %add3A_674 : vector<16xi32>
        %eq3A_676 = arith.constant 64 : i32
        %eq3A_677 = vector.broadcast %eq3A_676 : i32 to vector<16xi32>
        %eq3A_678 = arith.cmpi eq, %add3A_675, %eq3A_677 : vector<16xi32>
        %jit3A_679 = arith.constant 0 : i32
        %broadcast_in_dim3A_680 = vector.broadcast %jit3A_679 : i32 to vector<16xi32>
        %select_n3A_681 = arith.select %eq3A_678, %broadcast_in_dim3A_680, %add3A_675 : vector<16xi1>, vector<16xi32>
        %scan3A_682 = arith.constant 12 : i32
        %scan3A_683 = arith.addi %scan3A_456, %scan3A_682 : i32
        %gather3A_684 = tpu.vector_load_idx %arg11[%add3A_444, %select_n3A_681] : memref<64x64xf32, #tpu.memory_space<vmem>>[vector<16xi32>, vector<16xi32>], vector<16xf32>,
        %gather3A_685 = tpu.vector_load_idx %arg12[%add3A_444, %select_n3A_681] : memref<64x64xf32, #tpu.memory_space<vmem>>[vector<16xi32>, vector<16xi32>], vector<16xf32>,
        %mul3A_686 = arith.mulf %gather3A_684, %gather3A_685 : vector<16xf32>
        %add3A_687 = arith.addf %add3A_668, %mul3A_686 : vector<16xf32>
        %gather3A_688 = tpu.vector_load_idx %arg13[%add3A_444, %select_n3A_681] : memref<64x64xf32, #tpu.memory_space<vmem>>[vector<16xi32>, vector<16xi32>], vector<16xf32>,
        %gather3A_689 = tpu.vector_load_idx %arg14[%add3A_444, %select_n3A_681] : memref<64x64xf32, #tpu.memory_space<vmem>>[vector<16xi32>, vector<16xi32>], vector<16xf32>,
        %mul3A_690 = arith.mulf %gather3A_688, %gather3A_689 : vector<16xf32>
        %add3A_691 = arith.addf %add3A_672, %mul3A_690 : vector<16xf32>
        %add3A_692 = arith.constant 1 : i32
        %add3A_693 = vector.broadcast %add3A_692 : i32 to vector<16xi32>
        %add3A_694 = arith.addi %select_n3A_681, %add3A_693 : vector<16xi32>
        %eq3A_695 = arith.constant 64 : i32
        %eq3A_696 = vector.broadcast %eq3A_695 : i32 to vector<16xi32>
        %eq3A_697 = arith.cmpi eq, %add3A_694, %eq3A_696 : vector<16xi32>
        %jit3A_698 = arith.constant 0 : i32
        %broadcast_in_dim3A_699 = vector.broadcast %jit3A_698 : i32 to vector<16xi32>
        %select_n3A_700 = arith.select %eq3A_697, %broadcast_in_dim3A_699, %add3A_694 : vector<16xi1>, vector<16xi32>
        %scan3A_701 = arith.constant 13 : i32
        %scan3A_702 = arith.addi %scan3A_456, %scan3A_701 : i32
        %gather3A_703 = tpu.vector_load_idx %arg11[%add3A_444, %select_n3A_700] : memref<64x64xf32, #tpu.memory_space<vmem>>[vector<16xi32>, vector<16xi32>], vector<16xf32>,
        %gather3A_704 = tpu.vector_load_idx %arg12[%add3A_444, %select_n3A_700] : memref<64x64xf32, #tpu.memory_space<vmem>>[vector<16xi32>, vector<16xi32>], vector<16xf32>,
        %mul3A_705 = arith.mulf %gather3A_703, %gather3A_704 : vector<16xf32>
        %add3A_706 = arith.addf %add3A_687, %mul3A_705 : vector<16xf32>
        %gather3A_707 = tpu.vector_load_idx %arg13[%add3A_444, %select_n3A_700] : memref<64x64xf32, #tpu.memory_space<vmem>>[vector<16xi32>, vector<16xi32>], vector<16xf32>,
        %gather3A_708 = tpu.vector_load_idx %arg14[%add3A_444, %select_n3A_700] : memref<64x64xf32, #tpu.memory_space<vmem>>[vector<16xi32>, vector<16xi32>], vector<16xf32>,
        %mul3A_709 = arith.mulf %gather3A_707, %gather3A_708 : vector<16xf32>
        %add3A_710 = arith.addf %add3A_691, %mul3A_709 : vector<16xf32>
        %add3A_711 = arith.constant 1 : i32
        %add3A_712 = vector.broadcast %add3A_711 : i32 to vector<16xi32>
        %add3A_713 = arith.addi %select_n3A_700, %add3A_712 : vector<16xi32>
        %eq3A_714 = arith.constant 64 : i32
        %eq3A_715 = vector.broadcast %eq3A_714 : i32 to vector<16xi32>
        %eq3A_716 = arith.cmpi eq, %add3A_713, %eq3A_715 : vector<16xi32>
        %jit3A_717 = arith.constant 0 : i32
        %broadcast_in_dim3A_718 = vector.broadcast %jit3A_717 : i32 to vector<16xi32>
        %select_n3A_719 = arith.select %eq3A_716, %broadcast_in_dim3A_718, %add3A_713 : vector<16xi1>, vector<16xi32>
        %scan3A_720 = arith.constant 14 : i32
        %scan3A_721 = arith.addi %scan3A_456, %scan3A_720 : i32
        %gather3A_722 = tpu.vector_load_idx %arg11[%add3A_444, %select_n3A_719] : memref<64x64xf32, #tpu.memory_space<vmem>>[vector<16xi32>, vector<16xi32>], vector<16xf32>,
        %gather3A_723 = tpu.vector_load_idx %arg12[%add3A_444, %select_n3A_719] : memref<64x64xf32, #tpu.memory_space<vmem>>[vector<16xi32>, vector<16xi32>], vector<16xf32>,
        %mul3A_724 = arith.mulf %gather3A_722, %gather3A_723 : vector<16xf32>
        %add3A_725 = arith.addf %add3A_706, %mul3A_724 : vector<16xf32>
        %gather3A_726 = tpu.vector_load_idx %arg13[%add3A_444, %select_n3A_719] : memref<64x64xf32, #tpu.memory_space<vmem>>[vector<16xi32>, vector<16xi32>], vector<16xf32>,
        %gather3A_727 = tpu.vector_load_idx %arg14[%add3A_444, %select_n3A_719] : memref<64x64xf32, #tpu.memory_space<vmem>>[vector<16xi32>, vector<16xi32>], vector<16xf32>,
        %mul3A_728 = arith.mulf %gather3A_726, %gather3A_727 : vector<16xf32>
        %add3A_729 = arith.addf %add3A_710, %mul3A_728 : vector<16xf32>
        %add3A_730 = arith.constant 1 : i32
        %add3A_731 = vector.broadcast %add3A_730 : i32 to vector<16xi32>
        %add3A_732 = arith.addi %select_n3A_719, %add3A_731 : vector<16xi32>
        %eq3A_733 = arith.constant 64 : i32
        %eq3A_734 = vector.broadcast %eq3A_733 : i32 to vector<16xi32>
        %eq3A_735 = arith.cmpi eq, %add3A_732, %eq3A_734 : vector<16xi32>
        %jit3A_736 = arith.constant 0 : i32
        %broadcast_in_dim3A_737 = vector.broadcast %jit3A_736 : i32 to vector<16xi32>
        %select_n3A_738 = arith.select %eq3A_735, %broadcast_in_dim3A_737, %add3A_732 : vector<16xi1>, vector<16xi32>
        %scan3A_739 = arith.constant 15 : i32
        %scan3A_740 = arith.addi %scan3A_456, %scan3A_739 : i32
        %gather3A_741 = tpu.vector_load_idx %arg11[%add3A_444, %select_n3A_738] : memref<64x64xf32, #tpu.memory_space<vmem>>[vector<16xi32>, vector<16xi32>], vector<16xf32>,
        %gather3A_742 = tpu.vector_load_idx %arg12[%add3A_444, %select_n3A_738] : memref<64x64xf32, #tpu.memory_space<vmem>>[vector<16xi32>, vector<16xi32>], vector<16xf32>,
        %mul3A_743 = arith.mulf %gather3A_741, %gather3A_742 : vector<16xf32>
        %add3A_744 = arith.addf %add3A_725, %mul3A_743 : vector<16xf32>
        %gather3A_745 = tpu.vector_load_idx %arg13[%add3A_444, %select_n3A_738] : memref<64x64xf32, #tpu.memory_space<vmem>>[vector<16xi32>, vector<16xi32>], vector<16xf32>,
        %gather3A_746 = tpu.vector_load_idx %arg14[%add3A_444, %select_n3A_738] : memref<64x64xf32, #tpu.memory_space<vmem>>[vector<16xi32>, vector<16xi32>], vector<16xf32>,
        %mul3A_747 = arith.mulf %gather3A_745, %gather3A_746 : vector<16xf32>
        %add3A_748 = arith.addf %add3A_729, %mul3A_747 : vector<16xf32>
        %add3A_749 = arith.constant 1 : i32
        %add3A_750 = vector.broadcast %add3A_749 : i32 to vector<16xi32>
        %add3A_751 = arith.addi %select_n3A_738, %add3A_750 : vector<16xi32>
        %eq3A_752 = arith.constant 64 : i32
        %eq3A_753 = vector.broadcast %eq3A_752 : i32 to vector<16xi32>
        %eq3A_754 = arith.cmpi eq, %add3A_751, %eq3A_753 : vector<16xi32>
        %jit3A_755 = arith.constant 0 : i32
        %broadcast_in_dim3A_756 = vector.broadcast %jit3A_755 : i32 to vector<16xi32>
        %select_n3A_757 = arith.select %eq3A_754, %broadcast_in_dim3A_756, %add3A_751 : vector<16xi1>, vector<16xi32>
        scf.yield %add3A_744, %add3A_748, %select_n3A_757 : vector<16xf32>, vector<16xf32>, vector<16xi32>
      }
      %scan3A_451 = arith.constant 64 : i32
      %add3A_452 = arith.addf %scan3A_450#0, %scan3A_450#1 : vector<16xf32>
      %mul3A_453 = arith.constant 16 : i32
      %mul3A_454 = arith.muli %scan3A_440, %mul3A_453 : i32
      %swap3A = arith.index_cast %mul3A_454 : i32 to index
      %swap3A_455 = tpu.vector_load %arg16[%swap3A] {strides = array<i32>} : memref<64xf32, #tpu.memory_space<vmem>>, vector<16xf32>,
      tpu.vector_store %arg16[%swap3A], %add3A_452 {strides = array<i32>} : memref<64xf32, #tpu.memory_space<vmem>>, vector<16xf32>,
    }
    %scan3A_115 = arith.constant 4 : i32
    %add3A_116 = arith.constant 64 : i32
    %add3A_117 = arith.addi %mul3A_2, %add3A_116 : i32
    %dma_start3A_118 = tpu.memref_slice %arg6[%add3A_117] : memref<16384xf32, #tpu.memory_space<hbm>> -> memref<64xf32, #tpu.memory_space<hbm>>
    %dma_start3A_119 = tpu.memref_slice %arg6[%add3A_117] : memref<16384xf32, #tpu.memory_space<hbm>> -> memref<64xf32, #tpu.memory_space<hbm>>
    tpu.enqueue_dma source(%arg16 : memref<64xf32, #tpu.memory_space<vmem>>) target(%dma_start3A_119 : memref<64xf32, #tpu.memory_space<hbm>>) target_semaphore(%arg18 : memref<!tpu.dma_semaphore, #tpu.memory_space<semaphore_mem>>)
    %dma_wait3A_120 = arith.constant 0 : i32
    %dma_wait3A_121 = arith.constant 0 : i32
    %dma_wait3A_122 = tpu.memref_slice %arg2[%dma_wait3A_120, %dma_wait3A_121] : memref<16384x64xf32, #tpu.memory_space<hbm>> -> memref<64x64xf32, #tpu.memory_space<hbm>>
    %dma_wait3A_123 = arith.constant 0 : i32
    %dma_wait3A_124 = arith.constant 0 : i32
    %dma_wait3A_125 = tpu.memref_slice %arg2[%dma_wait3A_123, %dma_wait3A_124] : memref<16384x64xf32, #tpu.memory_space<hbm>> -> memref<64x64xf32, #tpu.memory_space<hbm>>
    tpu.wait_dma2 semaphore(%arg17 : memref<!tpu.dma_semaphore, #tpu.memory_space<semaphore_mem>>) src(%dma_wait3A_125 : memref<64x64xf32, #tpu.memory_space<hbm>>) dst(%arg7 : memref<64x64xf32, #tpu.memory_space<vmem>>)
    %dma_wait3A_126 = arith.constant 0 : i32
    %dma_wait3A_127 = arith.constant 0 : i32
    %dma_wait3A_128 = tpu.memref_slice %arg3[%dma_wait3A_126, %dma_wait3A_127] : memref<16384x64xf32, #tpu.memory_space<hbm>> -> memref<64x64xf32, #tpu.memory_space<hbm>>
    %dma_wait3A_129 = arith.constant 0 : i32
    %dma_wait3A_130 = arith.constant 0 : i32
    %dma_wait3A_131 = tpu.memref_slice %arg3[%dma_wait3A_129, %dma_wait3A_130] : memref<16384x64xf32, #tpu.memory_space<hbm>> -> memref<64x64xf32, #tpu.memory_space<hbm>>
    tpu.wait_dma2 semaphore(%arg17 : memref<!tpu.dma_semaphore, #tpu.memory_space<semaphore_mem>>) src(%dma_wait3A_131 : memref<64x64xf32, #tpu.memory_space<hbm>>) dst(%arg8 : memref<64x64xf32, #tpu.memory_space<vmem>>)
    %dma_wait3A_132 = arith.constant 0 : i32
    %dma_wait3A_133 = arith.constant 0 : i32
    %dma_wait3A_134 = tpu.memref_slice %arg4[%dma_wait3A_132, %dma_wait3A_133] : memref<16384x64xf32, #tpu.memory_space<hbm>> -> memref<64x64xf32, #tpu.memory_space<hbm>>
    %dma_wait3A_135 = arith.constant 0 : i32
    %dma_wait3A_136 = arith.constant 0 : i32
    %dma_wait3A_137 = tpu.memref_slice %arg4[%dma_wait3A_135, %dma_wait3A_136] : memref<16384x64xf32, #tpu.memory_space<hbm>> -> memref<64x64xf32, #tpu.memory_space<hbm>>
    tpu.wait_dma2 semaphore(%arg17 : memref<!tpu.dma_semaphore, #tpu.memory_space<semaphore_mem>>) src(%dma_wait3A_137 : memref<64x64xf32, #tpu.memory_space<hbm>>) dst(%arg9 : memref<64x64xf32, #tpu.memory_space<vmem>>)
    %dma_wait3A_138 = arith.constant 0 : i32
    %dma_wait3A_139 = arith.constant 0 : i32
    %dma_wait3A_140 = tpu.memref_slice %arg5[%dma_wait3A_138, %dma_wait3A_139] : memref<16384x64xf32, #tpu.memory_space<hbm>> -> memref<64x64xf32, #tpu.memory_space<hbm>>
    %dma_wait3A_141 = arith.constant 0 : i32
    %dma_wait3A_142 = arith.constant 0 : i32
    %dma_wait3A_143 = tpu.memref_slice %arg5[%dma_wait3A_141, %dma_wait3A_142] : memref<16384x64xf32, #tpu.memory_space<hbm>> -> memref<64x64xf32, #tpu.memory_space<hbm>>
    tpu.wait_dma2 semaphore(%arg17 : memref<!tpu.dma_semaphore, #tpu.memory_space<semaphore_mem>>) src(%dma_wait3A_143 : memref<64x64xf32, #tpu.memory_space<hbm>>) dst(%arg10 : memref<64x64xf32, #tpu.memory_space<vmem>>)
    %add3A_144 = arith.constant 192 : i32
    %add3A_145 = arith.addi %mul3A_2, %add3A_144 : i32
    %dma_start3A_146 = arith.constant 0 : i32
    %dma_start3A_147 = tpu.memref_slice %arg2[%add3A_145, %dma_start3A_146] : memref<16384x64xf32, #tpu.memory_space<hbm>> -> memref<64x64xf32, #tpu.memory_space<hbm>>
    %dma_start3A_148 = arith.constant 0 : i32
    %dma_start3A_149 = tpu.memref_slice %arg2[%add3A_145, %dma_start3A_148] : memref<16384x64xf32, #tpu.memory_space<hbm>> -> memref<64x64xf32, #tpu.memory_space<hbm>>
    tpu.enqueue_dma source(%dma_start3A_149 : memref<64x64xf32, #tpu.memory_space<hbm>>) target(%arg11 : memref<64x64xf32, #tpu.memory_space<vmem>>) target_semaphore(%arg17 : memref<!tpu.dma_semaphore, #tpu.memory_space<semaphore_mem>>)
    %dma_start3A_150 = arith.constant 0 : i32
    %dma_start3A_151 = tpu.memref_slice %arg3[%add3A_145, %dma_start3A_150] : memref<16384x64xf32, #tpu.memory_space<hbm>> -> memref<64x64xf32, #tpu.memory_space<hbm>>
    %dma_start3A_152 = arith.constant 0 : i32
    %dma_start3A_153 = tpu.memref_slice %arg3[%add3A_145, %dma_start3A_152] : memref<16384x64xf32, #tpu.memory_space<hbm>> -> memref<64x64xf32, #tpu.memory_space<hbm>>
    tpu.enqueue_dma source(%dma_start3A_153 : memref<64x64xf32, #tpu.memory_space<hbm>>) target(%arg12 : memref<64x64xf32, #tpu.memory_space<vmem>>) target_semaphore(%arg17 : memref<!tpu.dma_semaphore, #tpu.memory_space<semaphore_mem>>)
    %dma_start3A_154 = arith.constant 0 : i32
    %dma_start3A_155 = tpu.memref_slice %arg4[%add3A_145, %dma_start3A_154] : memref<16384x64xf32, #tpu.memory_space<hbm>> -> memref<64x64xf32, #tpu.memory_space<hbm>>
    %dma_start3A_156 = arith.constant 0 : i32
    %dma_start3A_157 = tpu.memref_slice %arg4[%add3A_145, %dma_start3A_156] : memref<16384x64xf32, #tpu.memory_space<hbm>> -> memref<64x64xf32, #tpu.memory_space<hbm>>
    tpu.enqueue_dma source(%dma_start3A_157 : memref<64x64xf32, #tpu.memory_space<hbm>>) target(%arg13 : memref<64x64xf32, #tpu.memory_space<vmem>>) target_semaphore(%arg17 : memref<!tpu.dma_semaphore, #tpu.memory_space<semaphore_mem>>)
    %dma_start3A_158 = arith.constant 0 : i32
    %dma_start3A_159 = tpu.memref_slice %arg5[%add3A_145, %dma_start3A_158] : memref<16384x64xf32, #tpu.memory_space<hbm>> -> memref<64x64xf32, #tpu.memory_space<hbm>>
    %dma_start3A_160 = arith.constant 0 : i32
    %dma_start3A_161 = tpu.memref_slice %arg5[%add3A_145, %dma_start3A_160] : memref<16384x64xf32, #tpu.memory_space<hbm>> -> memref<64x64xf32, #tpu.memory_space<hbm>>
    tpu.enqueue_dma source(%dma_start3A_161 : memref<64x64xf32, #tpu.memory_space<hbm>>) target(%arg14 : memref<64x64xf32, #tpu.memory_space<vmem>>) target_semaphore(%arg17 : memref<!tpu.dma_semaphore, #tpu.memory_space<semaphore_mem>>)
    %scan3A_162 = arith.constant 0 : i32
    %scan3A_163 = arith.constant 4 : i32
    %scan3A_164 = arith.addi %scan3A_162, %scan3A_163 : i32
    %scan3A_165 = arith.constant 1 : i32
    scf.for %scan3A_440 = %scan3A_162 to %scan3A_164 step %scan3A_165  : i32 {
      %mul3A_441 = arith.constant 16 : i32
      %mul3A_442 = arith.muli %scan3A_440, %mul3A_441 : i32
      %add3A_443 = vector.broadcast %mul3A_442 : i32 to vector<16xi32>
      %add3A_444 = arith.addi %add3A_443, %iota3A : vector<16xi32>
      %broadcast_in_dim3A = arith.constant 0.000000e+00 : f32
      %broadcast_in_dim3A_445 = vector.broadcast %broadcast_in_dim3A : f32 to vector<16xf32>
      %scan3A_446 = arith.constant 0 : i32
      %scan3A_447 = arith.constant 64 : i32
      %scan3A_448 = arith.addi %scan3A_446, %scan3A_447 : i32
      %scan3A_449 = arith.constant 16 : i32
      %scan3A_450:3 = scf.for %scan3A_456 = %scan3A_446 to %scan3A_448 step %scan3A_449 iter_args(%scan3A_457 = %broadcast_in_dim3A_445, %scan3A_458 = %broadcast_in_dim3A_445, %scan3A_459 = %iota3A) -> (vector<16xf32>, vector<16xf32>, vector<16xi32>)  : i32 {
        %gather3A = tpu.vector_load_idx %arg7[%add3A_444, %scan3A_459] : memref<64x64xf32, #tpu.memory_space<vmem>>[vector<16xi32>, vector<16xi32>], vector<16xf32>,
        %gather3A_460 = tpu.vector_load_idx %arg8[%add3A_444, %scan3A_459] : memref<64x64xf32, #tpu.memory_space<vmem>>[vector<16xi32>, vector<16xi32>], vector<16xf32>,
        %mul3A_461 = arith.mulf %gather3A, %gather3A_460 : vector<16xf32>
        %add3A_462 = arith.addf %scan3A_457, %mul3A_461 : vector<16xf32>
        %gather3A_463 = tpu.vector_load_idx %arg9[%add3A_444, %scan3A_459] : memref<64x64xf32, #tpu.memory_space<vmem>>[vector<16xi32>, vector<16xi32>], vector<16xf32>,
        %gather3A_464 = tpu.vector_load_idx %arg10[%add3A_444, %scan3A_459] : memref<64x64xf32, #tpu.memory_space<vmem>>[vector<16xi32>, vector<16xi32>], vector<16xf32>,
        %mul3A_465 = arith.mulf %gather3A_463, %gather3A_464 : vector<16xf32>
        %add3A_466 = arith.addf %scan3A_458, %mul3A_465 : vector<16xf32>
        %add3A_467 = arith.constant 1 : i32
        %add3A_468 = vector.broadcast %add3A_467 : i32 to vector<16xi32>
        %add3A_469 = arith.addi %scan3A_459, %add3A_468 : vector<16xi32>
        %eq3A = arith.constant 64 : i32
        %eq3A_470 = vector.broadcast %eq3A : i32 to vector<16xi32>
        %eq3A_471 = arith.cmpi eq, %add3A_469, %eq3A_470 : vector<16xi32>
        %jit3A = arith.constant 0 : i32
        %broadcast_in_dim3A_472 = vector.broadcast %jit3A : i32 to vector<16xi32>
        %select_n3A = arith.select %eq3A_471, %broadcast_in_dim3A_472, %add3A_469 : vector<16xi1>, vector<16xi32>
        %scan3A_473 = arith.constant 1 : i32
        %scan3A_474 = arith.addi %scan3A_456, %scan3A_473 : i32
        %gather3A_475 = tpu.vector_load_idx %arg7[%add3A_444, %select_n3A] : memref<64x64xf32, #tpu.memory_space<vmem>>[vector<16xi32>, vector<16xi32>], vector<16xf32>,
        %gather3A_476 = tpu.vector_load_idx %arg8[%add3A_444, %select_n3A] : memref<64x64xf32, #tpu.memory_space<vmem>>[vector<16xi32>, vector<16xi32>], vector<16xf32>,
        %mul3A_477 = arith.mulf %gather3A_475, %gather3A_476 : vector<16xf32>
        %add3A_478 = arith.addf %add3A_462, %mul3A_477 : vector<16xf32>
        %gather3A_479 = tpu.vector_load_idx %arg9[%add3A_444, %select_n3A] : memref<64x64xf32, #tpu.memory_space<vmem>>[vector<16xi32>, vector<16xi32>], vector<16xf32>,
        %gather3A_480 = tpu.vector_load_idx %arg10[%add3A_444, %select_n3A] : memref<64x64xf32, #tpu.memory_space<vmem>>[vector<16xi32>, vector<16xi32>], vector<16xf32>,
        %mul3A_481 = arith.mulf %gather3A_479, %gather3A_480 : vector<16xf32>
        %add3A_482 = arith.addf %add3A_466, %mul3A_481 : vector<16xf32>
        %add3A_483 = arith.constant 1 : i32
        %add3A_484 = vector.broadcast %add3A_483 : i32 to vector<16xi32>
        %add3A_485 = arith.addi %select_n3A, %add3A_484 : vector<16xi32>
        %eq3A_486 = arith.constant 64 : i32
        %eq3A_487 = vector.broadcast %eq3A_486 : i32 to vector<16xi32>
        %eq3A_488 = arith.cmpi eq, %add3A_485, %eq3A_487 : vector<16xi32>
        %jit3A_489 = arith.constant 0 : i32
        %broadcast_in_dim3A_490 = vector.broadcast %jit3A_489 : i32 to vector<16xi32>
        %select_n3A_491 = arith.select %eq3A_488, %broadcast_in_dim3A_490, %add3A_485 : vector<16xi1>, vector<16xi32>
        %scan3A_492 = arith.constant 2 : i32
        %scan3A_493 = arith.addi %scan3A_456, %scan3A_492 : i32
        %gather3A_494 = tpu.vector_load_idx %arg7[%add3A_444, %select_n3A_491] : memref<64x64xf32, #tpu.memory_space<vmem>>[vector<16xi32>, vector<16xi32>], vector<16xf32>,
        %gather3A_495 = tpu.vector_load_idx %arg8[%add3A_444, %select_n3A_491] : memref<64x64xf32, #tpu.memory_space<vmem>>[vector<16xi32>, vector<16xi32>], vector<16xf32>,
        %mul3A_496 = arith.mulf %gather3A_494, %gather3A_495 : vector<16xf32>
        %add3A_497 = arith.addf %add3A_478, %mul3A_496 : vector<16xf32>
        %gather3A_498 = tpu.vector_load_idx %arg9[%add3A_444, %select_n3A_491] : memref<64x64xf32, #tpu.memory_space<vmem>>[vector<16xi32>, vector<16xi32>], vector<16xf32>,
        %gather3A_499 = tpu.vector_load_idx %arg10[%add3A_444, %select_n3A_491] : memref<64x64xf32, #tpu.memory_space<vmem>>[vector<16xi32>, vector<16xi32>], vector<16xf32>,
        %mul3A_500 = arith.mulf %gather3A_498, %gather3A_499 : vector<16xf32>
        %add3A_501 = arith.addf %add3A_482, %mul3A_500 : vector<16xf32>
        %add3A_502 = arith.constant 1 : i32
        %add3A_503 = vector.broadcast %add3A_502 : i32 to vector<16xi32>
        %add3A_504 = arith.addi %select_n3A_491, %add3A_503 : vector<16xi32>
        %eq3A_505 = arith.constant 64 : i32
        %eq3A_506 = vector.broadcast %eq3A_505 : i32 to vector<16xi32>
        %eq3A_507 = arith.cmpi eq, %add3A_504, %eq3A_506 : vector<16xi32>
        %jit3A_508 = arith.constant 0 : i32
        %broadcast_in_dim3A_509 = vector.broadcast %jit3A_508 : i32 to vector<16xi32>
        %select_n3A_510 = arith.select %eq3A_507, %broadcast_in_dim3A_509, %add3A_504 : vector<16xi1>, vector<16xi32>
        %scan3A_511 = arith.constant 3 : i32
        %scan3A_512 = arith.addi %scan3A_456, %scan3A_511 : i32
        %gather3A_513 = tpu.vector_load_idx %arg7[%add3A_444, %select_n3A_510] : memref<64x64xf32, #tpu.memory_space<vmem>>[vector<16xi32>, vector<16xi32>], vector<16xf32>,
        %gather3A_514 = tpu.vector_load_idx %arg8[%add3A_444, %select_n3A_510] : memref<64x64xf32, #tpu.memory_space<vmem>>[vector<16xi32>, vector<16xi32>], vector<16xf32>,
        %mul3A_515 = arith.mulf %gather3A_513, %gather3A_514 : vector<16xf32>
        %add3A_516 = arith.addf %add3A_497, %mul3A_515 : vector<16xf32>
        %gather3A_517 = tpu.vector_load_idx %arg9[%add3A_444, %select_n3A_510] : memref<64x64xf32, #tpu.memory_space<vmem>>[vector<16xi32>, vector<16xi32>], vector<16xf32>,
        %gather3A_518 = tpu.vector_load_idx %arg10[%add3A_444, %select_n3A_510] : memref<64x64xf32, #tpu.memory_space<vmem>>[vector<16xi32>, vector<16xi32>], vector<16xf32>,
        %mul3A_519 = arith.mulf %gather3A_517, %gather3A_518 : vector<16xf32>
        %add3A_520 = arith.addf %add3A_501, %mul3A_519 : vector<16xf32>
        %add3A_521 = arith.constant 1 : i32
        %add3A_522 = vector.broadcast %add3A_521 : i32 to vector<16xi32>
        %add3A_523 = arith.addi %select_n3A_510, %add3A_522 : vector<16xi32>
        %eq3A_524 = arith.constant 64 : i32
        %eq3A_525 = vector.broadcast %eq3A_524 : i32 to vector<16xi32>
        %eq3A_526 = arith.cmpi eq, %add3A_523, %eq3A_525 : vector<16xi32>
        %jit3A_527 = arith.constant 0 : i32
        %broadcast_in_dim3A_528 = vector.broadcast %jit3A_527 : i32 to vector<16xi32>
        %select_n3A_529 = arith.select %eq3A_526, %broadcast_in_dim3A_528, %add3A_523 : vector<16xi1>, vector<16xi32>
        %scan3A_530 = arith.constant 4 : i32
        %scan3A_531 = arith.addi %scan3A_456, %scan3A_530 : i32
        %gather3A_532 = tpu.vector_load_idx %arg7[%add3A_444, %select_n3A_529] : memref<64x64xf32, #tpu.memory_space<vmem>>[vector<16xi32>, vector<16xi32>], vector<16xf32>,
        %gather3A_533 = tpu.vector_load_idx %arg8[%add3A_444, %select_n3A_529] : memref<64x64xf32, #tpu.memory_space<vmem>>[vector<16xi32>, vector<16xi32>], vector<16xf32>,
        %mul3A_534 = arith.mulf %gather3A_532, %gather3A_533 : vector<16xf32>
        %add3A_535 = arith.addf %add3A_516, %mul3A_534 : vector<16xf32>
        %gather3A_536 = tpu.vector_load_idx %arg9[%add3A_444, %select_n3A_529] : memref<64x64xf32, #tpu.memory_space<vmem>>[vector<16xi32>, vector<16xi32>], vector<16xf32>,
        %gather3A_537 = tpu.vector_load_idx %arg10[%add3A_444, %select_n3A_529] : memref<64x64xf32, #tpu.memory_space<vmem>>[vector<16xi32>, vector<16xi32>], vector<16xf32>,
        %mul3A_538 = arith.mulf %gather3A_536, %gather3A_537 : vector<16xf32>
        %add3A_539 = arith.addf %add3A_520, %mul3A_538 : vector<16xf32>
        %add3A_540 = arith.constant 1 : i32
        %add3A_541 = vector.broadcast %add3A_540 : i32 to vector<16xi32>
        %add3A_542 = arith.addi %select_n3A_529, %add3A_541 : vector<16xi32>
        %eq3A_543 = arith.constant 64 : i32
        %eq3A_544 = vector.broadcast %eq3A_543 : i32 to vector<16xi32>
        %eq3A_545 = arith.cmpi eq, %add3A_542, %eq3A_544 : vector<16xi32>
        %jit3A_546 = arith.constant 0 : i32
        %broadcast_in_dim3A_547 = vector.broadcast %jit3A_546 : i32 to vector<16xi32>
        %select_n3A_548 = arith.select %eq3A_545, %broadcast_in_dim3A_547, %add3A_542 : vector<16xi1>, vector<16xi32>
        %scan3A_549 = arith.constant 5 : i32
        %scan3A_550 = arith.addi %scan3A_456, %scan3A_549 : i32
        %gather3A_551 = tpu.vector_load_idx %arg7[%add3A_444, %select_n3A_548] : memref<64x64xf32, #tpu.memory_space<vmem>>[vector<16xi32>, vector<16xi32>], vector<16xf32>,
        %gather3A_552 = tpu.vector_load_idx %arg8[%add3A_444, %select_n3A_548] : memref<64x64xf32, #tpu.memory_space<vmem>>[vector<16xi32>, vector<16xi32>], vector<16xf32>,
        %mul3A_553 = arith.mulf %gather3A_551, %gather3A_552 : vector<16xf32>
        %add3A_554 = arith.addf %add3A_535, %mul3A_553 : vector<16xf32>
        %gather3A_555 = tpu.vector_load_idx %arg9[%add3A_444, %select_n3A_548] : memref<64x64xf32, #tpu.memory_space<vmem>>[vector<16xi32>, vector<16xi32>], vector<16xf32>,
        %gather3A_556 = tpu.vector_load_idx %arg10[%add3A_444, %select_n3A_548] : memref<64x64xf32, #tpu.memory_space<vmem>>[vector<16xi32>, vector<16xi32>], vector<16xf32>,
        %mul3A_557 = arith.mulf %gather3A_555, %gather3A_556 : vector<16xf32>
        %add3A_558 = arith.addf %add3A_539, %mul3A_557 : vector<16xf32>
        %add3A_559 = arith.constant 1 : i32
        %add3A_560 = vector.broadcast %add3A_559 : i32 to vector<16xi32>
        %add3A_561 = arith.addi %select_n3A_548, %add3A_560 : vector<16xi32>
        %eq3A_562 = arith.constant 64 : i32
        %eq3A_563 = vector.broadcast %eq3A_562 : i32 to vector<16xi32>
        %eq3A_564 = arith.cmpi eq, %add3A_561, %eq3A_563 : vector<16xi32>
        %jit3A_565 = arith.constant 0 : i32
        %broadcast_in_dim3A_566 = vector.broadcast %jit3A_565 : i32 to vector<16xi32>
        %select_n3A_567 = arith.select %eq3A_564, %broadcast_in_dim3A_566, %add3A_561 : vector<16xi1>, vector<16xi32>
        %scan3A_568 = arith.constant 6 : i32
        %scan3A_569 = arith.addi %scan3A_456, %scan3A_568 : i32
        %gather3A_570 = tpu.vector_load_idx %arg7[%add3A_444, %select_n3A_567] : memref<64x64xf32, #tpu.memory_space<vmem>>[vector<16xi32>, vector<16xi32>], vector<16xf32>,
        %gather3A_571 = tpu.vector_load_idx %arg8[%add3A_444, %select_n3A_567] : memref<64x64xf32, #tpu.memory_space<vmem>>[vector<16xi32>, vector<16xi32>], vector<16xf32>,
        %mul3A_572 = arith.mulf %gather3A_570, %gather3A_571 : vector<16xf32>
        %add3A_573 = arith.addf %add3A_554, %mul3A_572 : vector<16xf32>
        %gather3A_574 = tpu.vector_load_idx %arg9[%add3A_444, %select_n3A_567] : memref<64x64xf32, #tpu.memory_space<vmem>>[vector<16xi32>, vector<16xi32>], vector<16xf32>,
        %gather3A_575 = tpu.vector_load_idx %arg10[%add3A_444, %select_n3A_567] : memref<64x64xf32, #tpu.memory_space<vmem>>[vector<16xi32>, vector<16xi32>], vector<16xf32>,
        %mul3A_576 = arith.mulf %gather3A_574, %gather3A_575 : vector<16xf32>
        %add3A_577 = arith.addf %add3A_558, %mul3A_576 : vector<16xf32>
        %add3A_578 = arith.constant 1 : i32
        %add3A_579 = vector.broadcast %add3A_578 : i32 to vector<16xi32>
        %add3A_580 = arith.addi %select_n3A_567, %add3A_579 : vector<16xi32>
        %eq3A_581 = arith.constant 64 : i32
        %eq3A_582 = vector.broadcast %eq3A_581 : i32 to vector<16xi32>
        %eq3A_583 = arith.cmpi eq, %add3A_580, %eq3A_582 : vector<16xi32>
        %jit3A_584 = arith.constant 0 : i32
        %broadcast_in_dim3A_585 = vector.broadcast %jit3A_584 : i32 to vector<16xi32>
        %select_n3A_586 = arith.select %eq3A_583, %broadcast_in_dim3A_585, %add3A_580 : vector<16xi1>, vector<16xi32>
        %scan3A_587 = arith.constant 7 : i32
        %scan3A_588 = arith.addi %scan3A_456, %scan3A_587 : i32
        %gather3A_589 = tpu.vector_load_idx %arg7[%add3A_444, %select_n3A_586] : memref<64x64xf32, #tpu.memory_space<vmem>>[vector<16xi32>, vector<16xi32>], vector<16xf32>,
        %gather3A_590 = tpu.vector_load_idx %arg8[%add3A_444, %select_n3A_586] : memref<64x64xf32, #tpu.memory_space<vmem>>[vector<16xi32>, vector<16xi32>], vector<16xf32>,
        %mul3A_591 = arith.mulf %gather3A_589, %gather3A_590 : vector<16xf32>
        %add3A_592 = arith.addf %add3A_573, %mul3A_591 : vector<16xf32>
        %gather3A_593 = tpu.vector_load_idx %arg9[%add3A_444, %select_n3A_586] : memref<64x64xf32, #tpu.memory_space<vmem>>[vector<16xi32>, vector<16xi32>], vector<16xf32>,
        %gather3A_594 = tpu.vector_load_idx %arg10[%add3A_444, %select_n3A_586] : memref<64x64xf32, #tpu.memory_space<vmem>>[vector<16xi32>, vector<16xi32>], vector<16xf32>,
        %mul3A_595 = arith.mulf %gather3A_593, %gather3A_594 : vector<16xf32>
        %add3A_596 = arith.addf %add3A_577, %mul3A_595 : vector<16xf32>
        %add3A_597 = arith.constant 1 : i32
        %add3A_598 = vector.broadcast %add3A_597 : i32 to vector<16xi32>
        %add3A_599 = arith.addi %select_n3A_586, %add3A_598 : vector<16xi32>
        %eq3A_600 = arith.constant 64 : i32
        %eq3A_601 = vector.broadcast %eq3A_600 : i32 to vector<16xi32>
        %eq3A_602 = arith.cmpi eq, %add3A_599, %eq3A_601 : vector<16xi32>
        %jit3A_603 = arith.constant 0 : i32
        %broadcast_in_dim3A_604 = vector.broadcast %jit3A_603 : i32 to vector<16xi32>
        %select_n3A_605 = arith.select %eq3A_602, %broadcast_in_dim3A_604, %add3A_599 : vector<16xi1>, vector<16xi32>
        %scan3A_606 = arith.constant 8 : i32
        %scan3A_607 = arith.addi %scan3A_456, %scan3A_606 : i32
        %gather3A_608 = tpu.vector_load_idx %arg7[%add3A_444, %select_n3A_605] : memref<64x64xf32, #tpu.memory_space<vmem>>[vector<16xi32>, vector<16xi32>], vector<16xf32>,
        %gather3A_609 = tpu.vector_load_idx %arg8[%add3A_444, %select_n3A_605] : memref<64x64xf32, #tpu.memory_space<vmem>>[vector<16xi32>, vector<16xi32>], vector<16xf32>,
        %mul3A_610 = arith.mulf %gather3A_608, %gather3A_609 : vector<16xf32>
        %add3A_611 = arith.addf %add3A_592, %mul3A_610 : vector<16xf32>
        %gather3A_612 = tpu.vector_load_idx %arg9[%add3A_444, %select_n3A_605] : memref<64x64xf32, #tpu.memory_space<vmem>>[vector<16xi32>, vector<16xi32>], vector<16xf32>,
        %gather3A_613 = tpu.vector_load_idx %arg10[%add3A_444, %select_n3A_605] : memref<64x64xf32, #tpu.memory_space<vmem>>[vector<16xi32>, vector<16xi32>], vector<16xf32>,
        %mul3A_614 = arith.mulf %gather3A_612, %gather3A_613 : vector<16xf32>
        %add3A_615 = arith.addf %add3A_596, %mul3A_614 : vector<16xf32>
        %add3A_616 = arith.constant 1 : i32
        %add3A_617 = vector.broadcast %add3A_616 : i32 to vector<16xi32>
        %add3A_618 = arith.addi %select_n3A_605, %add3A_617 : vector<16xi32>
        %eq3A_619 = arith.constant 64 : i32
        %eq3A_620 = vector.broadcast %eq3A_619 : i32 to vector<16xi32>
        %eq3A_621 = arith.cmpi eq, %add3A_618, %eq3A_620 : vector<16xi32>
        %jit3A_622 = arith.constant 0 : i32
        %broadcast_in_dim3A_623 = vector.broadcast %jit3A_622 : i32 to vector<16xi32>
        %select_n3A_624 = arith.select %eq3A_621, %broadcast_in_dim3A_623, %add3A_618 : vector<16xi1>, vector<16xi32>
        %scan3A_625 = arith.constant 9 : i32
        %scan3A_626 = arith.addi %scan3A_456, %scan3A_625 : i32
        %gather3A_627 = tpu.vector_load_idx %arg7[%add3A_444, %select_n3A_624] : memref<64x64xf32, #tpu.memory_space<vmem>>[vector<16xi32>, vector<16xi32>], vector<16xf32>,
        %gather3A_628 = tpu.vector_load_idx %arg8[%add3A_444, %select_n3A_624] : memref<64x64xf32, #tpu.memory_space<vmem>>[vector<16xi32>, vector<16xi32>], vector<16xf32>,
        %mul3A_629 = arith.mulf %gather3A_627, %gather3A_628 : vector<16xf32>
        %add3A_630 = arith.addf %add3A_611, %mul3A_629 : vector<16xf32>
        %gather3A_631 = tpu.vector_load_idx %arg9[%add3A_444, %select_n3A_624] : memref<64x64xf32, #tpu.memory_space<vmem>>[vector<16xi32>, vector<16xi32>], vector<16xf32>,
        %gather3A_632 = tpu.vector_load_idx %arg10[%add3A_444, %select_n3A_624] : memref<64x64xf32, #tpu.memory_space<vmem>>[vector<16xi32>, vector<16xi32>], vector<16xf32>,
        %mul3A_633 = arith.mulf %gather3A_631, %gather3A_632 : vector<16xf32>
        %add3A_634 = arith.addf %add3A_615, %mul3A_633 : vector<16xf32>
        %add3A_635 = arith.constant 1 : i32
        %add3A_636 = vector.broadcast %add3A_635 : i32 to vector<16xi32>
        %add3A_637 = arith.addi %select_n3A_624, %add3A_636 : vector<16xi32>
        %eq3A_638 = arith.constant 64 : i32
        %eq3A_639 = vector.broadcast %eq3A_638 : i32 to vector<16xi32>
        %eq3A_640 = arith.cmpi eq, %add3A_637, %eq3A_639 : vector<16xi32>
        %jit3A_641 = arith.constant 0 : i32
        %broadcast_in_dim3A_642 = vector.broadcast %jit3A_641 : i32 to vector<16xi32>
        %select_n3A_643 = arith.select %eq3A_640, %broadcast_in_dim3A_642, %add3A_637 : vector<16xi1>, vector<16xi32>
        %scan3A_644 = arith.constant 10 : i32
        %scan3A_645 = arith.addi %scan3A_456, %scan3A_644 : i32
        %gather3A_646 = tpu.vector_load_idx %arg7[%add3A_444, %select_n3A_643] : memref<64x64xf32, #tpu.memory_space<vmem>>[vector<16xi32>, vector<16xi32>], vector<16xf32>,
        %gather3A_647 = tpu.vector_load_idx %arg8[%add3A_444, %select_n3A_643] : memref<64x64xf32, #tpu.memory_space<vmem>>[vector<16xi32>, vector<16xi32>], vector<16xf32>,
        %mul3A_648 = arith.mulf %gather3A_646, %gather3A_647 : vector<16xf32>
        %add3A_649 = arith.addf %add3A_630, %mul3A_648 : vector<16xf32>
        %gather3A_650 = tpu.vector_load_idx %arg9[%add3A_444, %select_n3A_643] : memref<64x64xf32, #tpu.memory_space<vmem>>[vector<16xi32>, vector<16xi32>], vector<16xf32>,
        %gather3A_651 = tpu.vector_load_idx %arg10[%add3A_444, %select_n3A_643] : memref<64x64xf32, #tpu.memory_space<vmem>>[vector<16xi32>, vector<16xi32>], vector<16xf32>,
        %mul3A_652 = arith.mulf %gather3A_650, %gather3A_651 : vector<16xf32>
        %add3A_653 = arith.addf %add3A_634, %mul3A_652 : vector<16xf32>
        %add3A_654 = arith.constant 1 : i32
        %add3A_655 = vector.broadcast %add3A_654 : i32 to vector<16xi32>
        %add3A_656 = arith.addi %select_n3A_643, %add3A_655 : vector<16xi32>
        %eq3A_657 = arith.constant 64 : i32
        %eq3A_658 = vector.broadcast %eq3A_657 : i32 to vector<16xi32>
        %eq3A_659 = arith.cmpi eq, %add3A_656, %eq3A_658 : vector<16xi32>
        %jit3A_660 = arith.constant 0 : i32
        %broadcast_in_dim3A_661 = vector.broadcast %jit3A_660 : i32 to vector<16xi32>
        %select_n3A_662 = arith.select %eq3A_659, %broadcast_in_dim3A_661, %add3A_656 : vector<16xi1>, vector<16xi32>
        %scan3A_663 = arith.constant 11 : i32
        %scan3A_664 = arith.addi %scan3A_456, %scan3A_663 : i32
        %gather3A_665 = tpu.vector_load_idx %arg7[%add3A_444, %select_n3A_662] : memref<64x64xf32, #tpu.memory_space<vmem>>[vector<16xi32>, vector<16xi32>], vector<16xf32>,
        %gather3A_666 = tpu.vector_load_idx %arg8[%add3A_444, %select_n3A_662] : memref<64x64xf32, #tpu.memory_space<vmem>>[vector<16xi32>, vector<16xi32>], vector<16xf32>,
        %mul3A_667 = arith.mulf %gather3A_665, %gather3A_666 : vector<16xf32>
        %add3A_668 = arith.addf %add3A_649, %mul3A_667 : vector<16xf32>
        %gather3A_669 = tpu.vector_load_idx %arg9[%add3A_444, %select_n3A_662] : memref<64x64xf32, #tpu.memory_space<vmem>>[vector<16xi32>, vector<16xi32>], vector<16xf32>,
        %gather3A_670 = tpu.vector_load_idx %arg10[%add3A_444, %select_n3A_662] : memref<64x64xf32, #tpu.memory_space<vmem>>[vector<16xi32>, vector<16xi32>], vector<16xf32>,
        %mul3A_671 = arith.mulf %gather3A_669, %gather3A_670 : vector<16xf32>
        %add3A_672 = arith.addf %add3A_653, %mul3A_671 : vector<16xf32>
        %add3A_673 = arith.constant 1 : i32
        %add3A_674 = vector.broadcast %add3A_673 : i32 to vector<16xi32>
        %add3A_675 = arith.addi %select_n3A_662, %add3A_674 : vector<16xi32>
        %eq3A_676 = arith.constant 64 : i32
        %eq3A_677 = vector.broadcast %eq3A_676 : i32 to vector<16xi32>
        %eq3A_678 = arith.cmpi eq, %add3A_675, %eq3A_677 : vector<16xi32>
        %jit3A_679 = arith.constant 0 : i32
        %broadcast_in_dim3A_680 = vector.broadcast %jit3A_679 : i32 to vector<16xi32>
        %select_n3A_681 = arith.select %eq3A_678, %broadcast_in_dim3A_680, %add3A_675 : vector<16xi1>, vector<16xi32>
        %scan3A_682 = arith.constant 12 : i32
        %scan3A_683 = arith.addi %scan3A_456, %scan3A_682 : i32
        %gather3A_684 = tpu.vector_load_idx %arg7[%add3A_444, %select_n3A_681] : memref<64x64xf32, #tpu.memory_space<vmem>>[vector<16xi32>, vector<16xi32>], vector<16xf32>,
        %gather3A_685 = tpu.vector_load_idx %arg8[%add3A_444, %select_n3A_681] : memref<64x64xf32, #tpu.memory_space<vmem>>[vector<16xi32>, vector<16xi32>], vector<16xf32>,
        %mul3A_686 = arith.mulf %gather3A_684, %gather3A_685 : vector<16xf32>
        %add3A_687 = arith.addf %add3A_668, %mul3A_686 : vector<16xf32>
        %gather3A_688 = tpu.vector_load_idx %arg9[%add3A_444, %select_n3A_681] : memref<64x64xf32, #tpu.memory_space<vmem>>[vector<16xi32>, vector<16xi32>], vector<16xf32>,
        %gather3A_689 = tpu.vector_load_idx %arg10[%add3A_444, %select_n3A_681] : memref<64x64xf32, #tpu.memory_space<vmem>>[vector<16xi32>, vector<16xi32>], vector<16xf32>,
        %mul3A_690 = arith.mulf %gather3A_688, %gather3A_689 : vector<16xf32>
        %add3A_691 = arith.addf %add3A_672, %mul3A_690 : vector<16xf32>
        %add3A_692 = arith.constant 1 : i32
        %add3A_693 = vector.broadcast %add3A_692 : i32 to vector<16xi32>
        %add3A_694 = arith.addi %select_n3A_681, %add3A_693 : vector<16xi32>
        %eq3A_695 = arith.constant 64 : i32
        %eq3A_696 = vector.broadcast %eq3A_695 : i32 to vector<16xi32>
        %eq3A_697 = arith.cmpi eq, %add3A_694, %eq3A_696 : vector<16xi32>
        %jit3A_698 = arith.constant 0 : i32
        %broadcast_in_dim3A_699 = vector.broadcast %jit3A_698 : i32 to vector<16xi32>
        %select_n3A_700 = arith.select %eq3A_697, %broadcast_in_dim3A_699, %add3A_694 : vector<16xi1>, vector<16xi32>
        %scan3A_701 = arith.constant 13 : i32
        %scan3A_702 = arith.addi %scan3A_456, %scan3A_701 : i32
        %gather3A_703 = tpu.vector_load_idx %arg7[%add3A_444, %select_n3A_700] : memref<64x64xf32, #tpu.memory_space<vmem>>[vector<16xi32>, vector<16xi32>], vector<16xf32>,
        %gather3A_704 = tpu.vector_load_idx %arg8[%add3A_444, %select_n3A_700] : memref<64x64xf32, #tpu.memory_space<vmem>>[vector<16xi32>, vector<16xi32>], vector<16xf32>,
        %mul3A_705 = arith.mulf %gather3A_703, %gather3A_704 : vector<16xf32>
        %add3A_706 = arith.addf %add3A_687, %mul3A_705 : vector<16xf32>
        %gather3A_707 = tpu.vector_load_idx %arg9[%add3A_444, %select_n3A_700] : memref<64x64xf32, #tpu.memory_space<vmem>>[vector<16xi32>, vector<16xi32>], vector<16xf32>,
        %gather3A_708 = tpu.vector_load_idx %arg10[%add3A_444, %select_n3A_700] : memref<64x64xf32, #tpu.memory_space<vmem>>[vector<16xi32>, vector<16xi32>], vector<16xf32>,
        %mul3A_709 = arith.mulf %gather3A_707, %gather3A_708 : vector<16xf32>
        %add3A_710 = arith.addf %add3A_691, %mul3A_709 : vector<16xf32>
        %add3A_711 = arith.constant 1 : i32
        %add3A_712 = vector.broadcast %add3A_711 : i32 to vector<16xi32>
        %add3A_713 = arith.addi %select_n3A_700, %add3A_712 : vector<16xi32>
        %eq3A_714 = arith.constant 64 : i32
        %eq3A_715 = vector.broadcast %eq3A_714 : i32 to vector<16xi32>
        %eq3A_716 = arith.cmpi eq, %add3A_713, %eq3A_715 : vector<16xi32>
        %jit3A_717 = arith.constant 0 : i32
        %broadcast_in_dim3A_718 = vector.broadcast %jit3A_717 : i32 to vector<16xi32>
        %select_n3A_719 = arith.select %eq3A_716, %broadcast_in_dim3A_718, %add3A_713 : vector<16xi1>, vector<16xi32>
        %scan3A_720 = arith.constant 14 : i32
        %scan3A_721 = arith.addi %scan3A_456, %scan3A_720 : i32
        %gather3A_722 = tpu.vector_load_idx %arg7[%add3A_444, %select_n3A_719] : memref<64x64xf32, #tpu.memory_space<vmem>>[vector<16xi32>, vector<16xi32>], vector<16xf32>,
        %gather3A_723 = tpu.vector_load_idx %arg8[%add3A_444, %select_n3A_719] : memref<64x64xf32, #tpu.memory_space<vmem>>[vector<16xi32>, vector<16xi32>], vector<16xf32>,
        %mul3A_724 = arith.mulf %gather3A_722, %gather3A_723 : vector<16xf32>
        %add3A_725 = arith.addf %add3A_706, %mul3A_724 : vector<16xf32>
        %gather3A_726 = tpu.vector_load_idx %arg9[%add3A_444, %select_n3A_719] : memref<64x64xf32, #tpu.memory_space<vmem>>[vector<16xi32>, vector<16xi32>], vector<16xf32>,
        %gather3A_727 = tpu.vector_load_idx %arg10[%add3A_444, %select_n3A_719] : memref<64x64xf32, #tpu.memory_space<vmem>>[vector<16xi32>, vector<16xi32>], vector<16xf32>,
        %mul3A_728 = arith.mulf %gather3A_726, %gather3A_727 : vector<16xf32>
        %add3A_729 = arith.addf %add3A_710, %mul3A_728 : vector<16xf32>
        %add3A_730 = arith.constant 1 : i32
        %add3A_731 = vector.broadcast %add3A_730 : i32 to vector<16xi32>
        %add3A_732 = arith.addi %select_n3A_719, %add3A_731 : vector<16xi32>
        %eq3A_733 = arith.constant 64 : i32
        %eq3A_734 = vector.broadcast %eq3A_733 : i32 to vector<16xi32>
        %eq3A_735 = arith.cmpi eq, %add3A_732, %eq3A_734 : vector<16xi32>
        %jit3A_736 = arith.constant 0 : i32
        %broadcast_in_dim3A_737 = vector.broadcast %jit3A_736 : i32 to vector<16xi32>
        %select_n3A_738 = arith.select %eq3A_735, %broadcast_in_dim3A_737, %add3A_732 : vector<16xi1>, vector<16xi32>
        %scan3A_739 = arith.constant 15 : i32
        %scan3A_740 = arith.addi %scan3A_456, %scan3A_739 : i32
        %gather3A_741 = tpu.vector_load_idx %arg7[%add3A_444, %select_n3A_738] : memref<64x64xf32, #tpu.memory_space<vmem>>[vector<16xi32>, vector<16xi32>], vector<16xf32>,
        %gather3A_742 = tpu.vector_load_idx %arg8[%add3A_444, %select_n3A_738] : memref<64x64xf32, #tpu.memory_space<vmem>>[vector<16xi32>, vector<16xi32>], vector<16xf32>,
        %mul3A_743 = arith.mulf %gather3A_741, %gather3A_742 : vector<16xf32>
        %add3A_744 = arith.addf %add3A_725, %mul3A_743 : vector<16xf32>
        %gather3A_745 = tpu.vector_load_idx %arg9[%add3A_444, %select_n3A_738] : memref<64x64xf32, #tpu.memory_space<vmem>>[vector<16xi32>, vector<16xi32>], vector<16xf32>,
        %gather3A_746 = tpu.vector_load_idx %arg10[%add3A_444, %select_n3A_738] : memref<64x64xf32, #tpu.memory_space<vmem>>[vector<16xi32>, vector<16xi32>], vector<16xf32>,
        %mul3A_747 = arith.mulf %gather3A_745, %gather3A_746 : vector<16xf32>
        %add3A_748 = arith.addf %add3A_729, %mul3A_747 : vector<16xf32>
        %add3A_749 = arith.constant 1 : i32
        %add3A_750 = vector.broadcast %add3A_749 : i32 to vector<16xi32>
        %add3A_751 = arith.addi %select_n3A_738, %add3A_750 : vector<16xi32>
        %eq3A_752 = arith.constant 64 : i32
        %eq3A_753 = vector.broadcast %eq3A_752 : i32 to vector<16xi32>
        %eq3A_754 = arith.cmpi eq, %add3A_751, %eq3A_753 : vector<16xi32>
        %jit3A_755 = arith.constant 0 : i32
        %broadcast_in_dim3A_756 = vector.broadcast %jit3A_755 : i32 to vector<16xi32>
        %select_n3A_757 = arith.select %eq3A_754, %broadcast_in_dim3A_756, %add3A_751 : vector<16xi1>, vector<16xi32>
        scf.yield %add3A_744, %add3A_748, %select_n3A_757 : vector<16xf32>, vector<16xf32>, vector<16xi32>
      }
      %scan3A_451 = arith.constant 64 : i32
      %add3A_452 = arith.addf %scan3A_450#0, %scan3A_450#1 : vector<16xf32>
      %mul3A_453 = arith.constant 16 : i32
      %mul3A_454 = arith.muli %scan3A_440, %mul3A_453 : i32
      %swap3A = arith.index_cast %mul3A_454 : i32 to index
      %swap3A_455 = tpu.vector_load %arg15[%swap3A] {strides = array<i32>} : memref<64xf32, #tpu.memory_space<vmem>>, vector<16xf32>,
      tpu.vector_store %arg15[%swap3A], %add3A_452 {strides = array<i32>} : memref<64xf32, #tpu.memory_space<vmem>>, vector<16xf32>,
    }
    %scan3A_166 = arith.constant 4 : i32
    %add3A_167 = arith.constant 128 : i32
    %add3A_168 = arith.addi %mul3A_2, %add3A_167 : i32
    %dma_wait3A_169 = arith.constant 0 : i32
    %dma_wait3A_170 = tpu.memref_slice %arg6[%dma_wait3A_169] : memref<16384xf32, #tpu.memory_space<hbm>> -> memref<64xf32, #tpu.memory_space<hbm>>
    %dma_wait3A_171 = arith.constant 0 : i32
    %dma_wait3A_172 = tpu.memref_slice %arg6[%dma_wait3A_171] : memref<16384xf32, #tpu.memory_space<hbm>> -> memref<64xf32, #tpu.memory_space<hbm>>
    tpu.wait_dma2 semaphore(%arg18 : memref<!tpu.dma_semaphore, #tpu.memory_space<semaphore_mem>>) src(%arg16 : memref<64xf32, #tpu.memory_space<vmem>>) dst(%dma_wait3A_172 : memref<64xf32, #tpu.memory_space<hbm>>)
    %dma_start3A_173 = tpu.memref_slice %arg6[%add3A_168] : memref<16384xf32, #tpu.memory_space<hbm>> -> memref<64xf32, #tpu.memory_space<hbm>>
    %dma_start3A_174 = tpu.memref_slice %arg6[%add3A_168] : memref<16384xf32, #tpu.memory_space<hbm>> -> memref<64xf32, #tpu.memory_space<hbm>>
    tpu.enqueue_dma source(%arg15 : memref<64xf32, #tpu.memory_space<vmem>>) target(%dma_start3A_174 : memref<64xf32, #tpu.memory_space<hbm>>) target_semaphore(%arg18 : memref<!tpu.dma_semaphore, #tpu.memory_space<semaphore_mem>>)
    %dma_wait3A_175 = arith.constant 0 : i32
    %dma_wait3A_176 = arith.constant 0 : i32
    %dma_wait3A_177 = tpu.memref_slice %arg2[%dma_wait3A_175, %dma_wait3A_176] : memref<16384x64xf32, #tpu.memory_space<hbm>> -> memref<64x64xf32, #tpu.memory_space<hbm>>
    %dma_wait3A_178 = arith.constant 0 : i32
    %dma_wait3A_179 = arith.constant 0 : i32
    %dma_wait3A_180 = tpu.memref_slice %arg2[%dma_wait3A_178, %dma_wait3A_179] : memref<16384x64xf32, #tpu.memory_space<hbm>> -> memref<64x64xf32, #tpu.memory_space<hbm>>
    tpu.wait_dma2 semaphore(%arg17 : memref<!tpu.dma_semaphore, #tpu.memory_space<semaphore_mem>>) src(%dma_wait3A_180 : memref<64x64xf32, #tpu.memory_space<hbm>>) dst(%arg11 : memref<64x64xf32, #tpu.memory_space<vmem>>)
    %dma_wait3A_181 = arith.constant 0 : i32
    %dma_wait3A_182 = arith.constant 0 : i32
    %dma_wait3A_183 = tpu.memref_slice %arg3[%dma_wait3A_181, %dma_wait3A_182] : memref<16384x64xf32, #tpu.memory_space<hbm>> -> memref<64x64xf32, #tpu.memory_space<hbm>>
    %dma_wait3A_184 = arith.constant 0 : i32
    %dma_wait3A_185 = arith.constant 0 : i32
    %dma_wait3A_186 = tpu.memref_slice %arg3[%dma_wait3A_184, %dma_wait3A_185] : memref<16384x64xf32, #tpu.memory_space<hbm>> -> memref<64x64xf32, #tpu.memory_space<hbm>>
    tpu.wait_dma2 semaphore(%arg17 : memref<!tpu.dma_semaphore, #tpu.memory_space<semaphore_mem>>) src(%dma_wait3A_186 : memref<64x64xf32, #tpu.memory_space<hbm>>) dst(%arg12 : memref<64x64xf32, #tpu.memory_space<vmem>>)
    %dma_wait3A_187 = arith.constant 0 : i32
    %dma_wait3A_188 = arith.constant 0 : i32
    %dma_wait3A_189 = tpu.memref_slice %arg4[%dma_wait3A_187, %dma_wait3A_188] : memref<16384x64xf32, #tpu.memory_space<hbm>> -> memref<64x64xf32, #tpu.memory_space<hbm>>
    %dma_wait3A_190 = arith.constant 0 : i32
    %dma_wait3A_191 = arith.constant 0 : i32
    %dma_wait3A_192 = tpu.memref_slice %arg4[%dma_wait3A_190, %dma_wait3A_191] : memref<16384x64xf32, #tpu.memory_space<hbm>> -> memref<64x64xf32, #tpu.memory_space<hbm>>
    tpu.wait_dma2 semaphore(%arg17 : memref<!tpu.dma_semaphore, #tpu.memory_space<semaphore_mem>>) src(%dma_wait3A_192 : memref<64x64xf32, #tpu.memory_space<hbm>>) dst(%arg13 : memref<64x64xf32, #tpu.memory_space<vmem>>)
    %dma_wait3A_193 = arith.constant 0 : i32
    %dma_wait3A_194 = arith.constant 0 : i32
    %dma_wait3A_195 = tpu.memref_slice %arg5[%dma_wait3A_193, %dma_wait3A_194] : memref<16384x64xf32, #tpu.memory_space<hbm>> -> memref<64x64xf32, #tpu.memory_space<hbm>>
    %dma_wait3A_196 = arith.constant 0 : i32
    %dma_wait3A_197 = arith.constant 0 : i32
    %dma_wait3A_198 = tpu.memref_slice %arg5[%dma_wait3A_196, %dma_wait3A_197] : memref<16384x64xf32, #tpu.memory_space<hbm>> -> memref<64x64xf32, #tpu.memory_space<hbm>>
    tpu.wait_dma2 semaphore(%arg17 : memref<!tpu.dma_semaphore, #tpu.memory_space<semaphore_mem>>) src(%dma_wait3A_198 : memref<64x64xf32, #tpu.memory_space<hbm>>) dst(%arg14 : memref<64x64xf32, #tpu.memory_space<vmem>>)
    %add3A_199 = arith.constant 256 : i32
    %add3A_200 = arith.addi %mul3A_2, %add3A_199 : i32
    %dma_start3A_201 = arith.constant 0 : i32
    %dma_start3A_202 = tpu.memref_slice %arg2[%add3A_200, %dma_start3A_201] : memref<16384x64xf32, #tpu.memory_space<hbm>> -> memref<64x64xf32, #tpu.memory_space<hbm>>
    %dma_start3A_203 = arith.constant 0 : i32
    %dma_start3A_204 = tpu.memref_slice %arg2[%add3A_200, %dma_start3A_203] : memref<16384x64xf32, #tpu.memory_space<hbm>> -> memref<64x64xf32, #tpu.memory_space<hbm>>
    tpu.enqueue_dma source(%dma_start3A_204 : memref<64x64xf32, #tpu.memory_space<hbm>>) target(%arg7 : memref<64x64xf32, #tpu.memory_space<vmem>>) target_semaphore(%arg17 : memref<!tpu.dma_semaphore, #tpu.memory_space<semaphore_mem>>)
    %dma_start3A_205 = arith.constant 0 : i32
    %dma_start3A_206 = tpu.memref_slice %arg3[%add3A_200, %dma_start3A_205] : memref<16384x64xf32, #tpu.memory_space<hbm>> -> memref<64x64xf32, #tpu.memory_space<hbm>>
    %dma_start3A_207 = arith.constant 0 : i32
    %dma_start3A_208 = tpu.memref_slice %arg3[%add3A_200, %dma_start3A_207] : memref<16384x64xf32, #tpu.memory_space<hbm>> -> memref<64x64xf32, #tpu.memory_space<hbm>>
    tpu.enqueue_dma source(%dma_start3A_208 : memref<64x64xf32, #tpu.memory_space<hbm>>) target(%arg8 : memref<64x64xf32, #tpu.memory_space<vmem>>) target_semaphore(%arg17 : memref<!tpu.dma_semaphore, #tpu.memory_space<semaphore_mem>>)
    %dma_start3A_209 = arith.constant 0 : i32
    %dma_start3A_210 = tpu.memref_slice %arg4[%add3A_200, %dma_start3A_209] : memref<16384x64xf32, #tpu.memory_space<hbm>> -> memref<64x64xf32, #tpu.memory_space<hbm>>
    %dma_start3A_211 = arith.constant 0 : i32
    %dma_start3A_212 = tpu.memref_slice %arg4[%add3A_200, %dma_start3A_211] : memref<16384x64xf32, #tpu.memory_space<hbm>> -> memref<64x64xf32, #tpu.memory_space<hbm>>
    tpu.enqueue_dma source(%dma_start3A_212 : memref<64x64xf32, #tpu.memory_space<hbm>>) target(%arg9 : memref<64x64xf32, #tpu.memory_space<vmem>>) target_semaphore(%arg17 : memref<!tpu.dma_semaphore, #tpu.memory_space<semaphore_mem>>)
    %dma_start3A_213 = arith.constant 0 : i32
    %dma_start3A_214 = tpu.memref_slice %arg5[%add3A_200, %dma_start3A_213] : memref<16384x64xf32, #tpu.memory_space<hbm>> -> memref<64x64xf32, #tpu.memory_space<hbm>>
    %dma_start3A_215 = arith.constant 0 : i32
    %dma_start3A_216 = tpu.memref_slice %arg5[%add3A_200, %dma_start3A_215] : memref<16384x64xf32, #tpu.memory_space<hbm>> -> memref<64x64xf32, #tpu.memory_space<hbm>>
    tpu.enqueue_dma source(%dma_start3A_216 : memref<64x64xf32, #tpu.memory_space<hbm>>) target(%arg10 : memref<64x64xf32, #tpu.memory_space<vmem>>) target_semaphore(%arg17 : memref<!tpu.dma_semaphore, #tpu.memory_space<semaphore_mem>>)
    %scan3A_217 = arith.constant 0 : i32
    %scan3A_218 = arith.constant 4 : i32
    %scan3A_219 = arith.addi %scan3A_217, %scan3A_218 : i32
    %scan3A_220 = arith.constant 1 : i32
    scf.for %scan3A_440 = %scan3A_217 to %scan3A_219 step %scan3A_220  : i32 {
      %mul3A_441 = arith.constant 16 : i32
      %mul3A_442 = arith.muli %scan3A_440, %mul3A_441 : i32
      %add3A_443 = vector.broadcast %mul3A_442 : i32 to vector<16xi32>
      %add3A_444 = arith.addi %add3A_443, %iota3A : vector<16xi32>
      %broadcast_in_dim3A = arith.constant 0.000000e+00 : f32
      %broadcast_in_dim3A_445 = vector.broadcast %broadcast_in_dim3A : f32 to vector<16xf32>
      %scan3A_446 = arith.constant 0 : i32
      %scan3A_447 = arith.constant 64 : i32
      %scan3A_448 = arith.addi %scan3A_446, %scan3A_447 : i32
      %scan3A_449 = arith.constant 16 : i32
      %scan3A_450:3 = scf.for %scan3A_456 = %scan3A_446 to %scan3A_448 step %scan3A_449 iter_args(%scan3A_457 = %broadcast_in_dim3A_445, %scan3A_458 = %broadcast_in_dim3A_445, %scan3A_459 = %iota3A) -> (vector<16xf32>, vector<16xf32>, vector<16xi32>)  : i32 {
        %gather3A = tpu.vector_load_idx %arg11[%add3A_444, %scan3A_459] : memref<64x64xf32, #tpu.memory_space<vmem>>[vector<16xi32>, vector<16xi32>], vector<16xf32>,
        %gather3A_460 = tpu.vector_load_idx %arg12[%add3A_444, %scan3A_459] : memref<64x64xf32, #tpu.memory_space<vmem>>[vector<16xi32>, vector<16xi32>], vector<16xf32>,
        %mul3A_461 = arith.mulf %gather3A, %gather3A_460 : vector<16xf32>
        %add3A_462 = arith.addf %scan3A_457, %mul3A_461 : vector<16xf32>
        %gather3A_463 = tpu.vector_load_idx %arg13[%add3A_444, %scan3A_459] : memref<64x64xf32, #tpu.memory_space<vmem>>[vector<16xi32>, vector<16xi32>], vector<16xf32>,
        %gather3A_464 = tpu.vector_load_idx %arg14[%add3A_444, %scan3A_459] : memref<64x64xf32, #tpu.memory_space<vmem>>[vector<16xi32>, vector<16xi32>], vector<16xf32>,
        %mul3A_465 = arith.mulf %gather3A_463, %gather3A_464 : vector<16xf32>
        %add3A_466 = arith.addf %scan3A_458, %mul3A_465 : vector<16xf32>
        %add3A_467 = arith.constant 1 : i32
        %add3A_468 = vector.broadcast %add3A_467 : i32 to vector<16xi32>
        %add3A_469 = arith.addi %scan3A_459, %add3A_468 : vector<16xi32>
        %eq3A = arith.constant 64 : i32
        %eq3A_470 = vector.broadcast %eq3A : i32 to vector<16xi32>
        %eq3A_471 = arith.cmpi eq, %add3A_469, %eq3A_470 : vector<16xi32>
        %jit3A = arith.constant 0 : i32
        %broadcast_in_dim3A_472 = vector.broadcast %jit3A : i32 to vector<16xi32>
        %select_n3A = arith.select %eq3A_471, %broadcast_in_dim3A_472, %add3A_469 : vector<16xi1>, vector<16xi32>
        %scan3A_473 = arith.constant 1 : i32
        %scan3A_474 = arith.addi %scan3A_456, %scan3A_473 : i32
        %gather3A_475 = tpu.vector_load_idx %arg11[%add3A_444, %select_n3A] : memref<64x64xf32, #tpu.memory_space<vmem>>[vector<16xi32>, vector<16xi32>], vector<16xf32>,
        %gather3A_476 = tpu.vector_load_idx %arg12[%add3A_444, %select_n3A] : memref<64x64xf32, #tpu.memory_space<vmem>>[vector<16xi32>, vector<16xi32>], vector<16xf32>,
        %mul3A_477 = arith.mulf %gather3A_475, %gather3A_476 : vector<16xf32>
        %add3A_478 = arith.addf %add3A_462, %mul3A_477 : vector<16xf32>
        %gather3A_479 = tpu.vector_load_idx %arg13[%add3A_444, %select_n3A] : memref<64x64xf32, #tpu.memory_space<vmem>>[vector<16xi32>, vector<16xi32>], vector<16xf32>,
        %gather3A_480 = tpu.vector_load_idx %arg14[%add3A_444, %select_n3A] : memref<64x64xf32, #tpu.memory_space<vmem>>[vector<16xi32>, vector<16xi32>], vector<16xf32>,
        %mul3A_481 = arith.mulf %gather3A_479, %gather3A_480 : vector<16xf32>
        %add3A_482 = arith.addf %add3A_466, %mul3A_481 : vector<16xf32>
        %add3A_483 = arith.constant 1 : i32
        %add3A_484 = vector.broadcast %add3A_483 : i32 to vector<16xi32>
        %add3A_485 = arith.addi %select_n3A, %add3A_484 : vector<16xi32>
        %eq3A_486 = arith.constant 64 : i32
        %eq3A_487 = vector.broadcast %eq3A_486 : i32 to vector<16xi32>
        %eq3A_488 = arith.cmpi eq, %add3A_485, %eq3A_487 : vector<16xi32>
        %jit3A_489 = arith.constant 0 : i32
        %broadcast_in_dim3A_490 = vector.broadcast %jit3A_489 : i32 to vector<16xi32>
        %select_n3A_491 = arith.select %eq3A_488, %broadcast_in_dim3A_490, %add3A_485 : vector<16xi1>, vector<16xi32>
        %scan3A_492 = arith.constant 2 : i32
        %scan3A_493 = arith.addi %scan3A_456, %scan3A_492 : i32
        %gather3A_494 = tpu.vector_load_idx %arg11[%add3A_444, %select_n3A_491] : memref<64x64xf32, #tpu.memory_space<vmem>>[vector<16xi32>, vector<16xi32>], vector<16xf32>,
        %gather3A_495 = tpu.vector_load_idx %arg12[%add3A_444, %select_n3A_491] : memref<64x64xf32, #tpu.memory_space<vmem>>[vector<16xi32>, vector<16xi32>], vector<16xf32>,
        %mul3A_496 = arith.mulf %gather3A_494, %gather3A_495 : vector<16xf32>
        %add3A_497 = arith.addf %add3A_478, %mul3A_496 : vector<16xf32>
        %gather3A_498 = tpu.vector_load_idx %arg13[%add3A_444, %select_n3A_491] : memref<64x64xf32, #tpu.memory_space<vmem>>[vector<16xi32>, vector<16xi32>], vector<16xf32>,
        %gather3A_499 = tpu.vector_load_idx %arg14[%add3A_444, %select_n3A_491] : memref<64x64xf32, #tpu.memory_space<vmem>>[vector<16xi32>, vector<16xi32>], vector<16xf32>,
        %mul3A_500 = arith.mulf %gather3A_498, %gather3A_499 : vector<16xf32>
        %add3A_501 = arith.addf %add3A_482, %mul3A_500 : vector<16xf32>
        %add3A_502 = arith.constant 1 : i32
        %add3A_503 = vector.broadcast %add3A_502 : i32 to vector<16xi32>
        %add3A_504 = arith.addi %select_n3A_491, %add3A_503 : vector<16xi32>
        %eq3A_505 = arith.constant 64 : i32
        %eq3A_506 = vector.broadcast %eq3A_505 : i32 to vector<16xi32>
        %eq3A_507 = arith.cmpi eq, %add3A_504, %eq3A_506 : vector<16xi32>
        %jit3A_508 = arith.constant 0 : i32
        %broadcast_in_dim3A_509 = vector.broadcast %jit3A_508 : i32 to vector<16xi32>
        %select_n3A_510 = arith.select %eq3A_507, %broadcast_in_dim3A_509, %add3A_504 : vector<16xi1>, vector<16xi32>
        %scan3A_511 = arith.constant 3 : i32
        %scan3A_512 = arith.addi %scan3A_456, %scan3A_511 : i32
        %gather3A_513 = tpu.vector_load_idx %arg11[%add3A_444, %select_n3A_510] : memref<64x64xf32, #tpu.memory_space<vmem>>[vector<16xi32>, vector<16xi32>], vector<16xf32>,
        %gather3A_514 = tpu.vector_load_idx %arg12[%add3A_444, %select_n3A_510] : memref<64x64xf32, #tpu.memory_space<vmem>>[vector<16xi32>, vector<16xi32>], vector<16xf32>,
        %mul3A_515 = arith.mulf %gather3A_513, %gather3A_514 : vector<16xf32>
        %add3A_516 = arith.addf %add3A_497, %mul3A_515 : vector<16xf32>
        %gather3A_517 = tpu.vector_load_idx %arg13[%add3A_444, %select_n3A_510] : memref<64x64xf32, #tpu.memory_space<vmem>>[vector<16xi32>, vector<16xi32>], vector<16xf32>,
        %gather3A_518 = tpu.vector_load_idx %arg14[%add3A_444, %select_n3A_510] : memref<64x64xf32, #tpu.memory_space<vmem>>[vector<16xi32>, vector<16xi32>], vector<16xf32>,
        %mul3A_519 = arith.mulf %gather3A_517, %gather3A_518 : vector<16xf32>
        %add3A_520 = arith.addf %add3A_501, %mul3A_519 : vector<16xf32>
        %add3A_521 = arith.constant 1 : i32
        %add3A_522 = vector.broadcast %add3A_521 : i32 to vector<16xi32>
        %add3A_523 = arith.addi %select_n3A_510, %add3A_522 : vector<16xi32>
        %eq3A_524 = arith.constant 64 : i32
        %eq3A_525 = vector.broadcast %eq3A_524 : i32 to vector<16xi32>
        %eq3A_526 = arith.cmpi eq, %add3A_523, %eq3A_525 : vector<16xi32>
        %jit3A_527 = arith.constant 0 : i32
        %broadcast_in_dim3A_528 = vector.broadcast %jit3A_527 : i32 to vector<16xi32>
        %select_n3A_529 = arith.select %eq3A_526, %broadcast_in_dim3A_528, %add3A_523 : vector<16xi1>, vector<16xi32>
        %scan3A_530 = arith.constant 4 : i32
        %scan3A_531 = arith.addi %scan3A_456, %scan3A_530 : i32
        %gather3A_532 = tpu.vector_load_idx %arg11[%add3A_444, %select_n3A_529] : memref<64x64xf32, #tpu.memory_space<vmem>>[vector<16xi32>, vector<16xi32>], vector<16xf32>,
        %gather3A_533 = tpu.vector_load_idx %arg12[%add3A_444, %select_n3A_529] : memref<64x64xf32, #tpu.memory_space<vmem>>[vector<16xi32>, vector<16xi32>], vector<16xf32>,
        %mul3A_534 = arith.mulf %gather3A_532, %gather3A_533 : vector<16xf32>
        %add3A_535 = arith.addf %add3A_516, %mul3A_534 : vector<16xf32>
        %gather3A_536 = tpu.vector_load_idx %arg13[%add3A_444, %select_n3A_529] : memref<64x64xf32, #tpu.memory_space<vmem>>[vector<16xi32>, vector<16xi32>], vector<16xf32>,
        %gather3A_537 = tpu.vector_load_idx %arg14[%add3A_444, %select_n3A_529] : memref<64x64xf32, #tpu.memory_space<vmem>>[vector<16xi32>, vector<16xi32>], vector<16xf32>,
        %mul3A_538 = arith.mulf %gather3A_536, %gather3A_537 : vector<16xf32>
        %add3A_539 = arith.addf %add3A_520, %mul3A_538 : vector<16xf32>
        %add3A_540 = arith.constant 1 : i32
        %add3A_541 = vector.broadcast %add3A_540 : i32 to vector<16xi32>
        %add3A_542 = arith.addi %select_n3A_529, %add3A_541 : vector<16xi32>
        %eq3A_543 = arith.constant 64 : i32
        %eq3A_544 = vector.broadcast %eq3A_543 : i32 to vector<16xi32>
        %eq3A_545 = arith.cmpi eq, %add3A_542, %eq3A_544 : vector<16xi32>
        %jit3A_546 = arith.constant 0 : i32
        %broadcast_in_dim3A_547 = vector.broadcast %jit3A_546 : i32 to vector<16xi32>
        %select_n3A_548 = arith.select %eq3A_545, %broadcast_in_dim3A_547, %add3A_542 : vector<16xi1>, vector<16xi32>
        %scan3A_549 = arith.constant 5 : i32
        %scan3A_550 = arith.addi %scan3A_456, %scan3A_549 : i32
        %gather3A_551 = tpu.vector_load_idx %arg11[%add3A_444, %select_n3A_548] : memref<64x64xf32, #tpu.memory_space<vmem>>[vector<16xi32>, vector<16xi32>], vector<16xf32>,
        %gather3A_552 = tpu.vector_load_idx %arg12[%add3A_444, %select_n3A_548] : memref<64x64xf32, #tpu.memory_space<vmem>>[vector<16xi32>, vector<16xi32>], vector<16xf32>,
        %mul3A_553 = arith.mulf %gather3A_551, %gather3A_552 : vector<16xf32>
        %add3A_554 = arith.addf %add3A_535, %mul3A_553 : vector<16xf32>
        %gather3A_555 = tpu.vector_load_idx %arg13[%add3A_444, %select_n3A_548] : memref<64x64xf32, #tpu.memory_space<vmem>>[vector<16xi32>, vector<16xi32>], vector<16xf32>,
        %gather3A_556 = tpu.vector_load_idx %arg14[%add3A_444, %select_n3A_548] : memref<64x64xf32, #tpu.memory_space<vmem>>[vector<16xi32>, vector<16xi32>], vector<16xf32>,
        %mul3A_557 = arith.mulf %gather3A_555, %gather3A_556 : vector<16xf32>
        %add3A_558 = arith.addf %add3A_539, %mul3A_557 : vector<16xf32>
        %add3A_559 = arith.constant 1 : i32
        %add3A_560 = vector.broadcast %add3A_559 : i32 to vector<16xi32>
        %add3A_561 = arith.addi %select_n3A_548, %add3A_560 : vector<16xi32>
        %eq3A_562 = arith.constant 64 : i32
        %eq3A_563 = vector.broadcast %eq3A_562 : i32 to vector<16xi32>
        %eq3A_564 = arith.cmpi eq, %add3A_561, %eq3A_563 : vector<16xi32>
        %jit3A_565 = arith.constant 0 : i32
        %broadcast_in_dim3A_566 = vector.broadcast %jit3A_565 : i32 to vector<16xi32>
        %select_n3A_567 = arith.select %eq3A_564, %broadcast_in_dim3A_566, %add3A_561 : vector<16xi1>, vector<16xi32>
        %scan3A_568 = arith.constant 6 : i32
        %scan3A_569 = arith.addi %scan3A_456, %scan3A_568 : i32
        %gather3A_570 = tpu.vector_load_idx %arg11[%add3A_444, %select_n3A_567] : memref<64x64xf32, #tpu.memory_space<vmem>>[vector<16xi32>, vector<16xi32>], vector<16xf32>,
        %gather3A_571 = tpu.vector_load_idx %arg12[%add3A_444, %select_n3A_567] : memref<64x64xf32, #tpu.memory_space<vmem>>[vector<16xi32>, vector<16xi32>], vector<16xf32>,
        %mul3A_572 = arith.mulf %gather3A_570, %gather3A_571 : vector<16xf32>
        %add3A_573 = arith.addf %add3A_554, %mul3A_572 : vector<16xf32>
        %gather3A_574 = tpu.vector_load_idx %arg13[%add3A_444, %select_n3A_567] : memref<64x64xf32, #tpu.memory_space<vmem>>[vector<16xi32>, vector<16xi32>], vector<16xf32>,
        %gather3A_575 = tpu.vector_load_idx %arg14[%add3A_444, %select_n3A_567] : memref<64x64xf32, #tpu.memory_space<vmem>>[vector<16xi32>, vector<16xi32>], vector<16xf32>,
        %mul3A_576 = arith.mulf %gather3A_574, %gather3A_575 : vector<16xf32>
        %add3A_577 = arith.addf %add3A_558, %mul3A_576 : vector<16xf32>
        %add3A_578 = arith.constant 1 : i32
        %add3A_579 = vector.broadcast %add3A_578 : i32 to vector<16xi32>
        %add3A_580 = arith.addi %select_n3A_567, %add3A_579 : vector<16xi32>
        %eq3A_581 = arith.constant 64 : i32
        %eq3A_582 = vector.broadcast %eq3A_581 : i32 to vector<16xi32>
        %eq3A_583 = arith.cmpi eq, %add3A_580, %eq3A_582 : vector<16xi32>
        %jit3A_584 = arith.constant 0 : i32
        %broadcast_in_dim3A_585 = vector.broadcast %jit3A_584 : i32 to vector<16xi32>
        %select_n3A_586 = arith.select %eq3A_583, %broadcast_in_dim3A_585, %add3A_580 : vector<16xi1>, vector<16xi32>
        %scan3A_587 = arith.constant 7 : i32
        %scan3A_588 = arith.addi %scan3A_456, %scan3A_587 : i32
        %gather3A_589 = tpu.vector_load_idx %arg11[%add3A_444, %select_n3A_586] : memref<64x64xf32, #tpu.memory_space<vmem>>[vector<16xi32>, vector<16xi32>], vector<16xf32>,
        %gather3A_590 = tpu.vector_load_idx %arg12[%add3A_444, %select_n3A_586] : memref<64x64xf32, #tpu.memory_space<vmem>>[vector<16xi32>, vector<16xi32>], vector<16xf32>,
        %mul3A_591 = arith.mulf %gather3A_589, %gather3A_590 : vector<16xf32>
        %add3A_592 = arith.addf %add3A_573, %mul3A_591 : vector<16xf32>
        %gather3A_593 = tpu.vector_load_idx %arg13[%add3A_444, %select_n3A_586] : memref<64x64xf32, #tpu.memory_space<vmem>>[vector<16xi32>, vector<16xi32>], vector<16xf32>,
        %gather3A_594 = tpu.vector_load_idx %arg14[%add3A_444, %select_n3A_586] : memref<64x64xf32, #tpu.memory_space<vmem>>[vector<16xi32>, vector<16xi32>], vector<16xf32>,
        %mul3A_595 = arith.mulf %gather3A_593, %gather3A_594 : vector<16xf32>
        %add3A_596 = arith.addf %add3A_577, %mul3A_595 : vector<16xf32>
        %add3A_597 = arith.constant 1 : i32
        %add3A_598 = vector.broadcast %add3A_597 : i32 to vector<16xi32>
        %add3A_599 = arith.addi %select_n3A_586, %add3A_598 : vector<16xi32>
        %eq3A_600 = arith.constant 64 : i32
        %eq3A_601 = vector.broadcast %eq3A_600 : i32 to vector<16xi32>
        %eq3A_602 = arith.cmpi eq, %add3A_599, %eq3A_601 : vector<16xi32>
        %jit3A_603 = arith.constant 0 : i32
        %broadcast_in_dim3A_604 = vector.broadcast %jit3A_603 : i32 to vector<16xi32>
        %select_n3A_605 = arith.select %eq3A_602, %broadcast_in_dim3A_604, %add3A_599 : vector<16xi1>, vector<16xi32>
        %scan3A_606 = arith.constant 8 : i32
        %scan3A_607 = arith.addi %scan3A_456, %scan3A_606 : i32
        %gather3A_608 = tpu.vector_load_idx %arg11[%add3A_444, %select_n3A_605] : memref<64x64xf32, #tpu.memory_space<vmem>>[vector<16xi32>, vector<16xi32>], vector<16xf32>,
        %gather3A_609 = tpu.vector_load_idx %arg12[%add3A_444, %select_n3A_605] : memref<64x64xf32, #tpu.memory_space<vmem>>[vector<16xi32>, vector<16xi32>], vector<16xf32>,
        %mul3A_610 = arith.mulf %gather3A_608, %gather3A_609 : vector<16xf32>
        %add3A_611 = arith.addf %add3A_592, %mul3A_610 : vector<16xf32>
        %gather3A_612 = tpu.vector_load_idx %arg13[%add3A_444, %select_n3A_605] : memref<64x64xf32, #tpu.memory_space<vmem>>[vector<16xi32>, vector<16xi32>], vector<16xf32>,
        %gather3A_613 = tpu.vector_load_idx %arg14[%add3A_444, %select_n3A_605] : memref<64x64xf32, #tpu.memory_space<vmem>>[vector<16xi32>, vector<16xi32>], vector<16xf32>,
        %mul3A_614 = arith.mulf %gather3A_612, %gather3A_613 : vector<16xf32>
        %add3A_615 = arith.addf %add3A_596, %mul3A_614 : vector<16xf32>
        %add3A_616 = arith.constant 1 : i32
        %add3A_617 = vector.broadcast %add3A_616 : i32 to vector<16xi32>
        %add3A_618 = arith.addi %select_n3A_605, %add3A_617 : vector<16xi32>
        %eq3A_619 = arith.constant 64 : i32
        %eq3A_620 = vector.broadcast %eq3A_619 : i32 to vector<16xi32>
        %eq3A_621 = arith.cmpi eq, %add3A_618, %eq3A_620 : vector<16xi32>
        %jit3A_622 = arith.constant 0 : i32
        %broadcast_in_dim3A_623 = vector.broadcast %jit3A_622 : i32 to vector<16xi32>
        %select_n3A_624 = arith.select %eq3A_621, %broadcast_in_dim3A_623, %add3A_618 : vector<16xi1>, vector<16xi32>
        %scan3A_625 = arith.constant 9 : i32
        %scan3A_626 = arith.addi %scan3A_456, %scan3A_625 : i32
        %gather3A_627 = tpu.vector_load_idx %arg11[%add3A_444, %select_n3A_624] : memref<64x64xf32, #tpu.memory_space<vmem>>[vector<16xi32>, vector<16xi32>], vector<16xf32>,
        %gather3A_628 = tpu.vector_load_idx %arg12[%add3A_444, %select_n3A_624] : memref<64x64xf32, #tpu.memory_space<vmem>>[vector<16xi32>, vector<16xi32>], vector<16xf32>,
        %mul3A_629 = arith.mulf %gather3A_627, %gather3A_628 : vector<16xf32>
        %add3A_630 = arith.addf %add3A_611, %mul3A_629 : vector<16xf32>
        %gather3A_631 = tpu.vector_load_idx %arg13[%add3A_444, %select_n3A_624] : memref<64x64xf32, #tpu.memory_space<vmem>>[vector<16xi32>, vector<16xi32>], vector<16xf32>,
        %gather3A_632 = tpu.vector_load_idx %arg14[%add3A_444, %select_n3A_624] : memref<64x64xf32, #tpu.memory_space<vmem>>[vector<16xi32>, vector<16xi32>], vector<16xf32>,
        %mul3A_633 = arith.mulf %gather3A_631, %gather3A_632 : vector<16xf32>
        %add3A_634 = arith.addf %add3A_615, %mul3A_633 : vector<16xf32>
        %add3A_635 = arith.constant 1 : i32
        %add3A_636 = vector.broadcast %add3A_635 : i32 to vector<16xi32>
        %add3A_637 = arith.addi %select_n3A_624, %add3A_636 : vector<16xi32>
        %eq3A_638 = arith.constant 64 : i32
        %eq3A_639 = vector.broadcast %eq3A_638 : i32 to vector<16xi32>
        %eq3A_640 = arith.cmpi eq, %add3A_637, %eq3A_639 : vector<16xi32>
        %jit3A_641 = arith.constant 0 : i32
        %broadcast_in_dim3A_642 = vector.broadcast %jit3A_641 : i32 to vector<16xi32>
        %select_n3A_643 = arith.select %eq3A_640, %broadcast_in_dim3A_642, %add3A_637 : vector<16xi1>, vector<16xi32>
        %scan3A_644 = arith.constant 10 : i32
        %scan3A_645 = arith.addi %scan3A_456, %scan3A_644 : i32
        %gather3A_646 = tpu.vector_load_idx %arg11[%add3A_444, %select_n3A_643] : memref<64x64xf32, #tpu.memory_space<vmem>>[vector<16xi32>, vector<16xi32>], vector<16xf32>,
        %gather3A_647 = tpu.vector_load_idx %arg12[%add3A_444, %select_n3A_643] : memref<64x64xf32, #tpu.memory_space<vmem>>[vector<16xi32>, vector<16xi32>], vector<16xf32>,
        %mul3A_648 = arith.mulf %gather3A_646, %gather3A_647 : vector<16xf32>
        %add3A_649 = arith.addf %add3A_630, %mul3A_648 : vector<16xf32>
        %gather3A_650 = tpu.vector_load_idx %arg13[%add3A_444, %select_n3A_643] : memref<64x64xf32, #tpu.memory_space<vmem>>[vector<16xi32>, vector<16xi32>], vector<16xf32>,
        %gather3A_651 = tpu.vector_load_idx %arg14[%add3A_444, %select_n3A_643] : memref<64x64xf32, #tpu.memory_space<vmem>>[vector<16xi32>, vector<16xi32>], vector<16xf32>,
        %mul3A_652 = arith.mulf %gather3A_650, %gather3A_651 : vector<16xf32>
        %add3A_653 = arith.addf %add3A_634, %mul3A_652 : vector<16xf32>
        %add3A_654 = arith.constant 1 : i32
        %add3A_655 = vector.broadcast %add3A_654 : i32 to vector<16xi32>
        %add3A_656 = arith.addi %select_n3A_643, %add3A_655 : vector<16xi32>
        %eq3A_657 = arith.constant 64 : i32
        %eq3A_658 = vector.broadcast %eq3A_657 : i32 to vector<16xi32>
        %eq3A_659 = arith.cmpi eq, %add3A_656, %eq3A_658 : vector<16xi32>
        %jit3A_660 = arith.constant 0 : i32
        %broadcast_in_dim3A_661 = vector.broadcast %jit3A_660 : i32 to vector<16xi32>
        %select_n3A_662 = arith.select %eq3A_659, %broadcast_in_dim3A_661, %add3A_656 : vector<16xi1>, vector<16xi32>
        %scan3A_663 = arith.constant 11 : i32
        %scan3A_664 = arith.addi %scan3A_456, %scan3A_663 : i32
        %gather3A_665 = tpu.vector_load_idx %arg11[%add3A_444, %select_n3A_662] : memref<64x64xf32, #tpu.memory_space<vmem>>[vector<16xi32>, vector<16xi32>], vector<16xf32>,
        %gather3A_666 = tpu.vector_load_idx %arg12[%add3A_444, %select_n3A_662] : memref<64x64xf32, #tpu.memory_space<vmem>>[vector<16xi32>, vector<16xi32>], vector<16xf32>,
        %mul3A_667 = arith.mulf %gather3A_665, %gather3A_666 : vector<16xf32>
        %add3A_668 = arith.addf %add3A_649, %mul3A_667 : vector<16xf32>
        %gather3A_669 = tpu.vector_load_idx %arg13[%add3A_444, %select_n3A_662] : memref<64x64xf32, #tpu.memory_space<vmem>>[vector<16xi32>, vector<16xi32>], vector<16xf32>,
        %gather3A_670 = tpu.vector_load_idx %arg14[%add3A_444, %select_n3A_662] : memref<64x64xf32, #tpu.memory_space<vmem>>[vector<16xi32>, vector<16xi32>], vector<16xf32>,
        %mul3A_671 = arith.mulf %gather3A_669, %gather3A_670 : vector<16xf32>
        %add3A_672 = arith.addf %add3A_653, %mul3A_671 : vector<16xf32>
        %add3A_673 = arith.constant 1 : i32
        %add3A_674 = vector.broadcast %add3A_673 : i32 to vector<16xi32>
        %add3A_675 = arith.addi %select_n3A_662, %add3A_674 : vector<16xi32>
        %eq3A_676 = arith.constant 64 : i32
        %eq3A_677 = vector.broadcast %eq3A_676 : i32 to vector<16xi32>
        %eq3A_678 = arith.cmpi eq, %add3A_675, %eq3A_677 : vector<16xi32>
        %jit3A_679 = arith.constant 0 : i32
        %broadcast_in_dim3A_680 = vector.broadcast %jit3A_679 : i32 to vector<16xi32>
        %select_n3A_681 = arith.select %eq3A_678, %broadcast_in_dim3A_680, %add3A_675 : vector<16xi1>, vector<16xi32>
        %scan3A_682 = arith.constant 12 : i32
        %scan3A_683 = arith.addi %scan3A_456, %scan3A_682 : i32
        %gather3A_684 = tpu.vector_load_idx %arg11[%add3A_444, %select_n3A_681] : memref<64x64xf32, #tpu.memory_space<vmem>>[vector<16xi32>, vector<16xi32>], vector<16xf32>,
        %gather3A_685 = tpu.vector_load_idx %arg12[%add3A_444, %select_n3A_681] : memref<64x64xf32, #tpu.memory_space<vmem>>[vector<16xi32>, vector<16xi32>], vector<16xf32>,
        %mul3A_686 = arith.mulf %gather3A_684, %gather3A_685 : vector<16xf32>
        %add3A_687 = arith.addf %add3A_668, %mul3A_686 : vector<16xf32>
        %gather3A_688 = tpu.vector_load_idx %arg13[%add3A_444, %select_n3A_681] : memref<64x64xf32, #tpu.memory_space<vmem>>[vector<16xi32>, vector<16xi32>], vector<16xf32>,
        %gather3A_689 = tpu.vector_load_idx %arg14[%add3A_444, %select_n3A_681] : memref<64x64xf32, #tpu.memory_space<vmem>>[vector<16xi32>, vector<16xi32>], vector<16xf32>,
        %mul3A_690 = arith.mulf %gather3A_688, %gather3A_689 : vector<16xf32>
        %add3A_691 = arith.addf %add3A_672, %mul3A_690 : vector<16xf32>
        %add3A_692 = arith.constant 1 : i32
        %add3A_693 = vector.broadcast %add3A_692 : i32 to vector<16xi32>
        %add3A_694 = arith.addi %select_n3A_681, %add3A_693 : vector<16xi32>
        %eq3A_695 = arith.constant 64 : i32
        %eq3A_696 = vector.broadcast %eq3A_695 : i32 to vector<16xi32>
        %eq3A_697 = arith.cmpi eq, %add3A_694, %eq3A_696 : vector<16xi32>
        %jit3A_698 = arith.constant 0 : i32
        %broadcast_in_dim3A_699 = vector.broadcast %jit3A_698 : i32 to vector<16xi32>
        %select_n3A_700 = arith.select %eq3A_697, %broadcast_in_dim3A_699, %add3A_694 : vector<16xi1>, vector<16xi32>
        %scan3A_701 = arith.constant 13 : i32
        %scan3A_702 = arith.addi %scan3A_456, %scan3A_701 : i32
        %gather3A_703 = tpu.vector_load_idx %arg11[%add3A_444, %select_n3A_700] : memref<64x64xf32, #tpu.memory_space<vmem>>[vector<16xi32>, vector<16xi32>], vector<16xf32>,
        %gather3A_704 = tpu.vector_load_idx %arg12[%add3A_444, %select_n3A_700] : memref<64x64xf32, #tpu.memory_space<vmem>>[vector<16xi32>, vector<16xi32>], vector<16xf32>,
        %mul3A_705 = arith.mulf %gather3A_703, %gather3A_704 : vector<16xf32>
        %add3A_706 = arith.addf %add3A_687, %mul3A_705 : vector<16xf32>
        %gather3A_707 = tpu.vector_load_idx %arg13[%add3A_444, %select_n3A_700] : memref<64x64xf32, #tpu.memory_space<vmem>>[vector<16xi32>, vector<16xi32>], vector<16xf32>,
        %gather3A_708 = tpu.vector_load_idx %arg14[%add3A_444, %select_n3A_700] : memref<64x64xf32, #tpu.memory_space<vmem>>[vector<16xi32>, vector<16xi32>], vector<16xf32>,
        %mul3A_709 = arith.mulf %gather3A_707, %gather3A_708 : vector<16xf32>
        %add3A_710 = arith.addf %add3A_691, %mul3A_709 : vector<16xf32>
        %add3A_711 = arith.constant 1 : i32
        %add3A_712 = vector.broadcast %add3A_711 : i32 to vector<16xi32>
        %add3A_713 = arith.addi %select_n3A_700, %add3A_712 : vector<16xi32>
        %eq3A_714 = arith.constant 64 : i32
        %eq3A_715 = vector.broadcast %eq3A_714 : i32 to vector<16xi32>
        %eq3A_716 = arith.cmpi eq, %add3A_713, %eq3A_715 : vector<16xi32>
        %jit3A_717 = arith.constant 0 : i32
        %broadcast_in_dim3A_718 = vector.broadcast %jit3A_717 : i32 to vector<16xi32>
        %select_n3A_719 = arith.select %eq3A_716, %broadcast_in_dim3A_718, %add3A_713 : vector<16xi1>, vector<16xi32>
        %scan3A_720 = arith.constant 14 : i32
        %scan3A_721 = arith.addi %scan3A_456, %scan3A_720 : i32
        %gather3A_722 = tpu.vector_load_idx %arg11[%add3A_444, %select_n3A_719] : memref<64x64xf32, #tpu.memory_space<vmem>>[vector<16xi32>, vector<16xi32>], vector<16xf32>,
        %gather3A_723 = tpu.vector_load_idx %arg12[%add3A_444, %select_n3A_719] : memref<64x64xf32, #tpu.memory_space<vmem>>[vector<16xi32>, vector<16xi32>], vector<16xf32>,
        %mul3A_724 = arith.mulf %gather3A_722, %gather3A_723 : vector<16xf32>
        %add3A_725 = arith.addf %add3A_706, %mul3A_724 : vector<16xf32>
        %gather3A_726 = tpu.vector_load_idx %arg13[%add3A_444, %select_n3A_719] : memref<64x64xf32, #tpu.memory_space<vmem>>[vector<16xi32>, vector<16xi32>], vector<16xf32>,
        %gather3A_727 = tpu.vector_load_idx %arg14[%add3A_444, %select_n3A_719] : memref<64x64xf32, #tpu.memory_space<vmem>>[vector<16xi32>, vector<16xi32>], vector<16xf32>,
        %mul3A_728 = arith.mulf %gather3A_726, %gather3A_727 : vector<16xf32>
        %add3A_729 = arith.addf %add3A_710, %mul3A_728 : vector<16xf32>
        %add3A_730 = arith.constant 1 : i32
        %add3A_731 = vector.broadcast %add3A_730 : i32 to vector<16xi32>
        %add3A_732 = arith.addi %select_n3A_719, %add3A_731 : vector<16xi32>
        %eq3A_733 = arith.constant 64 : i32
        %eq3A_734 = vector.broadcast %eq3A_733 : i32 to vector<16xi32>
        %eq3A_735 = arith.cmpi eq, %add3A_732, %eq3A_734 : vector<16xi32>
        %jit3A_736 = arith.constant 0 : i32
        %broadcast_in_dim3A_737 = vector.broadcast %jit3A_736 : i32 to vector<16xi32>
        %select_n3A_738 = arith.select %eq3A_735, %broadcast_in_dim3A_737, %add3A_732 : vector<16xi1>, vector<16xi32>
        %scan3A_739 = arith.constant 15 : i32
        %scan3A_740 = arith.addi %scan3A_456, %scan3A_739 : i32
        %gather3A_741 = tpu.vector_load_idx %arg11[%add3A_444, %select_n3A_738] : memref<64x64xf32, #tpu.memory_space<vmem>>[vector<16xi32>, vector<16xi32>], vector<16xf32>,
        %gather3A_742 = tpu.vector_load_idx %arg12[%add3A_444, %select_n3A_738] : memref<64x64xf32, #tpu.memory_space<vmem>>[vector<16xi32>, vector<16xi32>], vector<16xf32>,
        %mul3A_743 = arith.mulf %gather3A_741, %gather3A_742 : vector<16xf32>
        %add3A_744 = arith.addf %add3A_725, %mul3A_743 : vector<16xf32>
        %gather3A_745 = tpu.vector_load_idx %arg13[%add3A_444, %select_n3A_738] : memref<64x64xf32, #tpu.memory_space<vmem>>[vector<16xi32>, vector<16xi32>], vector<16xf32>,
        %gather3A_746 = tpu.vector_load_idx %arg14[%add3A_444, %select_n3A_738] : memref<64x64xf32, #tpu.memory_space<vmem>>[vector<16xi32>, vector<16xi32>], vector<16xf32>,
        %mul3A_747 = arith.mulf %gather3A_745, %gather3A_746 : vector<16xf32>
        %add3A_748 = arith.addf %add3A_729, %mul3A_747 : vector<16xf32>
        %add3A_749 = arith.constant 1 : i32
        %add3A_750 = vector.broadcast %add3A_749 : i32 to vector<16xi32>
        %add3A_751 = arith.addi %select_n3A_738, %add3A_750 : vector<16xi32>
        %eq3A_752 = arith.constant 64 : i32
        %eq3A_753 = vector.broadcast %eq3A_752 : i32 to vector<16xi32>
        %eq3A_754 = arith.cmpi eq, %add3A_751, %eq3A_753 : vector<16xi32>
        %jit3A_755 = arith.constant 0 : i32
        %broadcast_in_dim3A_756 = vector.broadcast %jit3A_755 : i32 to vector<16xi32>
        %select_n3A_757 = arith.select %eq3A_754, %broadcast_in_dim3A_756, %add3A_751 : vector<16xi1>, vector<16xi32>
        scf.yield %add3A_744, %add3A_748, %select_n3A_757 : vector<16xf32>, vector<16xf32>, vector<16xi32>
      }
      %scan3A_451 = arith.constant 64 : i32
      %add3A_452 = arith.addf %scan3A_450#0, %scan3A_450#1 : vector<16xf32>
      %mul3A_453 = arith.constant 16 : i32
      %mul3A_454 = arith.muli %scan3A_440, %mul3A_453 : i32
      %swap3A = arith.index_cast %mul3A_454 : i32 to index
      %swap3A_455 = tpu.vector_load %arg16[%swap3A] {strides = array<i32>} : memref<64xf32, #tpu.memory_space<vmem>>, vector<16xf32>,
      tpu.vector_store %arg16[%swap3A], %add3A_452 {strides = array<i32>} : memref<64xf32, #tpu.memory_space<vmem>>, vector<16xf32>,
    }
    %scan3A_221 = arith.constant 4 : i32
    %add3A_222 = arith.constant 192 : i32
    %add3A_223 = arith.addi %mul3A_2, %add3A_222 : i32
    %dma_wait3A_224 = arith.constant 0 : i32
    %dma_wait3A_225 = tpu.memref_slice %arg6[%dma_wait3A_224] : memref<16384xf32, #tpu.memory_space<hbm>> -> memref<64xf32, #tpu.memory_space<hbm>>
    %dma_wait3A_226 = arith.constant 0 : i32
    %dma_wait3A_227 = tpu.memref_slice %arg6[%dma_wait3A_226] : memref<16384xf32, #tpu.memory_space<hbm>> -> memref<64xf32, #tpu.memory_space<hbm>>
    tpu.wait_dma2 semaphore(%arg18 : memref<!tpu.dma_semaphore, #tpu.memory_space<semaphore_mem>>) src(%arg15 : memref<64xf32, #tpu.memory_space<vmem>>) dst(%dma_wait3A_227 : memref<64xf32, #tpu.memory_space<hbm>>)
    %dma_start3A_228 = tpu.memref_slice %arg6[%add3A_223] : memref<16384xf32, #tpu.memory_space<hbm>> -> memref<64xf32, #tpu.memory_space<hbm>>
    %dma_start3A_229 = tpu.memref_slice %arg6[%add3A_223] : memref<16384xf32, #tpu.memory_space<hbm>> -> memref<64xf32, #tpu.memory_space<hbm>>
    tpu.enqueue_dma source(%arg16 : memref<64xf32, #tpu.memory_space<vmem>>) target(%dma_start3A_229 : memref<64xf32, #tpu.memory_space<hbm>>) target_semaphore(%arg18 : memref<!tpu.dma_semaphore, #tpu.memory_space<semaphore_mem>>)
    %dma_wait3A_230 = arith.constant 0 : i32
    %dma_wait3A_231 = arith.constant 0 : i32
    %dma_wait3A_232 = tpu.memref_slice %arg2[%dma_wait3A_230, %dma_wait3A_231] : memref<16384x64xf32, #tpu.memory_space<hbm>> -> memref<64x64xf32, #tpu.memory_space<hbm>>
    %dma_wait3A_233 = arith.constant 0 : i32
    %dma_wait3A_234 = arith.constant 0 : i32
    %dma_wait3A_235 = tpu.memref_slice %arg2[%dma_wait3A_233, %dma_wait3A_234] : memref<16384x64xf32, #tpu.memory_space<hbm>> -> memref<64x64xf32, #tpu.memory_space<hbm>>
    tpu.wait_dma2 semaphore(%arg17 : memref<!tpu.dma_semaphore, #tpu.memory_space<semaphore_mem>>) src(%dma_wait3A_235 : memref<64x64xf32, #tpu.memory_space<hbm>>) dst(%arg7 : memref<64x64xf32, #tpu.memory_space<vmem>>)
    %dma_wait3A_236 = arith.constant 0 : i32
    %dma_wait3A_237 = arith.constant 0 : i32
    %dma_wait3A_238 = tpu.memref_slice %arg3[%dma_wait3A_236, %dma_wait3A_237] : memref<16384x64xf32, #tpu.memory_space<hbm>> -> memref<64x64xf32, #tpu.memory_space<hbm>>
    %dma_wait3A_239 = arith.constant 0 : i32
    %dma_wait3A_240 = arith.constant 0 : i32
    %dma_wait3A_241 = tpu.memref_slice %arg3[%dma_wait3A_239, %dma_wait3A_240] : memref<16384x64xf32, #tpu.memory_space<hbm>> -> memref<64x64xf32, #tpu.memory_space<hbm>>
    tpu.wait_dma2 semaphore(%arg17 : memref<!tpu.dma_semaphore, #tpu.memory_space<semaphore_mem>>) src(%dma_wait3A_241 : memref<64x64xf32, #tpu.memory_space<hbm>>) dst(%arg8 : memref<64x64xf32, #tpu.memory_space<vmem>>)
    %dma_wait3A_242 = arith.constant 0 : i32
    %dma_wait3A_243 = arith.constant 0 : i32
    %dma_wait3A_244 = tpu.memref_slice %arg4[%dma_wait3A_242, %dma_wait3A_243] : memref<16384x64xf32, #tpu.memory_space<hbm>> -> memref<64x64xf32, #tpu.memory_space<hbm>>
    %dma_wait3A_245 = arith.constant 0 : i32
    %dma_wait3A_246 = arith.constant 0 : i32
    %dma_wait3A_247 = tpu.memref_slice %arg4[%dma_wait3A_245, %dma_wait3A_246] : memref<16384x64xf32, #tpu.memory_space<hbm>> -> memref<64x64xf32, #tpu.memory_space<hbm>>
    tpu.wait_dma2 semaphore(%arg17 : memref<!tpu.dma_semaphore, #tpu.memory_space<semaphore_mem>>) src(%dma_wait3A_247 : memref<64x64xf32, #tpu.memory_space<hbm>>) dst(%arg9 : memref<64x64xf32, #tpu.memory_space<vmem>>)
    %dma_wait3A_248 = arith.constant 0 : i32
    %dma_wait3A_249 = arith.constant 0 : i32
    %dma_wait3A_250 = tpu.memref_slice %arg5[%dma_wait3A_248, %dma_wait3A_249] : memref<16384x64xf32, #tpu.memory_space<hbm>> -> memref<64x64xf32, #tpu.memory_space<hbm>>
    %dma_wait3A_251 = arith.constant 0 : i32
    %dma_wait3A_252 = arith.constant 0 : i32
    %dma_wait3A_253 = tpu.memref_slice %arg5[%dma_wait3A_251, %dma_wait3A_252] : memref<16384x64xf32, #tpu.memory_space<hbm>> -> memref<64x64xf32, #tpu.memory_space<hbm>>
    tpu.wait_dma2 semaphore(%arg17 : memref<!tpu.dma_semaphore, #tpu.memory_space<semaphore_mem>>) src(%dma_wait3A_253 : memref<64x64xf32, #tpu.memory_space<hbm>>) dst(%arg10 : memref<64x64xf32, #tpu.memory_space<vmem>>)
    %add3A_254 = arith.constant 320 : i32
    %add3A_255 = arith.addi %mul3A_2, %add3A_254 : i32
    %dma_start3A_256 = arith.constant 0 : i32
    %dma_start3A_257 = tpu.memref_slice %arg2[%add3A_255, %dma_start3A_256] : memref<16384x64xf32, #tpu.memory_space<hbm>> -> memref<64x64xf32, #tpu.memory_space<hbm>>
    %dma_start3A_258 = arith.constant 0 : i32
    %dma_start3A_259 = tpu.memref_slice %arg2[%add3A_255, %dma_start3A_258] : memref<16384x64xf32, #tpu.memory_space<hbm>> -> memref<64x64xf32, #tpu.memory_space<hbm>>
    tpu.enqueue_dma source(%dma_start3A_259 : memref<64x64xf32, #tpu.memory_space<hbm>>) target(%arg11 : memref<64x64xf32, #tpu.memory_space<vmem>>) target_semaphore(%arg17 : memref<!tpu.dma_semaphore, #tpu.memory_space<semaphore_mem>>)
    %dma_start3A_260 = arith.constant 0 : i32
    %dma_start3A_261 = tpu.memref_slice %arg3[%add3A_255, %dma_start3A_260] : memref<16384x64xf32, #tpu.memory_space<hbm>> -> memref<64x64xf32, #tpu.memory_space<hbm>>
    %dma_start3A_262 = arith.constant 0 : i32
    %dma_start3A_263 = tpu.memref_slice %arg3[%add3A_255, %dma_start3A_262] : memref<16384x64xf32, #tpu.memory_space<hbm>> -> memref<64x64xf32, #tpu.memory_space<hbm>>
    tpu.enqueue_dma source(%dma_start3A_263 : memref<64x64xf32, #tpu.memory_space<hbm>>) target(%arg12 : memref<64x64xf32, #tpu.memory_space<vmem>>) target_semaphore(%arg17 : memref<!tpu.dma_semaphore, #tpu.memory_space<semaphore_mem>>)
    %dma_start3A_264 = arith.constant 0 : i32
    %dma_start3A_265 = tpu.memref_slice %arg4[%add3A_255, %dma_start3A_264] : memref<16384x64xf32, #tpu.memory_space<hbm>> -> memref<64x64xf32, #tpu.memory_space<hbm>>
    %dma_start3A_266 = arith.constant 0 : i32
    %dma_start3A_267 = tpu.memref_slice %arg4[%add3A_255, %dma_start3A_266] : memref<16384x64xf32, #tpu.memory_space<hbm>> -> memref<64x64xf32, #tpu.memory_space<hbm>>
    tpu.enqueue_dma source(%dma_start3A_267 : memref<64x64xf32, #tpu.memory_space<hbm>>) target(%arg13 : memref<64x64xf32, #tpu.memory_space<vmem>>) target_semaphore(%arg17 : memref<!tpu.dma_semaphore, #tpu.memory_space<semaphore_mem>>)
    %dma_start3A_268 = arith.constant 0 : i32
    %dma_start3A_269 = tpu.memref_slice %arg5[%add3A_255, %dma_start3A_268] : memref<16384x64xf32, #tpu.memory_space<hbm>> -> memref<64x64xf32, #tpu.memory_space<hbm>>
    %dma_start3A_270 = arith.constant 0 : i32
    %dma_start3A_271 = tpu.memref_slice %arg5[%add3A_255, %dma_start3A_270] : memref<16384x64xf32, #tpu.memory_space<hbm>> -> memref<64x64xf32, #tpu.memory_space<hbm>>
    tpu.enqueue_dma source(%dma_start3A_271 : memref<64x64xf32, #tpu.memory_space<hbm>>) target(%arg14 : memref<64x64xf32, #tpu.memory_space<vmem>>) target_semaphore(%arg17 : memref<!tpu.dma_semaphore, #tpu.memory_space<semaphore_mem>>)
    %scan3A_272 = arith.constant 0 : i32
    %scan3A_273 = arith.constant 4 : i32
    %scan3A_274 = arith.addi %scan3A_272, %scan3A_273 : i32
    %scan3A_275 = arith.constant 1 : i32
    scf.for %scan3A_440 = %scan3A_272 to %scan3A_274 step %scan3A_275  : i32 {
      %mul3A_441 = arith.constant 16 : i32
      %mul3A_442 = arith.muli %scan3A_440, %mul3A_441 : i32
      %add3A_443 = vector.broadcast %mul3A_442 : i32 to vector<16xi32>
      %add3A_444 = arith.addi %add3A_443, %iota3A : vector<16xi32>
      %broadcast_in_dim3A = arith.constant 0.000000e+00 : f32
      %broadcast_in_dim3A_445 = vector.broadcast %broadcast_in_dim3A : f32 to vector<16xf32>
      %scan3A_446 = arith.constant 0 : i32
      %scan3A_447 = arith.constant 64 : i32
      %scan3A_448 = arith.addi %scan3A_446, %scan3A_447 : i32
      %scan3A_449 = arith.constant 16 : i32
      %scan3A_450:3 = scf.for %scan3A_456 = %scan3A_446 to %scan3A_448 step %scan3A_449 iter_args(%scan3A_457 = %broadcast_in_dim3A_445, %scan3A_458 = %broadcast_in_dim3A_445, %scan3A_459 = %iota3A) -> (vector<16xf32>, vector<16xf32>, vector<16xi32>)  : i32 {
        %gather3A = tpu.vector_load_idx %arg7[%add3A_444, %scan3A_459] : memref<64x64xf32, #tpu.memory_space<vmem>>[vector<16xi32>, vector<16xi32>], vector<16xf32>,
        %gather3A_460 = tpu.vector_load_idx %arg8[%add3A_444, %scan3A_459] : memref<64x64xf32, #tpu.memory_space<vmem>>[vector<16xi32>, vector<16xi32>], vector<16xf32>,
        %mul3A_461 = arith.mulf %gather3A, %gather3A_460 : vector<16xf32>
        %add3A_462 = arith.addf %scan3A_457, %mul3A_461 : vector<16xf32>
        %gather3A_463 = tpu.vector_load_idx %arg9[%add3A_444, %scan3A_459] : memref<64x64xf32, #tpu.memory_space<vmem>>[vector<16xi32>, vector<16xi32>], vector<16xf32>,
        %gather3A_464 = tpu.vector_load_idx %arg10[%add3A_444, %scan3A_459] : memref<64x64xf32, #tpu.memory_space<vmem>>[vector<16xi32>, vector<16xi32>], vector<16xf32>,
        %mul3A_465 = arith.mulf %gather3A_463, %gather3A_464 : vector<16xf32>
        %add3A_466 = arith.addf %scan3A_458, %mul3A_465 : vector<16xf32>
        %add3A_467 = arith.constant 1 : i32
        %add3A_468 = vector.broadcast %add3A_467 : i32 to vector<16xi32>
        %add3A_469 = arith.addi %scan3A_459, %add3A_468 : vector<16xi32>
        %eq3A = arith.constant 64 : i32
        %eq3A_470 = vector.broadcast %eq3A : i32 to vector<16xi32>
        %eq3A_471 = arith.cmpi eq, %add3A_469, %eq3A_470 : vector<16xi32>
        %jit3A = arith.constant 0 : i32
        %broadcast_in_dim3A_472 = vector.broadcast %jit3A : i32 to vector<16xi32>
        %select_n3A = arith.select %eq3A_471, %broadcast_in_dim3A_472, %add3A_469 : vector<16xi1>, vector<16xi32>
        %scan3A_473 = arith.constant 1 : i32
        %scan3A_474 = arith.addi %scan3A_456, %scan3A_473 : i32
        %gather3A_475 = tpu.vector_load_idx %arg7[%add3A_444, %select_n3A] : memref<64x64xf32, #tpu.memory_space<vmem>>[vector<16xi32>, vector<16xi32>], vector<16xf32>,
        %gather3A_476 = tpu.vector_load_idx %arg8[%add3A_444, %select_n3A] : memref<64x64xf32, #tpu.memory_space<vmem>>[vector<16xi32>, vector<16xi32>], vector<16xf32>,
        %mul3A_477 = arith.mulf %gather3A_475, %gather3A_476 : vector<16xf32>
        %add3A_478 = arith.addf %add3A_462, %mul3A_477 : vector<16xf32>
        %gather3A_479 = tpu.vector_load_idx %arg9[%add3A_444, %select_n3A] : memref<64x64xf32, #tpu.memory_space<vmem>>[vector<16xi32>, vector<16xi32>], vector<16xf32>,
        %gather3A_480 = tpu.vector_load_idx %arg10[%add3A_444, %select_n3A] : memref<64x64xf32, #tpu.memory_space<vmem>>[vector<16xi32>, vector<16xi32>], vector<16xf32>,
        %mul3A_481 = arith.mulf %gather3A_479, %gather3A_480 : vector<16xf32>
        %add3A_482 = arith.addf %add3A_466, %mul3A_481 : vector<16xf32>
        %add3A_483 = arith.constant 1 : i32
        %add3A_484 = vector.broadcast %add3A_483 : i32 to vector<16xi32>
        %add3A_485 = arith.addi %select_n3A, %add3A_484 : vector<16xi32>
        %eq3A_486 = arith.constant 64 : i32
        %eq3A_487 = vector.broadcast %eq3A_486 : i32 to vector<16xi32>
        %eq3A_488 = arith.cmpi eq, %add3A_485, %eq3A_487 : vector<16xi32>
        %jit3A_489 = arith.constant 0 : i32
        %broadcast_in_dim3A_490 = vector.broadcast %jit3A_489 : i32 to vector<16xi32>
        %select_n3A_491 = arith.select %eq3A_488, %broadcast_in_dim3A_490, %add3A_485 : vector<16xi1>, vector<16xi32>
        %scan3A_492 = arith.constant 2 : i32
        %scan3A_493 = arith.addi %scan3A_456, %scan3A_492 : i32
        %gather3A_494 = tpu.vector_load_idx %arg7[%add3A_444, %select_n3A_491] : memref<64x64xf32, #tpu.memory_space<vmem>>[vector<16xi32>, vector<16xi32>], vector<16xf32>,
        %gather3A_495 = tpu.vector_load_idx %arg8[%add3A_444, %select_n3A_491] : memref<64x64xf32, #tpu.memory_space<vmem>>[vector<16xi32>, vector<16xi32>], vector<16xf32>,
        %mul3A_496 = arith.mulf %gather3A_494, %gather3A_495 : vector<16xf32>
        %add3A_497 = arith.addf %add3A_478, %mul3A_496 : vector<16xf32>
        %gather3A_498 = tpu.vector_load_idx %arg9[%add3A_444, %select_n3A_491] : memref<64x64xf32, #tpu.memory_space<vmem>>[vector<16xi32>, vector<16xi32>], vector<16xf32>,
        %gather3A_499 = tpu.vector_load_idx %arg10[%add3A_444, %select_n3A_491] : memref<64x64xf32, #tpu.memory_space<vmem>>[vector<16xi32>, vector<16xi32>], vector<16xf32>,
        %mul3A_500 = arith.mulf %gather3A_498, %gather3A_499 : vector<16xf32>
        %add3A_501 = arith.addf %add3A_482, %mul3A_500 : vector<16xf32>
        %add3A_502 = arith.constant 1 : i32
        %add3A_503 = vector.broadcast %add3A_502 : i32 to vector<16xi32>
        %add3A_504 = arith.addi %select_n3A_491, %add3A_503 : vector<16xi32>
        %eq3A_505 = arith.constant 64 : i32
        %eq3A_506 = vector.broadcast %eq3A_505 : i32 to vector<16xi32>
        %eq3A_507 = arith.cmpi eq, %add3A_504, %eq3A_506 : vector<16xi32>
        %jit3A_508 = arith.constant 0 : i32
        %broadcast_in_dim3A_509 = vector.broadcast %jit3A_508 : i32 to vector<16xi32>
        %select_n3A_510 = arith.select %eq3A_507, %broadcast_in_dim3A_509, %add3A_504 : vector<16xi1>, vector<16xi32>
        %scan3A_511 = arith.constant 3 : i32
        %scan3A_512 = arith.addi %scan3A_456, %scan3A_511 : i32
        %gather3A_513 = tpu.vector_load_idx %arg7[%add3A_444, %select_n3A_510] : memref<64x64xf32, #tpu.memory_space<vmem>>[vector<16xi32>, vector<16xi32>], vector<16xf32>,
        %gather3A_514 = tpu.vector_load_idx %arg8[%add3A_444, %select_n3A_510] : memref<64x64xf32, #tpu.memory_space<vmem>>[vector<16xi32>, vector<16xi32>], vector<16xf32>,
        %mul3A_515 = arith.mulf %gather3A_513, %gather3A_514 : vector<16xf32>
        %add3A_516 = arith.addf %add3A_497, %mul3A_515 : vector<16xf32>
        %gather3A_517 = tpu.vector_load_idx %arg9[%add3A_444, %select_n3A_510] : memref<64x64xf32, #tpu.memory_space<vmem>>[vector<16xi32>, vector<16xi32>], vector<16xf32>,
        %gather3A_518 = tpu.vector_load_idx %arg10[%add3A_444, %select_n3A_510] : memref<64x64xf32, #tpu.memory_space<vmem>>[vector<16xi32>, vector<16xi32>], vector<16xf32>,
        %mul3A_519 = arith.mulf %gather3A_517, %gather3A_518 : vector<16xf32>
        %add3A_520 = arith.addf %add3A_501, %mul3A_519 : vector<16xf32>
        %add3A_521 = arith.constant 1 : i32
        %add3A_522 = vector.broadcast %add3A_521 : i32 to vector<16xi32>
        %add3A_523 = arith.addi %select_n3A_510, %add3A_522 : vector<16xi32>
        %eq3A_524 = arith.constant 64 : i32
        %eq3A_525 = vector.broadcast %eq3A_524 : i32 to vector<16xi32>
        %eq3A_526 = arith.cmpi eq, %add3A_523, %eq3A_525 : vector<16xi32>
        %jit3A_527 = arith.constant 0 : i32
        %broadcast_in_dim3A_528 = vector.broadcast %jit3A_527 : i32 to vector<16xi32>
        %select_n3A_529 = arith.select %eq3A_526, %broadcast_in_dim3A_528, %add3A_523 : vector<16xi1>, vector<16xi32>
        %scan3A_530 = arith.constant 4 : i32
        %scan3A_531 = arith.addi %scan3A_456, %scan3A_530 : i32
        %gather3A_532 = tpu.vector_load_idx %arg7[%add3A_444, %select_n3A_529] : memref<64x64xf32, #tpu.memory_space<vmem>>[vector<16xi32>, vector<16xi32>], vector<16xf32>,
        %gather3A_533 = tpu.vector_load_idx %arg8[%add3A_444, %select_n3A_529] : memref<64x64xf32, #tpu.memory_space<vmem>>[vector<16xi32>, vector<16xi32>], vector<16xf32>,
        %mul3A_534 = arith.mulf %gather3A_532, %gather3A_533 : vector<16xf32>
        %add3A_535 = arith.addf %add3A_516, %mul3A_534 : vector<16xf32>
        %gather3A_536 = tpu.vector_load_idx %arg9[%add3A_444, %select_n3A_529] : memref<64x64xf32, #tpu.memory_space<vmem>>[vector<16xi32>, vector<16xi32>], vector<16xf32>,
        %gather3A_537 = tpu.vector_load_idx %arg10[%add3A_444, %select_n3A_529] : memref<64x64xf32, #tpu.memory_space<vmem>>[vector<16xi32>, vector<16xi32>], vector<16xf32>,
        %mul3A_538 = arith.mulf %gather3A_536, %gather3A_537 : vector<16xf32>
        %add3A_539 = arith.addf %add3A_520, %mul3A_538 : vector<16xf32>
        %add3A_540 = arith.constant 1 : i32
        %add3A_541 = vector.broadcast %add3A_540 : i32 to vector<16xi32>
        %add3A_542 = arith.addi %select_n3A_529, %add3A_541 : vector<16xi32>
        %eq3A_543 = arith.constant 64 : i32
        %eq3A_544 = vector.broadcast %eq3A_543 : i32 to vector<16xi32>
        %eq3A_545 = arith.cmpi eq, %add3A_542, %eq3A_544 : vector<16xi32>
        %jit3A_546 = arith.constant 0 : i32
        %broadcast_in_dim3A_547 = vector.broadcast %jit3A_546 : i32 to vector<16xi32>
        %select_n3A_548 = arith.select %eq3A_545, %broadcast_in_dim3A_547, %add3A_542 : vector<16xi1>, vector<16xi32>
        %scan3A_549 = arith.constant 5 : i32
        %scan3A_550 = arith.addi %scan3A_456, %scan3A_549 : i32
        %gather3A_551 = tpu.vector_load_idx %arg7[%add3A_444, %select_n3A_548] : memref<64x64xf32, #tpu.memory_space<vmem>>[vector<16xi32>, vector<16xi32>], vector<16xf32>,
        %gather3A_552 = tpu.vector_load_idx %arg8[%add3A_444, %select_n3A_548] : memref<64x64xf32, #tpu.memory_space<vmem>>[vector<16xi32>, vector<16xi32>], vector<16xf32>,
        %mul3A_553 = arith.mulf %gather3A_551, %gather3A_552 : vector<16xf32>
        %add3A_554 = arith.addf %add3A_535, %mul3A_553 : vector<16xf32>
        %gather3A_555 = tpu.vector_load_idx %arg9[%add3A_444, %select_n3A_548] : memref<64x64xf32, #tpu.memory_space<vmem>>[vector<16xi32>, vector<16xi32>], vector<16xf32>,
        %gather3A_556 = tpu.vector_load_idx %arg10[%add3A_444, %select_n3A_548] : memref<64x64xf32, #tpu.memory_space<vmem>>[vector<16xi32>, vector<16xi32>], vector<16xf32>,
        %mul3A_557 = arith.mulf %gather3A_555, %gather3A_556 : vector<16xf32>
        %add3A_558 = arith.addf %add3A_539, %mul3A_557 : vector<16xf32>
        %add3A_559 = arith.constant 1 : i32
        %add3A_560 = vector.broadcast %add3A_559 : i32 to vector<16xi32>
        %add3A_561 = arith.addi %select_n3A_548, %add3A_560 : vector<16xi32>
        %eq3A_562 = arith.constant 64 : i32
        %eq3A_563 = vector.broadcast %eq3A_562 : i32 to vector<16xi32>
        %eq3A_564 = arith.cmpi eq, %add3A_561, %eq3A_563 : vector<16xi32>
        %jit3A_565 = arith.constant 0 : i32
        %broadcast_in_dim3A_566 = vector.broadcast %jit3A_565 : i32 to vector<16xi32>
        %select_n3A_567 = arith.select %eq3A_564, %broadcast_in_dim3A_566, %add3A_561 : vector<16xi1>, vector<16xi32>
        %scan3A_568 = arith.constant 6 : i32
        %scan3A_569 = arith.addi %scan3A_456, %scan3A_568 : i32
        %gather3A_570 = tpu.vector_load_idx %arg7[%add3A_444, %select_n3A_567] : memref<64x64xf32, #tpu.memory_space<vmem>>[vector<16xi32>, vector<16xi32>], vector<16xf32>,
        %gather3A_571 = tpu.vector_load_idx %arg8[%add3A_444, %select_n3A_567] : memref<64x64xf32, #tpu.memory_space<vmem>>[vector<16xi32>, vector<16xi32>], vector<16xf32>,
        %mul3A_572 = arith.mulf %gather3A_570, %gather3A_571 : vector<16xf32>
        %add3A_573 = arith.addf %add3A_554, %mul3A_572 : vector<16xf32>
        %gather3A_574 = tpu.vector_load_idx %arg9[%add3A_444, %select_n3A_567] : memref<64x64xf32, #tpu.memory_space<vmem>>[vector<16xi32>, vector<16xi32>], vector<16xf32>,
        %gather3A_575 = tpu.vector_load_idx %arg10[%add3A_444, %select_n3A_567] : memref<64x64xf32, #tpu.memory_space<vmem>>[vector<16xi32>, vector<16xi32>], vector<16xf32>,
        %mul3A_576 = arith.mulf %gather3A_574, %gather3A_575 : vector<16xf32>
        %add3A_577 = arith.addf %add3A_558, %mul3A_576 : vector<16xf32>
        %add3A_578 = arith.constant 1 : i32
        %add3A_579 = vector.broadcast %add3A_578 : i32 to vector<16xi32>
        %add3A_580 = arith.addi %select_n3A_567, %add3A_579 : vector<16xi32>
        %eq3A_581 = arith.constant 64 : i32
        %eq3A_582 = vector.broadcast %eq3A_581 : i32 to vector<16xi32>
        %eq3A_583 = arith.cmpi eq, %add3A_580, %eq3A_582 : vector<16xi32>
        %jit3A_584 = arith.constant 0 : i32
        %broadcast_in_dim3A_585 = vector.broadcast %jit3A_584 : i32 to vector<16xi32>
        %select_n3A_586 = arith.select %eq3A_583, %broadcast_in_dim3A_585, %add3A_580 : vector<16xi1>, vector<16xi32>
        %scan3A_587 = arith.constant 7 : i32
        %scan3A_588 = arith.addi %scan3A_456, %scan3A_587 : i32
        %gather3A_589 = tpu.vector_load_idx %arg7[%add3A_444, %select_n3A_586] : memref<64x64xf32, #tpu.memory_space<vmem>>[vector<16xi32>, vector<16xi32>], vector<16xf32>,
        %gather3A_590 = tpu.vector_load_idx %arg8[%add3A_444, %select_n3A_586] : memref<64x64xf32, #tpu.memory_space<vmem>>[vector<16xi32>, vector<16xi32>], vector<16xf32>,
        %mul3A_591 = arith.mulf %gather3A_589, %gather3A_590 : vector<16xf32>
        %add3A_592 = arith.addf %add3A_573, %mul3A_591 : vector<16xf32>
        %gather3A_593 = tpu.vector_load_idx %arg9[%add3A_444, %select_n3A_586] : memref<64x64xf32, #tpu.memory_space<vmem>>[vector<16xi32>, vector<16xi32>], vector<16xf32>,
        %gather3A_594 = tpu.vector_load_idx %arg10[%add3A_444, %select_n3A_586] : memref<64x64xf32, #tpu.memory_space<vmem>>[vector<16xi32>, vector<16xi32>], vector<16xf32>,
        %mul3A_595 = arith.mulf %gather3A_593, %gather3A_594 : vector<16xf32>
        %add3A_596 = arith.addf %add3A_577, %mul3A_595 : vector<16xf32>
        %add3A_597 = arith.constant 1 : i32
        %add3A_598 = vector.broadcast %add3A_597 : i32 to vector<16xi32>
        %add3A_599 = arith.addi %select_n3A_586, %add3A_598 : vector<16xi32>
        %eq3A_600 = arith.constant 64 : i32
        %eq3A_601 = vector.broadcast %eq3A_600 : i32 to vector<16xi32>
        %eq3A_602 = arith.cmpi eq, %add3A_599, %eq3A_601 : vector<16xi32>
        %jit3A_603 = arith.constant 0 : i32
        %broadcast_in_dim3A_604 = vector.broadcast %jit3A_603 : i32 to vector<16xi32>
        %select_n3A_605 = arith.select %eq3A_602, %broadcast_in_dim3A_604, %add3A_599 : vector<16xi1>, vector<16xi32>
        %scan3A_606 = arith.constant 8 : i32
        %scan3A_607 = arith.addi %scan3A_456, %scan3A_606 : i32
        %gather3A_608 = tpu.vector_load_idx %arg7[%add3A_444, %select_n3A_605] : memref<64x64xf32, #tpu.memory_space<vmem>>[vector<16xi32>, vector<16xi32>], vector<16xf32>,
        %gather3A_609 = tpu.vector_load_idx %arg8[%add3A_444, %select_n3A_605] : memref<64x64xf32, #tpu.memory_space<vmem>>[vector<16xi32>, vector<16xi32>], vector<16xf32>,
        %mul3A_610 = arith.mulf %gather3A_608, %gather3A_609 : vector<16xf32>
        %add3A_611 = arith.addf %add3A_592, %mul3A_610 : vector<16xf32>
        %gather3A_612 = tpu.vector_load_idx %arg9[%add3A_444, %select_n3A_605] : memref<64x64xf32, #tpu.memory_space<vmem>>[vector<16xi32>, vector<16xi32>], vector<16xf32>,
        %gather3A_613 = tpu.vector_load_idx %arg10[%add3A_444, %select_n3A_605] : memref<64x64xf32, #tpu.memory_space<vmem>>[vector<16xi32>, vector<16xi32>], vector<16xf32>,
        %mul3A_614 = arith.mulf %gather3A_612, %gather3A_613 : vector<16xf32>
        %add3A_615 = arith.addf %add3A_596, %mul3A_614 : vector<16xf32>
        %add3A_616 = arith.constant 1 : i32
        %add3A_617 = vector.broadcast %add3A_616 : i32 to vector<16xi32>
        %add3A_618 = arith.addi %select_n3A_605, %add3A_617 : vector<16xi32>
        %eq3A_619 = arith.constant 64 : i32
        %eq3A_620 = vector.broadcast %eq3A_619 : i32 to vector<16xi32>
        %eq3A_621 = arith.cmpi eq, %add3A_618, %eq3A_620 : vector<16xi32>
        %jit3A_622 = arith.constant 0 : i32
        %broadcast_in_dim3A_623 = vector.broadcast %jit3A_622 : i32 to vector<16xi32>
        %select_n3A_624 = arith.select %eq3A_621, %broadcast_in_dim3A_623, %add3A_618 : vector<16xi1>, vector<16xi32>
        %scan3A_625 = arith.constant 9 : i32
        %scan3A_626 = arith.addi %scan3A_456, %scan3A_625 : i32
        %gather3A_627 = tpu.vector_load_idx %arg7[%add3A_444, %select_n3A_624] : memref<64x64xf32, #tpu.memory_space<vmem>>[vector<16xi32>, vector<16xi32>], vector<16xf32>,
        %gather3A_628 = tpu.vector_load_idx %arg8[%add3A_444, %select_n3A_624] : memref<64x64xf32, #tpu.memory_space<vmem>>[vector<16xi32>, vector<16xi32>], vector<16xf32>,
        %mul3A_629 = arith.mulf %gather3A_627, %gather3A_628 : vector<16xf32>
        %add3A_630 = arith.addf %add3A_611, %mul3A_629 : vector<16xf32>
        %gather3A_631 = tpu.vector_load_idx %arg9[%add3A_444, %select_n3A_624] : memref<64x64xf32, #tpu.memory_space<vmem>>[vector<16xi32>, vector<16xi32>], vector<16xf32>,
        %gather3A_632 = tpu.vector_load_idx %arg10[%add3A_444, %select_n3A_624] : memref<64x64xf32, #tpu.memory_space<vmem>>[vector<16xi32>, vector<16xi32>], vector<16xf32>,
        %mul3A_633 = arith.mulf %gather3A_631, %gather3A_632 : vector<16xf32>
        %add3A_634 = arith.addf %add3A_615, %mul3A_633 : vector<16xf32>
        %add3A_635 = arith.constant 1 : i32
        %add3A_636 = vector.broadcast %add3A_635 : i32 to vector<16xi32>
        %add3A_637 = arith.addi %select_n3A_624, %add3A_636 : vector<16xi32>
        %eq3A_638 = arith.constant 64 : i32
        %eq3A_639 = vector.broadcast %eq3A_638 : i32 to vector<16xi32>
        %eq3A_640 = arith.cmpi eq, %add3A_637, %eq3A_639 : vector<16xi32>
        %jit3A_641 = arith.constant 0 : i32
        %broadcast_in_dim3A_642 = vector.broadcast %jit3A_641 : i32 to vector<16xi32>
        %select_n3A_643 = arith.select %eq3A_640, %broadcast_in_dim3A_642, %add3A_637 : vector<16xi1>, vector<16xi32>
        %scan3A_644 = arith.constant 10 : i32
        %scan3A_645 = arith.addi %scan3A_456, %scan3A_644 : i32
        %gather3A_646 = tpu.vector_load_idx %arg7[%add3A_444, %select_n3A_643] : memref<64x64xf32, #tpu.memory_space<vmem>>[vector<16xi32>, vector<16xi32>], vector<16xf32>,
        %gather3A_647 = tpu.vector_load_idx %arg8[%add3A_444, %select_n3A_643] : memref<64x64xf32, #tpu.memory_space<vmem>>[vector<16xi32>, vector<16xi32>], vector<16xf32>,
        %mul3A_648 = arith.mulf %gather3A_646, %gather3A_647 : vector<16xf32>
        %add3A_649 = arith.addf %add3A_630, %mul3A_648 : vector<16xf32>
        %gather3A_650 = tpu.vector_load_idx %arg9[%add3A_444, %select_n3A_643] : memref<64x64xf32, #tpu.memory_space<vmem>>[vector<16xi32>, vector<16xi32>], vector<16xf32>,
        %gather3A_651 = tpu.vector_load_idx %arg10[%add3A_444, %select_n3A_643] : memref<64x64xf32, #tpu.memory_space<vmem>>[vector<16xi32>, vector<16xi32>], vector<16xf32>,
        %mul3A_652 = arith.mulf %gather3A_650, %gather3A_651 : vector<16xf32>
        %add3A_653 = arith.addf %add3A_634, %mul3A_652 : vector<16xf32>
        %add3A_654 = arith.constant 1 : i32
        %add3A_655 = vector.broadcast %add3A_654 : i32 to vector<16xi32>
        %add3A_656 = arith.addi %select_n3A_643, %add3A_655 : vector<16xi32>
        %eq3A_657 = arith.constant 64 : i32
        %eq3A_658 = vector.broadcast %eq3A_657 : i32 to vector<16xi32>
        %eq3A_659 = arith.cmpi eq, %add3A_656, %eq3A_658 : vector<16xi32>
        %jit3A_660 = arith.constant 0 : i32
        %broadcast_in_dim3A_661 = vector.broadcast %jit3A_660 : i32 to vector<16xi32>
        %select_n3A_662 = arith.select %eq3A_659, %broadcast_in_dim3A_661, %add3A_656 : vector<16xi1>, vector<16xi32>
        %scan3A_663 = arith.constant 11 : i32
        %scan3A_664 = arith.addi %scan3A_456, %scan3A_663 : i32
        %gather3A_665 = tpu.vector_load_idx %arg7[%add3A_444, %select_n3A_662] : memref<64x64xf32, #tpu.memory_space<vmem>>[vector<16xi32>, vector<16xi32>], vector<16xf32>,
        %gather3A_666 = tpu.vector_load_idx %arg8[%add3A_444, %select_n3A_662] : memref<64x64xf32, #tpu.memory_space<vmem>>[vector<16xi32>, vector<16xi32>], vector<16xf32>,
        %mul3A_667 = arith.mulf %gather3A_665, %gather3A_666 : vector<16xf32>
        %add3A_668 = arith.addf %add3A_649, %mul3A_667 : vector<16xf32>
        %gather3A_669 = tpu.vector_load_idx %arg9[%add3A_444, %select_n3A_662] : memref<64x64xf32, #tpu.memory_space<vmem>>[vector<16xi32>, vector<16xi32>], vector<16xf32>,
        %gather3A_670 = tpu.vector_load_idx %arg10[%add3A_444, %select_n3A_662] : memref<64x64xf32, #tpu.memory_space<vmem>>[vector<16xi32>, vector<16xi32>], vector<16xf32>,
        %mul3A_671 = arith.mulf %gather3A_669, %gather3A_670 : vector<16xf32>
        %add3A_672 = arith.addf %add3A_653, %mul3A_671 : vector<16xf32>
        %add3A_673 = arith.constant 1 : i32
        %add3A_674 = vector.broadcast %add3A_673 : i32 to vector<16xi32>
        %add3A_675 = arith.addi %select_n3A_662, %add3A_674 : vector<16xi32>
        %eq3A_676 = arith.constant 64 : i32
        %eq3A_677 = vector.broadcast %eq3A_676 : i32 to vector<16xi32>
        %eq3A_678 = arith.cmpi eq, %add3A_675, %eq3A_677 : vector<16xi32>
        %jit3A_679 = arith.constant 0 : i32
        %broadcast_in_dim3A_680 = vector.broadcast %jit3A_679 : i32 to vector<16xi32>
        %select_n3A_681 = arith.select %eq3A_678, %broadcast_in_dim3A_680, %add3A_675 : vector<16xi1>, vector<16xi32>
        %scan3A_682 = arith.constant 12 : i32
        %scan3A_683 = arith.addi %scan3A_456, %scan3A_682 : i32
        %gather3A_684 = tpu.vector_load_idx %arg7[%add3A_444, %select_n3A_681] : memref<64x64xf32, #tpu.memory_space<vmem>>[vector<16xi32>, vector<16xi32>], vector<16xf32>,
        %gather3A_685 = tpu.vector_load_idx %arg8[%add3A_444, %select_n3A_681] : memref<64x64xf32, #tpu.memory_space<vmem>>[vector<16xi32>, vector<16xi32>], vector<16xf32>,
        %mul3A_686 = arith.mulf %gather3A_684, %gather3A_685 : vector<16xf32>
        %add3A_687 = arith.addf %add3A_668, %mul3A_686 : vector<16xf32>
        %gather3A_688 = tpu.vector_load_idx %arg9[%add3A_444, %select_n3A_681] : memref<64x64xf32, #tpu.memory_space<vmem>>[vector<16xi32>, vector<16xi32>], vector<16xf32>,
        %gather3A_689 = tpu.vector_load_idx %arg10[%add3A_444, %select_n3A_681] : memref<64x64xf32, #tpu.memory_space<vmem>>[vector<16xi32>, vector<16xi32>], vector<16xf32>,
        %mul3A_690 = arith.mulf %gather3A_688, %gather3A_689 : vector<16xf32>
        %add3A_691 = arith.addf %add3A_672, %mul3A_690 : vector<16xf32>
        %add3A_692 = arith.constant 1 : i32
        %add3A_693 = vector.broadcast %add3A_692 : i32 to vector<16xi32>
        %add3A_694 = arith.addi %select_n3A_681, %add3A_693 : vector<16xi32>
        %eq3A_695 = arith.constant 64 : i32
        %eq3A_696 = vector.broadcast %eq3A_695 : i32 to vector<16xi32>
        %eq3A_697 = arith.cmpi eq, %add3A_694, %eq3A_696 : vector<16xi32>
        %jit3A_698 = arith.constant 0 : i32
        %broadcast_in_dim3A_699 = vector.broadcast %jit3A_698 : i32 to vector<16xi32>
        %select_n3A_700 = arith.select %eq3A_697, %broadcast_in_dim3A_699, %add3A_694 : vector<16xi1>, vector<16xi32>
        %scan3A_701 = arith.constant 13 : i32
        %scan3A_702 = arith.addi %scan3A_456, %scan3A_701 : i32
        %gather3A_703 = tpu.vector_load_idx %arg7[%add3A_444, %select_n3A_700] : memref<64x64xf32, #tpu.memory_space<vmem>>[vector<16xi32>, vector<16xi32>], vector<16xf32>,
        %gather3A_704 = tpu.vector_load_idx %arg8[%add3A_444, %select_n3A_700] : memref<64x64xf32, #tpu.memory_space<vmem>>[vector<16xi32>, vector<16xi32>], vector<16xf32>,
        %mul3A_705 = arith.mulf %gather3A_703, %gather3A_704 : vector<16xf32>
        %add3A_706 = arith.addf %add3A_687, %mul3A_705 : vector<16xf32>
        %gather3A_707 = tpu.vector_load_idx %arg9[%add3A_444, %select_n3A_700] : memref<64x64xf32, #tpu.memory_space<vmem>>[vector<16xi32>, vector<16xi32>], vector<16xf32>,
        %gather3A_708 = tpu.vector_load_idx %arg10[%add3A_444, %select_n3A_700] : memref<64x64xf32, #tpu.memory_space<vmem>>[vector<16xi32>, vector<16xi32>], vector<16xf32>,
        %mul3A_709 = arith.mulf %gather3A_707, %gather3A_708 : vector<16xf32>
        %add3A_710 = arith.addf %add3A_691, %mul3A_709 : vector<16xf32>
        %add3A_711 = arith.constant 1 : i32
        %add3A_712 = vector.broadcast %add3A_711 : i32 to vector<16xi32>
        %add3A_713 = arith.addi %select_n3A_700, %add3A_712 : vector<16xi32>
        %eq3A_714 = arith.constant 64 : i32
        %eq3A_715 = vector.broadcast %eq3A_714 : i32 to vector<16xi32>
        %eq3A_716 = arith.cmpi eq, %add3A_713, %eq3A_715 : vector<16xi32>
        %jit3A_717 = arith.constant 0 : i32
        %broadcast_in_dim3A_718 = vector.broadcast %jit3A_717 : i32 to vector<16xi32>
        %select_n3A_719 = arith.select %eq3A_716, %broadcast_in_dim3A_718, %add3A_713 : vector<16xi1>, vector<16xi32>
        %scan3A_720 = arith.constant 14 : i32
        %scan3A_721 = arith.addi %scan3A_456, %scan3A_720 : i32
        %gather3A_722 = tpu.vector_load_idx %arg7[%add3A_444, %select_n3A_719] : memref<64x64xf32, #tpu.memory_space<vmem>>[vector<16xi32>, vector<16xi32>], vector<16xf32>,
        %gather3A_723 = tpu.vector_load_idx %arg8[%add3A_444, %select_n3A_719] : memref<64x64xf32, #tpu.memory_space<vmem>>[vector<16xi32>, vector<16xi32>], vector<16xf32>,
        %mul3A_724 = arith.mulf %gather3A_722, %gather3A_723 : vector<16xf32>
        %add3A_725 = arith.addf %add3A_706, %mul3A_724 : vector<16xf32>
        %gather3A_726 = tpu.vector_load_idx %arg9[%add3A_444, %select_n3A_719] : memref<64x64xf32, #tpu.memory_space<vmem>>[vector<16xi32>, vector<16xi32>], vector<16xf32>,
        %gather3A_727 = tpu.vector_load_idx %arg10[%add3A_444, %select_n3A_719] : memref<64x64xf32, #tpu.memory_space<vmem>>[vector<16xi32>, vector<16xi32>], vector<16xf32>,
        %mul3A_728 = arith.mulf %gather3A_726, %gather3A_727 : vector<16xf32>
        %add3A_729 = arith.addf %add3A_710, %mul3A_728 : vector<16xf32>
        %add3A_730 = arith.constant 1 : i32
        %add3A_731 = vector.broadcast %add3A_730 : i32 to vector<16xi32>
        %add3A_732 = arith.addi %select_n3A_719, %add3A_731 : vector<16xi32>
        %eq3A_733 = arith.constant 64 : i32
        %eq3A_734 = vector.broadcast %eq3A_733 : i32 to vector<16xi32>
        %eq3A_735 = arith.cmpi eq, %add3A_732, %eq3A_734 : vector<16xi32>
        %jit3A_736 = arith.constant 0 : i32
        %broadcast_in_dim3A_737 = vector.broadcast %jit3A_736 : i32 to vector<16xi32>
        %select_n3A_738 = arith.select %eq3A_735, %broadcast_in_dim3A_737, %add3A_732 : vector<16xi1>, vector<16xi32>
        %scan3A_739 = arith.constant 15 : i32
        %scan3A_740 = arith.addi %scan3A_456, %scan3A_739 : i32
        %gather3A_741 = tpu.vector_load_idx %arg7[%add3A_444, %select_n3A_738] : memref<64x64xf32, #tpu.memory_space<vmem>>[vector<16xi32>, vector<16xi32>], vector<16xf32>,
        %gather3A_742 = tpu.vector_load_idx %arg8[%add3A_444, %select_n3A_738] : memref<64x64xf32, #tpu.memory_space<vmem>>[vector<16xi32>, vector<16xi32>], vector<16xf32>,
        %mul3A_743 = arith.mulf %gather3A_741, %gather3A_742 : vector<16xf32>
        %add3A_744 = arith.addf %add3A_725, %mul3A_743 : vector<16xf32>
        %gather3A_745 = tpu.vector_load_idx %arg9[%add3A_444, %select_n3A_738] : memref<64x64xf32, #tpu.memory_space<vmem>>[vector<16xi32>, vector<16xi32>], vector<16xf32>,
        %gather3A_746 = tpu.vector_load_idx %arg10[%add3A_444, %select_n3A_738] : memref<64x64xf32, #tpu.memory_space<vmem>>[vector<16xi32>, vector<16xi32>], vector<16xf32>,
        %mul3A_747 = arith.mulf %gather3A_745, %gather3A_746 : vector<16xf32>
        %add3A_748 = arith.addf %add3A_729, %mul3A_747 : vector<16xf32>
        %add3A_749 = arith.constant 1 : i32
        %add3A_750 = vector.broadcast %add3A_749 : i32 to vector<16xi32>
        %add3A_751 = arith.addi %select_n3A_738, %add3A_750 : vector<16xi32>
        %eq3A_752 = arith.constant 64 : i32
        %eq3A_753 = vector.broadcast %eq3A_752 : i32 to vector<16xi32>
        %eq3A_754 = arith.cmpi eq, %add3A_751, %eq3A_753 : vector<16xi32>
        %jit3A_755 = arith.constant 0 : i32
        %broadcast_in_dim3A_756 = vector.broadcast %jit3A_755 : i32 to vector<16xi32>
        %select_n3A_757 = arith.select %eq3A_754, %broadcast_in_dim3A_756, %add3A_751 : vector<16xi1>, vector<16xi32>
        scf.yield %add3A_744, %add3A_748, %select_n3A_757 : vector<16xf32>, vector<16xf32>, vector<16xi32>
      }
      %scan3A_451 = arith.constant 64 : i32
      %add3A_452 = arith.addf %scan3A_450#0, %scan3A_450#1 : vector<16xf32>
      %mul3A_453 = arith.constant 16 : i32
      %mul3A_454 = arith.muli %scan3A_440, %mul3A_453 : i32
      %swap3A = arith.index_cast %mul3A_454 : i32 to index
      %swap3A_455 = tpu.vector_load %arg15[%swap3A] {strides = array<i32>} : memref<64xf32, #tpu.memory_space<vmem>>, vector<16xf32>,
      tpu.vector_store %arg15[%swap3A], %add3A_452 {strides = array<i32>} : memref<64xf32, #tpu.memory_space<vmem>>, vector<16xf32>,
    }
    %scan3A_276 = arith.constant 4 : i32
    %add3A_277 = arith.constant 256 : i32
    %add3A_278 = arith.addi %mul3A_2, %add3A_277 : i32
    %dma_wait3A_279 = arith.constant 0 : i32
    %dma_wait3A_280 = tpu.memref_slice %arg6[%dma_wait3A_279] : memref<16384xf32, #tpu.memory_space<hbm>> -> memref<64xf32, #tpu.memory_space<hbm>>
    %dma_wait3A_281 = arith.constant 0 : i32
    %dma_wait3A_282 = tpu.memref_slice %arg6[%dma_wait3A_281] : memref<16384xf32, #tpu.memory_space<hbm>> -> memref<64xf32, #tpu.memory_space<hbm>>
    tpu.wait_dma2 semaphore(%arg18 : memref<!tpu.dma_semaphore, #tpu.memory_space<semaphore_mem>>) src(%arg16 : memref<64xf32, #tpu.memory_space<vmem>>) dst(%dma_wait3A_282 : memref<64xf32, #tpu.memory_space<hbm>>)
    %dma_start3A_283 = tpu.memref_slice %arg6[%add3A_278] : memref<16384xf32, #tpu.memory_space<hbm>> -> memref<64xf32, #tpu.memory_space<hbm>>
    %dma_start3A_284 = tpu.memref_slice %arg6[%add3A_278] : memref<16384xf32, #tpu.memory_space<hbm>> -> memref<64xf32, #tpu.memory_space<hbm>>
    tpu.enqueue_dma source(%arg15 : memref<64xf32, #tpu.memory_space<vmem>>) target(%dma_start3A_284 : memref<64xf32, #tpu.memory_space<hbm>>) target_semaphore(%arg18 : memref<!tpu.dma_semaphore, #tpu.memory_space<semaphore_mem>>)
    %dma_wait3A_285 = arith.constant 0 : i32
    %dma_wait3A_286 = arith.constant 0 : i32
    %dma_wait3A_287 = tpu.memref_slice %arg2[%dma_wait3A_285, %dma_wait3A_286] : memref<16384x64xf32, #tpu.memory_space<hbm>> -> memref<64x64xf32, #tpu.memory_space<hbm>>
    %dma_wait3A_288 = arith.constant 0 : i32
    %dma_wait3A_289 = arith.constant 0 : i32
    %dma_wait3A_290 = tpu.memref_slice %arg2[%dma_wait3A_288, %dma_wait3A_289] : memref<16384x64xf32, #tpu.memory_space<hbm>> -> memref<64x64xf32, #tpu.memory_space<hbm>>
    tpu.wait_dma2 semaphore(%arg17 : memref<!tpu.dma_semaphore, #tpu.memory_space<semaphore_mem>>) src(%dma_wait3A_290 : memref<64x64xf32, #tpu.memory_space<hbm>>) dst(%arg11 : memref<64x64xf32, #tpu.memory_space<vmem>>)
    %dma_wait3A_291 = arith.constant 0 : i32
    %dma_wait3A_292 = arith.constant 0 : i32
    %dma_wait3A_293 = tpu.memref_slice %arg3[%dma_wait3A_291, %dma_wait3A_292] : memref<16384x64xf32, #tpu.memory_space<hbm>> -> memref<64x64xf32, #tpu.memory_space<hbm>>
    %dma_wait3A_294 = arith.constant 0 : i32
    %dma_wait3A_295 = arith.constant 0 : i32
    %dma_wait3A_296 = tpu.memref_slice %arg3[%dma_wait3A_294, %dma_wait3A_295] : memref<16384x64xf32, #tpu.memory_space<hbm>> -> memref<64x64xf32, #tpu.memory_space<hbm>>
    tpu.wait_dma2 semaphore(%arg17 : memref<!tpu.dma_semaphore, #tpu.memory_space<semaphore_mem>>) src(%dma_wait3A_296 : memref<64x64xf32, #tpu.memory_space<hbm>>) dst(%arg12 : memref<64x64xf32, #tpu.memory_space<vmem>>)
    %dma_wait3A_297 = arith.constant 0 : i32
    %dma_wait3A_298 = arith.constant 0 : i32
    %dma_wait3A_299 = tpu.memref_slice %arg4[%dma_wait3A_297, %dma_wait3A_298] : memref<16384x64xf32, #tpu.memory_space<hbm>> -> memref<64x64xf32, #tpu.memory_space<hbm>>
    %dma_wait3A_300 = arith.constant 0 : i32
    %dma_wait3A_301 = arith.constant 0 : i32
    %dma_wait3A_302 = tpu.memref_slice %arg4[%dma_wait3A_300, %dma_wait3A_301] : memref<16384x64xf32, #tpu.memory_space<hbm>> -> memref<64x64xf32, #tpu.memory_space<hbm>>
    tpu.wait_dma2 semaphore(%arg17 : memref<!tpu.dma_semaphore, #tpu.memory_space<semaphore_mem>>) src(%dma_wait3A_302 : memref<64x64xf32, #tpu.memory_space<hbm>>) dst(%arg13 : memref<64x64xf32, #tpu.memory_space<vmem>>)
    %dma_wait3A_303 = arith.constant 0 : i32
    %dma_wait3A_304 = arith.constant 0 : i32
    %dma_wait3A_305 = tpu.memref_slice %arg5[%dma_wait3A_303, %dma_wait3A_304] : memref<16384x64xf32, #tpu.memory_space<hbm>> -> memref<64x64xf32, #tpu.memory_space<hbm>>
    %dma_wait3A_306 = arith.constant 0 : i32
    %dma_wait3A_307 = arith.constant 0 : i32
    %dma_wait3A_308 = tpu.memref_slice %arg5[%dma_wait3A_306, %dma_wait3A_307] : memref<16384x64xf32, #tpu.memory_space<hbm>> -> memref<64x64xf32, #tpu.memory_space<hbm>>
    tpu.wait_dma2 semaphore(%arg17 : memref<!tpu.dma_semaphore, #tpu.memory_space<semaphore_mem>>) src(%dma_wait3A_308 : memref<64x64xf32, #tpu.memory_space<hbm>>) dst(%arg14 : memref<64x64xf32, #tpu.memory_space<vmem>>)
    %add3A_309 = arith.constant 384 : i32
    %add3A_310 = arith.addi %mul3A_2, %add3A_309 : i32
    %dma_start3A_311 = arith.constant 0 : i32
    %dma_start3A_312 = tpu.memref_slice %arg2[%add3A_310, %dma_start3A_311] : memref<16384x64xf32, #tpu.memory_space<hbm>> -> memref<64x64xf32, #tpu.memory_space<hbm>>
    %dma_start3A_313 = arith.constant 0 : i32
    %dma_start3A_314 = tpu.memref_slice %arg2[%add3A_310, %dma_start3A_313] : memref<16384x64xf32, #tpu.memory_space<hbm>> -> memref<64x64xf32, #tpu.memory_space<hbm>>
    tpu.enqueue_dma source(%dma_start3A_314 : memref<64x64xf32, #tpu.memory_space<hbm>>) target(%arg7 : memref<64x64xf32, #tpu.memory_space<vmem>>) target_semaphore(%arg17 : memref<!tpu.dma_semaphore, #tpu.memory_space<semaphore_mem>>)
    %dma_start3A_315 = arith.constant 0 : i32
    %dma_start3A_316 = tpu.memref_slice %arg3[%add3A_310, %dma_start3A_315] : memref<16384x64xf32, #tpu.memory_space<hbm>> -> memref<64x64xf32, #tpu.memory_space<hbm>>
    %dma_start3A_317 = arith.constant 0 : i32
    %dma_start3A_318 = tpu.memref_slice %arg3[%add3A_310, %dma_start3A_317] : memref<16384x64xf32, #tpu.memory_space<hbm>> -> memref<64x64xf32, #tpu.memory_space<hbm>>
    tpu.enqueue_dma source(%dma_start3A_318 : memref<64x64xf32, #tpu.memory_space<hbm>>) target(%arg8 : memref<64x64xf32, #tpu.memory_space<vmem>>) target_semaphore(%arg17 : memref<!tpu.dma_semaphore, #tpu.memory_space<semaphore_mem>>)
    %dma_start3A_319 = arith.constant 0 : i32
    %dma_start3A_320 = tpu.memref_slice %arg4[%add3A_310, %dma_start3A_319] : memref<16384x64xf32, #tpu.memory_space<hbm>> -> memref<64x64xf32, #tpu.memory_space<hbm>>
    %dma_start3A_321 = arith.constant 0 : i32
    %dma_start3A_322 = tpu.memref_slice %arg4[%add3A_310, %dma_start3A_321] : memref<16384x64xf32, #tpu.memory_space<hbm>> -> memref<64x64xf32, #tpu.memory_space<hbm>>
    tpu.enqueue_dma source(%dma_start3A_322 : memref<64x64xf32, #tpu.memory_space<hbm>>) target(%arg9 : memref<64x64xf32, #tpu.memory_space<vmem>>) target_semaphore(%arg17 : memref<!tpu.dma_semaphore, #tpu.memory_space<semaphore_mem>>)
    %dma_start3A_323 = arith.constant 0 : i32
    %dma_start3A_324 = tpu.memref_slice %arg5[%add3A_310, %dma_start3A_323] : memref<16384x64xf32, #tpu.memory_space<hbm>> -> memref<64x64xf32, #tpu.memory_space<hbm>>
    %dma_start3A_325 = arith.constant 0 : i32
    %dma_start3A_326 = tpu.memref_slice %arg5[%add3A_310, %dma_start3A_325] : memref<16384x64xf32, #tpu.memory_space<hbm>> -> memref<64x64xf32, #tpu.memory_space<hbm>>
    tpu.enqueue_dma source(%dma_start3A_326 : memref<64x64xf32, #tpu.memory_space<hbm>>) target(%arg10 : memref<64x64xf32, #tpu.memory_space<vmem>>) target_semaphore(%arg17 : memref<!tpu.dma_semaphore, #tpu.memory_space<semaphore_mem>>)
    %scan3A_327 = arith.constant 0 : i32
    %scan3A_328 = arith.constant 4 : i32
    %scan3A_329 = arith.addi %scan3A_327, %scan3A_328 : i32
    %scan3A_330 = arith.constant 1 : i32
    scf.for %scan3A_440 = %scan3A_327 to %scan3A_329 step %scan3A_330  : i32 {
      %mul3A_441 = arith.constant 16 : i32
      %mul3A_442 = arith.muli %scan3A_440, %mul3A_441 : i32
      %add3A_443 = vector.broadcast %mul3A_442 : i32 to vector<16xi32>
      %add3A_444 = arith.addi %add3A_443, %iota3A : vector<16xi32>
      %broadcast_in_dim3A = arith.constant 0.000000e+00 : f32
      %broadcast_in_dim3A_445 = vector.broadcast %broadcast_in_dim3A : f32 to vector<16xf32>
      %scan3A_446 = arith.constant 0 : i32
      %scan3A_447 = arith.constant 64 : i32
      %scan3A_448 = arith.addi %scan3A_446, %scan3A_447 : i32
      %scan3A_449 = arith.constant 16 : i32
      %scan3A_450:3 = scf.for %scan3A_456 = %scan3A_446 to %scan3A_448 step %scan3A_449 iter_args(%scan3A_457 = %broadcast_in_dim3A_445, %scan3A_458 = %broadcast_in_dim3A_445, %scan3A_459 = %iota3A) -> (vector<16xf32>, vector<16xf32>, vector<16xi32>)  : i32 {
        %gather3A = tpu.vector_load_idx %arg11[%add3A_444, %scan3A_459] : memref<64x64xf32, #tpu.memory_space<vmem>>[vector<16xi32>, vector<16xi32>], vector<16xf32>,
        %gather3A_460 = tpu.vector_load_idx %arg12[%add3A_444, %scan3A_459] : memref<64x64xf32, #tpu.memory_space<vmem>>[vector<16xi32>, vector<16xi32>], vector<16xf32>,
        %mul3A_461 = arith.mulf %gather3A, %gather3A_460 : vector<16xf32>
        %add3A_462 = arith.addf %scan3A_457, %mul3A_461 : vector<16xf32>
        %gather3A_463 = tpu.vector_load_idx %arg13[%add3A_444, %scan3A_459] : memref<64x64xf32, #tpu.memory_space<vmem>>[vector<16xi32>, vector<16xi32>], vector<16xf32>,
        %gather3A_464 = tpu.vector_load_idx %arg14[%add3A_444, %scan3A_459] : memref<64x64xf32, #tpu.memory_space<vmem>>[vector<16xi32>, vector<16xi32>], vector<16xf32>,
        %mul3A_465 = arith.mulf %gather3A_463, %gather3A_464 : vector<16xf32>
        %add3A_466 = arith.addf %scan3A_458, %mul3A_465 : vector<16xf32>
        %add3A_467 = arith.constant 1 : i32
        %add3A_468 = vector.broadcast %add3A_467 : i32 to vector<16xi32>
        %add3A_469 = arith.addi %scan3A_459, %add3A_468 : vector<16xi32>
        %eq3A = arith.constant 64 : i32
        %eq3A_470 = vector.broadcast %eq3A : i32 to vector<16xi32>
        %eq3A_471 = arith.cmpi eq, %add3A_469, %eq3A_470 : vector<16xi32>
        %jit3A = arith.constant 0 : i32
        %broadcast_in_dim3A_472 = vector.broadcast %jit3A : i32 to vector<16xi32>
        %select_n3A = arith.select %eq3A_471, %broadcast_in_dim3A_472, %add3A_469 : vector<16xi1>, vector<16xi32>
        %scan3A_473 = arith.constant 1 : i32
        %scan3A_474 = arith.addi %scan3A_456, %scan3A_473 : i32
        %gather3A_475 = tpu.vector_load_idx %arg11[%add3A_444, %select_n3A] : memref<64x64xf32, #tpu.memory_space<vmem>>[vector<16xi32>, vector<16xi32>], vector<16xf32>,
        %gather3A_476 = tpu.vector_load_idx %arg12[%add3A_444, %select_n3A] : memref<64x64xf32, #tpu.memory_space<vmem>>[vector<16xi32>, vector<16xi32>], vector<16xf32>,
        %mul3A_477 = arith.mulf %gather3A_475, %gather3A_476 : vector<16xf32>
        %add3A_478 = arith.addf %add3A_462, %mul3A_477 : vector<16xf32>
        %gather3A_479 = tpu.vector_load_idx %arg13[%add3A_444, %select_n3A] : memref<64x64xf32, #tpu.memory_space<vmem>>[vector<16xi32>, vector<16xi32>], vector<16xf32>,
        %gather3A_480 = tpu.vector_load_idx %arg14[%add3A_444, %select_n3A] : memref<64x64xf32, #tpu.memory_space<vmem>>[vector<16xi32>, vector<16xi32>], vector<16xf32>,
        %mul3A_481 = arith.mulf %gather3A_479, %gather3A_480 : vector<16xf32>
        %add3A_482 = arith.addf %add3A_466, %mul3A_481 : vector<16xf32>
        %add3A_483 = arith.constant 1 : i32
        %add3A_484 = vector.broadcast %add3A_483 : i32 to vector<16xi32>
        %add3A_485 = arith.addi %select_n3A, %add3A_484 : vector<16xi32>
        %eq3A_486 = arith.constant 64 : i32
        %eq3A_487 = vector.broadcast %eq3A_486 : i32 to vector<16xi32>
        %eq3A_488 = arith.cmpi eq, %add3A_485, %eq3A_487 : vector<16xi32>
        %jit3A_489 = arith.constant 0 : i32
        %broadcast_in_dim3A_490 = vector.broadcast %jit3A_489 : i32 to vector<16xi32>
        %select_n3A_491 = arith.select %eq3A_488, %broadcast_in_dim3A_490, %add3A_485 : vector<16xi1>, vector<16xi32>
        %scan3A_492 = arith.constant 2 : i32
        %scan3A_493 = arith.addi %scan3A_456, %scan3A_492 : i32
        %gather3A_494 = tpu.vector_load_idx %arg11[%add3A_444, %select_n3A_491] : memref<64x64xf32, #tpu.memory_space<vmem>>[vector<16xi32>, vector<16xi32>], vector<16xf32>,
        %gather3A_495 = tpu.vector_load_idx %arg12[%add3A_444, %select_n3A_491] : memref<64x64xf32, #tpu.memory_space<vmem>>[vector<16xi32>, vector<16xi32>], vector<16xf32>,
        %mul3A_496 = arith.mulf %gather3A_494, %gather3A_495 : vector<16xf32>
        %add3A_497 = arith.addf %add3A_478, %mul3A_496 : vector<16xf32>
        %gather3A_498 = tpu.vector_load_idx %arg13[%add3A_444, %select_n3A_491] : memref<64x64xf32, #tpu.memory_space<vmem>>[vector<16xi32>, vector<16xi32>], vector<16xf32>,
        %gather3A_499 = tpu.vector_load_idx %arg14[%add3A_444, %select_n3A_491] : memref<64x64xf32, #tpu.memory_space<vmem>>[vector<16xi32>, vector<16xi32>], vector<16xf32>,
        %mul3A_500 = arith.mulf %gather3A_498, %gather3A_499 : vector<16xf32>
        %add3A_501 = arith.addf %add3A_482, %mul3A_500 : vector<16xf32>
        %add3A_502 = arith.constant 1 : i32
        %add3A_503 = vector.broadcast %add3A_502 : i32 to vector<16xi32>
        %add3A_504 = arith.addi %select_n3A_491, %add3A_503 : vector<16xi32>
        %eq3A_505 = arith.constant 64 : i32
        %eq3A_506 = vector.broadcast %eq3A_505 : i32 to vector<16xi32>
        %eq3A_507 = arith.cmpi eq, %add3A_504, %eq3A_506 : vector<16xi32>
        %jit3A_508 = arith.constant 0 : i32
        %broadcast_in_dim3A_509 = vector.broadcast %jit3A_508 : i32 to vector<16xi32>
        %select_n3A_510 = arith.select %eq3A_507, %broadcast_in_dim3A_509, %add3A_504 : vector<16xi1>, vector<16xi32>
        %scan3A_511 = arith.constant 3 : i32
        %scan3A_512 = arith.addi %scan3A_456, %scan3A_511 : i32
        %gather3A_513 = tpu.vector_load_idx %arg11[%add3A_444, %select_n3A_510] : memref<64x64xf32, #tpu.memory_space<vmem>>[vector<16xi32>, vector<16xi32>], vector<16xf32>,
        %gather3A_514 = tpu.vector_load_idx %arg12[%add3A_444, %select_n3A_510] : memref<64x64xf32, #tpu.memory_space<vmem>>[vector<16xi32>, vector<16xi32>], vector<16xf32>,
        %mul3A_515 = arith.mulf %gather3A_513, %gather3A_514 : vector<16xf32>
        %add3A_516 = arith.addf %add3A_497, %mul3A_515 : vector<16xf32>
        %gather3A_517 = tpu.vector_load_idx %arg13[%add3A_444, %select_n3A_510] : memref<64x64xf32, #tpu.memory_space<vmem>>[vector<16xi32>, vector<16xi32>], vector<16xf32>,
        %gather3A_518 = tpu.vector_load_idx %arg14[%add3A_444, %select_n3A_510] : memref<64x64xf32, #tpu.memory_space<vmem>>[vector<16xi32>, vector<16xi32>], vector<16xf32>,
        %mul3A_519 = arith.mulf %gather3A_517, %gather3A_518 : vector<16xf32>
        %add3A_520 = arith.addf %add3A_501, %mul3A_519 : vector<16xf32>
        %add3A_521 = arith.constant 1 : i32
        %add3A_522 = vector.broadcast %add3A_521 : i32 to vector<16xi32>
        %add3A_523 = arith.addi %select_n3A_510, %add3A_522 : vector<16xi32>
        %eq3A_524 = arith.constant 64 : i32
        %eq3A_525 = vector.broadcast %eq3A_524 : i32 to vector<16xi32>
        %eq3A_526 = arith.cmpi eq, %add3A_523, %eq3A_525 : vector<16xi32>
        %jit3A_527 = arith.constant 0 : i32
        %broadcast_in_dim3A_528 = vector.broadcast %jit3A_527 : i32 to vector<16xi32>
        %select_n3A_529 = arith.select %eq3A_526, %broadcast_in_dim3A_528, %add3A_523 : vector<16xi1>, vector<16xi32>
        %scan3A_530 = arith.constant 4 : i32
        %scan3A_531 = arith.addi %scan3A_456, %scan3A_530 : i32
        %gather3A_532 = tpu.vector_load_idx %arg11[%add3A_444, %select_n3A_529] : memref<64x64xf32, #tpu.memory_space<vmem>>[vector<16xi32>, vector<16xi32>], vector<16xf32>,
        %gather3A_533 = tpu.vector_load_idx %arg12[%add3A_444, %select_n3A_529] : memref<64x64xf32, #tpu.memory_space<vmem>>[vector<16xi32>, vector<16xi32>], vector<16xf32>,
        %mul3A_534 = arith.mulf %gather3A_532, %gather3A_533 : vector<16xf32>
        %add3A_535 = arith.addf %add3A_516, %mul3A_534 : vector<16xf32>
        %gather3A_536 = tpu.vector_load_idx %arg13[%add3A_444, %select_n3A_529] : memref<64x64xf32, #tpu.memory_space<vmem>>[vector<16xi32>, vector<16xi32>], vector<16xf32>,
        %gather3A_537 = tpu.vector_load_idx %arg14[%add3A_444, %select_n3A_529] : memref<64x64xf32, #tpu.memory_space<vmem>>[vector<16xi32>, vector<16xi32>], vector<16xf32>,
        %mul3A_538 = arith.mulf %gather3A_536, %gather3A_537 : vector<16xf32>
        %add3A_539 = arith.addf %add3A_520, %mul3A_538 : vector<16xf32>
        %add3A_540 = arith.constant 1 : i32
        %add3A_541 = vector.broadcast %add3A_540 : i32 to vector<16xi32>
        %add3A_542 = arith.addi %select_n3A_529, %add3A_541 : vector<16xi32>
        %eq3A_543 = arith.constant 64 : i32
        %eq3A_544 = vector.broadcast %eq3A_543 : i32 to vector<16xi32>
        %eq3A_545 = arith.cmpi eq, %add3A_542, %eq3A_544 : vector<16xi32>
        %jit3A_546 = arith.constant 0 : i32
        %broadcast_in_dim3A_547 = vector.broadcast %jit3A_546 : i32 to vector<16xi32>
        %select_n3A_548 = arith.select %eq3A_545, %broadcast_in_dim3A_547, %add3A_542 : vector<16xi1>, vector<16xi32>
        %scan3A_549 = arith.constant 5 : i32
        %scan3A_550 = arith.addi %scan3A_456, %scan3A_549 : i32
        %gather3A_551 = tpu.vector_load_idx %arg11[%add3A_444, %select_n3A_548] : memref<64x64xf32, #tpu.memory_space<vmem>>[vector<16xi32>, vector<16xi32>], vector<16xf32>,
        %gather3A_552 = tpu.vector_load_idx %arg12[%add3A_444, %select_n3A_548] : memref<64x64xf32, #tpu.memory_space<vmem>>[vector<16xi32>, vector<16xi32>], vector<16xf32>,
        %mul3A_553 = arith.mulf %gather3A_551, %gather3A_552 : vector<16xf32>
        %add3A_554 = arith.addf %add3A_535, %mul3A_553 : vector<16xf32>
        %gather3A_555 = tpu.vector_load_idx %arg13[%add3A_444, %select_n3A_548] : memref<64x64xf32, #tpu.memory_space<vmem>>[vector<16xi32>, vector<16xi32>], vector<16xf32>,
        %gather3A_556 = tpu.vector_load_idx %arg14[%add3A_444, %select_n3A_548] : memref<64x64xf32, #tpu.memory_space<vmem>>[vector<16xi32>, vector<16xi32>], vector<16xf32>,
        %mul3A_557 = arith.mulf %gather3A_555, %gather3A_556 : vector<16xf32>
        %add3A_558 = arith.addf %add3A_539, %mul3A_557 : vector<16xf32>
        %add3A_559 = arith.constant 1 : i32
        %add3A_560 = vector.broadcast %add3A_559 : i32 to vector<16xi32>
        %add3A_561 = arith.addi %select_n3A_548, %add3A_560 : vector<16xi32>
        %eq3A_562 = arith.constant 64 : i32
        %eq3A_563 = vector.broadcast %eq3A_562 : i32 to vector<16xi32>
        %eq3A_564 = arith.cmpi eq, %add3A_561, %eq3A_563 : vector<16xi32>
        %jit3A_565 = arith.constant 0 : i32
        %broadcast_in_dim3A_566 = vector.broadcast %jit3A_565 : i32 to vector<16xi32>
        %select_n3A_567 = arith.select %eq3A_564, %broadcast_in_dim3A_566, %add3A_561 : vector<16xi1>, vector<16xi32>
        %scan3A_568 = arith.constant 6 : i32
        %scan3A_569 = arith.addi %scan3A_456, %scan3A_568 : i32
        %gather3A_570 = tpu.vector_load_idx %arg11[%add3A_444, %select_n3A_567] : memref<64x64xf32, #tpu.memory_space<vmem>>[vector<16xi32>, vector<16xi32>], vector<16xf32>,
        %gather3A_571 = tpu.vector_load_idx %arg12[%add3A_444, %select_n3A_567] : memref<64x64xf32, #tpu.memory_space<vmem>>[vector<16xi32>, vector<16xi32>], vector<16xf32>,
        %mul3A_572 = arith.mulf %gather3A_570, %gather3A_571 : vector<16xf32>
        %add3A_573 = arith.addf %add3A_554, %mul3A_572 : vector<16xf32>
        %gather3A_574 = tpu.vector_load_idx %arg13[%add3A_444, %select_n3A_567] : memref<64x64xf32, #tpu.memory_space<vmem>>[vector<16xi32>, vector<16xi32>], vector<16xf32>,
        %gather3A_575 = tpu.vector_load_idx %arg14[%add3A_444, %select_n3A_567] : memref<64x64xf32, #tpu.memory_space<vmem>>[vector<16xi32>, vector<16xi32>], vector<16xf32>,
        %mul3A_576 = arith.mulf %gather3A_574, %gather3A_575 : vector<16xf32>
        %add3A_577 = arith.addf %add3A_558, %mul3A_576 : vector<16xf32>
        %add3A_578 = arith.constant 1 : i32
        %add3A_579 = vector.broadcast %add3A_578 : i32 to vector<16xi32>
        %add3A_580 = arith.addi %select_n3A_567, %add3A_579 : vector<16xi32>
        %eq3A_581 = arith.constant 64 : i32
        %eq3A_582 = vector.broadcast %eq3A_581 : i32 to vector<16xi32>
        %eq3A_583 = arith.cmpi eq, %add3A_580, %eq3A_582 : vector<16xi32>
        %jit3A_584 = arith.constant 0 : i32
        %broadcast_in_dim3A_585 = vector.broadcast %jit3A_584 : i32 to vector<16xi32>
        %select_n3A_586 = arith.select %eq3A_583, %broadcast_in_dim3A_585, %add3A_580 : vector<16xi1>, vector<16xi32>
        %scan3A_587 = arith.constant 7 : i32
        %scan3A_588 = arith.addi %scan3A_456, %scan3A_587 : i32
        %gather3A_589 = tpu.vector_load_idx %arg11[%add3A_444, %select_n3A_586] : memref<64x64xf32, #tpu.memory_space<vmem>>[vector<16xi32>, vector<16xi32>], vector<16xf32>,
        %gather3A_590 = tpu.vector_load_idx %arg12[%add3A_444, %select_n3A_586] : memref<64x64xf32, #tpu.memory_space<vmem>>[vector<16xi32>, vector<16xi32>], vector<16xf32>,
        %mul3A_591 = arith.mulf %gather3A_589, %gather3A_590 : vector<16xf32>
        %add3A_592 = arith.addf %add3A_573, %mul3A_591 : vector<16xf32>
        %gather3A_593 = tpu.vector_load_idx %arg13[%add3A_444, %select_n3A_586] : memref<64x64xf32, #tpu.memory_space<vmem>>[vector<16xi32>, vector<16xi32>], vector<16xf32>,
        %gather3A_594 = tpu.vector_load_idx %arg14[%add3A_444, %select_n3A_586] : memref<64x64xf32, #tpu.memory_space<vmem>>[vector<16xi32>, vector<16xi32>], vector<16xf32>,
        %mul3A_595 = arith.mulf %gather3A_593, %gather3A_594 : vector<16xf32>
        %add3A_596 = arith.addf %add3A_577, %mul3A_595 : vector<16xf32>
        %add3A_597 = arith.constant 1 : i32
        %add3A_598 = vector.broadcast %add3A_597 : i32 to vector<16xi32>
        %add3A_599 = arith.addi %select_n3A_586, %add3A_598 : vector<16xi32>
        %eq3A_600 = arith.constant 64 : i32
        %eq3A_601 = vector.broadcast %eq3A_600 : i32 to vector<16xi32>
        %eq3A_602 = arith.cmpi eq, %add3A_599, %eq3A_601 : vector<16xi32>
        %jit3A_603 = arith.constant 0 : i32
        %broadcast_in_dim3A_604 = vector.broadcast %jit3A_603 : i32 to vector<16xi32>
        %select_n3A_605 = arith.select %eq3A_602, %broadcast_in_dim3A_604, %add3A_599 : vector<16xi1>, vector<16xi32>
        %scan3A_606 = arith.constant 8 : i32
        %scan3A_607 = arith.addi %scan3A_456, %scan3A_606 : i32
        %gather3A_608 = tpu.vector_load_idx %arg11[%add3A_444, %select_n3A_605] : memref<64x64xf32, #tpu.memory_space<vmem>>[vector<16xi32>, vector<16xi32>], vector<16xf32>,
        %gather3A_609 = tpu.vector_load_idx %arg12[%add3A_444, %select_n3A_605] : memref<64x64xf32, #tpu.memory_space<vmem>>[vector<16xi32>, vector<16xi32>], vector<16xf32>,
        %mul3A_610 = arith.mulf %gather3A_608, %gather3A_609 : vector<16xf32>
        %add3A_611 = arith.addf %add3A_592, %mul3A_610 : vector<16xf32>
        %gather3A_612 = tpu.vector_load_idx %arg13[%add3A_444, %select_n3A_605] : memref<64x64xf32, #tpu.memory_space<vmem>>[vector<16xi32>, vector<16xi32>], vector<16xf32>,
        %gather3A_613 = tpu.vector_load_idx %arg14[%add3A_444, %select_n3A_605] : memref<64x64xf32, #tpu.memory_space<vmem>>[vector<16xi32>, vector<16xi32>], vector<16xf32>,
        %mul3A_614 = arith.mulf %gather3A_612, %gather3A_613 : vector<16xf32>
        %add3A_615 = arith.addf %add3A_596, %mul3A_614 : vector<16xf32>
        %add3A_616 = arith.constant 1 : i32
        %add3A_617 = vector.broadcast %add3A_616 : i32 to vector<16xi32>
        %add3A_618 = arith.addi %select_n3A_605, %add3A_617 : vector<16xi32>
        %eq3A_619 = arith.constant 64 : i32
        %eq3A_620 = vector.broadcast %eq3A_619 : i32 to vector<16xi32>
        %eq3A_621 = arith.cmpi eq, %add3A_618, %eq3A_620 : vector<16xi32>
        %jit3A_622 = arith.constant 0 : i32
        %broadcast_in_dim3A_623 = vector.broadcast %jit3A_622 : i32 to vector<16xi32>
        %select_n3A_624 = arith.select %eq3A_621, %broadcast_in_dim3A_623, %add3A_618 : vector<16xi1>, vector<16xi32>
        %scan3A_625 = arith.constant 9 : i32
        %scan3A_626 = arith.addi %scan3A_456, %scan3A_625 : i32
        %gather3A_627 = tpu.vector_load_idx %arg11[%add3A_444, %select_n3A_624] : memref<64x64xf32, #tpu.memory_space<vmem>>[vector<16xi32>, vector<16xi32>], vector<16xf32>,
        %gather3A_628 = tpu.vector_load_idx %arg12[%add3A_444, %select_n3A_624] : memref<64x64xf32, #tpu.memory_space<vmem>>[vector<16xi32>, vector<16xi32>], vector<16xf32>,
        %mul3A_629 = arith.mulf %gather3A_627, %gather3A_628 : vector<16xf32>
        %add3A_630 = arith.addf %add3A_611, %mul3A_629 : vector<16xf32>
        %gather3A_631 = tpu.vector_load_idx %arg13[%add3A_444, %select_n3A_624] : memref<64x64xf32, #tpu.memory_space<vmem>>[vector<16xi32>, vector<16xi32>], vector<16xf32>,
        %gather3A_632 = tpu.vector_load_idx %arg14[%add3A_444, %select_n3A_624] : memref<64x64xf32, #tpu.memory_space<vmem>>[vector<16xi32>, vector<16xi32>], vector<16xf32>,
        %mul3A_633 = arith.mulf %gather3A_631, %gather3A_632 : vector<16xf32>
        %add3A_634 = arith.addf %add3A_615, %mul3A_633 : vector<16xf32>
        %add3A_635 = arith.constant 1 : i32
        %add3A_636 = vector.broadcast %add3A_635 : i32 to vector<16xi32>
        %add3A_637 = arith.addi %select_n3A_624, %add3A_636 : vector<16xi32>
        %eq3A_638 = arith.constant 64 : i32
        %eq3A_639 = vector.broadcast %eq3A_638 : i32 to vector<16xi32>
        %eq3A_640 = arith.cmpi eq, %add3A_637, %eq3A_639 : vector<16xi32>
        %jit3A_641 = arith.constant 0 : i32
        %broadcast_in_dim3A_642 = vector.broadcast %jit3A_641 : i32 to vector<16xi32>
        %select_n3A_643 = arith.select %eq3A_640, %broadcast_in_dim3A_642, %add3A_637 : vector<16xi1>, vector<16xi32>
        %scan3A_644 = arith.constant 10 : i32
        %scan3A_645 = arith.addi %scan3A_456, %scan3A_644 : i32
        %gather3A_646 = tpu.vector_load_idx %arg11[%add3A_444, %select_n3A_643] : memref<64x64xf32, #tpu.memory_space<vmem>>[vector<16xi32>, vector<16xi32>], vector<16xf32>,
        %gather3A_647 = tpu.vector_load_idx %arg12[%add3A_444, %select_n3A_643] : memref<64x64xf32, #tpu.memory_space<vmem>>[vector<16xi32>, vector<16xi32>], vector<16xf32>,
        %mul3A_648 = arith.mulf %gather3A_646, %gather3A_647 : vector<16xf32>
        %add3A_649 = arith.addf %add3A_630, %mul3A_648 : vector<16xf32>
        %gather3A_650 = tpu.vector_load_idx %arg13[%add3A_444, %select_n3A_643] : memref<64x64xf32, #tpu.memory_space<vmem>>[vector<16xi32>, vector<16xi32>], vector<16xf32>,
        %gather3A_651 = tpu.vector_load_idx %arg14[%add3A_444, %select_n3A_643] : memref<64x64xf32, #tpu.memory_space<vmem>>[vector<16xi32>, vector<16xi32>], vector<16xf32>,
        %mul3A_652 = arith.mulf %gather3A_650, %gather3A_651 : vector<16xf32>
        %add3A_653 = arith.addf %add3A_634, %mul3A_652 : vector<16xf32>
        %add3A_654 = arith.constant 1 : i32
        %add3A_655 = vector.broadcast %add3A_654 : i32 to vector<16xi32>
        %add3A_656 = arith.addi %select_n3A_643, %add3A_655 : vector<16xi32>
        %eq3A_657 = arith.constant 64 : i32
        %eq3A_658 = vector.broadcast %eq3A_657 : i32 to vector<16xi32>
        %eq3A_659 = arith.cmpi eq, %add3A_656, %eq3A_658 : vector<16xi32>
        %jit3A_660 = arith.constant 0 : i32
        %broadcast_in_dim3A_661 = vector.broadcast %jit3A_660 : i32 to vector<16xi32>
        %select_n3A_662 = arith.select %eq3A_659, %broadcast_in_dim3A_661, %add3A_656 : vector<16xi1>, vector<16xi32>
        %scan3A_663 = arith.constant 11 : i32
        %scan3A_664 = arith.addi %scan3A_456, %scan3A_663 : i32
        %gather3A_665 = tpu.vector_load_idx %arg11[%add3A_444, %select_n3A_662] : memref<64x64xf32, #tpu.memory_space<vmem>>[vector<16xi32>, vector<16xi32>], vector<16xf32>,
        %gather3A_666 = tpu.vector_load_idx %arg12[%add3A_444, %select_n3A_662] : memref<64x64xf32, #tpu.memory_space<vmem>>[vector<16xi32>, vector<16xi32>], vector<16xf32>,
        %mul3A_667 = arith.mulf %gather3A_665, %gather3A_666 : vector<16xf32>
        %add3A_668 = arith.addf %add3A_649, %mul3A_667 : vector<16xf32>
        %gather3A_669 = tpu.vector_load_idx %arg13[%add3A_444, %select_n3A_662] : memref<64x64xf32, #tpu.memory_space<vmem>>[vector<16xi32>, vector<16xi32>], vector<16xf32>,
        %gather3A_670 = tpu.vector_load_idx %arg14[%add3A_444, %select_n3A_662] : memref<64x64xf32, #tpu.memory_space<vmem>>[vector<16xi32>, vector<16xi32>], vector<16xf32>,
        %mul3A_671 = arith.mulf %gather3A_669, %gather3A_670 : vector<16xf32>
        %add3A_672 = arith.addf %add3A_653, %mul3A_671 : vector<16xf32>
        %add3A_673 = arith.constant 1 : i32
        %add3A_674 = vector.broadcast %add3A_673 : i32 to vector<16xi32>
        %add3A_675 = arith.addi %select_n3A_662, %add3A_674 : vector<16xi32>
        %eq3A_676 = arith.constant 64 : i32
        %eq3A_677 = vector.broadcast %eq3A_676 : i32 to vector<16xi32>
        %eq3A_678 = arith.cmpi eq, %add3A_675, %eq3A_677 : vector<16xi32>
        %jit3A_679 = arith.constant 0 : i32
        %broadcast_in_dim3A_680 = vector.broadcast %jit3A_679 : i32 to vector<16xi32>
        %select_n3A_681 = arith.select %eq3A_678, %broadcast_in_dim3A_680, %add3A_675 : vector<16xi1>, vector<16xi32>
        %scan3A_682 = arith.constant 12 : i32
        %scan3A_683 = arith.addi %scan3A_456, %scan3A_682 : i32
        %gather3A_684 = tpu.vector_load_idx %arg11[%add3A_444, %select_n3A_681] : memref<64x64xf32, #tpu.memory_space<vmem>>[vector<16xi32>, vector<16xi32>], vector<16xf32>,
        %gather3A_685 = tpu.vector_load_idx %arg12[%add3A_444, %select_n3A_681] : memref<64x64xf32, #tpu.memory_space<vmem>>[vector<16xi32>, vector<16xi32>], vector<16xf32>,
        %mul3A_686 = arith.mulf %gather3A_684, %gather3A_685 : vector<16xf32>
        %add3A_687 = arith.addf %add3A_668, %mul3A_686 : vector<16xf32>
        %gather3A_688 = tpu.vector_load_idx %arg13[%add3A_444, %select_n3A_681] : memref<64x64xf32, #tpu.memory_space<vmem>>[vector<16xi32>, vector<16xi32>], vector<16xf32>,
        %gather3A_689 = tpu.vector_load_idx %arg14[%add3A_444, %select_n3A_681] : memref<64x64xf32, #tpu.memory_space<vmem>>[vector<16xi32>, vector<16xi32>], vector<16xf32>,
        %mul3A_690 = arith.mulf %gather3A_688, %gather3A_689 : vector<16xf32>
        %add3A_691 = arith.addf %add3A_672, %mul3A_690 : vector<16xf32>
        %add3A_692 = arith.constant 1 : i32
        %add3A_693 = vector.broadcast %add3A_692 : i32 to vector<16xi32>
        %add3A_694 = arith.addi %select_n3A_681, %add3A_693 : vector<16xi32>
        %eq3A_695 = arith.constant 64 : i32
        %eq3A_696 = vector.broadcast %eq3A_695 : i32 to vector<16xi32>
        %eq3A_697 = arith.cmpi eq, %add3A_694, %eq3A_696 : vector<16xi32>
        %jit3A_698 = arith.constant 0 : i32
        %broadcast_in_dim3A_699 = vector.broadcast %jit3A_698 : i32 to vector<16xi32>
        %select_n3A_700 = arith.select %eq3A_697, %broadcast_in_dim3A_699, %add3A_694 : vector<16xi1>, vector<16xi32>
        %scan3A_701 = arith.constant 13 : i32
        %scan3A_702 = arith.addi %scan3A_456, %scan3A_701 : i32
        %gather3A_703 = tpu.vector_load_idx %arg11[%add3A_444, %select_n3A_700] : memref<64x64xf32, #tpu.memory_space<vmem>>[vector<16xi32>, vector<16xi32>], vector<16xf32>,
        %gather3A_704 = tpu.vector_load_idx %arg12[%add3A_444, %select_n3A_700] : memref<64x64xf32, #tpu.memory_space<vmem>>[vector<16xi32>, vector<16xi32>], vector<16xf32>,
        %mul3A_705 = arith.mulf %gather3A_703, %gather3A_704 : vector<16xf32>
        %add3A_706 = arith.addf %add3A_687, %mul3A_705 : vector<16xf32>
        %gather3A_707 = tpu.vector_load_idx %arg13[%add3A_444, %select_n3A_700] : memref<64x64xf32, #tpu.memory_space<vmem>>[vector<16xi32>, vector<16xi32>], vector<16xf32>,
        %gather3A_708 = tpu.vector_load_idx %arg14[%add3A_444, %select_n3A_700] : memref<64x64xf32, #tpu.memory_space<vmem>>[vector<16xi32>, vector<16xi32>], vector<16xf32>,
        %mul3A_709 = arith.mulf %gather3A_707, %gather3A_708 : vector<16xf32>
        %add3A_710 = arith.addf %add3A_691, %mul3A_709 : vector<16xf32>
        %add3A_711 = arith.constant 1 : i32
        %add3A_712 = vector.broadcast %add3A_711 : i32 to vector<16xi32>
        %add3A_713 = arith.addi %select_n3A_700, %add3A_712 : vector<16xi32>
        %eq3A_714 = arith.constant 64 : i32
        %eq3A_715 = vector.broadcast %eq3A_714 : i32 to vector<16xi32>
        %eq3A_716 = arith.cmpi eq, %add3A_713, %eq3A_715 : vector<16xi32>
        %jit3A_717 = arith.constant 0 : i32
        %broadcast_in_dim3A_718 = vector.broadcast %jit3A_717 : i32 to vector<16xi32>
        %select_n3A_719 = arith.select %eq3A_716, %broadcast_in_dim3A_718, %add3A_713 : vector<16xi1>, vector<16xi32>
        %scan3A_720 = arith.constant 14 : i32
        %scan3A_721 = arith.addi %scan3A_456, %scan3A_720 : i32
        %gather3A_722 = tpu.vector_load_idx %arg11[%add3A_444, %select_n3A_719] : memref<64x64xf32, #tpu.memory_space<vmem>>[vector<16xi32>, vector<16xi32>], vector<16xf32>,
        %gather3A_723 = tpu.vector_load_idx %arg12[%add3A_444, %select_n3A_719] : memref<64x64xf32, #tpu.memory_space<vmem>>[vector<16xi32>, vector<16xi32>], vector<16xf32>,
        %mul3A_724 = arith.mulf %gather3A_722, %gather3A_723 : vector<16xf32>
        %add3A_725 = arith.addf %add3A_706, %mul3A_724 : vector<16xf32>
        %gather3A_726 = tpu.vector_load_idx %arg13[%add3A_444, %select_n3A_719] : memref<64x64xf32, #tpu.memory_space<vmem>>[vector<16xi32>, vector<16xi32>], vector<16xf32>,
        %gather3A_727 = tpu.vector_load_idx %arg14[%add3A_444, %select_n3A_719] : memref<64x64xf32, #tpu.memory_space<vmem>>[vector<16xi32>, vector<16xi32>], vector<16xf32>,
        %mul3A_728 = arith.mulf %gather3A_726, %gather3A_727 : vector<16xf32>
        %add3A_729 = arith.addf %add3A_710, %mul3A_728 : vector<16xf32>
        %add3A_730 = arith.constant 1 : i32
        %add3A_731 = vector.broadcast %add3A_730 : i32 to vector<16xi32>
        %add3A_732 = arith.addi %select_n3A_719, %add3A_731 : vector<16xi32>
        %eq3A_733 = arith.constant 64 : i32
        %eq3A_734 = vector.broadcast %eq3A_733 : i32 to vector<16xi32>
        %eq3A_735 = arith.cmpi eq, %add3A_732, %eq3A_734 : vector<16xi32>
        %jit3A_736 = arith.constant 0 : i32
        %broadcast_in_dim3A_737 = vector.broadcast %jit3A_736 : i32 to vector<16xi32>
        %select_n3A_738 = arith.select %eq3A_735, %broadcast_in_dim3A_737, %add3A_732 : vector<16xi1>, vector<16xi32>
        %scan3A_739 = arith.constant 15 : i32
        %scan3A_740 = arith.addi %scan3A_456, %scan3A_739 : i32
        %gather3A_741 = tpu.vector_load_idx %arg11[%add3A_444, %select_n3A_738] : memref<64x64xf32, #tpu.memory_space<vmem>>[vector<16xi32>, vector<16xi32>], vector<16xf32>,
        %gather3A_742 = tpu.vector_load_idx %arg12[%add3A_444, %select_n3A_738] : memref<64x64xf32, #tpu.memory_space<vmem>>[vector<16xi32>, vector<16xi32>], vector<16xf32>,
        %mul3A_743 = arith.mulf %gather3A_741, %gather3A_742 : vector<16xf32>
        %add3A_744 = arith.addf %add3A_725, %mul3A_743 : vector<16xf32>
        %gather3A_745 = tpu.vector_load_idx %arg13[%add3A_444, %select_n3A_738] : memref<64x64xf32, #tpu.memory_space<vmem>>[vector<16xi32>, vector<16xi32>], vector<16xf32>,
        %gather3A_746 = tpu.vector_load_idx %arg14[%add3A_444, %select_n3A_738] : memref<64x64xf32, #tpu.memory_space<vmem>>[vector<16xi32>, vector<16xi32>], vector<16xf32>,
        %mul3A_747 = arith.mulf %gather3A_745, %gather3A_746 : vector<16xf32>
        %add3A_748 = arith.addf %add3A_729, %mul3A_747 : vector<16xf32>
        %add3A_749 = arith.constant 1 : i32
        %add3A_750 = vector.broadcast %add3A_749 : i32 to vector<16xi32>
        %add3A_751 = arith.addi %select_n3A_738, %add3A_750 : vector<16xi32>
        %eq3A_752 = arith.constant 64 : i32
        %eq3A_753 = vector.broadcast %eq3A_752 : i32 to vector<16xi32>
        %eq3A_754 = arith.cmpi eq, %add3A_751, %eq3A_753 : vector<16xi32>
        %jit3A_755 = arith.constant 0 : i32
        %broadcast_in_dim3A_756 = vector.broadcast %jit3A_755 : i32 to vector<16xi32>
        %select_n3A_757 = arith.select %eq3A_754, %broadcast_in_dim3A_756, %add3A_751 : vector<16xi1>, vector<16xi32>
        scf.yield %add3A_744, %add3A_748, %select_n3A_757 : vector<16xf32>, vector<16xf32>, vector<16xi32>
      }
      %scan3A_451 = arith.constant 64 : i32
      %add3A_452 = arith.addf %scan3A_450#0, %scan3A_450#1 : vector<16xf32>
      %mul3A_453 = arith.constant 16 : i32
      %mul3A_454 = arith.muli %scan3A_440, %mul3A_453 : i32
      %swap3A = arith.index_cast %mul3A_454 : i32 to index
      %swap3A_455 = tpu.vector_load %arg16[%swap3A] {strides = array<i32>} : memref<64xf32, #tpu.memory_space<vmem>>, vector<16xf32>,
      tpu.vector_store %arg16[%swap3A], %add3A_452 {strides = array<i32>} : memref<64xf32, #tpu.memory_space<vmem>>, vector<16xf32>,
    }
    %scan3A_331 = arith.constant 4 : i32
    %add3A_332 = arith.constant 320 : i32
    %add3A_333 = arith.addi %mul3A_2, %add3A_332 : i32
    %dma_wait3A_334 = arith.constant 0 : i32
    %dma_wait3A_335 = tpu.memref_slice %arg6[%dma_wait3A_334] : memref<16384xf32, #tpu.memory_space<hbm>> -> memref<64xf32, #tpu.memory_space<hbm>>
    %dma_wait3A_336 = arith.constant 0 : i32
    %dma_wait3A_337 = tpu.memref_slice %arg6[%dma_wait3A_336] : memref<16384xf32, #tpu.memory_space<hbm>> -> memref<64xf32, #tpu.memory_space<hbm>>
    tpu.wait_dma2 semaphore(%arg18 : memref<!tpu.dma_semaphore, #tpu.memory_space<semaphore_mem>>) src(%arg15 : memref<64xf32, #tpu.memory_space<vmem>>) dst(%dma_wait3A_337 : memref<64xf32, #tpu.memory_space<hbm>>)
    %dma_start3A_338 = tpu.memref_slice %arg6[%add3A_333] : memref<16384xf32, #tpu.memory_space<hbm>> -> memref<64xf32, #tpu.memory_space<hbm>>
    %dma_start3A_339 = tpu.memref_slice %arg6[%add3A_333] : memref<16384xf32, #tpu.memory_space<hbm>> -> memref<64xf32, #tpu.memory_space<hbm>>
    tpu.enqueue_dma source(%arg16 : memref<64xf32, #tpu.memory_space<vmem>>) target(%dma_start3A_339 : memref<64xf32, #tpu.memory_space<hbm>>) target_semaphore(%arg18 : memref<!tpu.dma_semaphore, #tpu.memory_space<semaphore_mem>>)
    %dma_wait3A_340 = arith.constant 0 : i32
    %dma_wait3A_341 = arith.constant 0 : i32
    %dma_wait3A_342 = tpu.memref_slice %arg2[%dma_wait3A_340, %dma_wait3A_341] : memref<16384x64xf32, #tpu.memory_space<hbm>> -> memref<64x64xf32, #tpu.memory_space<hbm>>
    %dma_wait3A_343 = arith.constant 0 : i32
    %dma_wait3A_344 = arith.constant 0 : i32
    %dma_wait3A_345 = tpu.memref_slice %arg2[%dma_wait3A_343, %dma_wait3A_344] : memref<16384x64xf32, #tpu.memory_space<hbm>> -> memref<64x64xf32, #tpu.memory_space<hbm>>
    tpu.wait_dma2 semaphore(%arg17 : memref<!tpu.dma_semaphore, #tpu.memory_space<semaphore_mem>>) src(%dma_wait3A_345 : memref<64x64xf32, #tpu.memory_space<hbm>>) dst(%arg7 : memref<64x64xf32, #tpu.memory_space<vmem>>)
    %dma_wait3A_346 = arith.constant 0 : i32
    %dma_wait3A_347 = arith.constant 0 : i32
    %dma_wait3A_348 = tpu.memref_slice %arg3[%dma_wait3A_346, %dma_wait3A_347] : memref<16384x64xf32, #tpu.memory_space<hbm>> -> memref<64x64xf32, #tpu.memory_space<hbm>>
    %dma_wait3A_349 = arith.constant 0 : i32
    %dma_wait3A_350 = arith.constant 0 : i32
    %dma_wait3A_351 = tpu.memref_slice %arg3[%dma_wait3A_349, %dma_wait3A_350] : memref<16384x64xf32, #tpu.memory_space<hbm>> -> memref<64x64xf32, #tpu.memory_space<hbm>>
    tpu.wait_dma2 semaphore(%arg17 : memref<!tpu.dma_semaphore, #tpu.memory_space<semaphore_mem>>) src(%dma_wait3A_351 : memref<64x64xf32, #tpu.memory_space<hbm>>) dst(%arg8 : memref<64x64xf32, #tpu.memory_space<vmem>>)
    %dma_wait3A_352 = arith.constant 0 : i32
    %dma_wait3A_353 = arith.constant 0 : i32
    %dma_wait3A_354 = tpu.memref_slice %arg4[%dma_wait3A_352, %dma_wait3A_353] : memref<16384x64xf32, #tpu.memory_space<hbm>> -> memref<64x64xf32, #tpu.memory_space<hbm>>
    %dma_wait3A_355 = arith.constant 0 : i32
    %dma_wait3A_356 = arith.constant 0 : i32
    %dma_wait3A_357 = tpu.memref_slice %arg4[%dma_wait3A_355, %dma_wait3A_356] : memref<16384x64xf32, #tpu.memory_space<hbm>> -> memref<64x64xf32, #tpu.memory_space<hbm>>
    tpu.wait_dma2 semaphore(%arg17 : memref<!tpu.dma_semaphore, #tpu.memory_space<semaphore_mem>>) src(%dma_wait3A_357 : memref<64x64xf32, #tpu.memory_space<hbm>>) dst(%arg9 : memref<64x64xf32, #tpu.memory_space<vmem>>)
    %dma_wait3A_358 = arith.constant 0 : i32
    %dma_wait3A_359 = arith.constant 0 : i32
    %dma_wait3A_360 = tpu.memref_slice %arg5[%dma_wait3A_358, %dma_wait3A_359] : memref<16384x64xf32, #tpu.memory_space<hbm>> -> memref<64x64xf32, #tpu.memory_space<hbm>>
    %dma_wait3A_361 = arith.constant 0 : i32
    %dma_wait3A_362 = arith.constant 0 : i32
    %dma_wait3A_363 = tpu.memref_slice %arg5[%dma_wait3A_361, %dma_wait3A_362] : memref<16384x64xf32, #tpu.memory_space<hbm>> -> memref<64x64xf32, #tpu.memory_space<hbm>>
    tpu.wait_dma2 semaphore(%arg17 : memref<!tpu.dma_semaphore, #tpu.memory_space<semaphore_mem>>) src(%dma_wait3A_363 : memref<64x64xf32, #tpu.memory_space<hbm>>) dst(%arg10 : memref<64x64xf32, #tpu.memory_space<vmem>>)
    %add3A_364 = arith.constant 448 : i32
    %add3A_365 = arith.addi %mul3A_2, %add3A_364 : i32
    %dma_start3A_366 = arith.constant 0 : i32
    %dma_start3A_367 = tpu.memref_slice %arg2[%add3A_365, %dma_start3A_366] : memref<16384x64xf32, #tpu.memory_space<hbm>> -> memref<64x64xf32, #tpu.memory_space<hbm>>
    %dma_start3A_368 = arith.constant 0 : i32
    %dma_start3A_369 = tpu.memref_slice %arg2[%add3A_365, %dma_start3A_368] : memref<16384x64xf32, #tpu.memory_space<hbm>> -> memref<64x64xf32, #tpu.memory_space<hbm>>
    tpu.enqueue_dma source(%dma_start3A_369 : memref<64x64xf32, #tpu.memory_space<hbm>>) target(%arg11 : memref<64x64xf32, #tpu.memory_space<vmem>>) target_semaphore(%arg17 : memref<!tpu.dma_semaphore, #tpu.memory_space<semaphore_mem>>)
    %dma_start3A_370 = arith.constant 0 : i32
    %dma_start3A_371 = tpu.memref_slice %arg3[%add3A_365, %dma_start3A_370] : memref<16384x64xf32, #tpu.memory_space<hbm>> -> memref<64x64xf32, #tpu.memory_space<hbm>>
    %dma_start3A_372 = arith.constant 0 : i32
    %dma_start3A_373 = tpu.memref_slice %arg3[%add3A_365, %dma_start3A_372] : memref<16384x64xf32, #tpu.memory_space<hbm>> -> memref<64x64xf32, #tpu.memory_space<hbm>>
    tpu.enqueue_dma source(%dma_start3A_373 : memref<64x64xf32, #tpu.memory_space<hbm>>) target(%arg12 : memref<64x64xf32, #tpu.memory_space<vmem>>) target_semaphore(%arg17 : memref<!tpu.dma_semaphore, #tpu.memory_space<semaphore_mem>>)
    %dma_start3A_374 = arith.constant 0 : i32
    %dma_start3A_375 = tpu.memref_slice %arg4[%add3A_365, %dma_start3A_374] : memref<16384x64xf32, #tpu.memory_space<hbm>> -> memref<64x64xf32, #tpu.memory_space<hbm>>
    %dma_start3A_376 = arith.constant 0 : i32
    %dma_start3A_377 = tpu.memref_slice %arg4[%add3A_365, %dma_start3A_376] : memref<16384x64xf32, #tpu.memory_space<hbm>> -> memref<64x64xf32, #tpu.memory_space<hbm>>
    tpu.enqueue_dma source(%dma_start3A_377 : memref<64x64xf32, #tpu.memory_space<hbm>>) target(%arg13 : memref<64x64xf32, #tpu.memory_space<vmem>>) target_semaphore(%arg17 : memref<!tpu.dma_semaphore, #tpu.memory_space<semaphore_mem>>)
    %dma_start3A_378 = arith.constant 0 : i32
    %dma_start3A_379 = tpu.memref_slice %arg5[%add3A_365, %dma_start3A_378] : memref<16384x64xf32, #tpu.memory_space<hbm>> -> memref<64x64xf32, #tpu.memory_space<hbm>>
    %dma_start3A_380 = arith.constant 0 : i32
    %dma_start3A_381 = tpu.memref_slice %arg5[%add3A_365, %dma_start3A_380] : memref<16384x64xf32, #tpu.memory_space<hbm>> -> memref<64x64xf32, #tpu.memory_space<hbm>>
    tpu.enqueue_dma source(%dma_start3A_381 : memref<64x64xf32, #tpu.memory_space<hbm>>) target(%arg14 : memref<64x64xf32, #tpu.memory_space<vmem>>) target_semaphore(%arg17 : memref<!tpu.dma_semaphore, #tpu.memory_space<semaphore_mem>>)
    %scan3A_382 = arith.constant 0 : i32
    %scan3A_383 = arith.constant 4 : i32
    %scan3A_384 = arith.addi %scan3A_382, %scan3A_383 : i32
    %scan3A_385 = arith.constant 1 : i32
    scf.for %scan3A_440 = %scan3A_382 to %scan3A_384 step %scan3A_385  : i32 {
      %mul3A_441 = arith.constant 16 : i32
      %mul3A_442 = arith.muli %scan3A_440, %mul3A_441 : i32
      %add3A_443 = vector.broadcast %mul3A_442 : i32 to vector<16xi32>
      %add3A_444 = arith.addi %add3A_443, %iota3A : vector<16xi32>
      %broadcast_in_dim3A = arith.constant 0.000000e+00 : f32
      %broadcast_in_dim3A_445 = vector.broadcast %broadcast_in_dim3A : f32 to vector<16xf32>
      %scan3A_446 = arith.constant 0 : i32
      %scan3A_447 = arith.constant 64 : i32
      %scan3A_448 = arith.addi %scan3A_446, %scan3A_447 : i32
      %scan3A_449 = arith.constant 16 : i32
      %scan3A_450:3 = scf.for %scan3A_456 = %scan3A_446 to %scan3A_448 step %scan3A_449 iter_args(%scan3A_457 = %broadcast_in_dim3A_445, %scan3A_458 = %broadcast_in_dim3A_445, %scan3A_459 = %iota3A) -> (vector<16xf32>, vector<16xf32>, vector<16xi32>)  : i32 {
        %gather3A = tpu.vector_load_idx %arg7[%add3A_444, %scan3A_459] : memref<64x64xf32, #tpu.memory_space<vmem>>[vector<16xi32>, vector<16xi32>], vector<16xf32>,
        %gather3A_460 = tpu.vector_load_idx %arg8[%add3A_444, %scan3A_459] : memref<64x64xf32, #tpu.memory_space<vmem>>[vector<16xi32>, vector<16xi32>], vector<16xf32>,
        %mul3A_461 = arith.mulf %gather3A, %gather3A_460 : vector<16xf32>
        %add3A_462 = arith.addf %scan3A_457, %mul3A_461 : vector<16xf32>
        %gather3A_463 = tpu.vector_load_idx %arg9[%add3A_444, %scan3A_459] : memref<64x64xf32, #tpu.memory_space<vmem>>[vector<16xi32>, vector<16xi32>], vector<16xf32>,
        %gather3A_464 = tpu.vector_load_idx %arg10[%add3A_444, %scan3A_459] : memref<64x64xf32, #tpu.memory_space<vmem>>[vector<16xi32>, vector<16xi32>], vector<16xf32>,
        %mul3A_465 = arith.mulf %gather3A_463, %gather3A_464 : vector<16xf32>
        %add3A_466 = arith.addf %scan3A_458, %mul3A_465 : vector<16xf32>
        %add3A_467 = arith.constant 1 : i32
        %add3A_468 = vector.broadcast %add3A_467 : i32 to vector<16xi32>
        %add3A_469 = arith.addi %scan3A_459, %add3A_468 : vector<16xi32>
        %eq3A = arith.constant 64 : i32
        %eq3A_470 = vector.broadcast %eq3A : i32 to vector<16xi32>
        %eq3A_471 = arith.cmpi eq, %add3A_469, %eq3A_470 : vector<16xi32>
        %jit3A = arith.constant 0 : i32
        %broadcast_in_dim3A_472 = vector.broadcast %jit3A : i32 to vector<16xi32>
        %select_n3A = arith.select %eq3A_471, %broadcast_in_dim3A_472, %add3A_469 : vector<16xi1>, vector<16xi32>
        %scan3A_473 = arith.constant 1 : i32
        %scan3A_474 = arith.addi %scan3A_456, %scan3A_473 : i32
        %gather3A_475 = tpu.vector_load_idx %arg7[%add3A_444, %select_n3A] : memref<64x64xf32, #tpu.memory_space<vmem>>[vector<16xi32>, vector<16xi32>], vector<16xf32>,
        %gather3A_476 = tpu.vector_load_idx %arg8[%add3A_444, %select_n3A] : memref<64x64xf32, #tpu.memory_space<vmem>>[vector<16xi32>, vector<16xi32>], vector<16xf32>,
        %mul3A_477 = arith.mulf %gather3A_475, %gather3A_476 : vector<16xf32>
        %add3A_478 = arith.addf %add3A_462, %mul3A_477 : vector<16xf32>
        %gather3A_479 = tpu.vector_load_idx %arg9[%add3A_444, %select_n3A] : memref<64x64xf32, #tpu.memory_space<vmem>>[vector<16xi32>, vector<16xi32>], vector<16xf32>,
        %gather3A_480 = tpu.vector_load_idx %arg10[%add3A_444, %select_n3A] : memref<64x64xf32, #tpu.memory_space<vmem>>[vector<16xi32>, vector<16xi32>], vector<16xf32>,
        %mul3A_481 = arith.mulf %gather3A_479, %gather3A_480 : vector<16xf32>
        %add3A_482 = arith.addf %add3A_466, %mul3A_481 : vector<16xf32>
        %add3A_483 = arith.constant 1 : i32
        %add3A_484 = vector.broadcast %add3A_483 : i32 to vector<16xi32>
        %add3A_485 = arith.addi %select_n3A, %add3A_484 : vector<16xi32>
        %eq3A_486 = arith.constant 64 : i32
        %eq3A_487 = vector.broadcast %eq3A_486 : i32 to vector<16xi32>
        %eq3A_488 = arith.cmpi eq, %add3A_485, %eq3A_487 : vector<16xi32>
        %jit3A_489 = arith.constant 0 : i32
        %broadcast_in_dim3A_490 = vector.broadcast %jit3A_489 : i32 to vector<16xi32>
        %select_n3A_491 = arith.select %eq3A_488, %broadcast_in_dim3A_490, %add3A_485 : vector<16xi1>, vector<16xi32>
        %scan3A_492 = arith.constant 2 : i32
        %scan3A_493 = arith.addi %scan3A_456, %scan3A_492 : i32
        %gather3A_494 = tpu.vector_load_idx %arg7[%add3A_444, %select_n3A_491] : memref<64x64xf32, #tpu.memory_space<vmem>>[vector<16xi32>, vector<16xi32>], vector<16xf32>,
        %gather3A_495 = tpu.vector_load_idx %arg8[%add3A_444, %select_n3A_491] : memref<64x64xf32, #tpu.memory_space<vmem>>[vector<16xi32>, vector<16xi32>], vector<16xf32>,
        %mul3A_496 = arith.mulf %gather3A_494, %gather3A_495 : vector<16xf32>
        %add3A_497 = arith.addf %add3A_478, %mul3A_496 : vector<16xf32>
        %gather3A_498 = tpu.vector_load_idx %arg9[%add3A_444, %select_n3A_491] : memref<64x64xf32, #tpu.memory_space<vmem>>[vector<16xi32>, vector<16xi32>], vector<16xf32>,
        %gather3A_499 = tpu.vector_load_idx %arg10[%add3A_444, %select_n3A_491] : memref<64x64xf32, #tpu.memory_space<vmem>>[vector<16xi32>, vector<16xi32>], vector<16xf32>,
        %mul3A_500 = arith.mulf %gather3A_498, %gather3A_499 : vector<16xf32>
        %add3A_501 = arith.addf %add3A_482, %mul3A_500 : vector<16xf32>
        %add3A_502 = arith.constant 1 : i32
        %add3A_503 = vector.broadcast %add3A_502 : i32 to vector<16xi32>
        %add3A_504 = arith.addi %select_n3A_491, %add3A_503 : vector<16xi32>
        %eq3A_505 = arith.constant 64 : i32
        %eq3A_506 = vector.broadcast %eq3A_505 : i32 to vector<16xi32>
        %eq3A_507 = arith.cmpi eq, %add3A_504, %eq3A_506 : vector<16xi32>
        %jit3A_508 = arith.constant 0 : i32
        %broadcast_in_dim3A_509 = vector.broadcast %jit3A_508 : i32 to vector<16xi32>
        %select_n3A_510 = arith.select %eq3A_507, %broadcast_in_dim3A_509, %add3A_504 : vector<16xi1>, vector<16xi32>
        %scan3A_511 = arith.constant 3 : i32
        %scan3A_512 = arith.addi %scan3A_456, %scan3A_511 : i32
        %gather3A_513 = tpu.vector_load_idx %arg7[%add3A_444, %select_n3A_510] : memref<64x64xf32, #tpu.memory_space<vmem>>[vector<16xi32>, vector<16xi32>], vector<16xf32>,
        %gather3A_514 = tpu.vector_load_idx %arg8[%add3A_444, %select_n3A_510] : memref<64x64xf32, #tpu.memory_space<vmem>>[vector<16xi32>, vector<16xi32>], vector<16xf32>,
        %mul3A_515 = arith.mulf %gather3A_513, %gather3A_514 : vector<16xf32>
        %add3A_516 = arith.addf %add3A_497, %mul3A_515 : vector<16xf32>
        %gather3A_517 = tpu.vector_load_idx %arg9[%add3A_444, %select_n3A_510] : memref<64x64xf32, #tpu.memory_space<vmem>>[vector<16xi32>, vector<16xi32>], vector<16xf32>,
        %gather3A_518 = tpu.vector_load_idx %arg10[%add3A_444, %select_n3A_510] : memref<64x64xf32, #tpu.memory_space<vmem>>[vector<16xi32>, vector<16xi32>], vector<16xf32>,
        %mul3A_519 = arith.mulf %gather3A_517, %gather3A_518 : vector<16xf32>
        %add3A_520 = arith.addf %add3A_501, %mul3A_519 : vector<16xf32>
        %add3A_521 = arith.constant 1 : i32
        %add3A_522 = vector.broadcast %add3A_521 : i32 to vector<16xi32>
        %add3A_523 = arith.addi %select_n3A_510, %add3A_522 : vector<16xi32>
        %eq3A_524 = arith.constant 64 : i32
        %eq3A_525 = vector.broadcast %eq3A_524 : i32 to vector<16xi32>
        %eq3A_526 = arith.cmpi eq, %add3A_523, %eq3A_525 : vector<16xi32>
        %jit3A_527 = arith.constant 0 : i32
        %broadcast_in_dim3A_528 = vector.broadcast %jit3A_527 : i32 to vector<16xi32>
        %select_n3A_529 = arith.select %eq3A_526, %broadcast_in_dim3A_528, %add3A_523 : vector<16xi1>, vector<16xi32>
        %scan3A_530 = arith.constant 4 : i32
        %scan3A_531 = arith.addi %scan3A_456, %scan3A_530 : i32
        %gather3A_532 = tpu.vector_load_idx %arg7[%add3A_444, %select_n3A_529] : memref<64x64xf32, #tpu.memory_space<vmem>>[vector<16xi32>, vector<16xi32>], vector<16xf32>,
        %gather3A_533 = tpu.vector_load_idx %arg8[%add3A_444, %select_n3A_529] : memref<64x64xf32, #tpu.memory_space<vmem>>[vector<16xi32>, vector<16xi32>], vector<16xf32>,
        %mul3A_534 = arith.mulf %gather3A_532, %gather3A_533 : vector<16xf32>
        %add3A_535 = arith.addf %add3A_516, %mul3A_534 : vector<16xf32>
        %gather3A_536 = tpu.vector_load_idx %arg9[%add3A_444, %select_n3A_529] : memref<64x64xf32, #tpu.memory_space<vmem>>[vector<16xi32>, vector<16xi32>], vector<16xf32>,
        %gather3A_537 = tpu.vector_load_idx %arg10[%add3A_444, %select_n3A_529] : memref<64x64xf32, #tpu.memory_space<vmem>>[vector<16xi32>, vector<16xi32>], vector<16xf32>,
        %mul3A_538 = arith.mulf %gather3A_536, %gather3A_537 : vector<16xf32>
        %add3A_539 = arith.addf %add3A_520, %mul3A_538 : vector<16xf32>
        %add3A_540 = arith.constant 1 : i32
        %add3A_541 = vector.broadcast %add3A_540 : i32 to vector<16xi32>
        %add3A_542 = arith.addi %select_n3A_529, %add3A_541 : vector<16xi32>
        %eq3A_543 = arith.constant 64 : i32
        %eq3A_544 = vector.broadcast %eq3A_543 : i32 to vector<16xi32>
        %eq3A_545 = arith.cmpi eq, %add3A_542, %eq3A_544 : vector<16xi32>
        %jit3A_546 = arith.constant 0 : i32
        %broadcast_in_dim3A_547 = vector.broadcast %jit3A_546 : i32 to vector<16xi32>
        %select_n3A_548 = arith.select %eq3A_545, %broadcast_in_dim3A_547, %add3A_542 : vector<16xi1>, vector<16xi32>
        %scan3A_549 = arith.constant 5 : i32
        %scan3A_550 = arith.addi %scan3A_456, %scan3A_549 : i32
        %gather3A_551 = tpu.vector_load_idx %arg7[%add3A_444, %select_n3A_548] : memref<64x64xf32, #tpu.memory_space<vmem>>[vector<16xi32>, vector<16xi32>], vector<16xf32>,
        %gather3A_552 = tpu.vector_load_idx %arg8[%add3A_444, %select_n3A_548] : memref<64x64xf32, #tpu.memory_space<vmem>>[vector<16xi32>, vector<16xi32>], vector<16xf32>,
        %mul3A_553 = arith.mulf %gather3A_551, %gather3A_552 : vector<16xf32>
        %add3A_554 = arith.addf %add3A_535, %mul3A_553 : vector<16xf32>
        %gather3A_555 = tpu.vector_load_idx %arg9[%add3A_444, %select_n3A_548] : memref<64x64xf32, #tpu.memory_space<vmem>>[vector<16xi32>, vector<16xi32>], vector<16xf32>,
        %gather3A_556 = tpu.vector_load_idx %arg10[%add3A_444, %select_n3A_548] : memref<64x64xf32, #tpu.memory_space<vmem>>[vector<16xi32>, vector<16xi32>], vector<16xf32>,
        %mul3A_557 = arith.mulf %gather3A_555, %gather3A_556 : vector<16xf32>
        %add3A_558 = arith.addf %add3A_539, %mul3A_557 : vector<16xf32>
        %add3A_559 = arith.constant 1 : i32
        %add3A_560 = vector.broadcast %add3A_559 : i32 to vector<16xi32>
        %add3A_561 = arith.addi %select_n3A_548, %add3A_560 : vector<16xi32>
        %eq3A_562 = arith.constant 64 : i32
        %eq3A_563 = vector.broadcast %eq3A_562 : i32 to vector<16xi32>
        %eq3A_564 = arith.cmpi eq, %add3A_561, %eq3A_563 : vector<16xi32>
        %jit3A_565 = arith.constant 0 : i32
        %broadcast_in_dim3A_566 = vector.broadcast %jit3A_565 : i32 to vector<16xi32>
        %select_n3A_567 = arith.select %eq3A_564, %broadcast_in_dim3A_566, %add3A_561 : vector<16xi1>, vector<16xi32>
        %scan3A_568 = arith.constant 6 : i32
        %scan3A_569 = arith.addi %scan3A_456, %scan3A_568 : i32
        %gather3A_570 = tpu.vector_load_idx %arg7[%add3A_444, %select_n3A_567] : memref<64x64xf32, #tpu.memory_space<vmem>>[vector<16xi32>, vector<16xi32>], vector<16xf32>,
        %gather3A_571 = tpu.vector_load_idx %arg8[%add3A_444, %select_n3A_567] : memref<64x64xf32, #tpu.memory_space<vmem>>[vector<16xi32>, vector<16xi32>], vector<16xf32>,
        %mul3A_572 = arith.mulf %gather3A_570, %gather3A_571 : vector<16xf32>
        %add3A_573 = arith.addf %add3A_554, %mul3A_572 : vector<16xf32>
        %gather3A_574 = tpu.vector_load_idx %arg9[%add3A_444, %select_n3A_567] : memref<64x64xf32, #tpu.memory_space<vmem>>[vector<16xi32>, vector<16xi32>], vector<16xf32>,
        %gather3A_575 = tpu.vector_load_idx %arg10[%add3A_444, %select_n3A_567] : memref<64x64xf32, #tpu.memory_space<vmem>>[vector<16xi32>, vector<16xi32>], vector<16xf32>,
        %mul3A_576 = arith.mulf %gather3A_574, %gather3A_575 : vector<16xf32>
        %add3A_577 = arith.addf %add3A_558, %mul3A_576 : vector<16xf32>
        %add3A_578 = arith.constant 1 : i32
        %add3A_579 = vector.broadcast %add3A_578 : i32 to vector<16xi32>
        %add3A_580 = arith.addi %select_n3A_567, %add3A_579 : vector<16xi32>
        %eq3A_581 = arith.constant 64 : i32
        %eq3A_582 = vector.broadcast %eq3A_581 : i32 to vector<16xi32>
        %eq3A_583 = arith.cmpi eq, %add3A_580, %eq3A_582 : vector<16xi32>
        %jit3A_584 = arith.constant 0 : i32
        %broadcast_in_dim3A_585 = vector.broadcast %jit3A_584 : i32 to vector<16xi32>
        %select_n3A_586 = arith.select %eq3A_583, %broadcast_in_dim3A_585, %add3A_580 : vector<16xi1>, vector<16xi32>
        %scan3A_587 = arith.constant 7 : i32
        %scan3A_588 = arith.addi %scan3A_456, %scan3A_587 : i32
        %gather3A_589 = tpu.vector_load_idx %arg7[%add3A_444, %select_n3A_586] : memref<64x64xf32, #tpu.memory_space<vmem>>[vector<16xi32>, vector<16xi32>], vector<16xf32>,
        %gather3A_590 = tpu.vector_load_idx %arg8[%add3A_444, %select_n3A_586] : memref<64x64xf32, #tpu.memory_space<vmem>>[vector<16xi32>, vector<16xi32>], vector<16xf32>,
        %mul3A_591 = arith.mulf %gather3A_589, %gather3A_590 : vector<16xf32>
        %add3A_592 = arith.addf %add3A_573, %mul3A_591 : vector<16xf32>
        %gather3A_593 = tpu.vector_load_idx %arg9[%add3A_444, %select_n3A_586] : memref<64x64xf32, #tpu.memory_space<vmem>>[vector<16xi32>, vector<16xi32>], vector<16xf32>,
        %gather3A_594 = tpu.vector_load_idx %arg10[%add3A_444, %select_n3A_586] : memref<64x64xf32, #tpu.memory_space<vmem>>[vector<16xi32>, vector<16xi32>], vector<16xf32>,
        %mul3A_595 = arith.mulf %gather3A_593, %gather3A_594 : vector<16xf32>
        %add3A_596 = arith.addf %add3A_577, %mul3A_595 : vector<16xf32>
        %add3A_597 = arith.constant 1 : i32
        %add3A_598 = vector.broadcast %add3A_597 : i32 to vector<16xi32>
        %add3A_599 = arith.addi %select_n3A_586, %add3A_598 : vector<16xi32>
        %eq3A_600 = arith.constant 64 : i32
        %eq3A_601 = vector.broadcast %eq3A_600 : i32 to vector<16xi32>
        %eq3A_602 = arith.cmpi eq, %add3A_599, %eq3A_601 : vector<16xi32>
        %jit3A_603 = arith.constant 0 : i32
        %broadcast_in_dim3A_604 = vector.broadcast %jit3A_603 : i32 to vector<16xi32>
        %select_n3A_605 = arith.select %eq3A_602, %broadcast_in_dim3A_604, %add3A_599 : vector<16xi1>, vector<16xi32>
        %scan3A_606 = arith.constant 8 : i32
        %scan3A_607 = arith.addi %scan3A_456, %scan3A_606 : i32
        %gather3A_608 = tpu.vector_load_idx %arg7[%add3A_444, %select_n3A_605] : memref<64x64xf32, #tpu.memory_space<vmem>>[vector<16xi32>, vector<16xi32>], vector<16xf32>,
        %gather3A_609 = tpu.vector_load_idx %arg8[%add3A_444, %select_n3A_605] : memref<64x64xf32, #tpu.memory_space<vmem>>[vector<16xi32>, vector<16xi32>], vector<16xf32>,
        %mul3A_610 = arith.mulf %gather3A_608, %gather3A_609 : vector<16xf32>
        %add3A_611 = arith.addf %add3A_592, %mul3A_610 : vector<16xf32>
        %gather3A_612 = tpu.vector_load_idx %arg9[%add3A_444, %select_n3A_605] : memref<64x64xf32, #tpu.memory_space<vmem>>[vector<16xi32>, vector<16xi32>], vector<16xf32>,
        %gather3A_613 = tpu.vector_load_idx %arg10[%add3A_444, %select_n3A_605] : memref<64x64xf32, #tpu.memory_space<vmem>>[vector<16xi32>, vector<16xi32>], vector<16xf32>,
        %mul3A_614 = arith.mulf %gather3A_612, %gather3A_613 : vector<16xf32>
        %add3A_615 = arith.addf %add3A_596, %mul3A_614 : vector<16xf32>
        %add3A_616 = arith.constant 1 : i32
        %add3A_617 = vector.broadcast %add3A_616 : i32 to vector<16xi32>
        %add3A_618 = arith.addi %select_n3A_605, %add3A_617 : vector<16xi32>
        %eq3A_619 = arith.constant 64 : i32
        %eq3A_620 = vector.broadcast %eq3A_619 : i32 to vector<16xi32>
        %eq3A_621 = arith.cmpi eq, %add3A_618, %eq3A_620 : vector<16xi32>
        %jit3A_622 = arith.constant 0 : i32
        %broadcast_in_dim3A_623 = vector.broadcast %jit3A_622 : i32 to vector<16xi32>
        %select_n3A_624 = arith.select %eq3A_621, %broadcast_in_dim3A_623, %add3A_618 : vector<16xi1>, vector<16xi32>
        %scan3A_625 = arith.constant 9 : i32
        %scan3A_626 = arith.addi %scan3A_456, %scan3A_625 : i32
        %gather3A_627 = tpu.vector_load_idx %arg7[%add3A_444, %select_n3A_624] : memref<64x64xf32, #tpu.memory_space<vmem>>[vector<16xi32>, vector<16xi32>], vector<16xf32>,
        %gather3A_628 = tpu.vector_load_idx %arg8[%add3A_444, %select_n3A_624] : memref<64x64xf32, #tpu.memory_space<vmem>>[vector<16xi32>, vector<16xi32>], vector<16xf32>,
        %mul3A_629 = arith.mulf %gather3A_627, %gather3A_628 : vector<16xf32>
        %add3A_630 = arith.addf %add3A_611, %mul3A_629 : vector<16xf32>
        %gather3A_631 = tpu.vector_load_idx %arg9[%add3A_444, %select_n3A_624] : memref<64x64xf32, #tpu.memory_space<vmem>>[vector<16xi32>, vector<16xi32>], vector<16xf32>,
        %gather3A_632 = tpu.vector_load_idx %arg10[%add3A_444, %select_n3A_624] : memref<64x64xf32, #tpu.memory_space<vmem>>[vector<16xi32>, vector<16xi32>], vector<16xf32>,
        %mul3A_633 = arith.mulf %gather3A_631, %gather3A_632 : vector<16xf32>
        %add3A_634 = arith.addf %add3A_615, %mul3A_633 : vector<16xf32>
        %add3A_635 = arith.constant 1 : i32
        %add3A_636 = vector.broadcast %add3A_635 : i32 to vector<16xi32>
        %add3A_637 = arith.addi %select_n3A_624, %add3A_636 : vector<16xi32>
        %eq3A_638 = arith.constant 64 : i32
        %eq3A_639 = vector.broadcast %eq3A_638 : i32 to vector<16xi32>
        %eq3A_640 = arith.cmpi eq, %add3A_637, %eq3A_639 : vector<16xi32>
        %jit3A_641 = arith.constant 0 : i32
        %broadcast_in_dim3A_642 = vector.broadcast %jit3A_641 : i32 to vector<16xi32>
        %select_n3A_643 = arith.select %eq3A_640, %broadcast_in_dim3A_642, %add3A_637 : vector<16xi1>, vector<16xi32>
        %scan3A_644 = arith.constant 10 : i32
        %scan3A_645 = arith.addi %scan3A_456, %scan3A_644 : i32
        %gather3A_646 = tpu.vector_load_idx %arg7[%add3A_444, %select_n3A_643] : memref<64x64xf32, #tpu.memory_space<vmem>>[vector<16xi32>, vector<16xi32>], vector<16xf32>,
        %gather3A_647 = tpu.vector_load_idx %arg8[%add3A_444, %select_n3A_643] : memref<64x64xf32, #tpu.memory_space<vmem>>[vector<16xi32>, vector<16xi32>], vector<16xf32>,
        %mul3A_648 = arith.mulf %gather3A_646, %gather3A_647 : vector<16xf32>
        %add3A_649 = arith.addf %add3A_630, %mul3A_648 : vector<16xf32>
        %gather3A_650 = tpu.vector_load_idx %arg9[%add3A_444, %select_n3A_643] : memref<64x64xf32, #tpu.memory_space<vmem>>[vector<16xi32>, vector<16xi32>], vector<16xf32>,
        %gather3A_651 = tpu.vector_load_idx %arg10[%add3A_444, %select_n3A_643] : memref<64x64xf32, #tpu.memory_space<vmem>>[vector<16xi32>, vector<16xi32>], vector<16xf32>,
        %mul3A_652 = arith.mulf %gather3A_650, %gather3A_651 : vector<16xf32>
        %add3A_653 = arith.addf %add3A_634, %mul3A_652 : vector<16xf32>
        %add3A_654 = arith.constant 1 : i32
        %add3A_655 = vector.broadcast %add3A_654 : i32 to vector<16xi32>
        %add3A_656 = arith.addi %select_n3A_643, %add3A_655 : vector<16xi32>
        %eq3A_657 = arith.constant 64 : i32
        %eq3A_658 = vector.broadcast %eq3A_657 : i32 to vector<16xi32>
        %eq3A_659 = arith.cmpi eq, %add3A_656, %eq3A_658 : vector<16xi32>
        %jit3A_660 = arith.constant 0 : i32
        %broadcast_in_dim3A_661 = vector.broadcast %jit3A_660 : i32 to vector<16xi32>
        %select_n3A_662 = arith.select %eq3A_659, %broadcast_in_dim3A_661, %add3A_656 : vector<16xi1>, vector<16xi32>
        %scan3A_663 = arith.constant 11 : i32
        %scan3A_664 = arith.addi %scan3A_456, %scan3A_663 : i32
        %gather3A_665 = tpu.vector_load_idx %arg7[%add3A_444, %select_n3A_662] : memref<64x64xf32, #tpu.memory_space<vmem>>[vector<16xi32>, vector<16xi32>], vector<16xf32>,
        %gather3A_666 = tpu.vector_load_idx %arg8[%add3A_444, %select_n3A_662] : memref<64x64xf32, #tpu.memory_space<vmem>>[vector<16xi32>, vector<16xi32>], vector<16xf32>,
        %mul3A_667 = arith.mulf %gather3A_665, %gather3A_666 : vector<16xf32>
        %add3A_668 = arith.addf %add3A_649, %mul3A_667 : vector<16xf32>
        %gather3A_669 = tpu.vector_load_idx %arg9[%add3A_444, %select_n3A_662] : memref<64x64xf32, #tpu.memory_space<vmem>>[vector<16xi32>, vector<16xi32>], vector<16xf32>,
        %gather3A_670 = tpu.vector_load_idx %arg10[%add3A_444, %select_n3A_662] : memref<64x64xf32, #tpu.memory_space<vmem>>[vector<16xi32>, vector<16xi32>], vector<16xf32>,
        %mul3A_671 = arith.mulf %gather3A_669, %gather3A_670 : vector<16xf32>
        %add3A_672 = arith.addf %add3A_653, %mul3A_671 : vector<16xf32>
        %add3A_673 = arith.constant 1 : i32
        %add3A_674 = vector.broadcast %add3A_673 : i32 to vector<16xi32>
        %add3A_675 = arith.addi %select_n3A_662, %add3A_674 : vector<16xi32>
        %eq3A_676 = arith.constant 64 : i32
        %eq3A_677 = vector.broadcast %eq3A_676 : i32 to vector<16xi32>
        %eq3A_678 = arith.cmpi eq, %add3A_675, %eq3A_677 : vector<16xi32>
        %jit3A_679 = arith.constant 0 : i32
        %broadcast_in_dim3A_680 = vector.broadcast %jit3A_679 : i32 to vector<16xi32>
        %select_n3A_681 = arith.select %eq3A_678, %broadcast_in_dim3A_680, %add3A_675 : vector<16xi1>, vector<16xi32>
        %scan3A_682 = arith.constant 12 : i32
        %scan3A_683 = arith.addi %scan3A_456, %scan3A_682 : i32
        %gather3A_684 = tpu.vector_load_idx %arg7[%add3A_444, %select_n3A_681] : memref<64x64xf32, #tpu.memory_space<vmem>>[vector<16xi32>, vector<16xi32>], vector<16xf32>,
        %gather3A_685 = tpu.vector_load_idx %arg8[%add3A_444, %select_n3A_681] : memref<64x64xf32, #tpu.memory_space<vmem>>[vector<16xi32>, vector<16xi32>], vector<16xf32>,
        %mul3A_686 = arith.mulf %gather3A_684, %gather3A_685 : vector<16xf32>
        %add3A_687 = arith.addf %add3A_668, %mul3A_686 : vector<16xf32>
        %gather3A_688 = tpu.vector_load_idx %arg9[%add3A_444, %select_n3A_681] : memref<64x64xf32, #tpu.memory_space<vmem>>[vector<16xi32>, vector<16xi32>], vector<16xf32>,
        %gather3A_689 = tpu.vector_load_idx %arg10[%add3A_444, %select_n3A_681] : memref<64x64xf32, #tpu.memory_space<vmem>>[vector<16xi32>, vector<16xi32>], vector<16xf32>,
        %mul3A_690 = arith.mulf %gather3A_688, %gather3A_689 : vector<16xf32>
        %add3A_691 = arith.addf %add3A_672, %mul3A_690 : vector<16xf32>
        %add3A_692 = arith.constant 1 : i32
        %add3A_693 = vector.broadcast %add3A_692 : i32 to vector<16xi32>
        %add3A_694 = arith.addi %select_n3A_681, %add3A_693 : vector<16xi32>
        %eq3A_695 = arith.constant 64 : i32
        %eq3A_696 = vector.broadcast %eq3A_695 : i32 to vector<16xi32>
        %eq3A_697 = arith.cmpi eq, %add3A_694, %eq3A_696 : vector<16xi32>
        %jit3A_698 = arith.constant 0 : i32
        %broadcast_in_dim3A_699 = vector.broadcast %jit3A_698 : i32 to vector<16xi32>
        %select_n3A_700 = arith.select %eq3A_697, %broadcast_in_dim3A_699, %add3A_694 : vector<16xi1>, vector<16xi32>
        %scan3A_701 = arith.constant 13 : i32
        %scan3A_702 = arith.addi %scan3A_456, %scan3A_701 : i32
        %gather3A_703 = tpu.vector_load_idx %arg7[%add3A_444, %select_n3A_700] : memref<64x64xf32, #tpu.memory_space<vmem>>[vector<16xi32>, vector<16xi32>], vector<16xf32>,
        %gather3A_704 = tpu.vector_load_idx %arg8[%add3A_444, %select_n3A_700] : memref<64x64xf32, #tpu.memory_space<vmem>>[vector<16xi32>, vector<16xi32>], vector<16xf32>,
        %mul3A_705 = arith.mulf %gather3A_703, %gather3A_704 : vector<16xf32>
        %add3A_706 = arith.addf %add3A_687, %mul3A_705 : vector<16xf32>
        %gather3A_707 = tpu.vector_load_idx %arg9[%add3A_444, %select_n3A_700] : memref<64x64xf32, #tpu.memory_space<vmem>>[vector<16xi32>, vector<16xi32>], vector<16xf32>,
        %gather3A_708 = tpu.vector_load_idx %arg10[%add3A_444, %select_n3A_700] : memref<64x64xf32, #tpu.memory_space<vmem>>[vector<16xi32>, vector<16xi32>], vector<16xf32>,
        %mul3A_709 = arith.mulf %gather3A_707, %gather3A_708 : vector<16xf32>
        %add3A_710 = arith.addf %add3A_691, %mul3A_709 : vector<16xf32>
        %add3A_711 = arith.constant 1 : i32
        %add3A_712 = vector.broadcast %add3A_711 : i32 to vector<16xi32>
        %add3A_713 = arith.addi %select_n3A_700, %add3A_712 : vector<16xi32>
        %eq3A_714 = arith.constant 64 : i32
        %eq3A_715 = vector.broadcast %eq3A_714 : i32 to vector<16xi32>
        %eq3A_716 = arith.cmpi eq, %add3A_713, %eq3A_715 : vector<16xi32>
        %jit3A_717 = arith.constant 0 : i32
        %broadcast_in_dim3A_718 = vector.broadcast %jit3A_717 : i32 to vector<16xi32>
        %select_n3A_719 = arith.select %eq3A_716, %broadcast_in_dim3A_718, %add3A_713 : vector<16xi1>, vector<16xi32>
        %scan3A_720 = arith.constant 14 : i32
        %scan3A_721 = arith.addi %scan3A_456, %scan3A_720 : i32
        %gather3A_722 = tpu.vector_load_idx %arg7[%add3A_444, %select_n3A_719] : memref<64x64xf32, #tpu.memory_space<vmem>>[vector<16xi32>, vector<16xi32>], vector<16xf32>,
        %gather3A_723 = tpu.vector_load_idx %arg8[%add3A_444, %select_n3A_719] : memref<64x64xf32, #tpu.memory_space<vmem>>[vector<16xi32>, vector<16xi32>], vector<16xf32>,
        %mul3A_724 = arith.mulf %gather3A_722, %gather3A_723 : vector<16xf32>
        %add3A_725 = arith.addf %add3A_706, %mul3A_724 : vector<16xf32>
        %gather3A_726 = tpu.vector_load_idx %arg9[%add3A_444, %select_n3A_719] : memref<64x64xf32, #tpu.memory_space<vmem>>[vector<16xi32>, vector<16xi32>], vector<16xf32>,
        %gather3A_727 = tpu.vector_load_idx %arg10[%add3A_444, %select_n3A_719] : memref<64x64xf32, #tpu.memory_space<vmem>>[vector<16xi32>, vector<16xi32>], vector<16xf32>,
        %mul3A_728 = arith.mulf %gather3A_726, %gather3A_727 : vector<16xf32>
        %add3A_729 = arith.addf %add3A_710, %mul3A_728 : vector<16xf32>
        %add3A_730 = arith.constant 1 : i32
        %add3A_731 = vector.broadcast %add3A_730 : i32 to vector<16xi32>
        %add3A_732 = arith.addi %select_n3A_719, %add3A_731 : vector<16xi32>
        %eq3A_733 = arith.constant 64 : i32
        %eq3A_734 = vector.broadcast %eq3A_733 : i32 to vector<16xi32>
        %eq3A_735 = arith.cmpi eq, %add3A_732, %eq3A_734 : vector<16xi32>
        %jit3A_736 = arith.constant 0 : i32
        %broadcast_in_dim3A_737 = vector.broadcast %jit3A_736 : i32 to vector<16xi32>
        %select_n3A_738 = arith.select %eq3A_735, %broadcast_in_dim3A_737, %add3A_732 : vector<16xi1>, vector<16xi32>
        %scan3A_739 = arith.constant 15 : i32
        %scan3A_740 = arith.addi %scan3A_456, %scan3A_739 : i32
        %gather3A_741 = tpu.vector_load_idx %arg7[%add3A_444, %select_n3A_738] : memref<64x64xf32, #tpu.memory_space<vmem>>[vector<16xi32>, vector<16xi32>], vector<16xf32>,
        %gather3A_742 = tpu.vector_load_idx %arg8[%add3A_444, %select_n3A_738] : memref<64x64xf32, #tpu.memory_space<vmem>>[vector<16xi32>, vector<16xi32>], vector<16xf32>,
        %mul3A_743 = arith.mulf %gather3A_741, %gather3A_742 : vector<16xf32>
        %add3A_744 = arith.addf %add3A_725, %mul3A_743 : vector<16xf32>
        %gather3A_745 = tpu.vector_load_idx %arg9[%add3A_444, %select_n3A_738] : memref<64x64xf32, #tpu.memory_space<vmem>>[vector<16xi32>, vector<16xi32>], vector<16xf32>,
        %gather3A_746 = tpu.vector_load_idx %arg10[%add3A_444, %select_n3A_738] : memref<64x64xf32, #tpu.memory_space<vmem>>[vector<16xi32>, vector<16xi32>], vector<16xf32>,
        %mul3A_747 = arith.mulf %gather3A_745, %gather3A_746 : vector<16xf32>
        %add3A_748 = arith.addf %add3A_729, %mul3A_747 : vector<16xf32>
        %add3A_749 = arith.constant 1 : i32
        %add3A_750 = vector.broadcast %add3A_749 : i32 to vector<16xi32>
        %add3A_751 = arith.addi %select_n3A_738, %add3A_750 : vector<16xi32>
        %eq3A_752 = arith.constant 64 : i32
        %eq3A_753 = vector.broadcast %eq3A_752 : i32 to vector<16xi32>
        %eq3A_754 = arith.cmpi eq, %add3A_751, %eq3A_753 : vector<16xi32>
        %jit3A_755 = arith.constant 0 : i32
        %broadcast_in_dim3A_756 = vector.broadcast %jit3A_755 : i32 to vector<16xi32>
        %select_n3A_757 = arith.select %eq3A_754, %broadcast_in_dim3A_756, %add3A_751 : vector<16xi1>, vector<16xi32>
        scf.yield %add3A_744, %add3A_748, %select_n3A_757 : vector<16xf32>, vector<16xf32>, vector<16xi32>
      }
      %scan3A_451 = arith.constant 64 : i32
      %add3A_452 = arith.addf %scan3A_450#0, %scan3A_450#1 : vector<16xf32>
      %mul3A_453 = arith.constant 16 : i32
      %mul3A_454 = arith.muli %scan3A_440, %mul3A_453 : i32
      %swap3A = arith.index_cast %mul3A_454 : i32 to index
      %swap3A_455 = tpu.vector_load %arg15[%swap3A] {strides = array<i32>} : memref<64xf32, #tpu.memory_space<vmem>>, vector<16xf32>,
      tpu.vector_store %arg15[%swap3A], %add3A_452 {strides = array<i32>} : memref<64xf32, #tpu.memory_space<vmem>>, vector<16xf32>,
    }
    %scan3A_386 = arith.constant 4 : i32
    %add3A_387 = arith.constant 384 : i32
    %add3A_388 = arith.addi %mul3A_2, %add3A_387 : i32
    %dma_wait3A_389 = arith.constant 0 : i32
    %dma_wait3A_390 = tpu.memref_slice %arg6[%dma_wait3A_389] : memref<16384xf32, #tpu.memory_space<hbm>> -> memref<64xf32, #tpu.memory_space<hbm>>
    %dma_wait3A_391 = arith.constant 0 : i32
    %dma_wait3A_392 = tpu.memref_slice %arg6[%dma_wait3A_391] : memref<16384xf32, #tpu.memory_space<hbm>> -> memref<64xf32, #tpu.memory_space<hbm>>
    tpu.wait_dma2 semaphore(%arg18 : memref<!tpu.dma_semaphore, #tpu.memory_space<semaphore_mem>>) src(%arg16 : memref<64xf32, #tpu.memory_space<vmem>>) dst(%dma_wait3A_392 : memref<64xf32, #tpu.memory_space<hbm>>)
    %dma_start3A_393 = tpu.memref_slice %arg6[%add3A_388] : memref<16384xf32, #tpu.memory_space<hbm>> -> memref<64xf32, #tpu.memory_space<hbm>>
    %dma_start3A_394 = tpu.memref_slice %arg6[%add3A_388] : memref<16384xf32, #tpu.memory_space<hbm>> -> memref<64xf32, #tpu.memory_space<hbm>>
    tpu.enqueue_dma source(%arg15 : memref<64xf32, #tpu.memory_space<vmem>>) target(%dma_start3A_394 : memref<64xf32, #tpu.memory_space<hbm>>) target_semaphore(%arg18 : memref<!tpu.dma_semaphore, #tpu.memory_space<semaphore_mem>>)
    %dma_wait3A_395 = arith.constant 0 : i32
    %dma_wait3A_396 = arith.constant 0 : i32
    %dma_wait3A_397 = tpu.memref_slice %arg2[%dma_wait3A_395, %dma_wait3A_396] : memref<16384x64xf32, #tpu.memory_space<hbm>> -> memref<64x64xf32, #tpu.memory_space<hbm>>
    %dma_wait3A_398 = arith.constant 0 : i32
    %dma_wait3A_399 = arith.constant 0 : i32
    %dma_wait3A_400 = tpu.memref_slice %arg2[%dma_wait3A_398, %dma_wait3A_399] : memref<16384x64xf32, #tpu.memory_space<hbm>> -> memref<64x64xf32, #tpu.memory_space<hbm>>
    tpu.wait_dma2 semaphore(%arg17 : memref<!tpu.dma_semaphore, #tpu.memory_space<semaphore_mem>>) src(%dma_wait3A_400 : memref<64x64xf32, #tpu.memory_space<hbm>>) dst(%arg11 : memref<64x64xf32, #tpu.memory_space<vmem>>)
    %dma_wait3A_401 = arith.constant 0 : i32
    %dma_wait3A_402 = arith.constant 0 : i32
    %dma_wait3A_403 = tpu.memref_slice %arg3[%dma_wait3A_401, %dma_wait3A_402] : memref<16384x64xf32, #tpu.memory_space<hbm>> -> memref<64x64xf32, #tpu.memory_space<hbm>>
    %dma_wait3A_404 = arith.constant 0 : i32
    %dma_wait3A_405 = arith.constant 0 : i32
    %dma_wait3A_406 = tpu.memref_slice %arg3[%dma_wait3A_404, %dma_wait3A_405] : memref<16384x64xf32, #tpu.memory_space<hbm>> -> memref<64x64xf32, #tpu.memory_space<hbm>>
    tpu.wait_dma2 semaphore(%arg17 : memref<!tpu.dma_semaphore, #tpu.memory_space<semaphore_mem>>) src(%dma_wait3A_406 : memref<64x64xf32, #tpu.memory_space<hbm>>) dst(%arg12 : memref<64x64xf32, #tpu.memory_space<vmem>>)
    %dma_wait3A_407 = arith.constant 0 : i32
    %dma_wait3A_408 = arith.constant 0 : i32
    %dma_wait3A_409 = tpu.memref_slice %arg4[%dma_wait3A_407, %dma_wait3A_408] : memref<16384x64xf32, #tpu.memory_space<hbm>> -> memref<64x64xf32, #tpu.memory_space<hbm>>
    %dma_wait3A_410 = arith.constant 0 : i32
    %dma_wait3A_411 = arith.constant 0 : i32
    %dma_wait3A_412 = tpu.memref_slice %arg4[%dma_wait3A_410, %dma_wait3A_411] : memref<16384x64xf32, #tpu.memory_space<hbm>> -> memref<64x64xf32, #tpu.memory_space<hbm>>
    tpu.wait_dma2 semaphore(%arg17 : memref<!tpu.dma_semaphore, #tpu.memory_space<semaphore_mem>>) src(%dma_wait3A_412 : memref<64x64xf32, #tpu.memory_space<hbm>>) dst(%arg13 : memref<64x64xf32, #tpu.memory_space<vmem>>)
    %dma_wait3A_413 = arith.constant 0 : i32
    %dma_wait3A_414 = arith.constant 0 : i32
    %dma_wait3A_415 = tpu.memref_slice %arg5[%dma_wait3A_413, %dma_wait3A_414] : memref<16384x64xf32, #tpu.memory_space<hbm>> -> memref<64x64xf32, #tpu.memory_space<hbm>>
    %dma_wait3A_416 = arith.constant 0 : i32
    %dma_wait3A_417 = arith.constant 0 : i32
    %dma_wait3A_418 = tpu.memref_slice %arg5[%dma_wait3A_416, %dma_wait3A_417] : memref<16384x64xf32, #tpu.memory_space<hbm>> -> memref<64x64xf32, #tpu.memory_space<hbm>>
    tpu.wait_dma2 semaphore(%arg17 : memref<!tpu.dma_semaphore, #tpu.memory_space<semaphore_mem>>) src(%dma_wait3A_418 : memref<64x64xf32, #tpu.memory_space<hbm>>) dst(%arg14 : memref<64x64xf32, #tpu.memory_space<vmem>>)
    %scan3A_419 = arith.constant 0 : i32
    %scan3A_420 = arith.constant 4 : i32
    %scan3A_421 = arith.addi %scan3A_419, %scan3A_420 : i32
    %scan3A_422 = arith.constant 1 : i32
    scf.for %scan3A_440 = %scan3A_419 to %scan3A_421 step %scan3A_422  : i32 {
      %mul3A_441 = arith.constant 16 : i32
      %mul3A_442 = arith.muli %scan3A_440, %mul3A_441 : i32
      %add3A_443 = vector.broadcast %mul3A_442 : i32 to vector<16xi32>
      %add3A_444 = arith.addi %add3A_443, %iota3A : vector<16xi32>
      %broadcast_in_dim3A = arith.constant 0.000000e+00 : f32
      %broadcast_in_dim3A_445 = vector.broadcast %broadcast_in_dim3A : f32 to vector<16xf32>
      %scan3A_446 = arith.constant 0 : i32
      %scan3A_447 = arith.constant 64 : i32
      %scan3A_448 = arith.addi %scan3A_446, %scan3A_447 : i32
      %scan3A_449 = arith.constant 16 : i32
      %scan3A_450:3 = scf.for %scan3A_456 = %scan3A_446 to %scan3A_448 step %scan3A_449 iter_args(%scan3A_457 = %broadcast_in_dim3A_445, %scan3A_458 = %broadcast_in_dim3A_445, %scan3A_459 = %iota3A) -> (vector<16xf32>, vector<16xf32>, vector<16xi32>)  : i32 {
        %gather3A = tpu.vector_load_idx %arg11[%add3A_444, %scan3A_459] : memref<64x64xf32, #tpu.memory_space<vmem>>[vector<16xi32>, vector<16xi32>], vector<16xf32>,
        %gather3A_460 = tpu.vector_load_idx %arg12[%add3A_444, %scan3A_459] : memref<64x64xf32, #tpu.memory_space<vmem>>[vector<16xi32>, vector<16xi32>], vector<16xf32>,
        %mul3A_461 = arith.mulf %gather3A, %gather3A_460 : vector<16xf32>
        %add3A_462 = arith.addf %scan3A_457, %mul3A_461 : vector<16xf32>
        %gather3A_463 = tpu.vector_load_idx %arg13[%add3A_444, %scan3A_459] : memref<64x64xf32, #tpu.memory_space<vmem>>[vector<16xi32>, vector<16xi32>], vector<16xf32>,
        %gather3A_464 = tpu.vector_load_idx %arg14[%add3A_444, %scan3A_459] : memref<64x64xf32, #tpu.memory_space<vmem>>[vector<16xi32>, vector<16xi32>], vector<16xf32>,
        %mul3A_465 = arith.mulf %gather3A_463, %gather3A_464 : vector<16xf32>
        %add3A_466 = arith.addf %scan3A_458, %mul3A_465 : vector<16xf32>
        %add3A_467 = arith.constant 1 : i32
        %add3A_468 = vector.broadcast %add3A_467 : i32 to vector<16xi32>
        %add3A_469 = arith.addi %scan3A_459, %add3A_468 : vector<16xi32>
        %eq3A = arith.constant 64 : i32
        %eq3A_470 = vector.broadcast %eq3A : i32 to vector<16xi32>
        %eq3A_471 = arith.cmpi eq, %add3A_469, %eq3A_470 : vector<16xi32>
        %jit3A = arith.constant 0 : i32
        %broadcast_in_dim3A_472 = vector.broadcast %jit3A : i32 to vector<16xi32>
        %select_n3A = arith.select %eq3A_471, %broadcast_in_dim3A_472, %add3A_469 : vector<16xi1>, vector<16xi32>
        %scan3A_473 = arith.constant 1 : i32
        %scan3A_474 = arith.addi %scan3A_456, %scan3A_473 : i32
        %gather3A_475 = tpu.vector_load_idx %arg11[%add3A_444, %select_n3A] : memref<64x64xf32, #tpu.memory_space<vmem>>[vector<16xi32>, vector<16xi32>], vector<16xf32>,
        %gather3A_476 = tpu.vector_load_idx %arg12[%add3A_444, %select_n3A] : memref<64x64xf32, #tpu.memory_space<vmem>>[vector<16xi32>, vector<16xi32>], vector<16xf32>,
        %mul3A_477 = arith.mulf %gather3A_475, %gather3A_476 : vector<16xf32>
        %add3A_478 = arith.addf %add3A_462, %mul3A_477 : vector<16xf32>
        %gather3A_479 = tpu.vector_load_idx %arg13[%add3A_444, %select_n3A] : memref<64x64xf32, #tpu.memory_space<vmem>>[vector<16xi32>, vector<16xi32>], vector<16xf32>,
        %gather3A_480 = tpu.vector_load_idx %arg14[%add3A_444, %select_n3A] : memref<64x64xf32, #tpu.memory_space<vmem>>[vector<16xi32>, vector<16xi32>], vector<16xf32>,
        %mul3A_481 = arith.mulf %gather3A_479, %gather3A_480 : vector<16xf32>
        %add3A_482 = arith.addf %add3A_466, %mul3A_481 : vector<16xf32>
        %add3A_483 = arith.constant 1 : i32
        %add3A_484 = vector.broadcast %add3A_483 : i32 to vector<16xi32>
        %add3A_485 = arith.addi %select_n3A, %add3A_484 : vector<16xi32>
        %eq3A_486 = arith.constant 64 : i32
        %eq3A_487 = vector.broadcast %eq3A_486 : i32 to vector<16xi32>
        %eq3A_488 = arith.cmpi eq, %add3A_485, %eq3A_487 : vector<16xi32>
        %jit3A_489 = arith.constant 0 : i32
        %broadcast_in_dim3A_490 = vector.broadcast %jit3A_489 : i32 to vector<16xi32>
        %select_n3A_491 = arith.select %eq3A_488, %broadcast_in_dim3A_490, %add3A_485 : vector<16xi1>, vector<16xi32>
        %scan3A_492 = arith.constant 2 : i32
        %scan3A_493 = arith.addi %scan3A_456, %scan3A_492 : i32
        %gather3A_494 = tpu.vector_load_idx %arg11[%add3A_444, %select_n3A_491] : memref<64x64xf32, #tpu.memory_space<vmem>>[vector<16xi32>, vector<16xi32>], vector<16xf32>,
        %gather3A_495 = tpu.vector_load_idx %arg12[%add3A_444, %select_n3A_491] : memref<64x64xf32, #tpu.memory_space<vmem>>[vector<16xi32>, vector<16xi32>], vector<16xf32>,
        %mul3A_496 = arith.mulf %gather3A_494, %gather3A_495 : vector<16xf32>
        %add3A_497 = arith.addf %add3A_478, %mul3A_496 : vector<16xf32>
        %gather3A_498 = tpu.vector_load_idx %arg13[%add3A_444, %select_n3A_491] : memref<64x64xf32, #tpu.memory_space<vmem>>[vector<16xi32>, vector<16xi32>], vector<16xf32>,
        %gather3A_499 = tpu.vector_load_idx %arg14[%add3A_444, %select_n3A_491] : memref<64x64xf32, #tpu.memory_space<vmem>>[vector<16xi32>, vector<16xi32>], vector<16xf32>,
        %mul3A_500 = arith.mulf %gather3A_498, %gather3A_499 : vector<16xf32>
        %add3A_501 = arith.addf %add3A_482, %mul3A_500 : vector<16xf32>
        %add3A_502 = arith.constant 1 : i32
        %add3A_503 = vector.broadcast %add3A_502 : i32 to vector<16xi32>
        %add3A_504 = arith.addi %select_n3A_491, %add3A_503 : vector<16xi32>
        %eq3A_505 = arith.constant 64 : i32
        %eq3A_506 = vector.broadcast %eq3A_505 : i32 to vector<16xi32>
        %eq3A_507 = arith.cmpi eq, %add3A_504, %eq3A_506 : vector<16xi32>
        %jit3A_508 = arith.constant 0 : i32
        %broadcast_in_dim3A_509 = vector.broadcast %jit3A_508 : i32 to vector<16xi32>
        %select_n3A_510 = arith.select %eq3A_507, %broadcast_in_dim3A_509, %add3A_504 : vector<16xi1>, vector<16xi32>
        %scan3A_511 = arith.constant 3 : i32
        %scan3A_512 = arith.addi %scan3A_456, %scan3A_511 : i32
        %gather3A_513 = tpu.vector_load_idx %arg11[%add3A_444, %select_n3A_510] : memref<64x64xf32, #tpu.memory_space<vmem>>[vector<16xi32>, vector<16xi32>], vector<16xf32>,
        %gather3A_514 = tpu.vector_load_idx %arg12[%add3A_444, %select_n3A_510] : memref<64x64xf32, #tpu.memory_space<vmem>>[vector<16xi32>, vector<16xi32>], vector<16xf32>,
        %mul3A_515 = arith.mulf %gather3A_513, %gather3A_514 : vector<16xf32>
        %add3A_516 = arith.addf %add3A_497, %mul3A_515 : vector<16xf32>
        %gather3A_517 = tpu.vector_load_idx %arg13[%add3A_444, %select_n3A_510] : memref<64x64xf32, #tpu.memory_space<vmem>>[vector<16xi32>, vector<16xi32>], vector<16xf32>,
        %gather3A_518 = tpu.vector_load_idx %arg14[%add3A_444, %select_n3A_510] : memref<64x64xf32, #tpu.memory_space<vmem>>[vector<16xi32>, vector<16xi32>], vector<16xf32>,
        %mul3A_519 = arith.mulf %gather3A_517, %gather3A_518 : vector<16xf32>
        %add3A_520 = arith.addf %add3A_501, %mul3A_519 : vector<16xf32>
        %add3A_521 = arith.constant 1 : i32
        %add3A_522 = vector.broadcast %add3A_521 : i32 to vector<16xi32>
        %add3A_523 = arith.addi %select_n3A_510, %add3A_522 : vector<16xi32>
        %eq3A_524 = arith.constant 64 : i32
        %eq3A_525 = vector.broadcast %eq3A_524 : i32 to vector<16xi32>
        %eq3A_526 = arith.cmpi eq, %add3A_523, %eq3A_525 : vector<16xi32>
        %jit3A_527 = arith.constant 0 : i32
        %broadcast_in_dim3A_528 = vector.broadcast %jit3A_527 : i32 to vector<16xi32>
        %select_n3A_529 = arith.select %eq3A_526, %broadcast_in_dim3A_528, %add3A_523 : vector<16xi1>, vector<16xi32>
        %scan3A_530 = arith.constant 4 : i32
        %scan3A_531 = arith.addi %scan3A_456, %scan3A_530 : i32
        %gather3A_532 = tpu.vector_load_idx %arg11[%add3A_444, %select_n3A_529] : memref<64x64xf32, #tpu.memory_space<vmem>>[vector<16xi32>, vector<16xi32>], vector<16xf32>,
        %gather3A_533 = tpu.vector_load_idx %arg12[%add3A_444, %select_n3A_529] : memref<64x64xf32, #tpu.memory_space<vmem>>[vector<16xi32>, vector<16xi32>], vector<16xf32>,
        %mul3A_534 = arith.mulf %gather3A_532, %gather3A_533 : vector<16xf32>
        %add3A_535 = arith.addf %add3A_516, %mul3A_534 : vector<16xf32>
        %gather3A_536 = tpu.vector_load_idx %arg13[%add3A_444, %select_n3A_529] : memref<64x64xf32, #tpu.memory_space<vmem>>[vector<16xi32>, vector<16xi32>], vector<16xf32>,
        %gather3A_537 = tpu.vector_load_idx %arg14[%add3A_444, %select_n3A_529] : memref<64x64xf32, #tpu.memory_space<vmem>>[vector<16xi32>, vector<16xi32>], vector<16xf32>,
        %mul3A_538 = arith.mulf %gather3A_536, %gather3A_537 : vector<16xf32>
        %add3A_539 = arith.addf %add3A_520, %mul3A_538 : vector<16xf32>
        %add3A_540 = arith.constant 1 : i32
        %add3A_541 = vector.broadcast %add3A_540 : i32 to vector<16xi32>
        %add3A_542 = arith.addi %select_n3A_529, %add3A_541 : vector<16xi32>
        %eq3A_543 = arith.constant 64 : i32
        %eq3A_544 = vector.broadcast %eq3A_543 : i32 to vector<16xi32>
        %eq3A_545 = arith.cmpi eq, %add3A_542, %eq3A_544 : vector<16xi32>
        %jit3A_546 = arith.constant 0 : i32
        %broadcast_in_dim3A_547 = vector.broadcast %jit3A_546 : i32 to vector<16xi32>
        %select_n3A_548 = arith.select %eq3A_545, %broadcast_in_dim3A_547, %add3A_542 : vector<16xi1>, vector<16xi32>
        %scan3A_549 = arith.constant 5 : i32
        %scan3A_550 = arith.addi %scan3A_456, %scan3A_549 : i32
        %gather3A_551 = tpu.vector_load_idx %arg11[%add3A_444, %select_n3A_548] : memref<64x64xf32, #tpu.memory_space<vmem>>[vector<16xi32>, vector<16xi32>], vector<16xf32>,
        %gather3A_552 = tpu.vector_load_idx %arg12[%add3A_444, %select_n3A_548] : memref<64x64xf32, #tpu.memory_space<vmem>>[vector<16xi32>, vector<16xi32>], vector<16xf32>,
        %mul3A_553 = arith.mulf %gather3A_551, %gather3A_552 : vector<16xf32>
        %add3A_554 = arith.addf %add3A_535, %mul3A_553 : vector<16xf32>
        %gather3A_555 = tpu.vector_load_idx %arg13[%add3A_444, %select_n3A_548] : memref<64x64xf32, #tpu.memory_space<vmem>>[vector<16xi32>, vector<16xi32>], vector<16xf32>,
        %gather3A_556 = tpu.vector_load_idx %arg14[%add3A_444, %select_n3A_548] : memref<64x64xf32, #tpu.memory_space<vmem>>[vector<16xi32>, vector<16xi32>], vector<16xf32>,
        %mul3A_557 = arith.mulf %gather3A_555, %gather3A_556 : vector<16xf32>
        %add3A_558 = arith.addf %add3A_539, %mul3A_557 : vector<16xf32>
        %add3A_559 = arith.constant 1 : i32
        %add3A_560 = vector.broadcast %add3A_559 : i32 to vector<16xi32>
        %add3A_561 = arith.addi %select_n3A_548, %add3A_560 : vector<16xi32>
        %eq3A_562 = arith.constant 64 : i32
        %eq3A_563 = vector.broadcast %eq3A_562 : i32 to vector<16xi32>
        %eq3A_564 = arith.cmpi eq, %add3A_561, %eq3A_563 : vector<16xi32>
        %jit3A_565 = arith.constant 0 : i32
        %broadcast_in_dim3A_566 = vector.broadcast %jit3A_565 : i32 to vector<16xi32>
        %select_n3A_567 = arith.select %eq3A_564, %broadcast_in_dim3A_566, %add3A_561 : vector<16xi1>, vector<16xi32>
        %scan3A_568 = arith.constant 6 : i32
        %scan3A_569 = arith.addi %scan3A_456, %scan3A_568 : i32
        %gather3A_570 = tpu.vector_load_idx %arg11[%add3A_444, %select_n3A_567] : memref<64x64xf32, #tpu.memory_space<vmem>>[vector<16xi32>, vector<16xi32>], vector<16xf32>,
        %gather3A_571 = tpu.vector_load_idx %arg12[%add3A_444, %select_n3A_567] : memref<64x64xf32, #tpu.memory_space<vmem>>[vector<16xi32>, vector<16xi32>], vector<16xf32>,
        %mul3A_572 = arith.mulf %gather3A_570, %gather3A_571 : vector<16xf32>
        %add3A_573 = arith.addf %add3A_554, %mul3A_572 : vector<16xf32>
        %gather3A_574 = tpu.vector_load_idx %arg13[%add3A_444, %select_n3A_567] : memref<64x64xf32, #tpu.memory_space<vmem>>[vector<16xi32>, vector<16xi32>], vector<16xf32>,
        %gather3A_575 = tpu.vector_load_idx %arg14[%add3A_444, %select_n3A_567] : memref<64x64xf32, #tpu.memory_space<vmem>>[vector<16xi32>, vector<16xi32>], vector<16xf32>,
        %mul3A_576 = arith.mulf %gather3A_574, %gather3A_575 : vector<16xf32>
        %add3A_577 = arith.addf %add3A_558, %mul3A_576 : vector<16xf32>
        %add3A_578 = arith.constant 1 : i32
        %add3A_579 = vector.broadcast %add3A_578 : i32 to vector<16xi32>
        %add3A_580 = arith.addi %select_n3A_567, %add3A_579 : vector<16xi32>
        %eq3A_581 = arith.constant 64 : i32
        %eq3A_582 = vector.broadcast %eq3A_581 : i32 to vector<16xi32>
        %eq3A_583 = arith.cmpi eq, %add3A_580, %eq3A_582 : vector<16xi32>
        %jit3A_584 = arith.constant 0 : i32
        %broadcast_in_dim3A_585 = vector.broadcast %jit3A_584 : i32 to vector<16xi32>
        %select_n3A_586 = arith.select %eq3A_583, %broadcast_in_dim3A_585, %add3A_580 : vector<16xi1>, vector<16xi32>
        %scan3A_587 = arith.constant 7 : i32
        %scan3A_588 = arith.addi %scan3A_456, %scan3A_587 : i32
        %gather3A_589 = tpu.vector_load_idx %arg11[%add3A_444, %select_n3A_586] : memref<64x64xf32, #tpu.memory_space<vmem>>[vector<16xi32>, vector<16xi32>], vector<16xf32>,
        %gather3A_590 = tpu.vector_load_idx %arg12[%add3A_444, %select_n3A_586] : memref<64x64xf32, #tpu.memory_space<vmem>>[vector<16xi32>, vector<16xi32>], vector<16xf32>,
        %mul3A_591 = arith.mulf %gather3A_589, %gather3A_590 : vector<16xf32>
        %add3A_592 = arith.addf %add3A_573, %mul3A_591 : vector<16xf32>
        %gather3A_593 = tpu.vector_load_idx %arg13[%add3A_444, %select_n3A_586] : memref<64x64xf32, #tpu.memory_space<vmem>>[vector<16xi32>, vector<16xi32>], vector<16xf32>,
        %gather3A_594 = tpu.vector_load_idx %arg14[%add3A_444, %select_n3A_586] : memref<64x64xf32, #tpu.memory_space<vmem>>[vector<16xi32>, vector<16xi32>], vector<16xf32>,
        %mul3A_595 = arith.mulf %gather3A_593, %gather3A_594 : vector<16xf32>
        %add3A_596 = arith.addf %add3A_577, %mul3A_595 : vector<16xf32>
        %add3A_597 = arith.constant 1 : i32
        %add3A_598 = vector.broadcast %add3A_597 : i32 to vector<16xi32>
        %add3A_599 = arith.addi %select_n3A_586, %add3A_598 : vector<16xi32>
        %eq3A_600 = arith.constant 64 : i32
        %eq3A_601 = vector.broadcast %eq3A_600 : i32 to vector<16xi32>
        %eq3A_602 = arith.cmpi eq, %add3A_599, %eq3A_601 : vector<16xi32>
        %jit3A_603 = arith.constant 0 : i32
        %broadcast_in_dim3A_604 = vector.broadcast %jit3A_603 : i32 to vector<16xi32>
        %select_n3A_605 = arith.select %eq3A_602, %broadcast_in_dim3A_604, %add3A_599 : vector<16xi1>, vector<16xi32>
        %scan3A_606 = arith.constant 8 : i32
        %scan3A_607 = arith.addi %scan3A_456, %scan3A_606 : i32
        %gather3A_608 = tpu.vector_load_idx %arg11[%add3A_444, %select_n3A_605] : memref<64x64xf32, #tpu.memory_space<vmem>>[vector<16xi32>, vector<16xi32>], vector<16xf32>,
        %gather3A_609 = tpu.vector_load_idx %arg12[%add3A_444, %select_n3A_605] : memref<64x64xf32, #tpu.memory_space<vmem>>[vector<16xi32>, vector<16xi32>], vector<16xf32>,
        %mul3A_610 = arith.mulf %gather3A_608, %gather3A_609 : vector<16xf32>
        %add3A_611 = arith.addf %add3A_592, %mul3A_610 : vector<16xf32>
        %gather3A_612 = tpu.vector_load_idx %arg13[%add3A_444, %select_n3A_605] : memref<64x64xf32, #tpu.memory_space<vmem>>[vector<16xi32>, vector<16xi32>], vector<16xf32>,
        %gather3A_613 = tpu.vector_load_idx %arg14[%add3A_444, %select_n3A_605] : memref<64x64xf32, #tpu.memory_space<vmem>>[vector<16xi32>, vector<16xi32>], vector<16xf32>,
        %mul3A_614 = arith.mulf %gather3A_612, %gather3A_613 : vector<16xf32>
        %add3A_615 = arith.addf %add3A_596, %mul3A_614 : vector<16xf32>
        %add3A_616 = arith.constant 1 : i32
        %add3A_617 = vector.broadcast %add3A_616 : i32 to vector<16xi32>
        %add3A_618 = arith.addi %select_n3A_605, %add3A_617 : vector<16xi32>
        %eq3A_619 = arith.constant 64 : i32
        %eq3A_620 = vector.broadcast %eq3A_619 : i32 to vector<16xi32>
        %eq3A_621 = arith.cmpi eq, %add3A_618, %eq3A_620 : vector<16xi32>
        %jit3A_622 = arith.constant 0 : i32
        %broadcast_in_dim3A_623 = vector.broadcast %jit3A_622 : i32 to vector<16xi32>
        %select_n3A_624 = arith.select %eq3A_621, %broadcast_in_dim3A_623, %add3A_618 : vector<16xi1>, vector<16xi32>
        %scan3A_625 = arith.constant 9 : i32
        %scan3A_626 = arith.addi %scan3A_456, %scan3A_625 : i32
        %gather3A_627 = tpu.vector_load_idx %arg11[%add3A_444, %select_n3A_624] : memref<64x64xf32, #tpu.memory_space<vmem>>[vector<16xi32>, vector<16xi32>], vector<16xf32>,
        %gather3A_628 = tpu.vector_load_idx %arg12[%add3A_444, %select_n3A_624] : memref<64x64xf32, #tpu.memory_space<vmem>>[vector<16xi32>, vector<16xi32>], vector<16xf32>,
        %mul3A_629 = arith.mulf %gather3A_627, %gather3A_628 : vector<16xf32>
        %add3A_630 = arith.addf %add3A_611, %mul3A_629 : vector<16xf32>
        %gather3A_631 = tpu.vector_load_idx %arg13[%add3A_444, %select_n3A_624] : memref<64x64xf32, #tpu.memory_space<vmem>>[vector<16xi32>, vector<16xi32>], vector<16xf32>,
        %gather3A_632 = tpu.vector_load_idx %arg14[%add3A_444, %select_n3A_624] : memref<64x64xf32, #tpu.memory_space<vmem>>[vector<16xi32>, vector<16xi32>], vector<16xf32>,
        %mul3A_633 = arith.mulf %gather3A_631, %gather3A_632 : vector<16xf32>
        %add3A_634 = arith.addf %add3A_615, %mul3A_633 : vector<16xf32>
        %add3A_635 = arith.constant 1 : i32
        %add3A_636 = vector.broadcast %add3A_635 : i32 to vector<16xi32>
        %add3A_637 = arith.addi %select_n3A_624, %add3A_636 : vector<16xi32>
        %eq3A_638 = arith.constant 64 : i32
        %eq3A_639 = vector.broadcast %eq3A_638 : i32 to vector<16xi32>
        %eq3A_640 = arith.cmpi eq, %add3A_637, %eq3A_639 : vector<16xi32>
        %jit3A_641 = arith.constant 0 : i32
        %broadcast_in_dim3A_642 = vector.broadcast %jit3A_641 : i32 to vector<16xi32>
        %select_n3A_643 = arith.select %eq3A_640, %broadcast_in_dim3A_642, %add3A_637 : vector<16xi1>, vector<16xi32>
        %scan3A_644 = arith.constant 10 : i32
        %scan3A_645 = arith.addi %scan3A_456, %scan3A_644 : i32
        %gather3A_646 = tpu.vector_load_idx %arg11[%add3A_444, %select_n3A_643] : memref<64x64xf32, #tpu.memory_space<vmem>>[vector<16xi32>, vector<16xi32>], vector<16xf32>,
        %gather3A_647 = tpu.vector_load_idx %arg12[%add3A_444, %select_n3A_643] : memref<64x64xf32, #tpu.memory_space<vmem>>[vector<16xi32>, vector<16xi32>], vector<16xf32>,
        %mul3A_648 = arith.mulf %gather3A_646, %gather3A_647 : vector<16xf32>
        %add3A_649 = arith.addf %add3A_630, %mul3A_648 : vector<16xf32>
        %gather3A_650 = tpu.vector_load_idx %arg13[%add3A_444, %select_n3A_643] : memref<64x64xf32, #tpu.memory_space<vmem>>[vector<16xi32>, vector<16xi32>], vector<16xf32>,
        %gather3A_651 = tpu.vector_load_idx %arg14[%add3A_444, %select_n3A_643] : memref<64x64xf32, #tpu.memory_space<vmem>>[vector<16xi32>, vector<16xi32>], vector<16xf32>,
        %mul3A_652 = arith.mulf %gather3A_650, %gather3A_651 : vector<16xf32>
        %add3A_653 = arith.addf %add3A_634, %mul3A_652 : vector<16xf32>
        %add3A_654 = arith.constant 1 : i32
        %add3A_655 = vector.broadcast %add3A_654 : i32 to vector<16xi32>
        %add3A_656 = arith.addi %select_n3A_643, %add3A_655 : vector<16xi32>
        %eq3A_657 = arith.constant 64 : i32
        %eq3A_658 = vector.broadcast %eq3A_657 : i32 to vector<16xi32>
        %eq3A_659 = arith.cmpi eq, %add3A_656, %eq3A_658 : vector<16xi32>
        %jit3A_660 = arith.constant 0 : i32
        %broadcast_in_dim3A_661 = vector.broadcast %jit3A_660 : i32 to vector<16xi32>
        %select_n3A_662 = arith.select %eq3A_659, %broadcast_in_dim3A_661, %add3A_656 : vector<16xi1>, vector<16xi32>
        %scan3A_663 = arith.constant 11 : i32
        %scan3A_664 = arith.addi %scan3A_456, %scan3A_663 : i32
        %gather3A_665 = tpu.vector_load_idx %arg11[%add3A_444, %select_n3A_662] : memref<64x64xf32, #tpu.memory_space<vmem>>[vector<16xi32>, vector<16xi32>], vector<16xf32>,
        %gather3A_666 = tpu.vector_load_idx %arg12[%add3A_444, %select_n3A_662] : memref<64x64xf32, #tpu.memory_space<vmem>>[vector<16xi32>, vector<16xi32>], vector<16xf32>,
        %mul3A_667 = arith.mulf %gather3A_665, %gather3A_666 : vector<16xf32>
        %add3A_668 = arith.addf %add3A_649, %mul3A_667 : vector<16xf32>
        %gather3A_669 = tpu.vector_load_idx %arg13[%add3A_444, %select_n3A_662] : memref<64x64xf32, #tpu.memory_space<vmem>>[vector<16xi32>, vector<16xi32>], vector<16xf32>,
        %gather3A_670 = tpu.vector_load_idx %arg14[%add3A_444, %select_n3A_662] : memref<64x64xf32, #tpu.memory_space<vmem>>[vector<16xi32>, vector<16xi32>], vector<16xf32>,
        %mul3A_671 = arith.mulf %gather3A_669, %gather3A_670 : vector<16xf32>
        %add3A_672 = arith.addf %add3A_653, %mul3A_671 : vector<16xf32>
        %add3A_673 = arith.constant 1 : i32
        %add3A_674 = vector.broadcast %add3A_673 : i32 to vector<16xi32>
        %add3A_675 = arith.addi %select_n3A_662, %add3A_674 : vector<16xi32>
        %eq3A_676 = arith.constant 64 : i32
        %eq3A_677 = vector.broadcast %eq3A_676 : i32 to vector<16xi32>
        %eq3A_678 = arith.cmpi eq, %add3A_675, %eq3A_677 : vector<16xi32>
        %jit3A_679 = arith.constant 0 : i32
        %broadcast_in_dim3A_680 = vector.broadcast %jit3A_679 : i32 to vector<16xi32>
        %select_n3A_681 = arith.select %eq3A_678, %broadcast_in_dim3A_680, %add3A_675 : vector<16xi1>, vector<16xi32>
        %scan3A_682 = arith.constant 12 : i32
        %scan3A_683 = arith.addi %scan3A_456, %scan3A_682 : i32
        %gather3A_684 = tpu.vector_load_idx %arg11[%add3A_444, %select_n3A_681] : memref<64x64xf32, #tpu.memory_space<vmem>>[vector<16xi32>, vector<16xi32>], vector<16xf32>,
        %gather3A_685 = tpu.vector_load_idx %arg12[%add3A_444, %select_n3A_681] : memref<64x64xf32, #tpu.memory_space<vmem>>[vector<16xi32>, vector<16xi32>], vector<16xf32>,
        %mul3A_686 = arith.mulf %gather3A_684, %gather3A_685 : vector<16xf32>
        %add3A_687 = arith.addf %add3A_668, %mul3A_686 : vector<16xf32>
        %gather3A_688 = tpu.vector_load_idx %arg13[%add3A_444, %select_n3A_681] : memref<64x64xf32, #tpu.memory_space<vmem>>[vector<16xi32>, vector<16xi32>], vector<16xf32>,
        %gather3A_689 = tpu.vector_load_idx %arg14[%add3A_444, %select_n3A_681] : memref<64x64xf32, #tpu.memory_space<vmem>>[vector<16xi32>, vector<16xi32>], vector<16xf32>,
        %mul3A_690 = arith.mulf %gather3A_688, %gather3A_689 : vector<16xf32>
        %add3A_691 = arith.addf %add3A_672, %mul3A_690 : vector<16xf32>
        %add3A_692 = arith.constant 1 : i32
        %add3A_693 = vector.broadcast %add3A_692 : i32 to vector<16xi32>
        %add3A_694 = arith.addi %select_n3A_681, %add3A_693 : vector<16xi32>
        %eq3A_695 = arith.constant 64 : i32
        %eq3A_696 = vector.broadcast %eq3A_695 : i32 to vector<16xi32>
        %eq3A_697 = arith.cmpi eq, %add3A_694, %eq3A_696 : vector<16xi32>
        %jit3A_698 = arith.constant 0 : i32
        %broadcast_in_dim3A_699 = vector.broadcast %jit3A_698 : i32 to vector<16xi32>
        %select_n3A_700 = arith.select %eq3A_697, %broadcast_in_dim3A_699, %add3A_694 : vector<16xi1>, vector<16xi32>
        %scan3A_701 = arith.constant 13 : i32
        %scan3A_702 = arith.addi %scan3A_456, %scan3A_701 : i32
        %gather3A_703 = tpu.vector_load_idx %arg11[%add3A_444, %select_n3A_700] : memref<64x64xf32, #tpu.memory_space<vmem>>[vector<16xi32>, vector<16xi32>], vector<16xf32>,
        %gather3A_704 = tpu.vector_load_idx %arg12[%add3A_444, %select_n3A_700] : memref<64x64xf32, #tpu.memory_space<vmem>>[vector<16xi32>, vector<16xi32>], vector<16xf32>,
        %mul3A_705 = arith.mulf %gather3A_703, %gather3A_704 : vector<16xf32>
        %add3A_706 = arith.addf %add3A_687, %mul3A_705 : vector<16xf32>
        %gather3A_707 = tpu.vector_load_idx %arg13[%add3A_444, %select_n3A_700] : memref<64x64xf32, #tpu.memory_space<vmem>>[vector<16xi32>, vector<16xi32>], vector<16xf32>,
        %gather3A_708 = tpu.vector_load_idx %arg14[%add3A_444, %select_n3A_700] : memref<64x64xf32, #tpu.memory_space<vmem>>[vector<16xi32>, vector<16xi32>], vector<16xf32>,
        %mul3A_709 = arith.mulf %gather3A_707, %gather3A_708 : vector<16xf32>
        %add3A_710 = arith.addf %add3A_691, %mul3A_709 : vector<16xf32>
        %add3A_711 = arith.constant 1 : i32
        %add3A_712 = vector.broadcast %add3A_711 : i32 to vector<16xi32>
        %add3A_713 = arith.addi %select_n3A_700, %add3A_712 : vector<16xi32>
        %eq3A_714 = arith.constant 64 : i32
        %eq3A_715 = vector.broadcast %eq3A_714 : i32 to vector<16xi32>
        %eq3A_716 = arith.cmpi eq, %add3A_713, %eq3A_715 : vector<16xi32>
        %jit3A_717 = arith.constant 0 : i32
        %broadcast_in_dim3A_718 = vector.broadcast %jit3A_717 : i32 to vector<16xi32>
        %select_n3A_719 = arith.select %eq3A_716, %broadcast_in_dim3A_718, %add3A_713 : vector<16xi1>, vector<16xi32>
        %scan3A_720 = arith.constant 14 : i32
        %scan3A_721 = arith.addi %scan3A_456, %scan3A_720 : i32
        %gather3A_722 = tpu.vector_load_idx %arg11[%add3A_444, %select_n3A_719] : memref<64x64xf32, #tpu.memory_space<vmem>>[vector<16xi32>, vector<16xi32>], vector<16xf32>,
        %gather3A_723 = tpu.vector_load_idx %arg12[%add3A_444, %select_n3A_719] : memref<64x64xf32, #tpu.memory_space<vmem>>[vector<16xi32>, vector<16xi32>], vector<16xf32>,
        %mul3A_724 = arith.mulf %gather3A_722, %gather3A_723 : vector<16xf32>
        %add3A_725 = arith.addf %add3A_706, %mul3A_724 : vector<16xf32>
        %gather3A_726 = tpu.vector_load_idx %arg13[%add3A_444, %select_n3A_719] : memref<64x64xf32, #tpu.memory_space<vmem>>[vector<16xi32>, vector<16xi32>], vector<16xf32>,
        %gather3A_727 = tpu.vector_load_idx %arg14[%add3A_444, %select_n3A_719] : memref<64x64xf32, #tpu.memory_space<vmem>>[vector<16xi32>, vector<16xi32>], vector<16xf32>,
        %mul3A_728 = arith.mulf %gather3A_726, %gather3A_727 : vector<16xf32>
        %add3A_729 = arith.addf %add3A_710, %mul3A_728 : vector<16xf32>
        %add3A_730 = arith.constant 1 : i32
        %add3A_731 = vector.broadcast %add3A_730 : i32 to vector<16xi32>
        %add3A_732 = arith.addi %select_n3A_719, %add3A_731 : vector<16xi32>
        %eq3A_733 = arith.constant 64 : i32
        %eq3A_734 = vector.broadcast %eq3A_733 : i32 to vector<16xi32>
        %eq3A_735 = arith.cmpi eq, %add3A_732, %eq3A_734 : vector<16xi32>
        %jit3A_736 = arith.constant 0 : i32
        %broadcast_in_dim3A_737 = vector.broadcast %jit3A_736 : i32 to vector<16xi32>
        %select_n3A_738 = arith.select %eq3A_735, %broadcast_in_dim3A_737, %add3A_732 : vector<16xi1>, vector<16xi32>
        %scan3A_739 = arith.constant 15 : i32
        %scan3A_740 = arith.addi %scan3A_456, %scan3A_739 : i32
        %gather3A_741 = tpu.vector_load_idx %arg11[%add3A_444, %select_n3A_738] : memref<64x64xf32, #tpu.memory_space<vmem>>[vector<16xi32>, vector<16xi32>], vector<16xf32>,
        %gather3A_742 = tpu.vector_load_idx %arg12[%add3A_444, %select_n3A_738] : memref<64x64xf32, #tpu.memory_space<vmem>>[vector<16xi32>, vector<16xi32>], vector<16xf32>,
        %mul3A_743 = arith.mulf %gather3A_741, %gather3A_742 : vector<16xf32>
        %add3A_744 = arith.addf %add3A_725, %mul3A_743 : vector<16xf32>
        %gather3A_745 = tpu.vector_load_idx %arg13[%add3A_444, %select_n3A_738] : memref<64x64xf32, #tpu.memory_space<vmem>>[vector<16xi32>, vector<16xi32>], vector<16xf32>,
        %gather3A_746 = tpu.vector_load_idx %arg14[%add3A_444, %select_n3A_738] : memref<64x64xf32, #tpu.memory_space<vmem>>[vector<16xi32>, vector<16xi32>], vector<16xf32>,
        %mul3A_747 = arith.mulf %gather3A_745, %gather3A_746 : vector<16xf32>
        %add3A_748 = arith.addf %add3A_729, %mul3A_747 : vector<16xf32>
        %add3A_749 = arith.constant 1 : i32
        %add3A_750 = vector.broadcast %add3A_749 : i32 to vector<16xi32>
        %add3A_751 = arith.addi %select_n3A_738, %add3A_750 : vector<16xi32>
        %eq3A_752 = arith.constant 64 : i32
        %eq3A_753 = vector.broadcast %eq3A_752 : i32 to vector<16xi32>
        %eq3A_754 = arith.cmpi eq, %add3A_751, %eq3A_753 : vector<16xi32>
        %jit3A_755 = arith.constant 0 : i32
        %broadcast_in_dim3A_756 = vector.broadcast %jit3A_755 : i32 to vector<16xi32>
        %select_n3A_757 = arith.select %eq3A_754, %broadcast_in_dim3A_756, %add3A_751 : vector<16xi1>, vector<16xi32>
        scf.yield %add3A_744, %add3A_748, %select_n3A_757 : vector<16xf32>, vector<16xf32>, vector<16xi32>
      }
      %scan3A_451 = arith.constant 64 : i32
      %add3A_452 = arith.addf %scan3A_450#0, %scan3A_450#1 : vector<16xf32>
      %mul3A_453 = arith.constant 16 : i32
      %mul3A_454 = arith.muli %scan3A_440, %mul3A_453 : i32
      %swap3A = arith.index_cast %mul3A_454 : i32 to index
      %swap3A_455 = tpu.vector_load %arg16[%swap3A] {strides = array<i32>} : memref<64xf32, #tpu.memory_space<vmem>>, vector<16xf32>,
      tpu.vector_store %arg16[%swap3A], %add3A_452 {strides = array<i32>} : memref<64xf32, #tpu.memory_space<vmem>>, vector<16xf32>,
    }
    %scan3A_423 = arith.constant 4 : i32
    %add3A_424 = arith.constant 448 : i32
    %add3A_425 = arith.addi %mul3A_2, %add3A_424 : i32
    %dma_wait3A_426 = arith.constant 0 : i32
    %dma_wait3A_427 = tpu.memref_slice %arg6[%dma_wait3A_426] : memref<16384xf32, #tpu.memory_space<hbm>> -> memref<64xf32, #tpu.memory_space<hbm>>
    %dma_wait3A_428 = arith.constant 0 : i32
    %dma_wait3A_429 = tpu.memref_slice %arg6[%dma_wait3A_428] : memref<16384xf32, #tpu.memory_space<hbm>> -> memref<64xf32, #tpu.memory_space<hbm>>
    tpu.wait_dma2 semaphore(%arg18 : memref<!tpu.dma_semaphore, #tpu.memory_space<semaphore_mem>>) src(%arg15 : memref<64xf32, #tpu.memory_space<vmem>>) dst(%dma_wait3A_429 : memref<64xf32, #tpu.memory_space<hbm>>)
    %dma_start3A_430 = tpu.memref_slice %arg6[%add3A_425] : memref<16384xf32, #tpu.memory_space<hbm>> -> memref<64xf32, #tpu.memory_space<hbm>>
    %dma_start3A_431 = tpu.memref_slice %arg6[%add3A_425] : memref<16384xf32, #tpu.memory_space<hbm>> -> memref<64xf32, #tpu.memory_space<hbm>>
    tpu.enqueue_dma source(%arg16 : memref<64xf32, #tpu.memory_space<vmem>>) target(%dma_start3A_431 : memref<64xf32, #tpu.memory_space<hbm>>) target_semaphore(%arg18 : memref<!tpu.dma_semaphore, #tpu.memory_space<semaphore_mem>>)
    %dma_wait3A_432 = arith.constant 0 : i32
    %dma_wait3A_433 = tpu.memref_slice %arg6[%dma_wait3A_432] : memref<16384xf32, #tpu.memory_space<hbm>> -> memref<64xf32, #tpu.memory_space<hbm>>
    %dma_wait3A_434 = arith.constant 0 : i32
    %dma_wait3A_435 = tpu.memref_slice %arg6[%dma_wait3A_434] : memref<16384xf32, #tpu.memory_space<hbm>> -> memref<64xf32, #tpu.memory_space<hbm>>
    tpu.wait_dma2 semaphore(%arg18 : memref<!tpu.dma_semaphore, #tpu.memory_space<semaphore_mem>>) src(%arg15 : memref<64xf32, #tpu.memory_space<vmem>>) dst(%dma_wait3A_435 : memref<64xf32, #tpu.memory_space<hbm>>)
    %dma_wait3A_436 = arith.constant 0 : i32
    %dma_wait3A_437 = tpu.memref_slice %arg6[%dma_wait3A_436] : memref<16384xf32, #tpu.memory_space<hbm>> -> memref<64xf32, #tpu.memory_space<hbm>>
    %dma_wait3A_438 = arith.constant 0 : i32
    %dma_wait3A_439 = tpu.memref_slice %arg6[%dma_wait3A_438] : memref<16384xf32, #tpu.memory_space<hbm>> -> memref<64xf32, #tpu.memory_space<hbm>>
    tpu.wait_dma2 semaphore(%arg18 : memref<!tpu.dma_semaphore, #tpu.memory_space<semaphore_mem>>) src(%arg16 : memref<64xf32, #tpu.memory_space<vmem>>) dst(%dma_wait3A_439 : memref<64xf32, #tpu.memory_space<hbm>>)
    return
  }
}

</mosaic_0001>

<sc_bundles>
// kernel: kernel.3.cloned.1.call-start
scs
__scs_entry_jumppad:
0x0: {  	(pc) =	sbr.rel $0x88, $3  }
0x1: {  	(tag) =	ssettag $0x0;
	lr =	simm.s32 $0x1  }
0x2: {  	[smem:$0x3F9D] =	sst lr;
	_ =	strace $0xD0000000  }
0x3: {  	_ = 	snop  }
0x4: {  	_ = 	snop  }
0x5: {  	_ = 	snop  }
0x6: {  	_ = 	snop  }
0x7: {  	_ = 	snop  }
__scs_overlays_trampoline_lowered:
0x8: {  	[smem:$0x3FAC] =	sst s0  }
0x9: {  	[smem:$0x3FAD] =	sst s1  }
0xa: {  	[smem:$0x3FAE] =	sst s2  }
0xb: {  	[smem:$0x3FAF] =	sst s3  }
0xc: {  	[smem:$0x3FB0] =	sst s4  }
0xd: {  	[smem:$0x3FB1] =	sst s5  }
0xe: {  	[smem:$0x3FB2] =	sst s6  }
0xf: {  	[smem:$0x3FB3] =	sst s7  }
0x10: {  	[smem:$0x3FB4] =	sst s8  }
0x11: {  	[smem:$0x3FB5] =	sst s9;
	s0 =	simm.s32 @!p0 $0x0  }
0x12: {  	s1 =	sld [smem:$0x3F9B];
	s0 =	simm.s32 @p0 $0x1  }
0x13: {  	[smem:$0x3FB6] =	sst s0;
	s0 =	simm.s32 @!p1 $0x0  }
0x14: {  	s2 =	sld [smem:$0x3F9A];
	s0 =	simm.s32 @p1 $0x1  }
0x15: {  	[smem:$0x3FB7] =	sst s0;
	s0 =	simm.s32 @!p2 $0x0  }
0x16: {  	s3 =	sld [smem:$0x3FDB];
	s0 =	simm.s32 @p2 $0x1  }
0x17: {  	s4 =	simm.s32 $0x1BF5;
	[smem:$0x3FB9] =	sst s0  }
0x18: {  	s0 =	sld [smem:$0x3F9C];
	_ =	swait.ge [sflag:s4], $0x0  }
0x19: {  	s7 =	sld [smem:$0x3F9D]  }
0x1a: {  	s8 =	sadd.s32 $0xFFFFE003, lr  }
0x1b: {  	s9 =	sadd.s32 $0xFFFFFEF7, lr;
	s5 =	simm.s32 $0xFFFFFFFF;
	p2 =	slt.u32 s8, $0xFFFFF086  }
0x1c: {  	p1 =	slt.u32 s9, $0xF7A;
	s5 =	simm.s32 @!p2 $0x0  }
0x1d: {  	s5 =	simm.s32 @p1 $0x1;
	p0 =	seq.s32 s7, s2  }
0x1e: {  	s7 =	smul.u32 @!p0 $0xF7A, s2;
	p2 =	seq.s32 @!p0 s5, $0x0  }
0x1f: {  	s9 =	smul.u32 $0xF7A, s1;
	s8 =	simm.s32 @!p0 $0x1BF5;
	p2 =	por !p2, p0  }
0x20: {  	[sflag:s8] =	ssyncset.s32 @!p0 $0xFFFFF086;
	s6 =	sadd.s32 @!p0 s3, s7;
	s7 =	simm.s32 @!p0 $0x108  }
0x21: {  	s3 =	sadd.s32 s3, s9;
	s6 =	sadd.s32 @!p0 $0x88, s6;
	s7 =	simm.s32 @p2 $0x1082  }
0x22: {  	[simem:s7], [sflag:s8] =	dma.local @!p0 [hbm:s6], $0xF7A  }
0x23: {  	s9 =	sor.u32 $0xD0000000, s2;
	s6 =	simm.s32 $0x108;
	_ =	swait.ge @!p0 [sflag:s8], $0x0  }
0x24: {  	s3 =	sadd.s32 $0x88, s3;
	s6 =	simm.s32 @!p1 $0x1082;
	[sflag:s4] =	ssyncset.s32 $0xFFFFF086  }
0x25: {  	[simem:s6], [sflag:s4] =	dma.local [hbm:s3], $0xF7A  }
0x26: {  	[smem:$0x3F9D] =	sst s1;
	(tag) =	ssettag s2;
	_ =	strace s9  }
0x27: {  	s1 =	sld [smem:$0x3FAD]  }
0x28: {  	s2 =	sld [smem:$0x3FAE]  }
0x29: {  	s4 =	sld [smem:$0x3FB0]  }
0x2a: {  	p0 =	seq.s32 s5, $0x0;
	s5 =	sld [smem:$0x3FB1]  }
0x2b: {  	s6 =	sld [smem:$0x3FB2]  }
0x2c: {  	s7 =	sld [smem:$0x3FB3]  }
0x2d: {  	s3 =	simm.s32 $0x108;
	s8 =	sld [smem:$0x3FB4]  }
0x2e: {  	s3 =	simm.s32 @!p0 $0x1082;
	s9 =	sld [smem:$0x3FB5]  }
0x2f: {  	lr =	sadd.s32 s0, s3;
	s0 =	sld [smem:$0x3FAC]  }
0x30: {  	s3 =	sld [smem:$0x3FAF]  }
0x31: {  	[smem:$0x3FB8] =	sst s10  }
0x32: {  	s10 =	sld [smem:$0x3FB6];
	_ =	sdelay $0x3  }
0x33: {  	p0 =	seq.s32 s10, $0x1;
	s10 =	sld [smem:$0x3FB8];
	_ =	sdelay $0x3  }
0x34: {  	[smem:$0x3FB8] =	sst s10  }
0x35: {  	s10 =	sld [smem:$0x3FB7];
	_ =	sdelay $0x3  }
0x36: {  	p1 =	seq.s32 s10, $0x1;
	s10 =	sld [smem:$0x3FB8];
	_ =	sdelay $0x3  }
0x37: {  	[smem:$0x3FB8] =	sst s10  }
0x38: {  	s10 =	sld [smem:$0x3FB9]  }
0x39: {  	_ = 	snop;
	(pc) =	sbr.ind lr, $3  }
0x3a: {  	_ = 	snop  }
0x3b: {  	_ = 	snop  }
0x3c: {  	p2 =	seq.s32 s10, $0x1;
	s10 =	sld [smem:$0x3FB8]  }
0x3d: {  	_ =	shalt  }
0x3e: {  	_ =	shalt  }
0x3f: {  	_ =	shalt  }
0x40: {  	_ =	shalt  }
0x41: {  	_ =	shalt  }
0x42: {  	_ =	shalt  }
0x43: {  	_ =	shalt  }
0x44: {  	_ =	shalt  }
0x45: {  	_ =	shalt  }
0x46: {  	_ =	shalt  }
0x47: {  	_ =	shalt  }
0x48: {  	_ =	shalt  }
0x49: {  	_ =	shalt  }
0x4a: {  	_ =	shalt  }
0x4b: {  	_ =	shalt  }
0x4c: {  	_ =	shalt  }
0x4d: {  	_ =	shalt  }
0x4e: {  	_ =	shalt  }
0x4f: {  	_ =	shalt  }
0x50: {  	_ =	shalt  }
0x51: {  	_ =	shalt  }
0x52: {  	_ =	shalt  }
0x53: {  	_ =	shalt  }
0x54: {  	_ =	shalt  }
0x55: {  	_ =	shalt  }
0x56: {  	_ =	shalt  }
0x57: {  	_ =	shalt  }
0x58: {  	_ =	shalt  }
0x59: {  	_ =	shalt  }
0x5a: {  	_ =	shalt  }
0x5b: {  	_ =	shalt  }
0x5c: {  	_ =	shalt  }
0x5d: {  	_ =	shalt  }
0x5e: {  	_ =	shalt  }
0x5f: {  	_ =	shalt  }
0x60: {  	_ =	shalt  }
0x61: {  	_ =	shalt  }
0x62: {  	_ =	shalt  }
0x63: {  	_ =	shalt  }
0x64: {  	_ =	shalt  }
0x65: {  	_ =	shalt  }
0x66: {  	_ =	shalt  }
0x67: {  	_ =	shalt  }
0x68: {  	_ =	shalt  }
0x69: {  	_ =	shalt  }
0x6a: {  	_ =	shalt  }
0x6b: {  	_ =	shalt  }
0x6c: {  	_ =	shalt  }
0x6d: {  	_ =	shalt  }
0x6e: {  	_ =	shalt  }
0x6f: {  	_ =	shalt  }
0x70: {  	_ =	shalt  }
0x71: {  	_ =	shalt  }
0x72: {  	_ =	shalt  }
0x73: {  	_ =	shalt  }
0x74: {  	_ =	shalt  }
0x75: {  	_ =	shalt  }
0x76: {  	_ =	shalt  }
0x77: {  	_ =	shalt  }
0x78: {  	_ =	shalt  }
0x79: {  	_ =	shalt  }
0x7a: {  	_ =	shalt  }
0x7b: {  	_ =	shalt  }
0x7c: {  	_ =	shalt  }
0x7d: {  	_ =	shalt  }
0x7e: {  	_ =	shalt  }
0x7f: {  	_ =	shalt  }
0x80: {  	_ =	shalt  }
0x81: {  	_ =	shalt  }
0x82: {  	_ =	shalt  }
0x83: {  	_ =	shalt  }
0x84: {  	_ =	shalt  }
0x85: {  	_ =	shalt  }
0x86: {  	_ =	shalt  }
0x87: {  	_ =	shalt  }
.Lfunc_end0:
.L_simem_size_0:
called_computation_lowered:
.L_overlay_start_0:
0x88: {  	s2 =	sld [smem:$0x3FD9]  }
0x89: {  	s3 =	sld [smem:$0x3FFE];
	_ =	sdelay $0x1  }
0x8a: {  	s1 =	srdreg.scid  }
0x8b: {  	s0 =	sand.u32 $0x1, s1  }
0x8c: {  	s17 =	sshll.u32 s0, $0xA;
	s2 =	sadd.s32 s3, s2  }
0x8d: {  	s2 =	sadd.s32 s2, s17  }
0x8e: {  	[smem:$0x3FC4] =	sst s2  }
0x8f: {  	_ = 	snop  }
0x90: {  	s2 =	sld [smem:$0x3FD0];
	(tm) =	ssettm $0x1  }
0x91: {  	s18 =	sld [smem:$0x3FFB];
	_ =	sdelay $0x3  }
0x92: {  	_ =	strace s18  }
0x93: {  	s3 =	sld [smem:$0x3FFC];
	_ =	sdelay $0x3  }
0x94: {  	_ =	strace s3  }
0x95: {  	s3 =	sld [smem:$0x3FFD];
	_ =	sdelay $0x3  }
0x96: {  	_ =	strace s3  }
0x97: {  	_ =	strace $0x8FFFFFFF  }
0x98: {  	s19 =	sld [smem:$0x3FDB];
	_ =	sdelay $0x1  }
0x99: {  	s4 =	simm.s32 $_scs_section_size  }
0x9a: {  	s5 =	simm.s32 $_size__tile_overlayer_lowered;
	s6 =	simm.s32 $_tile_overlayer_lowered  }
0x9b: {  	s22 =	simm.s32 $0x1BFF;
	s21 =	sshll.u32 s6, $0x1;
	s3 =	sadd.s32 s4, s19  }
0x9c: {  	s7 =	simm.s32 $0x0;
	s20 =	sshll.u32 s5, $0x1;
	s5 =	sadd.s32 s21, s3  }
0x9d: {  	[timem:s7], [sflag:s22] =	dma.local [hbm:s5], s20  }
0x9e: {  	_ =	swait.ge [sflag:s22], s20  }
0x9f: {  	s4 =	ssub.s32 $0x0, s20;
	[sflag:s22] =	ssyncset.done $0x0  }
0xa0: {  	[sflag:s22] =	ssyncadd.s32 s4;
	_ =	sdelay $0x1  }
0xa1: {  	s23 =	simm.s32 $0x1B8B  }
0xa2: {  	_ =	swait.ge [sflag:s23], $0x1  }
0xa3: {  	[sflag:s23] =	ssyncset.done $0x0  }
0xa4: {  	s25 =	simm.s32 $0x1B8E;
	s24 =	sld [smem:$0x3FFE];
	[sflag:s23] =	ssyncadd.s32 $0xFFFFFFFF  }
0xa5: {  	s26 =	simm.s32 $execute0_lowered;
	[smem:$0x3FD2] =	sst s25  }
0xa6: {  	s5 =	sshll.u32 s26, $0x1;
	_ =	strace $0x80000046;
	[dreg:$0x1] =	wrdreg $0xFFFFFFFF  }
0xa7: {  	s28 =	simm.s32 $_size_execute0_lowered;
	s3 =	sadd.s32 s3, s5;
	[dreg:$0x0] =	wrdreg $0x0  }
0xa8: {  	s5 =	sshll.u32 s28, $0x1;
	[dreg:$0x2] =	wrdreg s3  }
0xa9: {  	[dreg:$0x3] =	wrdreg s5  }
0xaa: {  	[dreg:$0x4] =	wrdreg $0xC0  }
0xab: {  	_ =	task [dreg:s7], $0x5FFFF  }
0xac: {  	[dreg:$0x1] =	wrdreg $0xFFFFFFFF  }
0xad: {  	[dreg:$0x0] =	wrdreg $0x60  }
0xae: {  	[dreg:$0x2] =	wrdreg s24  }
0xaf: {  	[dreg:$0x3] =	wrdreg s2  }
0xb0: {  	[dreg:$0x4] =	wrdreg $0x9  }
0xb1: {  	_ =	task.clear_ibuf [dreg:s7], $0x5FFFF;
	_ =	strace $0x90000046  }
0xb2: {  	s29 =	simm.s32 $0x9;
	_ =	strace $0x80000048  }
0xb3: {  	_ =	swait.ge [sflag:s29], $0x1  }
0xb4: {  	[sflag:s29] =	ssyncadd.s32 $0xFFFFFFFF  }
0xb5: {  	_ =	strace $0x90000048  }
0xb6: {  	_ =	sfence  }
0xb7: {  	s30 =	sld [smem:$0x0];
	_ =	sdelay $0x2  }
0xb8: {  	s31 =	sshll.u32 s1, $0xD;
	s1 =	sshrl.u32 s1, $0x2  }
0xb9: {  	s3 =	sand.u32 $0x4000, s31;
	s1 =	sadd.s32 s1, s30  }
0xba: {  	s0 =	sor.u32 s3, s0;
	s1 =	sshll.u32 s1, $0x11  }
0xbb: {  	s0 =	sor.u32 s1, s0  }
0xbc: {  	s0 =	sadd.s32 $0x8F2B, s0  }
0xbd: {  	[sflag:s0] =	ssyncadd.remote.s32 $0x1  }
0xbe: {  	_ =	sfence.sel $0xFFFF  }
0xbf: {  	[dreg:$0x0] =	wrdreg $0xFFFFFFFF;
	(pc) =	sbr.abs _section_cstart, $3  }
0xc0: {  	[dreg:$0x1] =	wrdreg $0xFFFFFFFF  }
0xc1: {  	_ =	task.clear_ibuf [dreg:s7], $0x2FFFF;
	_ =	strace $0x9FFFFFFF  }
0xc2: {  	(tm) =	ssettm $0x7FFFFFFF  }
0xc3: {  	_ =	shalt  }
tec
execute0_lowered:
.L_overlay_start_1:
0x0: {  	(tag) =	ssettag $0x1  }
0x1: {  	s1 =	rddreg [dreg:$0x0];
	s3 =	srdreg.scid  }
0x2: {  	s0 =	simm.s32 $0x0;
	s6 =	stileid.u32;
	s3 =	sand.u32 $0x1, s3  }
0x3: {  	s6 =	sshll.u32 s6, $0xA;
	s5 =	ssub.s32 $0x2, s3;
	s3 =	sshll.u32 s3, $0x9  }
0x4: {  	[smem:$0x7FF] =	sst s0;
	s2 =	sadd.s32 $0xA00, s1;
	s6 =	sor.u32 s3, s6  }
0x5: {  	s4 =	sadd.s32 $0x40A00, s1;
	s8 =	sshrl.u32 s5, $0x1;
	s28 =	sshll.u32 s6, $0x4  }
0x6: {  	s7 =	sadd.s32 $0x80A00, s1;
	s12 =	ssub.s32 s5, s8;
	s8 =	sadd.s32 s2, s28  }
0x7: {  	s3 =	sadd.s32 $0xC0A00, s1;
	s9 =	sadd.s32 s4, s28;
	[dreg:$0x3] =	wrdreg s8  }
0x8: {  	s5 =	sor.u32 $0x40, s6;
	s10 =	sadd.s32 s7, s28;
	[dreg:$0x4] =	wrdreg s9  }
0x9: {  	s1 =	sadd.s32 s3, s28;
	s11 =	sshll.u32 s5, $0x4;
	[dreg:$0x5] =	wrdreg s10  }
0xa: {  	[dreg:$0x6] =	wrdreg s1;
	s13 =	sadd.s32 s2, s11  }
0xb: {  	s14 =	sadd.s32 s4, s11;
	[dreg:$0x7] =	wrdreg s13  }
0xc: {  	s8 =	sor.u32 $0x80, s6;
	s9 =	sadd.s32 s7, s11;
	[dreg:$0x8] =	wrdreg s14  }
0xd: {  	s1 =	sadd.s32 s3, s11;
	[dreg:$0x9] =	wrdreg s9;
	s15 =	sshll.u32 s8, $0x4  }
0xe: {  	[dreg:$0xa] =	wrdreg s1;
	s16 =	sadd.s32 s2, s15  }
0xf: {  	s17 =	sadd.s32 s4, s15;
	[dreg:$0xb] =	wrdreg s16  }
0x10: {  	s9 =	sor.u32 $0xC0, s6;
	s10 =	sadd.s32 s7, s15;
	[dreg:$0xc] =	wrdreg s17  }
0x11: {  	s1 =	sadd.s32 s3, s15;
	s18 =	sshll.u32 s9, $0x4;
	[dreg:$0xd] =	wrdreg s10  }
0x12: {  	[dreg:$0xe] =	wrdreg s1;
	s19 =	sadd.s32 s2, s18  }
0x13: {  	s28 =	sor.u32 $0x180, s6;
	s20 =	sadd.s32 s4, s18;
	[dreg:$0xf] =	wrdreg s19  }
0x14: {  	s5 =	sshrl.u32 s5, $0x3;
	s11 =	sadd.s32 s7, s18;
	[dreg:$0x10] =	wrdreg s20  }
0x15: {  	s12 =	smax.u32 s12, $0x1;
	s1 =	sadd.s32 s3, s18;
	[dreg:$0x11] =	wrdreg s11  }
0x16: {  	s10 =	sor.u32 $0x100, s6;
	s16 =	sshll.u32 s28, $0x4;
	[dreg:$0x12] =	wrdreg s1  }
0x17: {  	s21 =	sshll.u32 s10, $0x4;
	s11 =	sor.u32 $0x140, s6;
	s17 =	sadd.s32 s2, s16  }
0x18: {  	s18 =	sadd.s32 s4, s16;
	s19 =	sor.u32 $0x1C0, s6;
	[dreg:$0x1b] =	wrdreg s17  }
0x19: {  	s22 =	sadd.s32 s2, s21;
	s23 =	sadd.s32 s4, s21;
	[dreg:$0x1c] =	wrdreg s18  }
0x1a: {  	s13 =	sadd.s32 s7, s21;
	s1 =	sadd.s32 s3, s21;
	s21 =	rddreg [dreg:$0x1]  }
0x1b: {  	s29 =	sadd.s32 s7, s16;
	s30 =	sadd.s32 s3, s16;
	[dreg:$0x13] =	wrdreg s22  }
0x1c: {  	s20 =	sshrl.u32 s6, $0x3;
	s16 =	simm.s32 $0x1;
	[dreg:$0x14] =	wrdreg s23  }
0x1d: {  	s24 =	sshll.u32 s11, $0x4;
	s15 =	sshll.u32 s19, $0x4;
	[dreg:$0x15] =	wrdreg s13  }
0x1e: {  	s17 =	simm.s32 $0x8000;
	s18 =	simm.s32 $0xA000;
	[dreg:$0x16] =	wrdreg s1  }
0x1f: {  	s25 =	sadd.s32 s2, s24;
	s26 =	sadd.s32 s4, s24;
	s14 =	sadd.s32 s7, s24  }
0x20: {  	s1 =	sadd.s32 s3, s24;
	s31 =	sadd.s32 s2, s15;
	s2 =	sadd.s32 s7, s15  }
0x21: {  	s3 =	sadd.s32 s3, s15;
	s22 =	sshrl.u32 s8, $0x3;
	[dreg:$0x17] =	wrdreg s25  }
0x22: {  	s5 =	sadd.s32 s21, s5;
	s23 =	sshrl.u32 s9, $0x3;
	[dreg:$0x18] =	wrdreg s26  }
0x23: {  	s24 =	sshrl.u32 s10, $0x3;
	s13 =	simm.s32 $0x2000;
	[dreg:$0x19] =	wrdreg s14  }
0x24: {  	[dreg:$0x1a] =	wrdreg s1;
	s1 =	sadd.s32 s4, s15;
	s4 =	sadd.s32 s21, s20  }
0x25: {  	s6 =	sadd.s32 s21, s22;
	s7 =	sadd.s32 s21, s23;
	s25 =	sshrl.u32 s11, $0x3  }
0x26: {  	s8 =	sadd.s32 s21, s24;
	s26 =	sshrl.u32 s28, $0x3;
	s28 =	sshrl.u32 s19, $0x3  }
0x27: {  	s14 =	simm.s32 $0x4000;
	s15 =	simm.s32 $0x6000;
	s19 =	simm.s32 $0xC000  }
0x28: {  	s20 =	simm.s32 $0xE000;
	s22 =	simm.s32 $0x10080;
	s23 =	simm.s32 $0x2  }
0x29: {  	s24 =	simm.s32 $0x0;
	s9 =	sadd.s32 s21, s25;
	s10 =	sadd.s32 s21, s26  }
0x2a: {  	s11 =	sadd.s32 s21, s28;
	_ =	strace $0x80000047;
	s21 =	simm.s32 $0x10000  }
.LBB2_1:
0x2b: {  	s25 =	rddreg [dreg:$0x3]  }
0x2c: {  	[tilespmem:s0], [sflag:$0x1] =	stream.linear.gather [hbm4b:s25+s0], $0x2000, $0x38;
	[tilespmem:$0x10100] =	vst v63  }
0x2d: {  	s28 =	rddreg [dreg:$0x4]  }
0x2e: {  	[tilespmem:s13], [sflag:$0x1] =	stream.linear.gather [hbm4b:s28+s0], $0x2000, $0x38;
	[tilespmem:$0x10100] =	vst v63  }
0x2f: {  	s26 =	rddreg [dreg:$0x5]  }
0x30: {  	[tilespmem:s14], [sflag:$0x1] =	stream.linear.gather [hbm4b:s26+s0], $0x2000, $0x38;
	[tilespmem:$0x10100] =	vst v63  }
0x31: {  	s28 =	rddreg [dreg:$0x6]  }
0x32: {  	[tilespmem:s15], [sflag:$0x1] =	stream.linear.gather [hbm4b:s28+s0], $0x2000, $0x38;
	[tilespmem:$0x10100] =	vst v63  }
0x33: {  	_ =	swait.ge [sflag:s16], $0x2000  }
0x34: {  	[sflag:s16] =	ssyncset.done $0x0  }
0x35: {  	[sflag:s16] =	ssyncadd.s32 $0xFFFFE000  }
0x36: {  	_ =	swait.ge [sflag:s16], $0x2000  }
0x37: {  	[sflag:s16] =	ssyncset.done $0x0  }
0x38: {  	[sflag:s16] =	ssyncadd.s32 $0xFFFFE000  }
0x39: {  	_ =	swait.ge [sflag:s16], $0x2000  }
0x3a: {  	[sflag:s16] =	ssyncset.done $0x0  }
0x3b: {  	[sflag:s16] =	ssyncadd.s32 $0xFFFFE000  }
0x3c: {  	_ =	swait.ge [sflag:s16], $0x2000  }
0x3d: {  	[sflag:s16] =	ssyncset.done $0x0  }
0x3e: {  	s26 =	rddreg [dreg:$0x7];
	[sflag:s16] =	ssyncadd.s32 $0xFFFFE000  }
0x3f: {  	[tilespmem:s17], [sflag:$0x1] =	stream.linear.gather [hbm4b:s26+s0], $0x2000, $0x38;
	[tilespmem:$0x10100] =	vst v63  }
0x40: {  	s28 =	rddreg [dreg:$0x8]  }
0x41: {  	[tilespmem:s18], [sflag:$0x1] =	stream.linear.gather [hbm4b:s28+s0], $0x2000, $0x38;
	[tilespmem:$0x10100] =	vst v63  }
0x42: {  	s26 =	rddreg [dreg:$0x9]  }
0x43: {  	[tilespmem:s19], [sflag:$0x1] =	stream.linear.gather [hbm4b:s26+s0], $0x2000, $0x38;
	[tilespmem:$0x10100] =	vst v63  }
0x44: {  	s25 =	simm.s32 $0x0;
	s28 =	rddreg [dreg:$0xa]  }
0x45: {  	[tilespmem:s20], [sflag:$0x1] =	stream.linear.gather [hbm4b:s28+s0], $0x2000, $0x38;
	[tilespmem:$0x10100] =	vst v63  }
.LBB2_2:
0x46: {  	v1 =	vlaneseq.u32  }
0x47: {  	v0 =	vadd.s32 $0x1, v1  }
0x48: {  	s26 =	sshll.u32 s25, $0x4;
	vm0 =	veq.s32 v0, $0x40  }
0x49: {  	v2 =	vmov s26;
	v3 =	vmul.u32 $0x80, v1;
	v4 =	vsel vm0, $0x0, v0  }
0x4a: {  	v0 =	vshll.u32 v2, $0x7;
	v2 =	vadd.s32 $0x1, v4  }
0x4b: {  	v0 =	vor.u32 v3, v0;
	v3 =	vand.u32 $0xFFFFFF80, v1;
	v5 =	vand.u32 $0xFFFFFF80, v4  }
0x4c: {  	v1 =	vand.u32 $0x7F, v1;
	v4 =	vand.u32 $0x7F, v4;
	v5 =	vadd.s32 v0, v5  }
0x4d: {  	vm13 =	veq.s32 v2, $0x40;
	v3 =	vadd.s32 v0, v3;
	v4 =	vor.u32 v4, v5  }
0x4e: {  	v2 =	vsel vm13, $0x0, v2;
	v1 =	vor.u32 v1, v3  }
0x4f: {  	v6 =	vadd.s32 $0x1, v2  }
0x50: {  	vm14 =	veq.s32 v6, $0x40  }
0x51: {  	v5 =	vsel vm14, $0x0, v6  }
0x52: {  	v6 =	vadd.s32 $0x1, v5;
	v8 =	vld.idx.msk [tilespmem:v4+s13+$0x0], $0xffff  }
0x53: {  	v3 =	vand.u32 $0xFFFFFF80, v5;
	vm15 =	veq.s32 v6, $0x40;
	v9 =	vld.idx.msk [tilespmem:v1+s13+$0x0], $0xffff  }
0x54: {  	v5 =	vand.u32 $0x7F, v5;
	v3 =	vadd.s32 v0, v3;
	v10 =	vld.idx.msk [tilespmem:v4+s0+$0x0], $0xffff;
	v6 =	vsel vm15, $0x0, v6  }
0x55: {  	v12 =	vld.idx.msk [tilespmem:v1+s0+$0x0], $0xffff;
	v7 =	vor.u32 v5, v3;
	v3 =	vadd.s32 $0x1, v6  }
0x56: {  	v13 =	vld.idx.msk [tilespmem:v1+s14+$0x0], $0xffff;
	vm4 =	veq.s32 v3, $0x40  }
0x57: {  	v15 =	vld.idx.msk [tilespmem:v4+s15+$0x0], $0xffff;
	v5 =	vand.u32 $0xFFFFFF80, v2;
	v3 =	vsel vm4, $0x0, v3  }
0x58: {  	v4 =	vld.idx.msk [tilespmem:v4+s14+$0x0], $0xffff;
	v2 =	vand.u32 $0x7F, v2;
	v5 =	vadd.s32 v0, v5;
	v11 =	vadd.s32 $0x1, v3  }
0x59: {  	v21 =	vld.idx.msk [tilespmem:v1+s15+$0x0], $0xffff;
	v2 =	vor.u32 v2, v5;
	vm5 =	veq.s32 v11, $0x40  }
0x5a: {  	v16 =	vld.idx.msk [tilespmem:v7+s0+$0x0], $0xffff;
	v5 =	vsel vm5, $0x0, v11  }
0x5b: {  	v17 =	vld.idx.msk [tilespmem:v7+s13+$0x0], $0xffff;
	v11 =	vand.u32 $0xFFFFFF80, v5  }
0x5c: {  	v33 =	vld.idx.msk [tilespmem:v7+s14+$0x0], $0xffff;
	v14 =	vand.u32 $0x7F, v5;
	v11 =	vadd.s32 v0, v11  }
0x5d: {  	v7 =	vld.idx.msk [tilespmem:v7+s15+$0x0], $0xffff;
	v11 =	vor.u32 v14, v11  }
0x5e: {  	v18 =	vld.idx.msk [tilespmem:v2+s15+$0x0], $0xffff  }
0x5f: {  	v19 =	vld.idx.msk [tilespmem:v2+s0+$0x0], $0xffff;
	v14 =	vand.u32 $0xFFFFFF80, v6  }
0x60: {  	v5 =	vadd.s32 $0x1, v5;
	v24 =	vld.idx.msk [tilespmem:v2+s13+$0x0], $0xffff;
	v6 =	vand.u32 $0x7F, v6;
	v14 =	vadd.s32 v0, v14  }
0x61: {  	vm6 =	veq.s32 v5, $0x40;
	v6 =	vor.u32 v6, v14;
	v14 =	vld.idx.msk [tilespmem:v2+s14+$0x0], $0xffff  }
0x62: {  	v20 =	vand.u32 $0xFFFFFF80, v3;
	v5 =	vsel vm6, $0x0, v5;
	v23 =	vld.idx.msk [tilespmem:v11+s14+$0x0], $0xffff  }
0x63: {  	v1 =	vadd.s32 v0, v20;
	v20 =	vand.u32 $0xFFFFFF80, v5;
	v22 =	vadd.s32 $0x1, v5;
	v25 =	vld.idx.msk [tilespmem:v11+s15+$0x0], $0xffff  }
0x64: {  	v3 =	vand.u32 $0x7F, v3;
	v20 =	vadd.s32 v0, v20;
	vm7 =	veq.s32 v22, $0x40;
	v28 =	vld.idx.msk [tilespmem:v11+s0+$0x0], $0xffff  }
0x65: {  	v2 =	vand.u32 $0x7F, v5;
	v5 =	vsel vm7, $0x0, v22;
	v22 =	vor.u32 v3, v1;
	v11 =	vld.idx.msk [tilespmem:v11+s13+$0x0], $0xffff  }
0x66: {  	v20 =	vor.u32 v2, v20;
	v1 =	vadd.s32 $0x1, v5;
	v26 =	vld.idx.msk [tilespmem:v6+s14+$0x0], $0xffff  }
0x67: {  	v9 =	vmul.f32 v9, v12;
	vm8 =	veq.s32 v1, $0x40;
	v27 =	vld.idx.msk [tilespmem:v6+s15+$0x0], $0xffff  }
0x68: {  	v4 =	vmul.f32 v15, v4;
	v2 =	vand.u32 $0xFFFFFF80, v5;
	v3 =	vsel vm8, $0x0, v1;
	v39 =	vld.idx.msk [tilespmem:v6+s0+$0x0], $0xffff  }
0x69: {  	v1 =	vadd.s32 v0, v2;
	v2 =	vand.u32 $0x7F, v5;
	v5 =	vadd.s32 $0x1, v3;
	v6 =	vld.idx.msk [tilespmem:v6+s13+$0x0], $0xffff  }
0x6a: {  	v15 =	vmul.f32 v21, v13;
	v8 =	vmul.f32 v8, v10;
	vm9 =	veq.s32 v5, $0x40;
	v29 =	vld.idx.msk [tilespmem:v22+s0+$0x0], $0xffff  }
0x6b: {  	v17 =	vmul.f32 v17, v16;
	v7 =	vmul.f32 v7, v33;
	v31 =	vld.idx.msk [tilespmem:v20+s15+$0x0], $0xffff;
	v30 =	vsel vm9, $0x0, v5  }
0x6c: {  	v19 =	vmul.f32 v24, v19;
	v1 =	vor.u32 v2, v1;
	v32 =	vld.idx.msk [tilespmem:v20+s0+$0x0], $0xffff;
	v2 =	vadd.s32 $0x1, v30  }
0x6d: {  	v35 =	vld.idx.msk [tilespmem:v20+s13+$0x0], $0xffff;
	v5 =	vand.u32 $0xFFFFFF80, v3;
	v3 =	vand.u32 $0x7F, v3;
	vm10 =	veq.s32 v2, $0x40  }
0x6e: {  	v40 =	vld.idx.msk [tilespmem:v22+s13+$0x0], $0xffff;
	v5 =	vadd.s32 v0, v5;
	v11 =	vmul.f32 v11, v28;
	v34 =	vsel vm10, $0x0, v2  }
0x6f: {  	v28 =	vld.idx.msk [tilespmem:v22+s14+$0x0], $0xffff;
	v5 =	vor.u32 v3, v5;
	v36 =	vadd.s32 $0x1, v34;
	v3 =	vand.u32 $0xFFFFFF80, v34  }
0x70: {  	v22 =	vld.idx.msk [tilespmem:v22+s15+$0x0], $0xffff;
	v34 =	vand.u32 $0x7F, v34;
	vm11 =	veq.s32 v36, $0x40;
	v3 =	vadd.s32 v0, v3  }
0x71: {  	v24 =	vmul.f32 v18, v14;
	v2 =	vld.idx.msk [tilespmem:v1+s13+$0x0], $0xffff;
	v36 =	vsel vm11, $0x0, v36;
	v34 =	vor.u32 v34, v3  }
0x72: {  	v37 =	vld.idx.msk [tilespmem:v1+s14+$0x0], $0xffff;
	v27 =	vmul.f32 v27, v26;
	v3 =	vadd.s32 $0x1, v36;
	v13 =	vand.u32 $0xFFFFFF80, v36  }
0x73: {  	v38 =	vld.idx.msk [tilespmem:v1+s15+$0x0], $0xffff;
	v14 =	vand.u32 $0x7F, v36;
	vm12 =	veq.s32 v3, $0x40;
	v13 =	vadd.s32 v0, v13  }
0x74: {  	v26 =	vld.idx.msk [tilespmem:v20+s14+$0x0], $0xffff;
	v6 =	vmul.f32 v6, v39;
	v12 =	vsel vm12, $0x0, v3;
	v36 =	vor.u32 v14, v13  }
0x75: {  	v29 =	vmul.f32 v40, v29;
	v3 =	vld.idx.msk [tilespmem:v5+s14+$0x0], $0xffff;
	v13 =	vmul.f32 v25, v23;
	v21 =	vadd.s32 $0x1, v12  }
0x76: {  	v20 =	vand.u32 $0xFFFFFF80, v12;
	v12 =	vand.u32 $0x7F, v12;
	vm13 =	veq.s32 v21, $0x40;
	v41 =	vld.idx.msk [tilespmem:v34+s13+$0x0], $0xffff  }
0x77: {  	v20 =	vadd.s32 v0, v20;
	v42 =	vld.idx.msk [tilespmem:v34+s0+$0x0], $0xffff;
	v18 =	vsel vm13, $0x0, v21;
	v21 =	vimm.f32 $0.0e+00  }
0x78: {  	v14 =	vld.idx.msk [tilespmem:v34+s15+$0x0], $0xffff;
	v23 =	vor.u32 v12, v20;
	v12 =	vand.u32 $0xFFFFFF80, v30;
	v30 =	vand.u32 $0x7F, v30  }
0x79: {  	v10 =	vadd.s32 $0x1, v18;
	v20 =	vadd.f32 v15, v21;
	v9 =	vadd.f32 v9, v21;
	v61 =	vld.idx.msk [tilespmem:v36+s0+$0x0], $0xffff  }
0x7a: {  	v25 =	vadd.s32 v0, v12;
	v15 =	vmul.f32 v35, v32;
	vm14 =	veq.s32 v10, $0x40;
	v62 =	vld.idx.msk [tilespmem:v36+s13+$0x0], $0xffff  }
0x7b: {  	v21 =	vand.u32 $0xFFFFFF80, v18;
	v43 =	vld.idx.msk [tilespmem:v36+s14+$0x0], $0xffff;
	v10 =	vsel vm14, $0x0, v10;
	v8 =	vadd.f32 v8, v9  }
0x7c: {  	v63 =	vld.idx.msk [tilespmem:v36+s15+$0x0], $0xffff;
	v4 =	vadd.f32 v4, v20;
	v20 =	vadd.s32 v0, v21;
	v9 =	vand.u32 $0x7F, v18  }
0x7d: {  	v16 =	vand.u32 $0xFFFFFF80, v10;
	v9 =	vor.u32 v9, v20;
	v18 =	vld.idx.msk [tilespmem:v23+s0+$0x0], $0xffff;
	v8 =	vadd.f32 v19, v8  }
0x7e: {  	v19 =	vadd.s32 $0x1, v10;
	v21 =	vadd.f32 v24, v4;
	v44 =	vadd.s32 v0, v16;
	v20 =	vld.idx.msk [tilespmem:v23+s13+$0x0], $0xffff  }
0x7f: {  	v16 =	vor.u32 v30, v25;
	v24 =	vld.idx.msk [tilespmem:v23+s14+$0x0], $0xffff;
	vm15 =	veq.s32 v19, $0x40;
	v8 =	vadd.f32 v17, v8  }
0x80: {  	v17 =	vadd.f32 v7, v21;
	v7 =	vmul.f32 v31, v26;
	v26 =	vld.idx.msk [tilespmem:v23+s15+$0x0], $0xffff;
	v23 =	vand.u32 $0x7F, v10  }
0x81: {  	v12 =	vld.idx.msk [tilespmem:v5+s0+$0x0], $0xffff;
	v4 =	vmul.f32 v38, v37;
	v21 =	vsel vm15, $0x0, v19;
	v23 =	vor.u32 v23, v44  }
0x82: {  	v25 =	vld.idx.msk [tilespmem:v34+s14+$0x0], $0xffff;
	v19 =	vmul.f32 v22, v28;
	v6 =	vadd.f32 v6, v8;
	v27 =	vadd.f32 v27, v17  }
0x83: {  	v10 =	vmul.f32 v62, v61;
	v22 =	vld.idx.msk [tilespmem:v9+s0+$0x0], $0xffff;
	v8 =	vmul.f32 v41, v42  }
0x84: {  	s28 =	simm.s32 $0x0;
	v17 =	vadd.f32 v29, v6;
	v27 =	vadd.f32 v19, v27;
	v19 =	vld.idx.msk [tilespmem:v16+s0+$0x0], $0xffff;
	v6 =	vmul.f32 v63, v43  }
.LBB2_3:
0x85: {  	v28 =	vand.u32 $0xFFFFFF80, v21;
	v29 =	vadd.s32 $0x1, v21;
	s28 =	sadd.s32 $0x10, s28;
	v30 =	vld.idx.msk [tilespmem:v9+s13+$0x0], $0xffff  }
0x86: {  	v21 =	vand.u32 $0x7F, v21;
	vm0 =	veq.s32 v29, $0x40;
	p0 =	slt.u32 s28, $0x30;
	v31 =	vadd.f32 v11, v17;
	v32 =	vld.idx.msk [tilespmem:v23+s0+$0x0], $0xffff  }
0x87: {  	v28 =	vadd.s32 v0, v28;
	v11 =	vmul.f32 v26, v24;
	v29 =	vsel vm0, $0x0, v29;
	v24 =	vld.idx.msk [tilespmem:v9+s14+$0x0], $0xffff  }
0x88: {  	v17 =	vmul.f32 v20, v18;
	v26 =	vand.u32 $0xFFFFFF80, v29;
	v33 =	vadd.s32 $0x1, v29;
	v18 =	vld.idx.msk [tilespmem:v23+s13+$0x0], $0xffff  }
0x89: {  	v20 =	vadd.s32 v0, v26;
	vm0 =	veq.s32 v33, $0x40;
	v26 =	vadd.f32 v15, v31;
	v15 =	vld.idx.msk [tilespmem:v1+s0+$0x0], $0xffff  }
0x8a: {  	v27 =	vadd.f32 v13, v27;
	v29 =	vand.u32 $0x7F, v29;
	v31 =	vsel vm0, $0x0, v33;
	v33 =	vld.idx.msk [tilespmem:v23+s14+$0x0], $0xffff  }
0x8b: {  	v1 =	vmul.f32 v30, v22;
	v13 =	vand.u32 $0xFFFFFF80, v31;
	v34 =	vadd.s32 $0x1, v31;
	v22 =	vld.idx.msk [tilespmem:v23+s15+$0x0], $0xffff  }
0x8c: {  	v23 =	vadd.s32 v0, v13;
	vm0 =	veq.s32 v34, $0x40;
	v13 =	vmul.f32 v14, v25;
	v25 =	vld.idx.msk [tilespmem:v9+s15+$0x0], $0xffff  }
0x8d: {  	v20 =	vor.u32 v29, v20;
	v29 =	vand.u32 $0x7F, v31;
	v9 =	vsel vm0, $0x0, v34;
	v30 =	vld.idx.msk [tilespmem:v5+s13+$0x0], $0xffff  }
0x8e: {  	v14 =	vand.u32 $0xFFFFFF80, v9;
	v31 =	vadd.s32 $0x1, v9;
	v34 =	vld.idx.msk [tilespmem:v5+s15+$0x0], $0xffff;
	v5 =	vmul.f32 v18, v32  }
0x8f: {  	v2 =	vmul.f32 v2, v15;
	v14 =	vadd.s32 v0, v14;
	vm0 =	veq.s32 v31, $0x40;
	v18 =	vld.idx.msk [tilespmem:v16+s13+$0x0], $0xffff  }
0x90: {  	v21 =	vor.u32 v21, v28;
	v9 =	vand.u32 $0x7F, v9;
	v15 =	vsel vm0, $0x0, v31;
	v28 =	vld.idx.msk [tilespmem:v16+s14+$0x0], $0xffff  }
0x91: {  	v9 =	vor.u32 v9, v14;
	v14 =	vand.u32 $0xFFFFFF80, v15;
	v31 =	vadd.s32 $0x1, v15;
	v32 =	vld.idx.msk [tilespmem:v16+s15+$0x0], $0xffff  }
0x92: {  	v35 =	vadd.s32 v0, v14;
	vm0 =	veq.s32 v31, $0x40;
	v14 =	vmul.f32 v22, v33  }
0x93: {  	v22 =	vand.u32 $0x7F, v15;
	v15 =	vmul.f32 v25, v24;
	v31 =	vsel vm0, $0x0, v31  }
0x94: {  	v2 =	vadd.f32 v2, v26;
	v24 =	vand.u32 $0xFFFFFF80, v31;
	v25 =	vadd.s32 $0x1, v31  }
0x95: {  	v12 =	vmul.f32 v30, v12;
	v16 =	vld.idx.msk [tilespmem:v20+s13+$0x0], $0xffff;
	v24 =	vadd.s32 v0, v24;
	vm0 =	veq.s32 v25, $0x40  }
0x96: {  	v30 =	vand.u32 $0x7F, v31;
	v31 =	vmul.f32 v18, v19;
	v26 =	vld.idx.msk [tilespmem:v21+s13+$0x0], $0xffff;
	v25 =	vsel vm0, $0x0, v25  }
0x97: {  	v3 =	vmul.f32 v34, v3;
	v18 =	vld.idx.msk [tilespmem:v20+s0+$0x0], $0xffff;
	v19 =	vand.u32 $0xFFFFFF80, v25;
	v33 =	vadd.s32 $0x1, v25  }
0x98: {  	v2 =	vadd.f32 v12, v2;
	v34 =	vld.idx.msk [tilespmem:v21+s0+$0x0], $0xffff;
	v36 =	vadd.s32 v0, v19;
	vm0 =	veq.s32 v33, $0x40  }
0x99: {  	v23 =	vor.u32 v29, v23;
	v25 =	vand.u32 $0x7F, v25;
	v12 =	vld.idx.msk [tilespmem:v9+s0+$0x0], $0xffff;
	v29 =	vsel vm0, $0x0, v33  }
0x9a: {  	v22 =	vor.u32 v22, v35;
	v19 =	vld.idx.msk [tilespmem:v9+s13+$0x0], $0xffff;
	v33 =	vand.u32 $0xFFFFFF80, v29;
	v35 =	vadd.s32 $0x1, v29  }
0x9b: {  	v28 =	vmul.f32 v32, v28;
	v37 =	vld.idx.msk [tilespmem:v21+s14+$0x0], $0xffff;
	v33 =	vadd.s32 v0, v33;
	vm0 =	veq.s32 v35, $0x40  }
0x9c: {  	v2 =	vadd.f32 v31, v2;
	v29 =	vand.u32 $0x7F, v29;
	v32 =	vld.idx.msk [tilespmem:v20+s15+$0x0], $0xffff;
	v35 =	vsel vm0, $0x0, v35  }
0x9d: {  	v25 =	vor.u32 v25, v36;
	v31 =	vld.idx.msk [tilespmem:v20+s14+$0x0], $0xffff;
	v20 =	vand.u32 $0xFFFFFF80, v35;
	v36 =	vadd.s32 $0x1, v35  }
0x9e: {  	v2 =	vadd.f32 v8, v2;
	v38 =	vld.idx.msk [tilespmem:v23+s15+$0x0], $0xffff;
	v39 =	vadd.s32 v0, v20;
	vm0 =	veq.s32 v36, $0x40  }
0x9f: {  	v7 =	vadd.f32 v7, v27;
	v35 =	vand.u32 $0x7F, v35;
	v40 =	vld.idx.msk [tilespmem:v23+s0+$0x0], $0xffff;
	v20 =	vsel vm0, $0x0, v36  }
0xa0: {  	v8 =	vmul.f32 v26, v34;
	v26 =	vld.idx.msk [tilespmem:v23+s14+$0x0], $0xffff;
	v27 =	vand.u32 $0xFFFFFF80, v20;
	v34 =	vadd.s32 $0x1, v20  }
0xa1: {  	v2 =	vadd.f32 v10, v2;
	v21 =	vld.idx.msk [tilespmem:v21+s15+$0x0], $0xffff;
	v27 =	vadd.s32 v0, v27;
	vm0 =	veq.s32 v34, $0x40  }
0xa2: {  	v4 =	vadd.f32 v4, v7;
	v41 =	vand.u32 $0x7F, v20;
	v36 =	vld.idx.msk [tilespmem:v25+s14+$0x0], $0xffff;
	v20 =	vsel vm0, $0x0, v34  }
0xa3: {  	v7 =	vld.idx.msk [tilespmem:v23+s13+$0x0], $0xffff;
	v23 =	vor.u32 v30, v24;
	v10 =	vand.u32 $0xFFFFFF80, v20;
	v24 =	vadd.s32 $0x1, v20  }
0xa4: {  	v29 =	vor.u32 v29, v33;
	v30 =	vld.idx.msk [tilespmem:v25+s15+$0x0], $0xffff;
	v10 =	vadd.s32 v0, v10;
	vm0 =	veq.s32 v24, $0x40  }
0xa5: {  	v2 =	vadd.f32 v17, v2;
	v20 =	vand.u32 $0x7F, v20;
	v33 =	vld.idx.msk [tilespmem:v22+s14+$0x0], $0xffff;
	v24 =	vsel vm0, $0x0, v24  }
0xa6: {  	v31 =	vmul.f32 v32, v31;
	v32 =	vld.idx.msk [tilespmem:v22+s15+$0x0], $0xffff;
	v17 =	vand.u32 $0xFFFFFF80, v24;
	v34 =	vand.u32 $0x7F, v24  }
0xa7: {  	v3 =	vadd.f32 v3, v4;
	v24 =	vadd.s32 $0x1, v24;
	v17 =	vadd.s32 v0, v17  }
0xa8: {  	v2 =	vadd.f32 v1, v2;
	vm0 =	veq.s32 v24, $0x40;
	v4 =	vld.idx.msk [tilespmem:v25+s0+$0x0], $0xffff;
	v17 =	vor.u32 v34, v17  }
0xa9: {  	v3 =	vadd.f32 v28, v3;
	v34 =	vmul.f32 v21, v37;
	v24 =	vsel vm0, $0x0, v24;
	v21 =	vld.idx.msk [tilespmem:v25+s13+$0x0], $0xffff  }
0xaa: {  	v1 =	vor.u32 v35, v39;
	v35 =	vadd.f32 v5, v2;
	v28 =	vadd.s32 $0x1, v24;
	v25 =	vld.idx.msk [tilespmem:v23+s0+$0x0], $0xffff  }
0xab: {  	v2 =	vadd.f32 v13, v3;
	v39 =	vand.u32 $0xFFFFFF80, v24;
	vm0 =	veq.s32 v28, $0x40;
	v37 =	vld.idx.msk [tilespmem:v29+s15+$0x0], $0xffff  }
0xac: {  	v40 =	vmul.f32 v7, v40;
	v32 =	vmul.f32 v32, v33;
	v7 =	vsel vm0, $0x0, v28;
	v3 =	vld.idx.msk [tilespmem:v29+s0+$0x0], $0xffff  }
0xad: {  	v6 =	vadd.f32 v6, v2;
	v5 =	vand.u32 $0xFFFFFF80, v7;
	v13 =	vadd.s32 $0x1, v7;
	v28 =	vld.idx.msk [tilespmem:v9+s14+$0x0], $0xffff  }
0xae: {  	v26 =	vmul.f32 v38, v26;
	v38 =	vadd.s32 v0, v5;
	vm0 =	veq.s32 v13, $0x40;
	v33 =	vld.idx.msk [tilespmem:v29+s13+$0x0], $0xffff  }
0xaf: {  	v6 =	vadd.f32 v11, v6;
	v5 =	vor.u32 v41, v27;
	v27 =	vsel vm0, $0x0, v13;
	v2 =	vld.idx.msk [tilespmem:v1+s13+$0x0], $0xffff  }
0xb0: {  	v11 =	vmul.f32 v21, v4;
	v13 =	vand.u32 $0xFFFFFF80, v27;
	v21 =	vadd.s32 $0x1, v27;
	v4 =	vld.idx.msk [tilespmem:v1+s14+$0x0], $0xffff  }
0xb1: {  	v6 =	vadd.f32 v15, v6;
	v42 =	vadd.s32 v0, v13;
	vm0 =	veq.s32 v21, $0x40;
	v41 =	vld.idx.msk [tilespmem:v1+s15+$0x0], $0xffff  }
0xb2: {  	v16 =	vmul.f32 v16, v18;
	v13 =	vmul.f32 v30, v36;
	v30 =	vsel vm0, $0x0, v21;
	v18 =	vld.idx.msk [tilespmem:v22+s0+$0x0], $0xffff  }
0xb3: {  	v6 =	vadd.f32 v14, v6;
	v21 =	vand.u32 $0xFFFFFF80, v30;
	v36 =	vadd.s32 $0x1, v30;
	v22 =	vld.idx.msk [tilespmem:v22+s13+$0x0], $0xffff  }
0xb4: {  	v15 =	vmul.f32 v33, v3;
	v33 =	vadd.s32 v0, v21;
	vm0 =	veq.s32 v36, $0x40;
	v3 =	vld.idx.msk [tilespmem:v5+s14+$0x0], $0xffff  }
0xb5: {  	v19 =	vmul.f32 v19, v12;
	v21 =	vsel vm0, $0x0, v36;
	v12 =	vld.idx.msk [tilespmem:v23+s13+$0x0], $0xffff  }
0xb6: {  	v29 =	vld.idx.msk [tilespmem:v29+s14+$0x0], $0xffff  }
0xb7: {  	v4 =	vmul.f32 v41, v4;
	v36 =	vld.idx.msk [tilespmem:v17+s13+$0x0], $0xffff  }
0xb8: {  	v41 =	vld.idx.msk [tilespmem:v23+s14+$0x0], $0xffff  }
0xb9: {  	v14 =	vand.u32 $0x7F, v24;
	v24 =	vadd.s32 v0, v39;
	v22 =	vmul.f32 v22, v18;
	v18 =	vld.idx.msk [tilespmem:v17+s0+$0x0], $0xffff  }
0xba: {  	v24 =	vor.u32 v14, v24;
	v23 =	vld.idx.msk [tilespmem:v23+s15+$0x0], $0xffff  }
0xbb: {  	v39 =	vmul.f32 v12, v25;
	v12 =	vand.u32 $0x7F, v7;
	v14 =	vld.idx.msk [tilespmem:v17+s15+$0x0], $0xffff  }
0xbc: {  	v7 =	vmul.f32 v37, v29;
	v25 =	vor.u32 v12, v38  }
0xbd: {  	v29 =	vld.idx.msk [tilespmem:v9+s15+$0x0], $0xffff  }
0xbe: {  	v6 =	vadd.f32 v34, v6;
	v12 =	vld.idx.msk [tilespmem:v5+s0+$0x0], $0xffff  }
0xbf: {  	v9 =	vadd.f32 v8, v35;
	v8 =	vmul.f32 v36, v18;
	v34 =	vld.idx.msk [tilespmem:v24+s0+$0x0], $0xffff  }
0xc0: {  	v6 =	vadd.f32 v31, v6;
	v31 =	vmul.f32 v23, v41;
	v23 =	vld.idx.msk [tilespmem:v24+s13+$0x0], $0xffff  }
0xc1: {  	v16 =	vadd.f32 v16, v9;
	v9 =	vand.u32 $0x7F, v27;
	v18 =	vld.idx.msk [tilespmem:v25+s0+$0x0], $0xffff  }
0xc2: {  	v9 =	vor.u32 v9, v42;
	v35 =	vld.idx.msk [tilespmem:v24+s14+$0x0], $0xffff  }
0xc3: {  	v6 =	vadd.f32 v26, v6;
	v27 =	vadd.f32 v40, v16;
	v26 =	vmul.f32 v29, v28;
	v28 =	vld.idx.msk [tilespmem:v24+s15+$0x0], $0xffff  }
0xc4: {  	v16 =	vor.u32 v20, v10;
	v20 =	vld.idx.msk [tilespmem:v25+s13+$0x0], $0xffff  }
.Ltmp0:
0xc5: {  	v19 =	vadd.f32 v19, v27;
	v27 =	vand.u32 $0x7F, v30;
	v6 =	vadd.f32 v26, v6;
	v24 =	vld.idx.msk [tilespmem:v25+s14+$0x0], $0xffff;
	(pc) =	sbr.rel @p0 .LBB2_3-.Ltmp0, $4  }
0xc6: {  	v10 =	vmul.f32 v23, v34;
	v23 =	vor.u32 v27, v33;
	v26 =	vld.idx.msk [tilespmem:v25+s15+$0x0], $0xffff  }
0xc7: {  	v19 =	vadd.f32 v22, v19;
	v6 =	vadd.f32 v32, v6;
	v22 =	vld.idx.msk [tilespmem:v9+s0+$0x0], $0xffff  }
0xc8: {  	v25 =	vld.idx.msk [tilespmem:v17+s14+$0x0], $0xffff  }
0xc9: {  	v17 =	vadd.f32 v39, v19;
	v27 =	vadd.f32 v31, v6;
	v6 =	vmul.f32 v28, v35;
	v19 =	vld.idx.msk [tilespmem:v16+s0+$0x0], $0xffff  }
0xca: {  	_ =	sdelay $0x3  }
0xcb: {  	v0 =	vld.idx.msk [tilespmem:v1+s0+$0x0], $0xffff  }
0xcc: {  	v45 =	vld.idx.msk [tilespmem:v5+s13+$0x0], $0xffff  }
0xcd: {  	v46 =	vld.idx.msk [tilespmem:v5+s15+$0x0], $0xffff  }
0xce: {  	v47 =	vld.idx.msk [tilespmem:v16+s13+$0x0], $0xffff  }
0xcf: {  	v21 =	vld.idx.msk [tilespmem:v16+s14+$0x0], $0xffff;
	v11 =	vadd.f32 v11, v17;
	v13 =	vadd.f32 v13, v27  }
0xd0: {  	v48 =	vld.idx.msk [tilespmem:v16+s15+$0x0], $0xffff  }
0xd1: {  	v11 =	vadd.f32 v15, v11;
	v7 =	vadd.f32 v7, v13;
	v0 =	vmul.f32 v2, v0  }
0xd2: {  	v1 =	vmul.f32 v45, v12  }
0xd3: {  	v3 =	vmul.f32 v46, v3;
	v4 =	vadd.f32 v4, v7;
	v0 =	vadd.f32 v0, v11  }
0xd4: {  	v49 =	vld.idx.msk [tilespmem:v9+s13+$0x0], $0xffff;
	v50 =	vmul.f32 v47, v19  }
0xd5: {  	v51 =	vld.idx.msk [tilespmem:v23+s0+$0x0], $0xffff;
	v52 =	vmul.f32 v48, v21;
	v53 =	vadd.f32 v3, v4;
	v0 =	vadd.f32 v1, v0  }
0xd6: {  	v54 =	vld.idx.msk [tilespmem:v9+s14+$0x0], $0xffff  }
0xd7: {  	v55 =	vld.idx.msk [tilespmem:v23+s13+$0x0], $0xffff;
	v56 =	vmul.f32 v14, v25;
	v1 =	vadd.f32 v52, v53;
	v0 =	vadd.f32 v50, v0  }
0xd8: {  	v57 =	vld.idx.msk [tilespmem:v9+s15+$0x0], $0xffff  }
0xd9: {  	v58 =	vld.idx.msk [tilespmem:v23+s14+$0x0], $0xffff;
	v1 =	vadd.f32 v56, v1;
	v0 =	vadd.f32 v8, v0  }
0xda: {  	v60 =	vld.idx.msk [tilespmem:v23+s15+$0x0], $0xffff;
	v61 =	vmul.f32 v20, v18  }
0xdb: {  	v59 =	vmul.f32 v26, v24;
	v1 =	vadd.f32 v6, v1;
	v0 =	vadd.f32 v10, v0  }
0xdc: {  	v5 =	vmul.f32 v49, v22  }
0xdd: {  	v2 =	vmul.f32 v57, v54;
	v1 =	vadd.f32 v59, v1;
	v0 =	vadd.f32 v61, v0  }
0xde: {  	v62 =	vmul.f32 v55, v51  }
0xdf: {  	s25 =	sadd.s32 $0x1, s25;
	v63 =	vmul.f32 v60, v58;
	v1 =	vadd.f32 v2, v1;
	v0 =	vadd.f32 v5, v0  }
0xe0: {  	p0 =	sne.s32 s25, $0x4  }
.Ltmp1:
0xe1: {  	v1 =	vadd.f32 v63, v1;
	v0 =	vadd.f32 v62, v0;
	(pc) =	sbr.rel @p0 .LBB2_2-.Ltmp1, $3  }
0xe2: {  	_ = 	snop  }
0xe3: {  	v0 =	vadd.f32 v1, v0;
	_ =	sdelay $0x1  }
0xe4: {  	[tilespmem:s26+$0x10000] =	vst v0  }
0xe5: {  	s25 =	simm.s32 $0x0  }
0xe6: {  	[hbm4b:s4+s25] =	stream.linear.scatter [tilespmem:s21], [sflag:$0x2], $0x40, $0x38;
	[tilespmem:$0x10100] =	vst v63  }
0xe7: {  	_ =	swait.ge [sflag:s16], $0x2000  }
0xe8: {  	[sflag:s16] =	ssyncset.done $0x0  }
0xe9: {  	[sflag:s16] =	ssyncadd.s32 $0xFFFFE000  }
0xea: {  	_ =	swait.ge [sflag:s16], $0x2000  }
0xeb: {  	[sflag:s16] =	ssyncset.done $0x0  }
0xec: {  	[sflag:s16] =	ssyncadd.s32 $0xFFFFE000  }
0xed: {  	_ =	swait.ge [sflag:s16], $0x2000  }
0xee: {  	[sflag:s16] =	ssyncset.done $0x0  }
0xef: {  	[sflag:s16] =	ssyncadd.s32 $0xFFFFE000  }
0xf0: {  	_ =	swait.ge [sflag:s16], $0x2000  }
0xf1: {  	[sflag:s16] =	ssyncset.done $0x0  }
0xf2: {  	s26 =	rddreg [dreg:$0xb];
	[sflag:s16] =	ssyncadd.s32 $0xFFFFE000  }
0xf3: {  	[tilespmem:s25], [sflag:$0x1] =	stream.linear.gather [hbm4b:s26+s25], $0x2000, $0x38;
	[tilespmem:$0x10100] =	vst v63  }
0xf4: {  	s28 =	rddreg [dreg:$0xc]  }
0xf5: {  	[tilespmem:s13], [sflag:$0x1] =	stream.linear.gather [hbm4b:s28+s25], $0x2000, $0x38;
	[tilespmem:$0x10100] =	vst v63  }
0xf6: {  	s28 =	rddreg [dreg:$0xd]  }
0xf7: {  	[tilespmem:s14], [sflag:$0x1] =	stream.linear.gather [hbm4b:s28+s25], $0x2000, $0x38;
	[tilespmem:$0x10100] =	vst v63  }
0xf8: {  	s28 =	rddreg [dreg:$0xe]  }
0xf9: {  	[tilespmem:s15], [sflag:$0x1] =	stream.linear.gather [hbm4b:s28+s25], $0x2000, $0x38;
	[tilespmem:$0x10100] =	vst v63  }
.LBB2_6:
0xfa: {  	v1 =	vlaneseq.u32  }
0xfb: {  	v0 =	vadd.s32 $0x1, v1  }
0xfc: {  	s26 =	sshll.u32 s25, $0x4;
	vm0 =	veq.s32 v0, $0x40  }
0xfd: {  	v2 =	vmov s26;
	v3 =	vmul.u32 $0x80, v1;
	v4 =	vsel vm0, $0x0, v0  }
0xfe: {  	v0 =	vshll.u32 v2, $0x7;
	v2 =	vadd.s32 $0x1, v4  }
0xff: {  	v0 =	vor.u32 v3, v0;
	v3 =	vand.u32 $0xFFFFFF80, v1;
	v5 =	vand.u32 $0xFFFFFF80, v4  }
0x100: {  	v1 =	vand.u32 $0x7F, v1;
	v4 =	vand.u32 $0x7F, v4;
	v5 =	vadd.s32 v0, v5  }
0x101: {  	vm13 =	veq.s32 v2, $0x40;
	v3 =	vadd.s32 v0, v3;
	v4 =	vor.u32 v4, v5  }
0x102: {  	v2 =	vsel vm13, $0x0, v2;
	v1 =	vor.u32 v1, v3  }
0x103: {  	v6 =	vadd.s32 $0x1, v2  }
0x104: {  	vm14 =	veq.s32 v6, $0x40  }
0x105: {  	v5 =	vsel vm14, $0x0, v6  }
0x106: {  	v6 =	vadd.s32 $0x1, v5;
	v8 =	vld.idx.msk [tilespmem:v4+s18+$0x0], $0xffff  }
0x107: {  	v3 =	vand.u32 $0xFFFFFF80, v5;
	vm15 =	veq.s32 v6, $0x40;
	v9 =	vld.idx.msk [tilespmem:v1+s18+$0x0], $0xffff  }
0x108: {  	v5 =	vand.u32 $0x7F, v5;
	v3 =	vadd.s32 v0, v3;
	v10 =	vld.idx.msk [tilespmem:v4+s17+$0x0], $0xffff;
	v6 =	vsel vm15, $0x0, v6  }
0x109: {  	v12 =	vld.idx.msk [tilespmem:v1+s17+$0x0], $0xffff;
	v7 =	vor.u32 v5, v3;
	v3 =	vadd.s32 $0x1, v6  }
0x10a: {  	v13 =	vld.idx.msk [tilespmem:v1+s19+$0x0], $0xffff;
	vm4 =	veq.s32 v3, $0x40  }
0x10b: {  	v15 =	vld.idx.msk [tilespmem:v4+s20+$0x0], $0xffff;
	v5 =	vand.u32 $0xFFFFFF80, v2;
	v3 =	vsel vm4, $0x0, v3  }
0x10c: {  	v4 =	vld.idx.msk [tilespmem:v4+s19+$0x0], $0xffff;
	v2 =	vand.u32 $0x7F, v2;
	v5 =	vadd.s32 v0, v5;
	v11 =	vadd.s32 $0x1, v3  }
0x10d: {  	v21 =	vld.idx.msk [tilespmem:v1+s20+$0x0], $0xffff;
	v2 =	vor.u32 v2, v5;
	vm5 =	veq.s32 v11, $0x40  }
0x10e: {  	v16 =	vld.idx.msk [tilespmem:v7+s17+$0x0], $0xffff;
	v5 =	vsel vm5, $0x0, v11  }
0x10f: {  	v17 =	vld.idx.msk [tilespmem:v7+s18+$0x0], $0xffff;
	v11 =	vand.u32 $0xFFFFFF80, v5  }
0x110: {  	v33 =	vld.idx.msk [tilespmem:v7+s19+$0x0], $0xffff;
	v14 =	vand.u32 $0x7F, v5;
	v11 =	vadd.s32 v0, v11  }
0x111: {  	v7 =	vld.idx.msk [tilespmem:v7+s20+$0x0], $0xffff;
	v11 =	vor.u32 v14, v11  }
0x112: {  	v18 =	vld.idx.msk [tilespmem:v2+s20+$0x0], $0xffff  }
0x113: {  	v19 =	vld.idx.msk [tilespmem:v2+s17+$0x0], $0xffff;
	v14 =	vand.u32 $0xFFFFFF80, v6  }
0x114: {  	v5 =	vadd.s32 $0x1, v5;
	v24 =	vld.idx.msk [tilespmem:v2+s18+$0x0], $0xffff;
	v6 =	vand.u32 $0x7F, v6;
	v14 =	vadd.s32 v0, v14  }
0x115: {  	vm6 =	veq.s32 v5, $0x40;
	v6 =	vor.u32 v6, v14;
	v14 =	vld.idx.msk [tilespmem:v2+s19+$0x0], $0xffff  }
0x116: {  	v20 =	vand.u32 $0xFFFFFF80, v3;
	v5 =	vsel vm6, $0x0, v5;
	v23 =	vld.idx.msk [tilespmem:v11+s19+$0x0], $0xffff  }
0x117: {  	v1 =	vadd.s32 v0, v20;
	v20 =	vand.u32 $0xFFFFFF80, v5;
	v22 =	vadd.s32 $0x1, v5;
	v25 =	vld.idx.msk [tilespmem:v11+s20+$0x0], $0xffff  }
0x118: {  	v3 =	vand.u32 $0x7F, v3;
	v20 =	vadd.s32 v0, v20;
	vm7 =	veq.s32 v22, $0x40;
	v28 =	vld.idx.msk [tilespmem:v11+s17+$0x0], $0xffff  }
0x119: {  	v2 =	vand.u32 $0x7F, v5;
	v5 =	vsel vm7, $0x0, v22;
	v22 =	vor.u32 v3, v1;
	v11 =	vld.idx.msk [tilespmem:v11+s18+$0x0], $0xffff  }
0x11a: {  	v20 =	vor.u32 v2, v20;
	v1 =	vadd.s32 $0x1, v5;
	v26 =	vld.idx.msk [tilespmem:v6+s19+$0x0], $0xffff  }
0x11b: {  	v9 =	vmul.f32 v9, v12;
	vm8 =	veq.s32 v1, $0x40;
	v27 =	vld.idx.msk [tilespmem:v6+s20+$0x0], $0xffff  }
0x11c: {  	v4 =	vmul.f32 v15, v4;
	v2 =	vand.u32 $0xFFFFFF80, v5;
	v3 =	vsel vm8, $0x0, v1;
	v39 =	vld.idx.msk [tilespmem:v6+s17+$0x0], $0xffff  }
0x11d: {  	v1 =	vadd.s32 v0, v2;
	v2 =	vand.u32 $0x7F, v5;
	v5 =	vadd.s32 $0x1, v3;
	v6 =	vld.idx.msk [tilespmem:v6+s18+$0x0], $0xffff  }
0x11e: {  	v15 =	vmul.f32 v21, v13;
	v8 =	vmul.f32 v8, v10;
	vm9 =	veq.s32 v5, $0x40;
	v29 =	vld.idx.msk [tilespmem:v22+s17+$0x0], $0xffff  }
0x11f: {  	v17 =	vmul.f32 v17, v16;
	v7 =	vmul.f32 v7, v33;
	v31 =	vld.idx.msk [tilespmem:v20+s20+$0x0], $0xffff;
	v30 =	vsel vm9, $0x0, v5  }
0x120: {  	v19 =	vmul.f32 v24, v19;
	v1 =	vor.u32 v2, v1;
	v32 =	vld.idx.msk [tilespmem:v20+s17+$0x0], $0xffff;
	v2 =	vadd.s32 $0x1, v30  }
0x121: {  	v35 =	vld.idx.msk [tilespmem:v20+s18+$0x0], $0xffff;
	v5 =	vand.u32 $0xFFFFFF80, v3;
	v3 =	vand.u32 $0x7F, v3;
	vm10 =	veq.s32 v2, $0x40  }
0x122: {  	v40 =	vld.idx.msk [tilespmem:v22+s18+$0x0], $0xffff;
	v5 =	vadd.s32 v0, v5;
	v11 =	vmul.f32 v11, v28;
	v34 =	vsel vm10, $0x0, v2  }
0x123: {  	v28 =	vld.idx.msk [tilespmem:v22+s19+$0x0], $0xffff;
	v5 =	vor.u32 v3, v5;
	v36 =	vadd.s32 $0x1, v34;
	v3 =	vand.u32 $0xFFFFFF80, v34  }
0x124: {  	v22 =	vld.idx.msk [tilespmem:v22+s20+$0x0], $0xffff;
	v34 =	vand.u32 $0x7F, v34;
	vm11 =	veq.s32 v36, $0x40;
	v3 =	vadd.s32 v0, v3  }
0x125: {  	v24 =	vmul.f32 v18, v14;
	v2 =	vld.idx.msk [tilespmem:v1+s18+$0x0], $0xffff;
	v36 =	vsel vm11, $0x0, v36;
	v34 =	vor.u32 v34, v3  }
0x126: {  	v37 =	vld.idx.msk [tilespmem:v1+s19+$0x0], $0xffff;
	v27 =	vmul.f32 v27, v26;
	v3 =	vadd.s32 $0x1, v36;
	v13 =	vand.u32 $0xFFFFFF80, v36  }
0x127: {  	v38 =	vld.idx.msk [tilespmem:v1+s20+$0x0], $0xffff;
	v14 =	vand.u32 $0x7F, v36;
	vm12 =	veq.s32 v3, $0x40;
	v13 =	vadd.s32 v0, v13  }
0x128: {  	v26 =	vld.idx.msk [tilespmem:v20+s19+$0x0], $0xffff;
	v6 =	vmul.f32 v6, v39;
	v12 =	vsel vm12, $0x0, v3;
	v36 =	vor.u32 v14, v13  }
0x129: {  	v29 =	vmul.f32 v40, v29;
	v3 =	vld.idx.msk [tilespmem:v5+s19+$0x0], $0xffff;
	v13 =	vmul.f32 v25, v23;
	v21 =	vadd.s32 $0x1, v12  }
0x12a: {  	v20 =	vand.u32 $0xFFFFFF80, v12;
	v12 =	vand.u32 $0x7F, v12;
	vm13 =	veq.s32 v21, $0x40;
	v41 =	vld.idx.msk [tilespmem:v34+s18+$0x0], $0xffff  }
0x12b: {  	v20 =	vadd.s32 v0, v20;
	v42 =	vld.idx.msk [tilespmem:v34+s17+$0x0], $0xffff;
	v18 =	vsel vm13, $0x0, v21;
	v21 =	vimm.f32 $0.0e+00  }
0x12c: {  	v14 =	vld.idx.msk [tilespmem:v34+s20+$0x0], $0xffff;
	v23 =	vor.u32 v12, v20;
	v12 =	vand.u32 $0xFFFFFF80, v30;
	v30 =	vand.u32 $0x7F, v30  }
0x12d: {  	v10 =	vadd.s32 $0x1, v18;
	v20 =	vadd.f32 v15, v21;
	v9 =	vadd.f32 v9, v21;
	v61 =	vld.idx.msk [tilespmem:v36+s17+$0x0], $0xffff  }
0x12e: {  	v25 =	vadd.s32 v0, v12;
	v15 =	vmul.f32 v35, v32;
	vm14 =	veq.s32 v10, $0x40;
	v62 =	vld.idx.msk [tilespmem:v36+s18+$0x0], $0xffff  }
0x12f: {  	v21 =	vand.u32 $0xFFFFFF80, v18;
	v43 =	vld.idx.msk [tilespmem:v36+s19+$0x0], $0xffff;
	v10 =	vsel vm14, $0x0, v10;
	v8 =	vadd.f32 v8, v9  }
0x130: {  	v63 =	vld.idx.msk [tilespmem:v36+s20+$0x0], $0xffff;
	v4 =	vadd.f32 v4, v20;
	v20 =	vadd.s32 v0, v21;
	v9 =	vand.u32 $0x7F, v18  }
0x131: {  	v16 =	vand.u32 $0xFFFFFF80, v10;
	v9 =	vor.u32 v9, v20;
	v18 =	vld.idx.msk [tilespmem:v23+s17+$0x0], $0xffff;
	v8 =	vadd.f32 v19, v8  }
0x132: {  	v19 =	vadd.s32 $0x1, v10;
	v21 =	vadd.f32 v24, v4;
	v44 =	vadd.s32 v0, v16;
	v20 =	vld.idx.msk [tilespmem:v23+s18+$0x0], $0xffff  }
0x133: {  	v16 =	vor.u32 v30, v25;
	v24 =	vld.idx.msk [tilespmem:v23+s19+$0x0], $0xffff;
	vm15 =	veq.s32 v19, $0x40;
	v8 =	vadd.f32 v17, v8  }
0x134: {  	v17 =	vadd.f32 v7, v21;
	v7 =	vmul.f32 v31, v26;
	v26 =	vld.idx.msk [tilespmem:v23+s20+$0x0], $0xffff;
	v23 =	vand.u32 $0x7F, v10  }
0x135: {  	v12 =	vld.idx.msk [tilespmem:v5+s17+$0x0], $0xffff;
	v4 =	vmul.f32 v38, v37;
	v21 =	vsel vm15, $0x0, v19;
	v23 =	vor.u32 v23, v44  }
0x136: {  	v25 =	vld.idx.msk [tilespmem:v34+s19+$0x0], $0xffff;
	v19 =	vmul.f32 v22, v28;
	v6 =	vadd.f32 v6, v8;
	v27 =	vadd.f32 v27, v17  }
0x137: {  	v10 =	vmul.f32 v62, v61;
	v22 =	vld.idx.msk [tilespmem:v9+s17+$0x0], $0xffff;
	v8 =	vmul.f32 v41, v42  }
0x138: {  	s28 =	simm.s32 $0x0;
	v17 =	vadd.f32 v29, v6;
	v27 =	vadd.f32 v19, v27;
	v19 =	vld.idx.msk [tilespmem:v16+s17+$0x0], $0xffff;
	v6 =	vmul.f32 v63, v43  }
.LBB2_7:
0x139: {  	v28 =	vand.u32 $0xFFFFFF80, v21;
	v29 =	vadd.s32 $0x1, v21;
	s28 =	sadd.s32 $0x10, s28;
	v30 =	vld.idx.msk [tilespmem:v9+s18+$0x0], $0xffff  }
0x13a: {  	v21 =	vand.u32 $0x7F, v21;
	vm0 =	veq.s32 v29, $0x40;
	p0 =	slt.u32 s28, $0x30;
	v31 =	vadd.f32 v11, v17;
	v32 =	vld.idx.msk [tilespmem:v23+s17+$0x0], $0xffff  }
0x13b: {  	v28 =	vadd.s32 v0, v28;
	v11 =	vmul.f32 v26, v24;
	v29 =	vsel vm0, $0x0, v29;
	v24 =	vld.idx.msk [tilespmem:v9+s19+$0x0], $0xffff  }
0x13c: {  	v17 =	vmul.f32 v20, v18;
	v26 =	vand.u32 $0xFFFFFF80, v29;
	v33 =	vadd.s32 $0x1, v29;
	v18 =	vld.idx.msk [tilespmem:v23+s18+$0x0], $0xffff  }
0x13d: {  	v20 =	vadd.s32 v0, v26;
	vm0 =	veq.s32 v33, $0x40;
	v26 =	vadd.f32 v15, v31;
	v15 =	vld.idx.msk [tilespmem:v1+s17+$0x0], $0xffff  }
0x13e: {  	v27 =	vadd.f32 v13, v27;
	v29 =	vand.u32 $0x7F, v29;
	v31 =	vsel vm0, $0x0, v33;
	v33 =	vld.idx.msk [tilespmem:v23+s19+$0x0], $0xffff  }
0x13f: {  	v1 =	vmul.f32 v30, v22;
	v13 =	vand.u32 $0xFFFFFF80, v31;
	v34 =	vadd.s32 $0x1, v31;
	v22 =	vld.idx.msk [tilespmem:v23+s20+$0x0], $0xffff  }
0x140: {  	v23 =	vadd.s32 v0, v13;
	vm0 =	veq.s32 v34, $0x40;
	v13 =	vmul.f32 v14, v25;
	v25 =	vld.idx.msk [tilespmem:v9+s20+$0x0], $0xffff  }
0x141: {  	v20 =	vor.u32 v29, v20;
	v29 =	vand.u32 $0x7F, v31;
	v9 =	vsel vm0, $0x0, v34;
	v30 =	vld.idx.msk [tilespmem:v5+s18+$0x0], $0xffff  }
0x142: {  	v14 =	vand.u32 $0xFFFFFF80, v9;
	v31 =	vadd.s32 $0x1, v9;
	v34 =	vld.idx.msk [tilespmem:v5+s20+$0x0], $0xffff;
	v5 =	vmul.f32 v18, v32  }
0x143: {  	v2 =	vmul.f32 v2, v15;
	v14 =	vadd.s32 v0, v14;
	vm0 =	veq.s32 v31, $0x40;
	v18 =	vld.idx.msk [tilespmem:v16+s18+$0x0], $0xffff  }
0x144: {  	v21 =	vor.u32 v21, v28;
	v9 =	vand.u32 $0x7F, v9;
	v15 =	vsel vm0, $0x0, v31;
	v28 =	vld.idx.msk [tilespmem:v16+s19+$0x0], $0xffff  }
0x145: {  	v9 =	vor.u32 v9, v14;
	v14 =	vand.u32 $0xFFFFFF80, v15;
	v31 =	vadd.s32 $0x1, v15;
	v32 =	vld.idx.msk [tilespmem:v16+s20+$0x0], $0xffff  }
0x146: {  	v35 =	vadd.s32 v0, v14;
	vm0 =	veq.s32 v31, $0x40;
	v14 =	vmul.f32 v22, v33  }
0x147: {  	v22 =	vand.u32 $0x7F, v15;
	v15 =	vmul.f32 v25, v24;
	v31 =	vsel vm0, $0x0, v31  }
0x148: {  	v2 =	vadd.f32 v2, v26;
	v24 =	vand.u32 $0xFFFFFF80, v31;
	v25 =	vadd.s32 $0x1, v31  }
0x149: {  	v12 =	vmul.f32 v30, v12;
	v16 =	vld.idx.msk [tilespmem:v20+s18+$0x0], $0xffff;
	v24 =	vadd.s32 v0, v24;
	vm0 =	veq.s32 v25, $0x40  }
0x14a: {  	v30 =	vand.u32 $0x7F, v31;
	v31 =	vmul.f32 v18, v19;
	v26 =	vld.idx.msk [tilespmem:v21+s18+$0x0], $0xffff;
	v25 =	vsel vm0, $0x0, v25  }
0x14b: {  	v3 =	vmul.f32 v34, v3;
	v18 =	vld.idx.msk [tilespmem:v20+s17+$0x0], $0xffff;
	v19 =	vand.u32 $0xFFFFFF80, v25;
	v33 =	vadd.s32 $0x1, v25  }
0x14c: {  	v2 =	vadd.f32 v12, v2;
	v34 =	vld.idx.msk [tilespmem:v21+s17+$0x0], $0xffff;
	v36 =	vadd.s32 v0, v19;
	vm0 =	veq.s32 v33, $0x40  }
0x14d: {  	v23 =	vor.u32 v29, v23;
	v25 =	vand.u32 $0x7F, v25;
	v12 =	vld.idx.msk [tilespmem:v9+s17+$0x0], $0xffff;
	v29 =	vsel vm0, $0x0, v33  }
0x14e: {  	v22 =	vor.u32 v22, v35;
	v19 =	vld.idx.msk [tilespmem:v9+s18+$0x0], $0xffff;
	v33 =	vand.u32 $0xFFFFFF80, v29;
	v35 =	vadd.s32 $0x1, v29  }
0x14f: {  	v28 =	vmul.f32 v32, v28;
	v37 =	vld.idx.msk [tilespmem:v21+s19+$0x0], $0xffff;
	v33 =	vadd.s32 v0, v33;
	vm0 =	veq.s32 v35, $0x40  }
0x150: {  	v2 =	vadd.f32 v31, v2;
	v29 =	vand.u32 $0x7F, v29;
	v32 =	vld.idx.msk [tilespmem:v20+s20+$0x0], $0xffff;
	v35 =	vsel vm0, $0x0, v35  }
0x151: {  	v25 =	vor.u32 v25, v36;
	v31 =	vld.idx.msk [tilespmem:v20+s19+$0x0], $0xffff;
	v20 =	vand.u32 $0xFFFFFF80, v35;
	v36 =	vadd.s32 $0x1, v35  }
0x152: {  	v2 =	vadd.f32 v8, v2;
	v38 =	vld.idx.msk [tilespmem:v23+s20+$0x0], $0xffff;
	v39 =	vadd.s32 v0, v20;
	vm0 =	veq.s32 v36, $0x40  }
0x153: {  	v7 =	vadd.f32 v7, v27;
	v35 =	vand.u32 $0x7F, v35;
	v40 =	vld.idx.msk [tilespmem:v23+s17+$0x0], $0xffff;
	v20 =	vsel vm0, $0x0, v36  }
0x154: {  	v8 =	vmul.f32 v26, v34;
	v26 =	vld.idx.msk [tilespmem:v23+s19+$0x0], $0xffff;
	v27 =	vand.u32 $0xFFFFFF80, v20;
	v34 =	vadd.s32 $0x1, v20  }
0x155: {  	v2 =	vadd.f32 v10, v2;
	v21 =	vld.idx.msk [tilespmem:v21+s20+$0x0], $0xffff;
	v27 =	vadd.s32 v0, v27;
	vm0 =	veq.s32 v34, $0x40  }
0x156: {  	v4 =	vadd.f32 v4, v7;
	v41 =	vand.u32 $0x7F, v20;
	v36 =	vld.idx.msk [tilespmem:v25+s19+$0x0], $0xffff;
	v20 =	vsel vm0, $0x0, v34  }
0x157: {  	v7 =	vld.idx.msk [tilespmem:v23+s18+$0x0], $0xffff;
	v23 =	vor.u32 v30, v24;
	v10 =	vand.u32 $0xFFFFFF80, v20;
	v24 =	vadd.s32 $0x1, v20  }
0x158: {  	v29 =	vor.u32 v29, v33;
	v30 =	vld.idx.msk [tilespmem:v25+s20+$0x0], $0xffff;
	v10 =	vadd.s32 v0, v10;
	vm0 =	veq.s32 v24, $0x40  }
0x159: {  	v2 =	vadd.f32 v17, v2;
	v20 =	vand.u32 $0x7F, v20;
	v33 =	vld.idx.msk [tilespmem:v22+s19+$0x0], $0xffff;
	v24 =	vsel vm0, $0x0, v24  }
0x15a: {  	v31 =	vmul.f32 v32, v31;
	v32 =	vld.idx.msk [tilespmem:v22+s20+$0x0], $0xffff;
	v17 =	vand.u32 $0xFFFFFF80, v24;
	v34 =	vand.u32 $0x7F, v24  }
0x15b: {  	v3 =	vadd.f32 v3, v4;
	v24 =	vadd.s32 $0x1, v24;
	v17 =	vadd.s32 v0, v17  }
0x15c: {  	v2 =	vadd.f32 v1, v2;
	vm0 =	veq.s32 v24, $0x40;
	v4 =	vld.idx.msk [tilespmem:v25+s17+$0x0], $0xffff;
	v17 =	vor.u32 v34, v17  }
0x15d: {  	v3 =	vadd.f32 v28, v3;
	v34 =	vmul.f32 v21, v37;
	v24 =	vsel vm0, $0x0, v24;
	v21 =	vld.idx.msk [tilespmem:v25+s18+$0x0], $0xffff  }
0x15e: {  	v1 =	vor.u32 v35, v39;
	v35 =	vadd.f32 v5, v2;
	v28 =	vadd.s32 $0x1, v24;
	v25 =	vld.idx.msk [tilespmem:v23+s17+$0x0], $0xffff  }
0x15f: {  	v2 =	vadd.f32 v13, v3;
	v39 =	vand.u32 $0xFFFFFF80, v24;
	vm0 =	veq.s32 v28, $0x40;
	v37 =	vld.idx.msk [tilespmem:v29+s20+$0x0], $0xffff  }
0x160: {  	v40 =	vmul.f32 v7, v40;
	v32 =	vmul.f32 v32, v33;
	v7 =	vsel vm0, $0x0, v28;
	v3 =	vld.idx.msk [tilespmem:v29+s17+$0x0], $0xffff  }
0x161: {  	v6 =	vadd.f32 v6, v2;
	v5 =	vand.u32 $0xFFFFFF80, v7;
	v13 =	vadd.s32 $0x1, v7;
	v28 =	vld.idx.msk [tilespmem:v9+s19+$0x0], $0xffff  }
0x162: {  	v26 =	vmul.f32 v38, v26;
	v38 =	vadd.s32 v0, v5;
	vm0 =	veq.s32 v13, $0x40;
	v33 =	vld.idx.msk [tilespmem:v29+s18+$0x0], $0xffff  }
0x163: {  	v6 =	vadd.f32 v11, v6;
	v5 =	vor.u32 v41, v27;
	v27 =	vsel vm0, $0x0, v13;
	v2 =	vld.idx.msk [tilespmem:v1+s18+$0x0], $0xffff  }
0x164: {  	v11 =	vmul.f32 v21, v4;
	v13 =	vand.u32 $0xFFFFFF80, v27;
	v21 =	vadd.s32 $0x1, v27;
	v4 =	vld.idx.msk [tilespmem:v1+s19+$0x0], $0xffff  }
0x165: {  	v6 =	vadd.f32 v15, v6;
	v42 =	vadd.s32 v0, v13;
	vm0 =	veq.s32 v21, $0x40;
	v41 =	vld.idx.msk [tilespmem:v1+s20+$0x0], $0xffff  }
0x166: {  	v16 =	vmul.f32 v16, v18;
	v13 =	vmul.f32 v30, v36;
	v30 =	vsel vm0, $0x0, v21;
	v18 =	vld.idx.msk [tilespmem:v22+s17+$0x0], $0xffff  }
0x167: {  	v6 =	vadd.f32 v14, v6;
	v21 =	vand.u32 $0xFFFFFF80, v30;
	v36 =	vadd.s32 $0x1, v30;
	v22 =	vld.idx.msk [tilespmem:v22+s18+$0x0], $0xffff  }
0x168: {  	v15 =	vmul.f32 v33, v3;
	v33 =	vadd.s32 v0, v21;
	vm0 =	veq.s32 v36, $0x40;
	v3 =	vld.idx.msk [tilespmem:v5+s19+$0x0], $0xffff  }
0x169: {  	v19 =	vmul.f32 v19, v12;
	v21 =	vsel vm0, $0x0, v36;
	v12 =	vld.idx.msk [tilespmem:v23+s18+$0x0], $0xffff  }
0x16a: {  	v29 =	vld.idx.msk [tilespmem:v29+s19+$0x0], $0xffff  }
0x16b: {  	v4 =	vmul.f32 v41, v4;
	v36 =	vld.idx.msk [tilespmem:v17+s18+$0x0], $0xffff  }
0x16c: {  	v41 =	vld.idx.msk [tilespmem:v23+s19+$0x0], $0xffff  }
0x16d: {  	v14 =	vand.u32 $0x7F, v24;
	v24 =	vadd.s32 v0, v39;
	v22 =	vmul.f32 v22, v18;
	v18 =	vld.idx.msk [tilespmem:v17+s17+$0x0], $0xffff  }
0x16e: {  	v24 =	vor.u32 v14, v24;
	v23 =	vld.idx.msk [tilespmem:v23+s20+$0x0], $0xffff  }
0x16f: {  	v39 =	vmul.f32 v12, v25;
	v12 =	vand.u32 $0x7F, v7;
	v14 =	vld.idx.msk [tilespmem:v17+s20+$0x0], $0xffff  }
0x170: {  	v7 =	vmul.f32 v37, v29;
	v25 =	vor.u32 v12, v38  }
0x171: {  	v29 =	vld.idx.msk [tilespmem:v9+s20+$0x0], $0xffff  }
0x172: {  	v6 =	vadd.f32 v34, v6;
	v12 =	vld.idx.msk [tilespmem:v5+s17+$0x0], $0xffff  }
0x173: {  	v9 =	vadd.f32 v8, v35;
	v8 =	vmul.f32 v36, v18;
	v34 =	vld.idx.msk [tilespmem:v24+s17+$0x0], $0xffff  }
0x174: {  	v6 =	vadd.f32 v31, v6;
	v31 =	vmul.f32 v23, v41;
	v23 =	vld.idx.msk [tilespmem:v24+s18+$0x0], $0xffff  }
0x175: {  	v16 =	vadd.f32 v16, v9;
	v9 =	vand.u32 $0x7F, v27;
	v18 =	vld.idx.msk [tilespmem:v25+s17+$0x0], $0xffff  }
0x176: {  	v9 =	vor.u32 v9, v42;
	v35 =	vld.idx.msk [tilespmem:v24+s19+$0x0], $0xffff  }
0x177: {  	v6 =	vadd.f32 v26, v6;
	v27 =	vadd.f32 v40, v16;
	v26 =	vmul.f32 v29, v28;
	v28 =	vld.idx.msk [tilespmem:v24+s20+$0x0], $0xffff  }
0x178: {  	v16 =	vor.u32 v20, v10;
	v20 =	vld.idx.msk [tilespmem:v25+s18+$0x0], $0xffff  }
.Ltmp2:
0x179: {  	v19 =	vadd.f32 v19, v27;
	v27 =	vand.u32 $0x7F, v30;
	v6 =	vadd.f32 v26, v6;
	v24 =	vld.idx.msk [tilespmem:v25+s19+$0x0], $0xffff;
	(pc) =	sbr.rel @p0 .LBB2_7-.Ltmp2, $4  }
0x17a: {  	v10 =	vmul.f32 v23, v34;
	v23 =	vor.u32 v27, v33;
	v26 =	vld.idx.msk [tilespmem:v25+s20+$0x0], $0xffff  }
0x17b: {  	v19 =	vadd.f32 v22, v19;
	v6 =	vadd.f32 v32, v6;
	v22 =	vld.idx.msk [tilespmem:v9+s17+$0x0], $0xffff  }
0x17c: {  	v25 =	vld.idx.msk [tilespmem:v17+s19+$0x0], $0xffff  }
0x17d: {  	v17 =	vadd.f32 v39, v19;
	v27 =	vadd.f32 v31, v6;
	v6 =	vmul.f32 v28, v35;
	v19 =	vld.idx.msk [tilespmem:v16+s17+$0x0], $0xffff  }
0x17e: {  	_ =	sdelay $0x3  }
0x17f: {  	v0 =	vld.idx.msk [tilespmem:v1+s17+$0x0], $0xffff  }
0x180: {  	v45 =	vld.idx.msk [tilespmem:v5+s18+$0x0], $0xffff  }
0x181: {  	v46 =	vld.idx.msk [tilespmem:v5+s20+$0x0], $0xffff  }
0x182: {  	v47 =	vld.idx.msk [tilespmem:v16+s18+$0x0], $0xffff  }
0x183: {  	v21 =	vld.idx.msk [tilespmem:v16+s19+$0x0], $0xffff;
	v11 =	vadd.f32 v11, v17;
	v13 =	vadd.f32 v13, v27  }
0x184: {  	v48 =	vld.idx.msk [tilespmem:v16+s20+$0x0], $0xffff  }
0x185: {  	v11 =	vadd.f32 v15, v11;
	v7 =	vadd.f32 v7, v13;
	v0 =	vmul.f32 v2, v0  }
0x186: {  	v1 =	vmul.f32 v45, v12  }
0x187: {  	v3 =	vmul.f32 v46, v3;
	v4 =	vadd.f32 v4, v7;
	v0 =	vadd.f32 v0, v11  }
0x188: {  	v49 =	vld.idx.msk [tilespmem:v9+s18+$0x0], $0xffff;
	v50 =	vmul.f32 v47, v19  }
0x189: {  	v51 =	vld.idx.msk [tilespmem:v23+s17+$0x0], $0xffff;
	v52 =	vmul.f32 v48, v21;
	v53 =	vadd.f32 v3, v4;
	v0 =	vadd.f32 v1, v0  }
0x18a: {  	v54 =	vld.idx.msk [tilespmem:v9+s19+$0x0], $0xffff  }
0x18b: {  	v55 =	vld.idx.msk [tilespmem:v23+s18+$0x0], $0xffff;
	v56 =	vmul.f32 v14, v25;
	v1 =	vadd.f32 v52, v53;
	v0 =	vadd.f32 v50, v0  }
0x18c: {  	v57 =	vld.idx.msk [tilespmem:v9+s20+$0x0], $0xffff  }
0x18d: {  	v58 =	vld.idx.msk [tilespmem:v23+s19+$0x0], $0xffff;
	v1 =	vadd.f32 v56, v1;
	v0 =	vadd.f32 v8, v0  }
0x18e: {  	v60 =	vld.idx.msk [tilespmem:v23+s20+$0x0], $0xffff;
	v61 =	vmul.f32 v20, v18  }
0x18f: {  	v59 =	vmul.f32 v26, v24;
	v1 =	vadd.f32 v6, v1;
	v0 =	vadd.f32 v10, v0  }
0x190: {  	v5 =	vmul.f32 v49, v22  }
0x191: {  	v2 =	vmul.f32 v57, v54;
	v1 =	vadd.f32 v59, v1;
	v0 =	vadd.f32 v61, v0  }
0x192: {  	v62 =	vmul.f32 v55, v51  }
0x193: {  	s25 =	sadd.s32 $0x1, s25;
	v63 =	vmul.f32 v60, v58;
	v1 =	vadd.f32 v2, v1;
	v0 =	vadd.f32 v5, v0  }
0x194: {  	p0 =	sne.s32 s25, $0x4  }
.Ltmp3:
0x195: {  	v1 =	vadd.f32 v63, v1;
	v0 =	vadd.f32 v62, v0;
	(pc) =	sbr.rel @p0 .LBB2_6-.Ltmp3, $3  }
0x196: {  	_ = 	snop  }
0x197: {  	v0 =	vadd.f32 v1, v0;
	_ =	sdelay $0x1  }
0x198: {  	[tilespmem:s26+$0x10080] =	vst v0  }
0x199: {  	s25 =	simm.s32 $0x0  }
0x19a: {  	[hbm4b:s5+s25] =	stream.linear.scatter [tilespmem:s22], [sflag:$0x2], $0x40, $0x38;
	[tilespmem:$0x10100] =	vst v63  }
0x19b: {  	_ =	swait.ge [sflag:s16], $0x2000  }
0x19c: {  	[sflag:s16] =	ssyncset.done $0x0  }
0x19d: {  	[sflag:s16] =	ssyncadd.s32 $0xFFFFE000  }
0x19e: {  	_ =	swait.ge [sflag:s16], $0x2000  }
0x19f: {  	[sflag:s16] =	ssyncset.done $0x0  }
0x1a0: {  	[sflag:s16] =	ssyncadd.s32 $0xFFFFE000  }
0x1a1: {  	_ =	swait.ge [sflag:s16], $0x2000  }
0x1a2: {  	[sflag:s16] =	ssyncset.done $0x0  }
0x1a3: {  	[sflag:s16] =	ssyncadd.s32 $0xFFFFE000  }
0x1a4: {  	_ =	swait.ge [sflag:s16], $0x2000  }
0x1a5: {  	[sflag:s16] =	ssyncset.done $0x0  }
0x1a6: {  	s26 =	rddreg [dreg:$0xf];
	[sflag:s16] =	ssyncadd.s32 $0xFFFFE000  }
0x1a7: {  	[tilespmem:s17], [sflag:$0x1] =	stream.linear.gather [hbm4b:s26+s25], $0x2000, $0x38;
	[tilespmem:$0x10100] =	vst v63  }
0x1a8: {  	s28 =	rddreg [dreg:$0x10]  }
0x1a9: {  	[tilespmem:s18], [sflag:$0x1] =	stream.linear.gather [hbm4b:s28+s25], $0x2000, $0x38;
	[tilespmem:$0x10100] =	vst v63  }
0x1aa: {  	s28 =	rddreg [dreg:$0x11]  }
0x1ab: {  	[tilespmem:s19], [sflag:$0x1] =	stream.linear.gather [hbm4b:s28+s25], $0x2000, $0x38;
	[tilespmem:$0x10100] =	vst v63  }
0x1ac: {  	s28 =	rddreg [dreg:$0x12]  }
0x1ad: {  	[tilespmem:s20], [sflag:$0x1] =	stream.linear.gather [hbm4b:s28+s25], $0x2000, $0x38;
	[tilespmem:$0x10100] =	vst v63  }
.LBB2_10:
0x1ae: {  	v1 =	vlaneseq.u32  }
0x1af: {  	v0 =	vadd.s32 $0x1, v1  }
0x1b0: {  	s26 =	sshll.u32 s25, $0x4;
	vm0 =	veq.s32 v0, $0x40  }
0x1b1: {  	v2 =	vmov s26;
	v3 =	vmul.u32 $0x80, v1;
	v4 =	vsel vm0, $0x0, v0  }
0x1b2: {  	v0 =	vshll.u32 v2, $0x7;
	v2 =	vadd.s32 $0x1, v4  }
0x1b3: {  	v0 =	vor.u32 v3, v0;
	v3 =	vand.u32 $0xFFFFFF80, v1;
	v5 =	vand.u32 $0xFFFFFF80, v4  }
0x1b4: {  	v1 =	vand.u32 $0x7F, v1;
	v4 =	vand.u32 $0x7F, v4;
	v5 =	vadd.s32 v0, v5  }
0x1b5: {  	vm13 =	veq.s32 v2, $0x40;
	v3 =	vadd.s32 v0, v3;
	v4 =	vor.u32 v4, v5  }
0x1b6: {  	v2 =	vsel vm13, $0x0, v2;
	v1 =	vor.u32 v1, v3  }
0x1b7: {  	v6 =	vadd.s32 $0x1, v2  }
0x1b8: {  	vm14 =	veq.s32 v6, $0x40  }
0x1b9: {  	v5 =	vsel vm14, $0x0, v6  }
0x1ba: {  	v6 =	vadd.s32 $0x1, v5;
	v8 =	vld.idx.msk [tilespmem:v4+s13+$0x0], $0xffff  }
0x1bb: {  	v3 =	vand.u32 $0xFFFFFF80, v5;
	vm15 =	veq.s32 v6, $0x40;
	v9 =	vld.idx.msk [tilespmem:v1+s13+$0x0], $0xffff  }
0x1bc: {  	v5 =	vand.u32 $0x7F, v5;
	v3 =	vadd.s32 v0, v3;
	v10 =	vld.idx.msk [tilespmem:v4+s0+$0x0], $0xffff;
	v6 =	vsel vm15, $0x0, v6  }
0x1bd: {  	v12 =	vld.idx.msk [tilespmem:v1+s0+$0x0], $0xffff;
	v7 =	vor.u32 v5, v3;
	v3 =	vadd.s32 $0x1, v6  }
0x1be: {  	v13 =	vld.idx.msk [tilespmem:v1+s14+$0x0], $0xffff;
	vm4 =	veq.s32 v3, $0x40  }
0x1bf: {  	v15 =	vld.idx.msk [tilespmem:v4+s15+$0x0], $0xffff;
	v5 =	vand.u32 $0xFFFFFF80, v2;
	v3 =	vsel vm4, $0x0, v3  }
0x1c0: {  	v4 =	vld.idx.msk [tilespmem:v4+s14+$0x0], $0xffff;
	v2 =	vand.u32 $0x7F, v2;
	v5 =	vadd.s32 v0, v5;
	v11 =	vadd.s32 $0x1, v3  }
0x1c1: {  	v21 =	vld.idx.msk [tilespmem:v1+s15+$0x0], $0xffff;
	v2 =	vor.u32 v2, v5;
	vm5 =	veq.s32 v11, $0x40  }
0x1c2: {  	v16 =	vld.idx.msk [tilespmem:v7+s0+$0x0], $0xffff;
	v5 =	vsel vm5, $0x0, v11  }
0x1c3: {  	v17 =	vld.idx.msk [tilespmem:v7+s13+$0x0], $0xffff;
	v11 =	vand.u32 $0xFFFFFF80, v5  }
0x1c4: {  	v33 =	vld.idx.msk [tilespmem:v7+s14+$0x0], $0xffff;
	v14 =	vand.u32 $0x7F, v5;
	v11 =	vadd.s32 v0, v11  }
0x1c5: {  	v7 =	vld.idx.msk [tilespmem:v7+s15+$0x0], $0xffff;
	v11 =	vor.u32 v14, v11  }
0x1c6: {  	v18 =	vld.idx.msk [tilespmem:v2+s15+$0x0], $0xffff  }
0x1c7: {  	v19 =	vld.idx.msk [tilespmem:v2+s0+$0x0], $0xffff;
	v14 =	vand.u32 $0xFFFFFF80, v6  }
0x1c8: {  	v5 =	vadd.s32 $0x1, v5;
	v24 =	vld.idx.msk [tilespmem:v2+s13+$0x0], $0xffff;
	v6 =	vand.u32 $0x7F, v6;
	v14 =	vadd.s32 v0, v14  }
0x1c9: {  	vm6 =	veq.s32 v5, $0x40;
	v6 =	vor.u32 v6, v14;
	v14 =	vld.idx.msk [tilespmem:v2+s14+$0x0], $0xffff  }
0x1ca: {  	v20 =	vand.u32 $0xFFFFFF80, v3;
	v5 =	vsel vm6, $0x0, v5;
	v23 =	vld.idx.msk [tilespmem:v11+s14+$0x0], $0xffff  }
0x1cb: {  	v1 =	vadd.s32 v0, v20;
	v20 =	vand.u32 $0xFFFFFF80, v5;
	v22 =	vadd.s32 $0x1, v5;
	v25 =	vld.idx.msk [tilespmem:v11+s15+$0x0], $0xffff  }
0x1cc: {  	v3 =	vand.u32 $0x7F, v3;
	v20 =	vadd.s32 v0, v20;
	vm7 =	veq.s32 v22, $0x40;
	v28 =	vld.idx.msk [tilespmem:v11+s0+$0x0], $0xffff  }
0x1cd: {  	v2 =	vand.u32 $0x7F, v5;
	v5 =	vsel vm7, $0x0, v22;
	v22 =	vor.u32 v3, v1;
	v11 =	vld.idx.msk [tilespmem:v11+s13+$0x0], $0xffff  }
0x1ce: {  	v20 =	vor.u32 v2, v20;
	v1 =	vadd.s32 $0x1, v5;
	v26 =	vld.idx.msk [tilespmem:v6+s14+$0x0], $0xffff  }
0x1cf: {  	v9 =	vmul.f32 v9, v12;
	vm8 =	veq.s32 v1, $0x40;
	v27 =	vld.idx.msk [tilespmem:v6+s15+$0x0], $0xffff  }
0x1d0: {  	v4 =	vmul.f32 v15, v4;
	v2 =	vand.u32 $0xFFFFFF80, v5;
	v3 =	vsel vm8, $0x0, v1;
	v39 =	vld.idx.msk [tilespmem:v6+s0+$0x0], $0xffff  }
0x1d1: {  	v1 =	vadd.s32 v0, v2;
	v2 =	vand.u32 $0x7F, v5;
	v5 =	vadd.s32 $0x1, v3;
	v6 =	vld.idx.msk [tilespmem:v6+s13+$0x0], $0xffff  }
0x1d2: {  	v15 =	vmul.f32 v21, v13;
	v8 =	vmul.f32 v8, v10;
	vm9 =	veq.s32 v5, $0x40;
	v29 =	vld.idx.msk [tilespmem:v22+s0+$0x0], $0xffff  }
0x1d3: {  	v17 =	vmul.f32 v17, v16;
	v7 =	vmul.f32 v7, v33;
	v31 =	vld.idx.msk [tilespmem:v20+s15+$0x0], $0xffff;
	v30 =	vsel vm9, $0x0, v5  }
0x1d4: {  	v19 =	vmul.f32 v24, v19;
	v1 =	vor.u32 v2, v1;
	v32 =	vld.idx.msk [tilespmem:v20+s0+$0x0], $0xffff;
	v2 =	vadd.s32 $0x1, v30  }
0x1d5: {  	v35 =	vld.idx.msk [tilespmem:v20+s13+$0x0], $0xffff;
	v5 =	vand.u32 $0xFFFFFF80, v3;
	v3 =	vand.u32 $0x7F, v3;
	vm10 =	veq.s32 v2, $0x40  }
0x1d6: {  	v40 =	vld.idx.msk [tilespmem:v22+s13+$0x0], $0xffff;
	v5 =	vadd.s32 v0, v5;
	v11 =	vmul.f32 v11, v28;
	v34 =	vsel vm10, $0x0, v2  }
0x1d7: {  	v28 =	vld.idx.msk [tilespmem:v22+s14+$0x0], $0xffff;
	v5 =	vor.u32 v3, v5;
	v36 =	vadd.s32 $0x1, v34;
	v3 =	vand.u32 $0xFFFFFF80, v34  }
0x1d8: {  	v22 =	vld.idx.msk [tilespmem:v22+s15+$0x0], $0xffff;
	v34 =	vand.u32 $0x7F, v34;
	vm11 =	veq.s32 v36, $0x40;
	v3 =	vadd.s32 v0, v3  }
0x1d9: {  	v24 =	vmul.f32 v18, v14;
	v2 =	vld.idx.msk [tilespmem:v1+s13+$0x0], $0xffff;
	v36 =	vsel vm11, $0x0, v36;
	v34 =	vor.u32 v34, v3  }
0x1da: {  	v37 =	vld.idx.msk [tilespmem:v1+s14+$0x0], $0xffff;
	v27 =	vmul.f32 v27, v26;
	v3 =	vadd.s32 $0x1, v36;
	v13 =	vand.u32 $0xFFFFFF80, v36  }
0x1db: {  	v38 =	vld.idx.msk [tilespmem:v1+s15+$0x0], $0xffff;
	v14 =	vand.u32 $0x7F, v36;
	vm12 =	veq.s32 v3, $0x40;
	v13 =	vadd.s32 v0, v13  }
0x1dc: {  	v26 =	vld.idx.msk [tilespmem:v20+s14+$0x0], $0xffff;
	v6 =	vmul.f32 v6, v39;
	v12 =	vsel vm12, $0x0, v3;
	v36 =	vor.u32 v14, v13  }
0x1dd: {  	v29 =	vmul.f32 v40, v29;
	v3 =	vld.idx.msk [tilespmem:v5+s14+$0x0], $0xffff;
	v13 =	vmul.f32 v25, v23;
	v21 =	vadd.s32 $0x1, v12  }
0x1de: {  	v20 =	vand.u32 $0xFFFFFF80, v12;
	v12 =	vand.u32 $0x7F, v12;
	vm13 =	veq.s32 v21, $0x40;
	v41 =	vld.idx.msk [tilespmem:v34+s13+$0x0], $0xffff  }
0x1df: {  	v20 =	vadd.s32 v0, v20;
	v42 =	vld.idx.msk [tilespmem:v34+s0+$0x0], $0xffff;
	v18 =	vsel vm13, $0x0, v21;
	v21 =	vimm.f32 $0.0e+00  }
0x1e0: {  	v14 =	vld.idx.msk [tilespmem:v34+s15+$0x0], $0xffff;
	v23 =	vor.u32 v12, v20;
	v12 =	vand.u32 $0xFFFFFF80, v30;
	v30 =	vand.u32 $0x7F, v30  }
0x1e1: {  	v10 =	vadd.s32 $0x1, v18;
	v20 =	vadd.f32 v15, v21;
	v9 =	vadd.f32 v9, v21;
	v61 =	vld.idx.msk [tilespmem:v36+s0+$0x0], $0xffff  }
0x1e2: {  	v25 =	vadd.s32 v0, v12;
	v15 =	vmul.f32 v35, v32;
	vm14 =	veq.s32 v10, $0x40;
	v62 =	vld.idx.msk [tilespmem:v36+s13+$0x0], $0xffff  }
0x1e3: {  	v21 =	vand.u32 $0xFFFFFF80, v18;
	v43 =	vld.idx.msk [tilespmem:v36+s14+$0x0], $0xffff;
	v10 =	vsel vm14, $0x0, v10;
	v8 =	vadd.f32 v8, v9  }
0x1e4: {  	v63 =	vld.idx.msk [tilespmem:v36+s15+$0x0], $0xffff;
	v4 =	vadd.f32 v4, v20;
	v20 =	vadd.s32 v0, v21;
	v9 =	vand.u32 $0x7F, v18  }
0x1e5: {  	v16 =	vand.u32 $0xFFFFFF80, v10;
	v9 =	vor.u32 v9, v20;
	v18 =	vld.idx.msk [tilespmem:v23+s0+$0x0], $0xffff;
	v8 =	vadd.f32 v19, v8  }
0x1e6: {  	v19 =	vadd.s32 $0x1, v10;
	v21 =	vadd.f32 v24, v4;
	v44 =	vadd.s32 v0, v16;
	v20 =	vld.idx.msk [tilespmem:v23+s13+$0x0], $0xffff  }
0x1e7: {  	v16 =	vor.u32 v30, v25;
	v24 =	vld.idx.msk [tilespmem:v23+s14+$0x0], $0xffff;
	vm15 =	veq.s32 v19, $0x40;
	v8 =	vadd.f32 v17, v8  }
0x1e8: {  	v17 =	vadd.f32 v7, v21;
	v7 =	vmul.f32 v31, v26;
	v26 =	vld.idx.msk [tilespmem:v23+s15+$0x0], $0xffff;
	v23 =	vand.u32 $0x7F, v10  }
0x1e9: {  	v12 =	vld.idx.msk [tilespmem:v5+s0+$0x0], $0xffff;
	v4 =	vmul.f32 v38, v37;
	v21 =	vsel vm15, $0x0, v19;
	v23 =	vor.u32 v23, v44  }
0x1ea: {  	v25 =	vld.idx.msk [tilespmem:v34+s14+$0x0], $0xffff;
	v19 =	vmul.f32 v22, v28;
	v6 =	vadd.f32 v6, v8;
	v27 =	vadd.f32 v27, v17  }
0x1eb: {  	v10 =	vmul.f32 v62, v61;
	v22 =	vld.idx.msk [tilespmem:v9+s0+$0x0], $0xffff;
	v8 =	vmul.f32 v41, v42  }
0x1ec: {  	s28 =	simm.s32 $0x0;
	v17 =	vadd.f32 v29, v6;
	v27 =	vadd.f32 v19, v27;
	v19 =	vld.idx.msk [tilespmem:v16+s0+$0x0], $0xffff;
	v6 =	vmul.f32 v63, v43  }
.LBB2_11:
0x1ed: {  	v28 =	vand.u32 $0xFFFFFF80, v21;
	v29 =	vadd.s32 $0x1, v21;
	s28 =	sadd.s32 $0x10, s28;
	v30 =	vld.idx.msk [tilespmem:v9+s13+$0x0], $0xffff  }
0x1ee: {  	v21 =	vand.u32 $0x7F, v21;
	vm0 =	veq.s32 v29, $0x40;
	p0 =	slt.u32 s28, $0x30;
	v31 =	vadd.f32 v11, v17;
	v32 =	vld.idx.msk [tilespmem:v23+s0+$0x0], $0xffff  }
0x1ef: {  	v28 =	vadd.s32 v0, v28;
	v11 =	vmul.f32 v26, v24;
	v29 =	vsel vm0, $0x0, v29;
	v24 =	vld.idx.msk [tilespmem:v9+s14+$0x0], $0xffff  }
0x1f0: {  	v17 =	vmul.f32 v20, v18;
	v26 =	vand.u32 $0xFFFFFF80, v29;
	v33 =	vadd.s32 $0x1, v29;
	v18 =	vld.idx.msk [tilespmem:v23+s13+$0x0], $0xffff  }
0x1f1: {  	v20 =	vadd.s32 v0, v26;
	vm0 =	veq.s32 v33, $0x40;
	v26 =	vadd.f32 v15, v31;
	v15 =	vld.idx.msk [tilespmem:v1+s0+$0x0], $0xffff  }
0x1f2: {  	v27 =	vadd.f32 v13, v27;
	v29 =	vand.u32 $0x7F, v29;
	v31 =	vsel vm0, $0x0, v33;
	v33 =	vld.idx.msk [tilespmem:v23+s14+$0x0], $0xffff  }
0x1f3: {  	v1 =	vmul.f32 v30, v22;
	v13 =	vand.u32 $0xFFFFFF80, v31;
	v34 =	vadd.s32 $0x1, v31;
	v22 =	vld.idx.msk [tilespmem:v23+s15+$0x0], $0xffff  }
0x1f4: {  	v23 =	vadd.s32 v0, v13;
	vm0 =	veq.s32 v34, $0x40;
	v13 =	vmul.f32 v14, v25;
	v25 =	vld.idx.msk [tilespmem:v9+s15+$0x0], $0xffff  }
0x1f5: {  	v20 =	vor.u32 v29, v20;
	v29 =	vand.u32 $0x7F, v31;
	v9 =	vsel vm0, $0x0, v34;
	v30 =	vld.idx.msk [tilespmem:v5+s13+$0x0], $0xffff  }
0x1f6: {  	v14 =	vand.u32 $0xFFFFFF80, v9;
	v31 =	vadd.s32 $0x1, v9;
	v34 =	vld.idx.msk [tilespmem:v5+s15+$0x0], $0xffff;
	v5 =	vmul.f32 v18, v32  }
0x1f7: {  	v2 =	vmul.f32 v2, v15;
	v14 =	vadd.s32 v0, v14;
	vm0 =	veq.s32 v31, $0x40;
	v18 =	vld.idx.msk [tilespmem:v16+s13+$0x0], $0xffff  }
0x1f8: {  	v21 =	vor.u32 v21, v28;
	v9 =	vand.u32 $0x7F, v9;
	v15 =	vsel vm0, $0x0, v31;
	v28 =	vld.idx.msk [tilespmem:v16+s14+$0x0], $0xffff  }
0x1f9: {  	v9 =	vor.u32 v9, v14;
	v14 =	vand.u32 $0xFFFFFF80, v15;
	v31 =	vadd.s32 $0x1, v15;
	v32 =	vld.idx.msk [tilespmem:v16+s15+$0x0], $0xffff  }
0x1fa: {  	v35 =	vadd.s32 v0, v14;
	vm0 =	veq.s32 v31, $0x40;
	v14 =	vmul.f32 v22, v33  }
0x1fb: {  	v22 =	vand.u32 $0x7F, v15;
	v15 =	vmul.f32 v25, v24;
	v31 =	vsel vm0, $0x0, v31  }
0x1fc: {  	v2 =	vadd.f32 v2, v26;
	v24 =	vand.u32 $0xFFFFFF80, v31;
	v25 =	vadd.s32 $0x1, v31  }
0x1fd: {  	v12 =	vmul.f32 v30, v12;
	v16 =	vld.idx.msk [tilespmem:v20+s13+$0x0], $0xffff;
	v24 =	vadd.s32 v0, v24;
	vm0 =	veq.s32 v25, $0x40  }
0x1fe: {  	v30 =	vand.u32 $0x7F, v31;
	v31 =	vmul.f32 v18, v19;
	v26 =	vld.idx.msk [tilespmem:v21+s13+$0x0], $0xffff;
	v25 =	vsel vm0, $0x0, v25  }
0x1ff: {  	v3 =	vmul.f32 v34, v3;
	v18 =	vld.idx.msk [tilespmem:v20+s0+$0x0], $0xffff;
	v19 =	vand.u32 $0xFFFFFF80, v25;
	v33 =	vadd.s32 $0x1, v25  }
0x200: {  	v2 =	vadd.f32 v12, v2;
	v34 =	vld.idx.msk [tilespmem:v21+s0+$0x0], $0xffff;
	v36 =	vadd.s32 v0, v19;
	vm0 =	veq.s32 v33, $0x40  }
0x201: {  	v23 =	vor.u32 v29, v23;
	v25 =	vand.u32 $0x7F, v25;
	v12 =	vld.idx.msk [tilespmem:v9+s0+$0x0], $0xffff;
	v29 =	vsel vm0, $0x0, v33  }
0x202: {  	v22 =	vor.u32 v22, v35;
	v19 =	vld.idx.msk [tilespmem:v9+s13+$0x0], $0xffff;
	v33 =	vand.u32 $0xFFFFFF80, v29;
	v35 =	vadd.s32 $0x1, v29  }
0x203: {  	v28 =	vmul.f32 v32, v28;
	v37 =	vld.idx.msk [tilespmem:v21+s14+$0x0], $0xffff;
	v33 =	vadd.s32 v0, v33;
	vm0 =	veq.s32 v35, $0x40  }
0x204: {  	v2 =	vadd.f32 v31, v2;
	v29 =	vand.u32 $0x7F, v29;
	v32 =	vld.idx.msk [tilespmem:v20+s15+$0x0], $0xffff;
	v35 =	vsel vm0, $0x0, v35  }
0x205: {  	v25 =	vor.u32 v25, v36;
	v31 =	vld.idx.msk [tilespmem:v20+s14+$0x0], $0xffff;
	v20 =	vand.u32 $0xFFFFFF80, v35;
	v36 =	vadd.s32 $0x1, v35  }
0x206: {  	v2 =	vadd.f32 v8, v2;
	v38 =	vld.idx.msk [tilespmem:v23+s15+$0x0], $0xffff;
	v39 =	vadd.s32 v0, v20;
	vm0 =	veq.s32 v36, $0x40  }
0x207: {  	v7 =	vadd.f32 v7, v27;
	v35 =	vand.u32 $0x7F, v35;
	v40 =	vld.idx.msk [tilespmem:v23+s0+$0x0], $0xffff;
	v20 =	vsel vm0, $0x0, v36  }
0x208: {  	v8 =	vmul.f32 v26, v34;
	v26 =	vld.idx.msk [tilespmem:v23+s14+$0x0], $0xffff;
	v27 =	vand.u32 $0xFFFFFF80, v20;
	v34 =	vadd.s32 $0x1, v20  }
0x209: {  	v2 =	vadd.f32 v10, v2;
	v21 =	vld.idx.msk [tilespmem:v21+s15+$0x0], $0xffff;
	v27 =	vadd.s32 v0, v27;
	vm0 =	veq.s32 v34, $0x40  }
0x20a: {  	v4 =	vadd.f32 v4, v7;
	v41 =	vand.u32 $0x7F, v20;
	v36 =	vld.idx.msk [tilespmem:v25+s14+$0x0], $0xffff;
	v20 =	vsel vm0, $0x0, v34  }
0x20b: {  	v7 =	vld.idx.msk [tilespmem:v23+s13+$0x0], $0xffff;
	v23 =	vor.u32 v30, v24;
	v10 =	vand.u32 $0xFFFFFF80, v20;
	v24 =	vadd.s32 $0x1, v20  }
0x20c: {  	v29 =	vor.u32 v29, v33;
	v30 =	vld.idx.msk [tilespmem:v25+s15+$0x0], $0xffff;
	v10 =	vadd.s32 v0, v10;
	vm0 =	veq.s32 v24, $0x40  }
0x20d: {  	v2 =	vadd.f32 v17, v2;
	v20 =	vand.u32 $0x7F, v20;
	v33 =	vld.idx.msk [tilespmem:v22+s14+$0x0], $0xffff;
	v24 =	vsel vm0, $0x0, v24  }
0x20e: {  	v31 =	vmul.f32 v32, v31;
	v32 =	vld.idx.msk [tilespmem:v22+s15+$0x0], $0xffff;
	v17 =	vand.u32 $0xFFFFFF80, v24;
	v34 =	vand.u32 $0x7F, v24  }
0x20f: {  	v3 =	vadd.f32 v3, v4;
	v24 =	vadd.s32 $0x1, v24;
	v17 =	vadd.s32 v0, v17  }
0x210: {  	v2 =	vadd.f32 v1, v2;
	vm0 =	veq.s32 v24, $0x40;
	v4 =	vld.idx.msk [tilespmem:v25+s0+$0x0], $0xffff;
	v17 =	vor.u32 v34, v17  }
0x211: {  	v3 =	vadd.f32 v28, v3;
	v34 =	vmul.f32 v21, v37;
	v24 =	vsel vm0, $0x0, v24;
	v21 =	vld.idx.msk [tilespmem:v25+s13+$0x0], $0xffff  }
0x212: {  	v1 =	vor.u32 v35, v39;
	v35 =	vadd.f32 v5, v2;
	v28 =	vadd.s32 $0x1, v24;
	v25 =	vld.idx.msk [tilespmem:v23+s0+$0x0], $0xffff  }
0x213: {  	v2 =	vadd.f32 v13, v3;
	v39 =	vand.u32 $0xFFFFFF80, v24;
	vm0 =	veq.s32 v28, $0x40;
	v37 =	vld.idx.msk [tilespmem:v29+s15+$0x0], $0xffff  }
0x214: {  	v40 =	vmul.f32 v7, v40;
	v32 =	vmul.f32 v32, v33;
	v7 =	vsel vm0, $0x0, v28;
	v3 =	vld.idx.msk [tilespmem:v29+s0+$0x0], $0xffff  }
0x215: {  	v6 =	vadd.f32 v6, v2;
	v5 =	vand.u32 $0xFFFFFF80, v7;
	v13 =	vadd.s32 $0x1, v7;
	v28 =	vld.idx.msk [tilespmem:v9+s14+$0x0], $0xffff  }
0x216: {  	v26 =	vmul.f32 v38, v26;
	v38 =	vadd.s32 v0, v5;
	vm0 =	veq.s32 v13, $0x40;
	v33 =	vld.idx.msk [tilespmem:v29+s13+$0x0], $0xffff  }
0x217: {  	v6 =	vadd.f32 v11, v6;
	v5 =	vor.u32 v41, v27;
	v27 =	vsel vm0, $0x0, v13;
	v2 =	vld.idx.msk [tilespmem:v1+s13+$0x0], $0xffff  }
0x218: {  	v11 =	vmul.f32 v21, v4;
	v13 =	vand.u32 $0xFFFFFF80, v27;
	v21 =	vadd.s32 $0x1, v27;
	v4 =	vld.idx.msk [tilespmem:v1+s14+$0x0], $0xffff  }
0x219: {  	v6 =	vadd.f32 v15, v6;
	v42 =	vadd.s32 v0, v13;
	vm0 =	veq.s32 v21, $0x40;
	v41 =	vld.idx.msk [tilespmem:v1+s15+$0x0], $0xffff  }
0x21a: {  	v16 =	vmul.f32 v16, v18;
	v13 =	vmul.f32 v30, v36;
	v30 =	vsel vm0, $0x0, v21;
	v18 =	vld.idx.msk [tilespmem:v22+s0+$0x0], $0xffff  }
0x21b: {  	v6 =	vadd.f32 v14, v6;
	v21 =	vand.u32 $0xFFFFFF80, v30;
	v36 =	vadd.s32 $0x1, v30;
	v22 =	vld.idx.msk [tilespmem:v22+s13+$0x0], $0xffff  }
0x21c: {  	v15 =	vmul.f32 v33, v3;
	v33 =	vadd.s32 v0, v21;
	vm0 =	veq.s32 v36, $0x40;
	v3 =	vld.idx.msk [tilespmem:v5+s14+$0x0], $0xffff  }
0x21d: {  	v19 =	vmul.f32 v19, v12;
	v21 =	vsel vm0, $0x0, v36;
	v12 =	vld.idx.msk [tilespmem:v23+s13+$0x0], $0xffff  }
0x21e: {  	v29 =	vld.idx.msk [tilespmem:v29+s14+$0x0], $0xffff  }
0x21f: {  	v4 =	vmul.f32 v41, v4;
	v36 =	vld.idx.msk [tilespmem:v17+s13+$0x0], $0xffff  }
0x220: {  	v41 =	vld.idx.msk [tilespmem:v23+s14+$0x0], $0xffff  }
0x221: {  	v14 =	vand.u32 $0x7F, v24;
	v24 =	vadd.s32 v0, v39;
	v22 =	vmul.f32 v22, v18;
	v18 =	vld.idx.msk [tilespmem:v17+s0+$0x0], $0xffff  }
0x222: {  	v24 =	vor.u32 v14, v24;
	v23 =	vld.idx.msk [tilespmem:v23+s15+$0x0], $0xffff  }
0x223: {  	v39 =	vmul.f32 v12, v25;
	v12 =	vand.u32 $0x7F, v7;
	v14 =	vld.idx.msk [tilespmem:v17+s15+$0x0], $0xffff  }
0x224: {  	v7 =	vmul.f32 v37, v29;
	v25 =	vor.u32 v12, v38  }
0x225: {  	v29 =	vld.idx.msk [tilespmem:v9+s15+$0x0], $0xffff  }
0x226: {  	v6 =	vadd.f32 v34, v6;
	v12 =	vld.idx.msk [tilespmem:v5+s0+$0x0], $0xffff  }
0x227: {  	v9 =	vadd.f32 v8, v35;
	v8 =	vmul.f32 v36, v18;
	v34 =	vld.idx.msk [tilespmem:v24+s0+$0x0], $0xffff  }
0x228: {  	v6 =	vadd.f32 v31, v6;
	v31 =	vmul.f32 v23, v41;
	v23 =	vld.idx.msk [tilespmem:v24+s13+$0x0], $0xffff  }
0x229: {  	v16 =	vadd.f32 v16, v9;
	v9 =	vand.u32 $0x7F, v27;
	v18 =	vld.idx.msk [tilespmem:v25+s0+$0x0], $0xffff  }
0x22a: {  	v9 =	vor.u32 v9, v42;
	v35 =	vld.idx.msk [tilespmem:v24+s14+$0x0], $0xffff  }
0x22b: {  	v6 =	vadd.f32 v26, v6;
	v27 =	vadd.f32 v40, v16;
	v26 =	vmul.f32 v29, v28;
	v28 =	vld.idx.msk [tilespmem:v24+s15+$0x0], $0xffff  }
0x22c: {  	v16 =	vor.u32 v20, v10;
	v20 =	vld.idx.msk [tilespmem:v25+s13+$0x0], $0xffff  }
.Ltmp4:
0x22d: {  	v19 =	vadd.f32 v19, v27;
	v27 =	vand.u32 $0x7F, v30;
	v6 =	vadd.f32 v26, v6;
	v24 =	vld.idx.msk [tilespmem:v25+s14+$0x0], $0xffff;
	(pc) =	sbr.rel @p0 .LBB2_11-.Ltmp4, $4  }
0x22e: {  	v10 =	vmul.f32 v23, v34;
	v23 =	vor.u32 v27, v33;
	v26 =	vld.idx.msk [tilespmem:v25+s15+$0x0], $0xffff  }
0x22f: {  	v19 =	vadd.f32 v22, v19;
	v6 =	vadd.f32 v32, v6;
	v22 =	vld.idx.msk [tilespmem:v9+s0+$0x0], $0xffff  }
0x230: {  	v25 =	vld.idx.msk [tilespmem:v17+s14+$0x0], $0xffff  }
0x231: {  	v17 =	vadd.f32 v39, v19;
	v27 =	vadd.f32 v31, v6;
	v6 =	vmul.f32 v28, v35;
	v19 =	vld.idx.msk [tilespmem:v16+s0+$0x0], $0xffff  }
0x232: {  	_ =	sdelay $0x3  }
0x233: {  	v0 =	vld.idx.msk [tilespmem:v1+s0+$0x0], $0xffff  }
0x234: {  	v45 =	vld.idx.msk [tilespmem:v5+s13+$0x0], $0xffff  }
0x235: {  	v46 =	vld.idx.msk [tilespmem:v5+s15+$0x0], $0xffff  }
0x236: {  	v47 =	vld.idx.msk [tilespmem:v16+s13+$0x0], $0xffff  }
0x237: {  	v21 =	vld.idx.msk [tilespmem:v16+s14+$0x0], $0xffff;
	v11 =	vadd.f32 v11, v17;
	v13 =	vadd.f32 v13, v27  }
0x238: {  	v48 =	vld.idx.msk [tilespmem:v16+s15+$0x0], $0xffff  }
0x239: {  	v11 =	vadd.f32 v15, v11;
	v7 =	vadd.f32 v7, v13;
	v0 =	vmul.f32 v2, v0  }
0x23a: {  	v1 =	vmul.f32 v45, v12  }
0x23b: {  	v3 =	vmul.f32 v46, v3;
	v4 =	vadd.f32 v4, v7;
	v0 =	vadd.f32 v0, v11  }
0x23c: {  	v49 =	vld.idx.msk [tilespmem:v9+s13+$0x0], $0xffff;
	v50 =	vmul.f32 v47, v19  }
0x23d: {  	v51 =	vld.idx.msk [tilespmem:v23+s0+$0x0], $0xffff;
	v52 =	vmul.f32 v48, v21;
	v53 =	vadd.f32 v3, v4;
	v0 =	vadd.f32 v1, v0  }
0x23e: {  	v54 =	vld.idx.msk [tilespmem:v9+s14+$0x0], $0xffff  }
0x23f: {  	v55 =	vld.idx.msk [tilespmem:v23+s13+$0x0], $0xffff;
	v56 =	vmul.f32 v14, v25;
	v1 =	vadd.f32 v52, v53;
	v0 =	vadd.f32 v50, v0  }
0x240: {  	v57 =	vld.idx.msk [tilespmem:v9+s15+$0x0], $0xffff  }
0x241: {  	v58 =	vld.idx.msk [tilespmem:v23+s14+$0x0], $0xffff;
	v1 =	vadd.f32 v56, v1;
	v0 =	vadd.f32 v8, v0  }
0x242: {  	v60 =	vld.idx.msk [tilespmem:v23+s15+$0x0], $0xffff;
	v61 =	vmul.f32 v20, v18  }
0x243: {  	v59 =	vmul.f32 v26, v24;
	v1 =	vadd.f32 v6, v1;
	v0 =	vadd.f32 v10, v0  }
0x244: {  	v5 =	vmul.f32 v49, v22  }
0x245: {  	v2 =	vmul.f32 v57, v54;
	v1 =	vadd.f32 v59, v1;
	v0 =	vadd.f32 v61, v0  }
0x246: {  	v62 =	vmul.f32 v55, v51  }
0x247: {  	s25 =	sadd.s32 $0x1, s25;
	v63 =	vmul.f32 v60, v58;
	v1 =	vadd.f32 v2, v1;
	v0 =	vadd.f32 v5, v0  }
0x248: {  	p0 =	sne.s32 s25, $0x4  }
.Ltmp5:
0x249: {  	v1 =	vadd.f32 v63, v1;
	v0 =	vadd.f32 v62, v0;
	(pc) =	sbr.rel @p0 .LBB2_10-.Ltmp5, $3  }
0x24a: {  	_ = 	snop  }
0x24b: {  	v0 =	vadd.f32 v1, v0;
	_ =	sdelay $0x1  }
0x24c: {  	[tilespmem:s26+$0x10000] =	vst v0  }
0x24d: {  	_ =	swait.ge [sflag:s23], $0x40  }
0x24e: {  	[sflag:s23] =	ssyncset.done $0x0  }
0x24f: {  	s25 =	simm.s32 $0x0;
	[sflag:s23] =	ssyncadd.s32 $0xFFFFFFC0  }
0x250: {  	[hbm4b:s6+s25] =	stream.linear.scatter [tilespmem:s21], [sflag:$0x2], $0x40, $0x38;
	[tilespmem:$0x10100] =	vst v63  }
0x251: {  	_ =	swait.ge [sflag:s16], $0x2000  }
0x252: {  	[sflag:s16] =	ssyncset.done $0x0  }
0x253: {  	[sflag:s16] =	ssyncadd.s32 $0xFFFFE000  }
0x254: {  	_ =	swait.ge [sflag:s16], $0x2000  }
0x255: {  	[sflag:s16] =	ssyncset.done $0x0  }
0x256: {  	[sflag:s16] =	ssyncadd.s32 $0xFFFFE000  }
0x257: {  	_ =	swait.ge [sflag:s16], $0x2000  }
0x258: {  	[sflag:s16] =	ssyncset.done $0x0  }
0x259: {  	[sflag:s16] =	ssyncadd.s32 $0xFFFFE000  }
0x25a: {  	_ =	swait.ge [sflag:s16], $0x2000  }
0x25b: {  	[sflag:s16] =	ssyncset.done $0x0  }
0x25c: {  	s26 =	rddreg [dreg:$0x13];
	[sflag:s16] =	ssyncadd.s32 $0xFFFFE000  }
0x25d: {  	[tilespmem:s25], [sflag:$0x1] =	stream.linear.gather [hbm4b:s26+s25], $0x2000, $0x38;
	[tilespmem:$0x10100] =	vst v63  }
0x25e: {  	s28 =	rddreg [dreg:$0x14]  }
0x25f: {  	[tilespmem:s13], [sflag:$0x1] =	stream.linear.gather [hbm4b:s28+s25], $0x2000, $0x38;
	[tilespmem:$0x10100] =	vst v63  }
0x260: {  	s28 =	rddreg [dreg:$0x15]  }
0x261: {  	[tilespmem:s14], [sflag:$0x1] =	stream.linear.gather [hbm4b:s28+s25], $0x2000, $0x38;
	[tilespmem:$0x10100] =	vst v63  }
0x262: {  	s28 =	rddreg [dreg:$0x16]  }
0x263: {  	[tilespmem:s15], [sflag:$0x1] =	stream.linear.gather [hbm4b:s28+s25], $0x2000, $0x38;
	[tilespmem:$0x10100] =	vst v63  }
.LBB2_14:
0x264: {  	v1 =	vlaneseq.u32  }
0x265: {  	v0 =	vadd.s32 $0x1, v1  }
0x266: {  	s26 =	sshll.u32 s25, $0x4;
	vm0 =	veq.s32 v0, $0x40  }
0x267: {  	v2 =	vmov s26;
	v3 =	vmul.u32 $0x80, v1;
	v4 =	vsel vm0, $0x0, v0  }
0x268: {  	v0 =	vshll.u32 v2, $0x7;
	v2 =	vadd.s32 $0x1, v4  }
0x269: {  	v0 =	vor.u32 v3, v0;
	v3 =	vand.u32 $0xFFFFFF80, v1;
	v5 =	vand.u32 $0xFFFFFF80, v4  }
0x26a: {  	v1 =	vand.u32 $0x7F, v1;
	v4 =	vand.u32 $0x7F, v4;
	v5 =	vadd.s32 v0, v5  }
0x26b: {  	vm13 =	veq.s32 v2, $0x40;
	v3 =	vadd.s32 v0, v3;
	v4 =	vor.u32 v4, v5  }
0x26c: {  	v2 =	vsel vm13, $0x0, v2;
	v1 =	vor.u32 v1, v3  }
0x26d: {  	v6 =	vadd.s32 $0x1, v2  }
0x26e: {  	vm14 =	veq.s32 v6, $0x40  }
0x26f: {  	v5 =	vsel vm14, $0x0, v6  }
0x270: {  	v6 =	vadd.s32 $0x1, v5;
	v8 =	vld.idx.msk [tilespmem:v4+s18+$0x0], $0xffff  }
0x271: {  	v3 =	vand.u32 $0xFFFFFF80, v5;
	vm15 =	veq.s32 v6, $0x40;
	v9 =	vld.idx.msk [tilespmem:v1+s18+$0x0], $0xffff  }
0x272: {  	v5 =	vand.u32 $0x7F, v5;
	v3 =	vadd.s32 v0, v3;
	v10 =	vld.idx.msk [tilespmem:v4+s17+$0x0], $0xffff;
	v6 =	vsel vm15, $0x0, v6  }
0x273: {  	v12 =	vld.idx.msk [tilespmem:v1+s17+$0x0], $0xffff;
	v7 =	vor.u32 v5, v3;
	v3 =	vadd.s32 $0x1, v6  }
0x274: {  	v13 =	vld.idx.msk [tilespmem:v1+s19+$0x0], $0xffff;
	vm4 =	veq.s32 v3, $0x40  }
0x275: {  	v15 =	vld.idx.msk [tilespmem:v4+s20+$0x0], $0xffff;
	v5 =	vand.u32 $0xFFFFFF80, v2;
	v3 =	vsel vm4, $0x0, v3  }
0x276: {  	v4 =	vld.idx.msk [tilespmem:v4+s19+$0x0], $0xffff;
	v2 =	vand.u32 $0x7F, v2;
	v5 =	vadd.s32 v0, v5;
	v11 =	vadd.s32 $0x1, v3  }
0x277: {  	v21 =	vld.idx.msk [tilespmem:v1+s20+$0x0], $0xffff;
	v2 =	vor.u32 v2, v5;
	vm5 =	veq.s32 v11, $0x40  }
0x278: {  	v16 =	vld.idx.msk [tilespmem:v7+s17+$0x0], $0xffff;
	v5 =	vsel vm5, $0x0, v11  }
0x279: {  	v17 =	vld.idx.msk [tilespmem:v7+s18+$0x0], $0xffff;
	v11 =	vand.u32 $0xFFFFFF80, v5  }
0x27a: {  	v33 =	vld.idx.msk [tilespmem:v7+s19+$0x0], $0xffff;
	v14 =	vand.u32 $0x7F, v5;
	v11 =	vadd.s32 v0, v11  }
0x27b: {  	v7 =	vld.idx.msk [tilespmem:v7+s20+$0x0], $0xffff;
	v11 =	vor.u32 v14, v11  }
0x27c: {  	v18 =	vld.idx.msk [tilespmem:v2+s20+$0x0], $0xffff  }
0x27d: {  	v19 =	vld.idx.msk [tilespmem:v2+s17+$0x0], $0xffff;
	v14 =	vand.u32 $0xFFFFFF80, v6  }
0x27e: {  	v5 =	vadd.s32 $0x1, v5;
	v24 =	vld.idx.msk [tilespmem:v2+s18+$0x0], $0xffff;
	v6 =	vand.u32 $0x7F, v6;
	v14 =	vadd.s32 v0, v14  }
0x27f: {  	vm6 =	veq.s32 v5, $0x40;
	v6 =	vor.u32 v6, v14;
	v14 =	vld.idx.msk [tilespmem:v2+s19+$0x0], $0xffff  }
0x280: {  	v20 =	vand.u32 $0xFFFFFF80, v3;
	v5 =	vsel vm6, $0x0, v5;
	v23 =	vld.idx.msk [tilespmem:v11+s19+$0x0], $0xffff  }
0x281: {  	v1 =	vadd.s32 v0, v20;
	v20 =	vand.u32 $0xFFFFFF80, v5;
	v22 =	vadd.s32 $0x1, v5;
	v25 =	vld.idx.msk [tilespmem:v11+s20+$0x0], $0xffff  }
0x282: {  	v3 =	vand.u32 $0x7F, v3;
	v20 =	vadd.s32 v0, v20;
	vm7 =	veq.s32 v22, $0x40;
	v28 =	vld.idx.msk [tilespmem:v11+s17+$0x0], $0xffff  }
0x283: {  	v2 =	vand.u32 $0x7F, v5;
	v5 =	vsel vm7, $0x0, v22;
	v22 =	vor.u32 v3, v1;
	v11 =	vld.idx.msk [tilespmem:v11+s18+$0x0], $0xffff  }
0x284: {  	v20 =	vor.u32 v2, v20;
	v1 =	vadd.s32 $0x1, v5;
	v26 =	vld.idx.msk [tilespmem:v6+s19+$0x0], $0xffff  }
0x285: {  	v9 =	vmul.f32 v9, v12;
	vm8 =	veq.s32 v1, $0x40;
	v27 =	vld.idx.msk [tilespmem:v6+s20+$0x0], $0xffff  }
0x286: {  	v4 =	vmul.f32 v15, v4;
	v2 =	vand.u32 $0xFFFFFF80, v5;
	v3 =	vsel vm8, $0x0, v1;
	v39 =	vld.idx.msk [tilespmem:v6+s17+$0x0], $0xffff  }
0x287: {  	v1 =	vadd.s32 v0, v2;
	v2 =	vand.u32 $0x7F, v5;
	v5 =	vadd.s32 $0x1, v3;
	v6 =	vld.idx.msk [tilespmem:v6+s18+$0x0], $0xffff  }
0x288: {  	v15 =	vmul.f32 v21, v13;
	v8 =	vmul.f32 v8, v10;
	vm9 =	veq.s32 v5, $0x40;
	v29 =	vld.idx.msk [tilespmem:v22+s17+$0x0], $0xffff  }
0x289: {  	v17 =	vmul.f32 v17, v16;
	v7 =	vmul.f32 v7, v33;
	v31 =	vld.idx.msk [tilespmem:v20+s20+$0x0], $0xffff;
	v30 =	vsel vm9, $0x0, v5  }
0x28a: {  	v19 =	vmul.f32 v24, v19;
	v1 =	vor.u32 v2, v1;
	v32 =	vld.idx.msk [tilespmem:v20+s17+$0x0], $0xffff;
	v2 =	vadd.s32 $0x1, v30  }
0x28b: {  	v35 =	vld.idx.msk [tilespmem:v20+s18+$0x0], $0xffff;
	v5 =	vand.u32 $0xFFFFFF80, v3;
	v3 =	vand.u32 $0x7F, v3;
	vm10 =	veq.s32 v2, $0x40  }
0x28c: {  	v40 =	vld.idx.msk [tilespmem:v22+s18+$0x0], $0xffff;
	v5 =	vadd.s32 v0, v5;
	v11 =	vmul.f32 v11, v28;
	v34 =	vsel vm10, $0x0, v2  }
0x28d: {  	v28 =	vld.idx.msk [tilespmem:v22+s19+$0x0], $0xffff;
	v5 =	vor.u32 v3, v5;
	v36 =	vadd.s32 $0x1, v34;
	v3 =	vand.u32 $0xFFFFFF80, v34  }
0x28e: {  	v22 =	vld.idx.msk [tilespmem:v22+s20+$0x0], $0xffff;
	v34 =	vand.u32 $0x7F, v34;
	vm11 =	veq.s32 v36, $0x40;
	v3 =	vadd.s32 v0, v3  }
0x28f: {  	v24 =	vmul.f32 v18, v14;
	v2 =	vld.idx.msk [tilespmem:v1+s18+$0x0], $0xffff;
	v36 =	vsel vm11, $0x0, v36;
	v34 =	vor.u32 v34, v3  }
0x290: {  	v37 =	vld.idx.msk [tilespmem:v1+s19+$0x0], $0xffff;
	v27 =	vmul.f32 v27, v26;
	v3 =	vadd.s32 $0x1, v36;
	v13 =	vand.u32 $0xFFFFFF80, v36  }
0x291: {  	v38 =	vld.idx.msk [tilespmem:v1+s20+$0x0], $0xffff;
	v14 =	vand.u32 $0x7F, v36;
	vm12 =	veq.s32 v3, $0x40;
	v13 =	vadd.s32 v0, v13  }
0x292: {  	v26 =	vld.idx.msk [tilespmem:v20+s19+$0x0], $0xffff;
	v6 =	vmul.f32 v6, v39;
	v12 =	vsel vm12, $0x0, v3;
	v36 =	vor.u32 v14, v13  }
0x293: {  	v29 =	vmul.f32 v40, v29;
	v3 =	vld.idx.msk [tilespmem:v5+s19+$0x0], $0xffff;
	v13 =	vmul.f32 v25, v23;
	v21 =	vadd.s32 $0x1, v12  }
0x294: {  	v20 =	vand.u32 $0xFFFFFF80, v12;
	v12 =	vand.u32 $0x7F, v12;
	vm13 =	veq.s32 v21, $0x40;
	v41 =	vld.idx.msk [tilespmem:v34+s18+$0x0], $0xffff  }
0x295: {  	v20 =	vadd.s32 v0, v20;
	v42 =	vld.idx.msk [tilespmem:v34+s17+$0x0], $0xffff;
	v18 =	vsel vm13, $0x0, v21;
	v21 =	vimm.f32 $0.0e+00  }
0x296: {  	v14 =	vld.idx.msk [tilespmem:v34+s20+$0x0], $0xffff;
	v23 =	vor.u32 v12, v20;
	v12 =	vand.u32 $0xFFFFFF80, v30;
	v30 =	vand.u32 $0x7F, v30  }
0x297: {  	v10 =	vadd.s32 $0x1, v18;
	v20 =	vadd.f32 v15, v21;
	v9 =	vadd.f32 v9, v21;
	v61 =	vld.idx.msk [tilespmem:v36+s17+$0x0], $0xffff  }
0x298: {  	v25 =	vadd.s32 v0, v12;
	v15 =	vmul.f32 v35, v32;
	vm14 =	veq.s32 v10, $0x40;
	v62 =	vld.idx.msk [tilespmem:v36+s18+$0x0], $0xffff  }
0x299: {  	v21 =	vand.u32 $0xFFFFFF80, v18;
	v43 =	vld.idx.msk [tilespmem:v36+s19+$0x0], $0xffff;
	v10 =	vsel vm14, $0x0, v10;
	v8 =	vadd.f32 v8, v9  }
0x29a: {  	v63 =	vld.idx.msk [tilespmem:v36+s20+$0x0], $0xffff;
	v4 =	vadd.f32 v4, v20;
	v20 =	vadd.s32 v0, v21;
	v9 =	vand.u32 $0x7F, v18  }
0x29b: {  	v16 =	vand.u32 $0xFFFFFF80, v10;
	v9 =	vor.u32 v9, v20;
	v18 =	vld.idx.msk [tilespmem:v23+s17+$0x0], $0xffff;
	v8 =	vadd.f32 v19, v8  }
0x29c: {  	v19 =	vadd.s32 $0x1, v10;
	v21 =	vadd.f32 v24, v4;
	v44 =	vadd.s32 v0, v16;
	v20 =	vld.idx.msk [tilespmem:v23+s18+$0x0], $0xffff  }
0x29d: {  	v16 =	vor.u32 v30, v25;
	v24 =	vld.idx.msk [tilespmem:v23+s19+$0x0], $0xffff;
	vm15 =	veq.s32 v19, $0x40;
	v8 =	vadd.f32 v17, v8  }
0x29e: {  	v17 =	vadd.f32 v7, v21;
	v7 =	vmul.f32 v31, v26;
	v26 =	vld.idx.msk [tilespmem:v23+s20+$0x0], $0xffff;
	v23 =	vand.u32 $0x7F, v10  }
0x29f: {  	v12 =	vld.idx.msk [tilespmem:v5+s17+$0x0], $0xffff;
	v4 =	vmul.f32 v38, v37;
	v21 =	vsel vm15, $0x0, v19;
	v23 =	vor.u32 v23, v44  }
0x2a0: {  	v25 =	vld.idx.msk [tilespmem:v34+s19+$0x0], $0xffff;
	v19 =	vmul.f32 v22, v28;
	v6 =	vadd.f32 v6, v8;
	v27 =	vadd.f32 v27, v17  }
0x2a1: {  	v10 =	vmul.f32 v62, v61;
	v22 =	vld.idx.msk [tilespmem:v9+s17+$0x0], $0xffff;
	v8 =	vmul.f32 v41, v42  }
0x2a2: {  	s28 =	simm.s32 $0x0;
	v17 =	vadd.f32 v29, v6;
	v27 =	vadd.f32 v19, v27;
	v19 =	vld.idx.msk [tilespmem:v16+s17+$0x0], $0xffff;
	v6 =	vmul.f32 v63, v43  }
.LBB2_15:
0x2a3: {  	v28 =	vand.u32 $0xFFFFFF80, v21;
	v29 =	vadd.s32 $0x1, v21;
	s28 =	sadd.s32 $0x10, s28;
	v30 =	vld.idx.msk [tilespmem:v9+s18+$0x0], $0xffff  }
0x2a4: {  	v21 =	vand.u32 $0x7F, v21;
	vm0 =	veq.s32 v29, $0x40;
	p0 =	slt.u32 s28, $0x30;
	v31 =	vadd.f32 v11, v17;
	v32 =	vld.idx.msk [tilespmem:v23+s17+$0x0], $0xffff  }
0x2a5: {  	v28 =	vadd.s32 v0, v28;
	v11 =	vmul.f32 v26, v24;
	v29 =	vsel vm0, $0x0, v29;
	v24 =	vld.idx.msk [tilespmem:v9+s19+$0x0], $0xffff  }
0x2a6: {  	v17 =	vmul.f32 v20, v18;
	v26 =	vand.u32 $0xFFFFFF80, v29;
	v33 =	vadd.s32 $0x1, v29;
	v18 =	vld.idx.msk [tilespmem:v23+s18+$0x0], $0xffff  }
0x2a7: {  	v20 =	vadd.s32 v0, v26;
	vm0 =	veq.s32 v33, $0x40;
	v26 =	vadd.f32 v15, v31;
	v15 =	vld.idx.msk [tilespmem:v1+s17+$0x0], $0xffff  }
0x2a8: {  	v27 =	vadd.f32 v13, v27;
	v29 =	vand.u32 $0x7F, v29;
	v31 =	vsel vm0, $0x0, v33;
	v33 =	vld.idx.msk [tilespmem:v23+s19+$0x0], $0xffff  }
0x2a9: {  	v1 =	vmul.f32 v30, v22;
	v13 =	vand.u32 $0xFFFFFF80, v31;
	v34 =	vadd.s32 $0x1, v31;
	v22 =	vld.idx.msk [tilespmem:v23+s20+$0x0], $0xffff  }
0x2aa: {  	v23 =	vadd.s32 v0, v13;
	vm0 =	veq.s32 v34, $0x40;
	v13 =	vmul.f32 v14, v25;
	v25 =	vld.idx.msk [tilespmem:v9+s20+$0x0], $0xffff  }
0x2ab: {  	v20 =	vor.u32 v29, v20;
	v29 =	vand.u32 $0x7F, v31;
	v9 =	vsel vm0, $0x0, v34;
	v30 =	vld.idx.msk [tilespmem:v5+s18+$0x0], $0xffff  }
0x2ac: {  	v14 =	vand.u32 $0xFFFFFF80, v9;
	v31 =	vadd.s32 $0x1, v9;
	v34 =	vld.idx.msk [tilespmem:v5+s20+$0x0], $0xffff;
	v5 =	vmul.f32 v18, v32  }
0x2ad: {  	v2 =	vmul.f32 v2, v15;
	v14 =	vadd.s32 v0, v14;
	vm0 =	veq.s32 v31, $0x40;
	v18 =	vld.idx.msk [tilespmem:v16+s18+$0x0], $0xffff  }
0x2ae: {  	v21 =	vor.u32 v21, v28;
	v9 =	vand.u32 $0x7F, v9;
	v15 =	vsel vm0, $0x0, v31;
	v28 =	vld.idx.msk [tilespmem:v16+s19+$0x0], $0xffff  }
0x2af: {  	v9 =	vor.u32 v9, v14;
	v14 =	vand.u32 $0xFFFFFF80, v15;
	v31 =	vadd.s32 $0x1, v15;
	v32 =	vld.idx.msk [tilespmem:v16+s20+$0x0], $0xffff  }
0x2b0: {  	v35 =	vadd.s32 v0, v14;
	vm0 =	veq.s32 v31, $0x40;
	v14 =	vmul.f32 v22, v33  }
0x2b1: {  	v22 =	vand.u32 $0x7F, v15;
	v15 =	vmul.f32 v25, v24;
	v31 =	vsel vm0, $0x0, v31  }
0x2b2: {  	v2 =	vadd.f32 v2, v26;
	v24 =	vand.u32 $0xFFFFFF80, v31;
	v25 =	vadd.s32 $0x1, v31  }
0x2b3: {  	v12 =	vmul.f32 v30, v12;
	v16 =	vld.idx.msk [tilespmem:v20+s18+$0x0], $0xffff;
	v24 =	vadd.s32 v0, v24;
	vm0 =	veq.s32 v25, $0x40  }
0x2b4: {  	v30 =	vand.u32 $0x7F, v31;
	v31 =	vmul.f32 v18, v19;
	v26 =	vld.idx.msk [tilespmem:v21+s18+$0x0], $0xffff;
	v25 =	vsel vm0, $0x0, v25  }
0x2b5: {  	v3 =	vmul.f32 v34, v3;
	v18 =	vld.idx.msk [tilespmem:v20+s17+$0x0], $0xffff;
	v19 =	vand.u32 $0xFFFFFF80, v25;
	v33 =	vadd.s32 $0x1, v25  }
0x2b6: {  	v2 =	vadd.f32 v12, v2;
	v34 =	vld.idx.msk [tilespmem:v21+s17+$0x0], $0xffff;
	v36 =	vadd.s32 v0, v19;
	vm0 =	veq.s32 v33, $0x40  }
0x2b7: {  	v23 =	vor.u32 v29, v23;
	v25 =	vand.u32 $0x7F, v25;
	v12 =	vld.idx.msk [tilespmem:v9+s17+$0x0], $0xffff;
	v29 =	vsel vm0, $0x0, v33  }
0x2b8: {  	v22 =	vor.u32 v22, v35;
	v19 =	vld.idx.msk [tilespmem:v9+s18+$0x0], $0xffff;
	v33 =	vand.u32 $0xFFFFFF80, v29;
	v35 =	vadd.s32 $0x1, v29  }
0x2b9: {  	v28 =	vmul.f32 v32, v28;
	v37 =	vld.idx.msk [tilespmem:v21+s19+$0x0], $0xffff;
	v33 =	vadd.s32 v0, v33;
	vm0 =	veq.s32 v35, $0x40  }
0x2ba: {  	v2 =	vadd.f32 v31, v2;
	v29 =	vand.u32 $0x7F, v29;
	v32 =	vld.idx.msk [tilespmem:v20+s20+$0x0], $0xffff;
	v35 =	vsel vm0, $0x0, v35  }
0x2bb: {  	v25 =	vor.u32 v25, v36;
	v31 =	vld.idx.msk [tilespmem:v20+s19+$0x0], $0xffff;
	v20 =	vand.u32 $0xFFFFFF80, v35;
	v36 =	vadd.s32 $0x1, v35  }
0x2bc: {  	v2 =	vadd.f32 v8, v2;
	v38 =	vld.idx.msk [tilespmem:v23+s20+$0x0], $0xffff;
	v39 =	vadd.s32 v0, v20;
	vm0 =	veq.s32 v36, $0x40  }
0x2bd: {  	v7 =	vadd.f32 v7, v27;
	v35 =	vand.u32 $0x7F, v35;
	v40 =	vld.idx.msk [tilespmem:v23+s17+$0x0], $0xffff;
	v20 =	vsel vm0, $0x0, v36  }
0x2be: {  	v8 =	vmul.f32 v26, v34;
	v26 =	vld.idx.msk [tilespmem:v23+s19+$0x0], $0xffff;
	v27 =	vand.u32 $0xFFFFFF80, v20;
	v34 =	vadd.s32 $0x1, v20  }
0x2bf: {  	v2 =	vadd.f32 v10, v2;
	v21 =	vld.idx.msk [tilespmem:v21+s20+$0x0], $0xffff;
	v27 =	vadd.s32 v0, v27;
	vm0 =	veq.s32 v34, $0x40  }
0x2c0: {  	v4 =	vadd.f32 v4, v7;
	v41 =	vand.u32 $0x7F, v20;
	v36 =	vld.idx.msk [tilespmem:v25+s19+$0x0], $0xffff;
	v20 =	vsel vm0, $0x0, v34  }
0x2c1: {  	v7 =	vld.idx.msk [tilespmem:v23+s18+$0x0], $0xffff;
	v23 =	vor.u32 v30, v24;
	v10 =	vand.u32 $0xFFFFFF80, v20;
	v24 =	vadd.s32 $0x1, v20  }
0x2c2: {  	v29 =	vor.u32 v29, v33;
	v30 =	vld.idx.msk [tilespmem:v25+s20+$0x0], $0xffff;
	v10 =	vadd.s32 v0, v10;
	vm0 =	veq.s32 v24, $0x40  }
0x2c3: {  	v2 =	vadd.f32 v17, v2;
	v20 =	vand.u32 $0x7F, v20;
	v33 =	vld.idx.msk [tilespmem:v22+s19+$0x0], $0xffff;
	v24 =	vsel vm0, $0x0, v24  }
0x2c4: {  	v31 =	vmul.f32 v32, v31;
	v32 =	vld.idx.msk [tilespmem:v22+s20+$0x0], $0xffff;
	v17 =	vand.u32 $0xFFFFFF80, v24;
	v34 =	vand.u32 $0x7F, v24  }
0x2c5: {  	v3 =	vadd.f32 v3, v4;
	v24 =	vadd.s32 $0x1, v24;
	v17 =	vadd.s32 v0, v17  }
0x2c6: {  	v2 =	vadd.f32 v1, v2;
	vm0 =	veq.s32 v24, $0x40;
	v4 =	vld.idx.msk [tilespmem:v25+s17+$0x0], $0xffff;
	v17 =	vor.u32 v34, v17  }
0x2c7: {  	v3 =	vadd.f32 v28, v3;
	v34 =	vmul.f32 v21, v37;
	v24 =	vsel vm0, $0x0, v24;
	v21 =	vld.idx.msk [tilespmem:v25+s18+$0x0], $0xffff  }
0x2c8: {  	v1 =	vor.u32 v35, v39;
	v35 =	vadd.f32 v5, v2;
	v28 =	vadd.s32 $0x1, v24;
	v25 =	vld.idx.msk [tilespmem:v23+s17+$0x0], $0xffff  }
0x2c9: {  	v2 =	vadd.f32 v13, v3;
	v39 =	vand.u32 $0xFFFFFF80, v24;
	vm0 =	veq.s32 v28, $0x40;
	v37 =	vld.idx.msk [tilespmem:v29+s20+$0x0], $0xffff  }
0x2ca: {  	v40 =	vmul.f32 v7, v40;
	v32 =	vmul.f32 v32, v33;
	v7 =	vsel vm0, $0x0, v28;
	v3 =	vld.idx.msk [tilespmem:v29+s17+$0x0], $0xffff  }
0x2cb: {  	v6 =	vadd.f32 v6, v2;
	v5 =	vand.u32 $0xFFFFFF80, v7;
	v13 =	vadd.s32 $0x1, v7;
	v28 =	vld.idx.msk [tilespmem:v9+s19+$0x0], $0xffff  }
0x2cc: {  	v26 =	vmul.f32 v38, v26;
	v38 =	vadd.s32 v0, v5;
	vm0 =	veq.s32 v13, $0x40;
	v33 =	vld.idx.msk [tilespmem:v29+s18+$0x0], $0xffff  }
0x2cd: {  	v6 =	vadd.f32 v11, v6;
	v5 =	vor.u32 v41, v27;
	v27 =	vsel vm0, $0x0, v13;
	v2 =	vld.idx.msk [tilespmem:v1+s18+$0x0], $0xffff  }
0x2ce: {  	v11 =	vmul.f32 v21, v4;
	v13 =	vand.u32 $0xFFFFFF80, v27;
	v21 =	vadd.s32 $0x1, v27;
	v4 =	vld.idx.msk [tilespmem:v1+s19+$0x0], $0xffff  }
0x2cf: {  	v6 =	vadd.f32 v15, v6;
	v42 =	vadd.s32 v0, v13;
	vm0 =	veq.s32 v21, $0x40;
	v41 =	vld.idx.msk [tilespmem:v1+s20+$0x0], $0xffff  }
0x2d0: {  	v16 =	vmul.f32 v16, v18;
	v13 =	vmul.f32 v30, v36;
	v30 =	vsel vm0, $0x0, v21;
	v18 =	vld.idx.msk [tilespmem:v22+s17+$0x0], $0xffff  }
0x2d1: {  	v6 =	vadd.f32 v14, v6;
	v21 =	vand.u32 $0xFFFFFF80, v30;
	v36 =	vadd.s32 $0x1, v30;
	v22 =	vld.idx.msk [tilespmem:v22+s18+$0x0], $0xffff  }
0x2d2: {  	v15 =	vmul.f32 v33, v3;
	v33 =	vadd.s32 v0, v21;
	vm0 =	veq.s32 v36, $0x40;
	v3 =	vld.idx.msk [tilespmem:v5+s19+$0x0], $0xffff  }
0x2d3: {  	v19 =	vmul.f32 v19, v12;
	v21 =	vsel vm0, $0x0, v36;
	v12 =	vld.idx.msk [tilespmem:v23+s18+$0x0], $0xffff  }
0x2d4: {  	v29 =	vld.idx.msk [tilespmem:v29+s19+$0x0], $0xffff  }
0x2d5: {  	v4 =	vmul.f32 v41, v4;
	v36 =	vld.idx.msk [tilespmem:v17+s18+$0x0], $0xffff  }
0x2d6: {  	v41 =	vld.idx.msk [tilespmem:v23+s19+$0x0], $0xffff  }
0x2d7: {  	v14 =	vand.u32 $0x7F, v24;
	v24 =	vadd.s32 v0, v39;
	v22 =	vmul.f32 v22, v18;
	v18 =	vld.idx.msk [tilespmem:v17+s17+$0x0], $0xffff  }
0x2d8: {  	v24 =	vor.u32 v14, v24;
	v23 =	vld.idx.msk [tilespmem:v23+s20+$0x0], $0xffff  }
0x2d9: {  	v39 =	vmul.f32 v12, v25;
	v12 =	vand.u32 $0x7F, v7;
	v14 =	vld.idx.msk [tilespmem:v17+s20+$0x0], $0xffff  }
0x2da: {  	v7 =	vmul.f32 v37, v29;
	v25 =	vor.u32 v12, v38  }
0x2db: {  	v29 =	vld.idx.msk [tilespmem:v9+s20+$0x0], $0xffff  }
0x2dc: {  	v6 =	vadd.f32 v34, v6;
	v12 =	vld.idx.msk [tilespmem:v5+s17+$0x0], $0xffff  }
0x2dd: {  	v9 =	vadd.f32 v8, v35;
	v8 =	vmul.f32 v36, v18;
	v34 =	vld.idx.msk [tilespmem:v24+s17+$0x0], $0xffff  }
0x2de: {  	v6 =	vadd.f32 v31, v6;
	v31 =	vmul.f32 v23, v41;
	v23 =	vld.idx.msk [tilespmem:v24+s18+$0x0], $0xffff  }
0x2df: {  	v16 =	vadd.f32 v16, v9;
	v9 =	vand.u32 $0x7F, v27;
	v18 =	vld.idx.msk [tilespmem:v25+s17+$0x0], $0xffff  }
0x2e0: {  	v9 =	vor.u32 v9, v42;
	v35 =	vld.idx.msk [tilespmem:v24+s19+$0x0], $0xffff  }
0x2e1: {  	v6 =	vadd.f32 v26, v6;
	v27 =	vadd.f32 v40, v16;
	v26 =	vmul.f32 v29, v28;
	v28 =	vld.idx.msk [tilespmem:v24+s20+$0x0], $0xffff  }
0x2e2: {  	v16 =	vor.u32 v20, v10;
	v20 =	vld.idx.msk [tilespmem:v25+s18+$0x0], $0xffff  }
.Ltmp6:
0x2e3: {  	v19 =	vadd.f32 v19, v27;
	v27 =	vand.u32 $0x7F, v30;
	v6 =	vadd.f32 v26, v6;
	v24 =	vld.idx.msk [tilespmem:v25+s19+$0x0], $0xffff;
	(pc) =	sbr.rel @p0 .LBB2_15-.Ltmp6, $4  }
0x2e4: {  	v10 =	vmul.f32 v23, v34;
	v23 =	vor.u32 v27, v33;
	v26 =	vld.idx.msk [tilespmem:v25+s20+$0x0], $0xffff  }
0x2e5: {  	v19 =	vadd.f32 v22, v19;
	v6 =	vadd.f32 v32, v6;
	v22 =	vld.idx.msk [tilespmem:v9+s17+$0x0], $0xffff  }
0x2e6: {  	v25 =	vld.idx.msk [tilespmem:v17+s19+$0x0], $0xffff  }
0x2e7: {  	v17 =	vadd.f32 v39, v19;
	v27 =	vadd.f32 v31, v6;
	v6 =	vmul.f32 v28, v35;
	v19 =	vld.idx.msk [tilespmem:v16+s17+$0x0], $0xffff  }
0x2e8: {  	_ =	sdelay $0x3  }
0x2e9: {  	v0 =	vld.idx.msk [tilespmem:v1+s17+$0x0], $0xffff  }
0x2ea: {  	v45 =	vld.idx.msk [tilespmem:v5+s18+$0x0], $0xffff  }
0x2eb: {  	v46 =	vld.idx.msk [tilespmem:v5+s20+$0x0], $0xffff  }
0x2ec: {  	v47 =	vld.idx.msk [tilespmem:v16+s18+$0x0], $0xffff  }
0x2ed: {  	v21 =	vld.idx.msk [tilespmem:v16+s19+$0x0], $0xffff;
	v11 =	vadd.f32 v11, v17;
	v13 =	vadd.f32 v13, v27  }
0x2ee: {  	v48 =	vld.idx.msk [tilespmem:v16+s20+$0x0], $0xffff  }
0x2ef: {  	v11 =	vadd.f32 v15, v11;
	v7 =	vadd.f32 v7, v13;
	v0 =	vmul.f32 v2, v0  }
0x2f0: {  	v1 =	vmul.f32 v45, v12  }
0x2f1: {  	v3 =	vmul.f32 v46, v3;
	v4 =	vadd.f32 v4, v7;
	v0 =	vadd.f32 v0, v11  }
0x2f2: {  	v49 =	vld.idx.msk [tilespmem:v9+s18+$0x0], $0xffff;
	v50 =	vmul.f32 v47, v19  }
0x2f3: {  	v51 =	vld.idx.msk [tilespmem:v23+s17+$0x0], $0xffff;
	v52 =	vmul.f32 v48, v21;
	v53 =	vadd.f32 v3, v4;
	v0 =	vadd.f32 v1, v0  }
0x2f4: {  	v54 =	vld.idx.msk [tilespmem:v9+s19+$0x0], $0xffff  }
0x2f5: {  	v55 =	vld.idx.msk [tilespmem:v23+s18+$0x0], $0xffff;
	v56 =	vmul.f32 v14, v25;
	v1 =	vadd.f32 v52, v53;
	v0 =	vadd.f32 v50, v0  }
0x2f6: {  	v57 =	vld.idx.msk [tilespmem:v9+s20+$0x0], $0xffff  }
0x2f7: {  	v58 =	vld.idx.msk [tilespmem:v23+s19+$0x0], $0xffff;
	v1 =	vadd.f32 v56, v1;
	v0 =	vadd.f32 v8, v0  }
0x2f8: {  	v60 =	vld.idx.msk [tilespmem:v23+s20+$0x0], $0xffff;
	v61 =	vmul.f32 v20, v18  }
0x2f9: {  	v59 =	vmul.f32 v26, v24;
	v1 =	vadd.f32 v6, v1;
	v0 =	vadd.f32 v10, v0  }
0x2fa: {  	v5 =	vmul.f32 v49, v22  }
0x2fb: {  	v2 =	vmul.f32 v57, v54;
	v1 =	vadd.f32 v59, v1;
	v0 =	vadd.f32 v61, v0  }
0x2fc: {  	v62 =	vmul.f32 v55, v51  }
0x2fd: {  	s25 =	sadd.s32 $0x1, s25;
	v63 =	vmul.f32 v60, v58;
	v1 =	vadd.f32 v2, v1;
	v0 =	vadd.f32 v5, v0  }
0x2fe: {  	p0 =	sne.s32 s25, $0x4  }
.Ltmp7:
0x2ff: {  	v1 =	vadd.f32 v63, v1;
	v0 =	vadd.f32 v62, v0;
	(pc) =	sbr.rel @p0 .LBB2_14-.Ltmp7, $3  }
0x300: {  	_ = 	snop  }
0x301: {  	v0 =	vadd.f32 v1, v0;
	_ =	sdelay $0x1  }
0x302: {  	[tilespmem:s26+$0x10080] =	vst v0  }
0x303: {  	_ =	swait.ge [sflag:s23], $0x40  }
0x304: {  	[sflag:s23] =	ssyncset.done $0x0  }
0x305: {  	s25 =	simm.s32 $0x0;
	[sflag:s23] =	ssyncadd.s32 $0xFFFFFFC0  }
0x306: {  	[hbm4b:s7+s25] =	stream.linear.scatter [tilespmem:s22], [sflag:$0x2], $0x40, $0x38;
	[tilespmem:$0x10100] =	vst v63  }
0x307: {  	_ =	swait.ge [sflag:s16], $0x2000  }
0x308: {  	[sflag:s16] =	ssyncset.done $0x0  }
0x309: {  	[sflag:s16] =	ssyncadd.s32 $0xFFFFE000  }
0x30a: {  	_ =	swait.ge [sflag:s16], $0x2000  }
0x30b: {  	[sflag:s16] =	ssyncset.done $0x0  }
0x30c: {  	[sflag:s16] =	ssyncadd.s32 $0xFFFFE000  }
0x30d: {  	_ =	swait.ge [sflag:s16], $0x2000  }
0x30e: {  	[sflag:s16] =	ssyncset.done $0x0  }
0x30f: {  	[sflag:s16] =	ssyncadd.s32 $0xFFFFE000  }
0x310: {  	_ =	swait.ge [sflag:s16], $0x2000  }
0x311: {  	[sflag:s16] =	ssyncset.done $0x0  }
0x312: {  	s26 =	rddreg [dreg:$0x17];
	[sflag:s16] =	ssyncadd.s32 $0xFFFFE000  }
0x313: {  	[tilespmem:s17], [sflag:$0x1] =	stream.linear.gather [hbm4b:s26+s25], $0x2000, $0x38;
	[tilespmem:$0x10100] =	vst v63  }
0x314: {  	s28 =	rddreg [dreg:$0x18]  }
0x315: {  	[tilespmem:s18], [sflag:$0x1] =	stream.linear.gather [hbm4b:s28+s25], $0x2000, $0x38;
	[tilespmem:$0x10100] =	vst v63  }
0x316: {  	s28 =	rddreg [dreg:$0x19]  }
0x317: {  	[tilespmem:s19], [sflag:$0x1] =	stream.linear.gather [hbm4b:s28+s25], $0x2000, $0x38;
	[tilespmem:$0x10100] =	vst v63  }
0x318: {  	s28 =	rddreg [dreg:$0x1a]  }
0x319: {  	[tilespmem:s20], [sflag:$0x1] =	stream.linear.gather [hbm4b:s28+s25], $0x2000, $0x38;
	[tilespmem:$0x10100] =	vst v63  }
.LBB2_18:
0x31a: {  	v1 =	vlaneseq.u32  }
0x31b: {  	v0 =	vadd.s32 $0x1, v1  }
0x31c: {  	s26 =	sshll.u32 s25, $0x4;
	vm0 =	veq.s32 v0, $0x40  }
0x31d: {  	v2 =	vmov s26;
	v3 =	vmul.u32 $0x80, v1;
	v4 =	vsel vm0, $0x0, v0  }
0x31e: {  	v0 =	vshll.u32 v2, $0x7;
	v2 =	vadd.s32 $0x1, v4  }
0x31f: {  	v0 =	vor.u32 v3, v0;
	v3 =	vand.u32 $0xFFFFFF80, v1;
	v5 =	vand.u32 $0xFFFFFF80, v4  }
0x320: {  	v1 =	vand.u32 $0x7F, v1;
	v4 =	vand.u32 $0x7F, v4;
	v5 =	vadd.s32 v0, v5  }
0x321: {  	vm13 =	veq.s32 v2, $0x40;
	v3 =	vadd.s32 v0, v3;
	v4 =	vor.u32 v4, v5  }
0x322: {  	v2 =	vsel vm13, $0x0, v2;
	v1 =	vor.u32 v1, v3  }
0x323: {  	v6 =	vadd.s32 $0x1, v2  }
0x324: {  	vm14 =	veq.s32 v6, $0x40  }
0x325: {  	v5 =	vsel vm14, $0x0, v6  }
0x326: {  	v6 =	vadd.s32 $0x1, v5;
	v8 =	vld.idx.msk [tilespmem:v4+s13+$0x0], $0xffff  }
0x327: {  	v3 =	vand.u32 $0xFFFFFF80, v5;
	vm15 =	veq.s32 v6, $0x40;
	v9 =	vld.idx.msk [tilespmem:v1+s13+$0x0], $0xffff  }
0x328: {  	v5 =	vand.u32 $0x7F, v5;
	v3 =	vadd.s32 v0, v3;
	v10 =	vld.idx.msk [tilespmem:v4+s0+$0x0], $0xffff;
	v6 =	vsel vm15, $0x0, v6  }
0x329: {  	v12 =	vld.idx.msk [tilespmem:v1+s0+$0x0], $0xffff;
	v7 =	vor.u32 v5, v3;
	v3 =	vadd.s32 $0x1, v6  }
0x32a: {  	v13 =	vld.idx.msk [tilespmem:v1+s14+$0x0], $0xffff;
	vm4 =	veq.s32 v3, $0x40  }
0x32b: {  	v15 =	vld.idx.msk [tilespmem:v4+s15+$0x0], $0xffff;
	v5 =	vand.u32 $0xFFFFFF80, v2;
	v3 =	vsel vm4, $0x0, v3  }
0x32c: {  	v4 =	vld.idx.msk [tilespmem:v4+s14+$0x0], $0xffff;
	v2 =	vand.u32 $0x7F, v2;
	v5 =	vadd.s32 v0, v5;
	v11 =	vadd.s32 $0x1, v3  }
0x32d: {  	v21 =	vld.idx.msk [tilespmem:v1+s15+$0x0], $0xffff;
	v2 =	vor.u32 v2, v5;
	vm5 =	veq.s32 v11, $0x40  }
0x32e: {  	v16 =	vld.idx.msk [tilespmem:v7+s0+$0x0], $0xffff;
	v5 =	vsel vm5, $0x0, v11  }
0x32f: {  	v17 =	vld.idx.msk [tilespmem:v7+s13+$0x0], $0xffff;
	v11 =	vand.u32 $0xFFFFFF80, v5  }
0x330: {  	v33 =	vld.idx.msk [tilespmem:v7+s14+$0x0], $0xffff;
	v14 =	vand.u32 $0x7F, v5;
	v11 =	vadd.s32 v0, v11  }
0x331: {  	v7 =	vld.idx.msk [tilespmem:v7+s15+$0x0], $0xffff;
	v11 =	vor.u32 v14, v11  }
0x332: {  	v18 =	vld.idx.msk [tilespmem:v2+s15+$0x0], $0xffff  }
0x333: {  	v19 =	vld.idx.msk [tilespmem:v2+s0+$0x0], $0xffff;
	v14 =	vand.u32 $0xFFFFFF80, v6  }
0x334: {  	v5 =	vadd.s32 $0x1, v5;
	v24 =	vld.idx.msk [tilespmem:v2+s13+$0x0], $0xffff;
	v6 =	vand.u32 $0x7F, v6;
	v14 =	vadd.s32 v0, v14  }
0x335: {  	vm6 =	veq.s32 v5, $0x40;
	v6 =	vor.u32 v6, v14;
	v14 =	vld.idx.msk [tilespmem:v2+s14+$0x0], $0xffff  }
0x336: {  	v20 =	vand.u32 $0xFFFFFF80, v3;
	v5 =	vsel vm6, $0x0, v5;
	v23 =	vld.idx.msk [tilespmem:v11+s14+$0x0], $0xffff  }
0x337: {  	v1 =	vadd.s32 v0, v20;
	v20 =	vand.u32 $0xFFFFFF80, v5;
	v22 =	vadd.s32 $0x1, v5;
	v25 =	vld.idx.msk [tilespmem:v11+s15+$0x0], $0xffff  }
0x338: {  	v3 =	vand.u32 $0x7F, v3;
	v20 =	vadd.s32 v0, v20;
	vm7 =	veq.s32 v22, $0x40;
	v28 =	vld.idx.msk [tilespmem:v11+s0+$0x0], $0xffff  }
0x339: {  	v2 =	vand.u32 $0x7F, v5;
	v5 =	vsel vm7, $0x0, v22;
	v22 =	vor.u32 v3, v1;
	v11 =	vld.idx.msk [tilespmem:v11+s13+$0x0], $0xffff  }
0x33a: {  	v20 =	vor.u32 v2, v20;
	v1 =	vadd.s32 $0x1, v5;
	v26 =	vld.idx.msk [tilespmem:v6+s14+$0x0], $0xffff  }
0x33b: {  	v9 =	vmul.f32 v9, v12;
	vm8 =	veq.s32 v1, $0x40;
	v27 =	vld.idx.msk [tilespmem:v6+s15+$0x0], $0xffff  }
0x33c: {  	v4 =	vmul.f32 v15, v4;
	v2 =	vand.u32 $0xFFFFFF80, v5;
	v3 =	vsel vm8, $0x0, v1;
	v39 =	vld.idx.msk [tilespmem:v6+s0+$0x0], $0xffff  }
0x33d: {  	v1 =	vadd.s32 v0, v2;
	v2 =	vand.u32 $0x7F, v5;
	v5 =	vadd.s32 $0x1, v3;
	v6 =	vld.idx.msk [tilespmem:v6+s13+$0x0], $0xffff  }
0x33e: {  	v15 =	vmul.f32 v21, v13;
	v8 =	vmul.f32 v8, v10;
	vm9 =	veq.s32 v5, $0x40;
	v29 =	vld.idx.msk [tilespmem:v22+s0+$0x0], $0xffff  }
0x33f: {  	v17 =	vmul.f32 v17, v16;
	v7 =	vmul.f32 v7, v33;
	v31 =	vld.idx.msk [tilespmem:v20+s15+$0x0], $0xffff;
	v30 =	vsel vm9, $0x0, v5  }
0x340: {  	v19 =	vmul.f32 v24, v19;
	v1 =	vor.u32 v2, v1;
	v32 =	vld.idx.msk [tilespmem:v20+s0+$0x0], $0xffff;
	v2 =	vadd.s32 $0x1, v30  }
0x341: {  	v35 =	vld.idx.msk [tilespmem:v20+s13+$0x0], $0xffff;
	v5 =	vand.u32 $0xFFFFFF80, v3;
	v3 =	vand.u32 $0x7F, v3;
	vm10 =	veq.s32 v2, $0x40  }
0x342: {  	v40 =	vld.idx.msk [tilespmem:v22+s13+$0x0], $0xffff;
	v5 =	vadd.s32 v0, v5;
	v11 =	vmul.f32 v11, v28;
	v34 =	vsel vm10, $0x0, v2  }
0x343: {  	v28 =	vld.idx.msk [tilespmem:v22+s14+$0x0], $0xffff;
	v5 =	vor.u32 v3, v5;
	v36 =	vadd.s32 $0x1, v34;
	v3 =	vand.u32 $0xFFFFFF80, v34  }
0x344: {  	v22 =	vld.idx.msk [tilespmem:v22+s15+$0x0], $0xffff;
	v34 =	vand.u32 $0x7F, v34;
	vm11 =	veq.s32 v36, $0x40;
	v3 =	vadd.s32 v0, v3  }
0x345: {  	v24 =	vmul.f32 v18, v14;
	v2 =	vld.idx.msk [tilespmem:v1+s13+$0x0], $0xffff;
	v36 =	vsel vm11, $0x0, v36;
	v34 =	vor.u32 v34, v3  }
0x346: {  	v37 =	vld.idx.msk [tilespmem:v1+s14+$0x0], $0xffff;
	v27 =	vmul.f32 v27, v26;
	v3 =	vadd.s32 $0x1, v36;
	v13 =	vand.u32 $0xFFFFFF80, v36  }
0x347: {  	v38 =	vld.idx.msk [tilespmem:v1+s15+$0x0], $0xffff;
	v14 =	vand.u32 $0x7F, v36;
	vm12 =	veq.s32 v3, $0x40;
	v13 =	vadd.s32 v0, v13  }
0x348: {  	v26 =	vld.idx.msk [tilespmem:v20+s14+$0x0], $0xffff;
	v6 =	vmul.f32 v6, v39;
	v12 =	vsel vm12, $0x0, v3;
	v36 =	vor.u32 v14, v13  }
0x349: {  	v29 =	vmul.f32 v40, v29;
	v3 =	vld.idx.msk [tilespmem:v5+s14+$0x0], $0xffff;
	v13 =	vmul.f32 v25, v23;
	v21 =	vadd.s32 $0x1, v12  }
0x34a: {  	v20 =	vand.u32 $0xFFFFFF80, v12;
	v12 =	vand.u32 $0x7F, v12;
	vm13 =	veq.s32 v21, $0x40;
	v41 =	vld.idx.msk [tilespmem:v34+s13+$0x0], $0xffff  }
0x34b: {  	v20 =	vadd.s32 v0, v20;
	v42 =	vld.idx.msk [tilespmem:v34+s0+$0x0], $0xffff;
	v18 =	vsel vm13, $0x0, v21;
	v21 =	vimm.f32 $0.0e+00  }
0x34c: {  	v14 =	vld.idx.msk [tilespmem:v34+s15+$0x0], $0xffff;
	v23 =	vor.u32 v12, v20;
	v12 =	vand.u32 $0xFFFFFF80, v30;
	v30 =	vand.u32 $0x7F, v30  }
0x34d: {  	v10 =	vadd.s32 $0x1, v18;
	v20 =	vadd.f32 v15, v21;
	v9 =	vadd.f32 v9, v21;
	v61 =	vld.idx.msk [tilespmem:v36+s0+$0x0], $0xffff  }
0x34e: {  	v25 =	vadd.s32 v0, v12;
	v15 =	vmul.f32 v35, v32;
	vm14 =	veq.s32 v10, $0x40;
	v62 =	vld.idx.msk [tilespmem:v36+s13+$0x0], $0xffff  }
0x34f: {  	v21 =	vand.u32 $0xFFFFFF80, v18;
	v43 =	vld.idx.msk [tilespmem:v36+s14+$0x0], $0xffff;
	v10 =	vsel vm14, $0x0, v10;
	v8 =	vadd.f32 v8, v9  }
0x350: {  	v63 =	vld.idx.msk [tilespmem:v36+s15+$0x0], $0xffff;
	v4 =	vadd.f32 v4, v20;
	v20 =	vadd.s32 v0, v21;
	v9 =	vand.u32 $0x7F, v18  }
0x351: {  	v16 =	vand.u32 $0xFFFFFF80, v10;
	v9 =	vor.u32 v9, v20;
	v18 =	vld.idx.msk [tilespmem:v23+s0+$0x0], $0xffff;
	v8 =	vadd.f32 v19, v8  }
0x352: {  	v19 =	vadd.s32 $0x1, v10;
	v21 =	vadd.f32 v24, v4;
	v44 =	vadd.s32 v0, v16;
	v20 =	vld.idx.msk [tilespmem:v23+s13+$0x0], $0xffff  }
0x353: {  	v16 =	vor.u32 v30, v25;
	v24 =	vld.idx.msk [tilespmem:v23+s14+$0x0], $0xffff;
	vm15 =	veq.s32 v19, $0x40;
	v8 =	vadd.f32 v17, v8  }
0x354: {  	v17 =	vadd.f32 v7, v21;
	v7 =	vmul.f32 v31, v26;
	v26 =	vld.idx.msk [tilespmem:v23+s15+$0x0], $0xffff;
	v23 =	vand.u32 $0x7F, v10  }
0x355: {  	v12 =	vld.idx.msk [tilespmem:v5+s0+$0x0], $0xffff;
	v4 =	vmul.f32 v38, v37;
	v21 =	vsel vm15, $0x0, v19;
	v23 =	vor.u32 v23, v44  }
0x356: {  	v25 =	vld.idx.msk [tilespmem:v34+s14+$0x0], $0xffff;
	v19 =	vmul.f32 v22, v28;
	v6 =	vadd.f32 v6, v8;
	v27 =	vadd.f32 v27, v17  }
0x357: {  	v10 =	vmul.f32 v62, v61;
	v22 =	vld.idx.msk [tilespmem:v9+s0+$0x0], $0xffff;
	v8 =	vmul.f32 v41, v42  }
0x358: {  	s28 =	simm.s32 $0x0;
	v17 =	vadd.f32 v29, v6;
	v27 =	vadd.f32 v19, v27;
	v19 =	vld.idx.msk [tilespmem:v16+s0+$0x0], $0xffff;
	v6 =	vmul.f32 v63, v43  }
.LBB2_19:
0x359: {  	v28 =	vand.u32 $0xFFFFFF80, v21;
	v29 =	vadd.s32 $0x1, v21;
	s28 =	sadd.s32 $0x10, s28;
	v30 =	vld.idx.msk [tilespmem:v9+s13+$0x0], $0xffff  }
0x35a: {  	v21 =	vand.u32 $0x7F, v21;
	vm0 =	veq.s32 v29, $0x40;
	p0 =	slt.u32 s28, $0x30;
	v31 =	vadd.f32 v11, v17;
	v32 =	vld.idx.msk [tilespmem:v23+s0+$0x0], $0xffff  }
0x35b: {  	v28 =	vadd.s32 v0, v28;
	v11 =	vmul.f32 v26, v24;
	v29 =	vsel vm0, $0x0, v29;
	v24 =	vld.idx.msk [tilespmem:v9+s14+$0x0], $0xffff  }
0x35c: {  	v17 =	vmul.f32 v20, v18;
	v26 =	vand.u32 $0xFFFFFF80, v29;
	v33 =	vadd.s32 $0x1, v29;
	v18 =	vld.idx.msk [tilespmem:v23+s13+$0x0], $0xffff  }
0x35d: {  	v20 =	vadd.s32 v0, v26;
	vm0 =	veq.s32 v33, $0x40;
	v26 =	vadd.f32 v15, v31;
	v15 =	vld.idx.msk [tilespmem:v1+s0+$0x0], $0xffff  }
0x35e: {  	v27 =	vadd.f32 v13, v27;
	v29 =	vand.u32 $0x7F, v29;
	v31 =	vsel vm0, $0x0, v33;
	v33 =	vld.idx.msk [tilespmem:v23+s14+$0x0], $0xffff  }
0x35f: {  	v1 =	vmul.f32 v30, v22;
	v13 =	vand.u32 $0xFFFFFF80, v31;
	v34 =	vadd.s32 $0x1, v31;
	v22 =	vld.idx.msk [tilespmem:v23+s15+$0x0], $0xffff  }
0x360: {  	v23 =	vadd.s32 v0, v13;
	vm0 =	veq.s32 v34, $0x40;
	v13 =	vmul.f32 v14, v25;
	v25 =	vld.idx.msk [tilespmem:v9+s15+$0x0], $0xffff  }
0x361: {  	v20 =	vor.u32 v29, v20;
	v29 =	vand.u32 $0x7F, v31;
	v9 =	vsel vm0, $0x0, v34;
	v30 =	vld.idx.msk [tilespmem:v5+s13+$0x0], $0xffff  }
0x362: {  	v14 =	vand.u32 $0xFFFFFF80, v9;
	v31 =	vadd.s32 $0x1, v9;
	v34 =	vld.idx.msk [tilespmem:v5+s15+$0x0], $0xffff;
	v5 =	vmul.f32 v18, v32  }
0x363: {  	v2 =	vmul.f32 v2, v15;
	v14 =	vadd.s32 v0, v14;
	vm0 =	veq.s32 v31, $0x40;
	v18 =	vld.idx.msk [tilespmem:v16+s13+$0x0], $0xffff  }
0x364: {  	v21 =	vor.u32 v21, v28;
	v9 =	vand.u32 $0x7F, v9;
	v15 =	vsel vm0, $0x0, v31;
	v28 =	vld.idx.msk [tilespmem:v16+s14+$0x0], $0xffff  }
0x365: {  	v9 =	vor.u32 v9, v14;
	v14 =	vand.u32 $0xFFFFFF80, v15;
	v31 =	vadd.s32 $0x1, v15;
	v32 =	vld.idx.msk [tilespmem:v16+s15+$0x0], $0xffff  }
0x366: {  	v35 =	vadd.s32 v0, v14;
	vm0 =	veq.s32 v31, $0x40;
	v14 =	vmul.f32 v22, v33  }
0x367: {  	v22 =	vand.u32 $0x7F, v15;
	v15 =	vmul.f32 v25, v24;
	v31 =	vsel vm0, $0x0, v31  }
0x368: {  	v2 =	vadd.f32 v2, v26;
	v24 =	vand.u32 $0xFFFFFF80, v31;
	v25 =	vadd.s32 $0x1, v31  }
0x369: {  	v12 =	vmul.f32 v30, v12;
	v16 =	vld.idx.msk [tilespmem:v20+s13+$0x0], $0xffff;
	v24 =	vadd.s32 v0, v24;
	vm0 =	veq.s32 v25, $0x40  }
0x36a: {  	v30 =	vand.u32 $0x7F, v31;
	v31 =	vmul.f32 v18, v19;
	v26 =	vld.idx.msk [tilespmem:v21+s13+$0x0], $0xffff;
	v25 =	vsel vm0, $0x0, v25  }
0x36b: {  	v3 =	vmul.f32 v34, v3;
	v18 =	vld.idx.msk [tilespmem:v20+s0+$0x0], $0xffff;
	v19 =	vand.u32 $0xFFFFFF80, v25;
	v33 =	vadd.s32 $0x1, v25  }
0x36c: {  	v2 =	vadd.f32 v12, v2;
	v34 =	vld.idx.msk [tilespmem:v21+s0+$0x0], $0xffff;
	v36 =	vadd.s32 v0, v19;
	vm0 =	veq.s32 v33, $0x40  }
0x36d: {  	v23 =	vor.u32 v29, v23;
	v25 =	vand.u32 $0x7F, v25;
	v12 =	vld.idx.msk [tilespmem:v9+s0+$0x0], $0xffff;
	v29 =	vsel vm0, $0x0, v33  }
0x36e: {  	v22 =	vor.u32 v22, v35;
	v19 =	vld.idx.msk [tilespmem:v9+s13+$0x0], $0xffff;
	v33 =	vand.u32 $0xFFFFFF80, v29;
	v35 =	vadd.s32 $0x1, v29  }
0x36f: {  	v28 =	vmul.f32 v32, v28;
	v37 =	vld.idx.msk [tilespmem:v21+s14+$0x0], $0xffff;
	v33 =	vadd.s32 v0, v33;
	vm0 =	veq.s32 v35, $0x40  }
0x370: {  	v2 =	vadd.f32 v31, v2;
	v29 =	vand.u32 $0x7F, v29;
	v32 =	vld.idx.msk [tilespmem:v20+s15+$0x0], $0xffff;
	v35 =	vsel vm0, $0x0, v35  }
0x371: {  	v25 =	vor.u32 v25, v36;
	v31 =	vld.idx.msk [tilespmem:v20+s14+$0x0], $0xffff;
	v20 =	vand.u32 $0xFFFFFF80, v35;
	v36 =	vadd.s32 $0x1, v35  }
0x372: {  	v2 =	vadd.f32 v8, v2;
	v38 =	vld.idx.msk [tilespmem:v23+s15+$0x0], $0xffff;
	v39 =	vadd.s32 v0, v20;
	vm0 =	veq.s32 v36, $0x40  }
0x373: {  	v7 =	vadd.f32 v7, v27;
	v35 =	vand.u32 $0x7F, v35;
	v40 =	vld.idx.msk [tilespmem:v23+s0+$0x0], $0xffff;
	v20 =	vsel vm0, $0x0, v36  }
0x374: {  	v8 =	vmul.f32 v26, v34;
	v26 =	vld.idx.msk [tilespmem:v23+s14+$0x0], $0xffff;
	v27 =	vand.u32 $0xFFFFFF80, v20;
	v34 =	vadd.s32 $0x1, v20  }
0x375: {  	v2 =	vadd.f32 v10, v2;
	v21 =	vld.idx.msk [tilespmem:v21+s15+$0x0], $0xffff;
	v27 =	vadd.s32 v0, v27;
	vm0 =	veq.s32 v34, $0x40  }
0x376: {  	v4 =	vadd.f32 v4, v7;
	v41 =	vand.u32 $0x7F, v20;
	v36 =	vld.idx.msk [tilespmem:v25+s14+$0x0], $0xffff;
	v20 =	vsel vm0, $0x0, v34  }
0x377: {  	v7 =	vld.idx.msk [tilespmem:v23+s13+$0x0], $0xffff;
	v23 =	vor.u32 v30, v24;
	v10 =	vand.u32 $0xFFFFFF80, v20;
	v24 =	vadd.s32 $0x1, v20  }
0x378: {  	v29 =	vor.u32 v29, v33;
	v30 =	vld.idx.msk [tilespmem:v25+s15+$0x0], $0xffff;
	v10 =	vadd.s32 v0, v10;
	vm0 =	veq.s32 v24, $0x40  }
0x379: {  	v2 =	vadd.f32 v17, v2;
	v20 =	vand.u32 $0x7F, v20;
	v33 =	vld.idx.msk [tilespmem:v22+s14+$0x0], $0xffff;
	v24 =	vsel vm0, $0x0, v24  }
0x37a: {  	v31 =	vmul.f32 v32, v31;
	v32 =	vld.idx.msk [tilespmem:v22+s15+$0x0], $0xffff;
	v17 =	vand.u32 $0xFFFFFF80, v24;
	v34 =	vand.u32 $0x7F, v24  }
0x37b: {  	v3 =	vadd.f32 v3, v4;
	v24 =	vadd.s32 $0x1, v24;
	v17 =	vadd.s32 v0, v17  }
0x37c: {  	v2 =	vadd.f32 v1, v2;
	vm0 =	veq.s32 v24, $0x40;
	v4 =	vld.idx.msk [tilespmem:v25+s0+$0x0], $0xffff;
	v17 =	vor.u32 v34, v17  }
0x37d: {  	v3 =	vadd.f32 v28, v3;
	v34 =	vmul.f32 v21, v37;
	v24 =	vsel vm0, $0x0, v24;
	v21 =	vld.idx.msk [tilespmem:v25+s13+$0x0], $0xffff  }
0x37e: {  	v1 =	vor.u32 v35, v39;
	v35 =	vadd.f32 v5, v2;
	v28 =	vadd.s32 $0x1, v24;
	v25 =	vld.idx.msk [tilespmem:v23+s0+$0x0], $0xffff  }
0x37f: {  	v2 =	vadd.f32 v13, v3;
	v39 =	vand.u32 $0xFFFFFF80, v24;
	vm0 =	veq.s32 v28, $0x40;
	v37 =	vld.idx.msk [tilespmem:v29+s15+$0x0], $0xffff  }
0x380: {  	v40 =	vmul.f32 v7, v40;
	v32 =	vmul.f32 v32, v33;
	v7 =	vsel vm0, $0x0, v28;
	v3 =	vld.idx.msk [tilespmem:v29+s0+$0x0], $0xffff  }
0x381: {  	v6 =	vadd.f32 v6, v2;
	v5 =	vand.u32 $0xFFFFFF80, v7;
	v13 =	vadd.s32 $0x1, v7;
	v28 =	vld.idx.msk [tilespmem:v9+s14+$0x0], $0xffff  }
0x382: {  	v26 =	vmul.f32 v38, v26;
	v38 =	vadd.s32 v0, v5;
	vm0 =	veq.s32 v13, $0x40;
	v33 =	vld.idx.msk [tilespmem:v29+s13+$0x0], $0xffff  }
0x383: {  	v6 =	vadd.f32 v11, v6;
	v5 =	vor.u32 v41, v27;
	v27 =	vsel vm0, $0x0, v13;
	v2 =	vld.idx.msk [tilespmem:v1+s13+$0x0], $0xffff  }
0x384: {  	v11 =	vmul.f32 v21, v4;
	v13 =	vand.u32 $0xFFFFFF80, v27;
	v21 =	vadd.s32 $0x1, v27;
	v4 =	vld.idx.msk [tilespmem:v1+s14+$0x0], $0xffff  }
0x385: {  	v6 =	vadd.f32 v15, v6;
	v42 =	vadd.s32 v0, v13;
	vm0 =	veq.s32 v21, $0x40;
	v41 =	vld.idx.msk [tilespmem:v1+s15+$0x0], $0xffff  }
0x386: {  	v16 =	vmul.f32 v16, v18;
	v13 =	vmul.f32 v30, v36;
	v30 =	vsel vm0, $0x0, v21;
	v18 =	vld.idx.msk [tilespmem:v22+s0+$0x0], $0xffff  }
0x387: {  	v6 =	vadd.f32 v14, v6;
	v21 =	vand.u32 $0xFFFFFF80, v30;
	v36 =	vadd.s32 $0x1, v30;
	v22 =	vld.idx.msk [tilespmem:v22+s13+$0x0], $0xffff  }
0x388: {  	v15 =	vmul.f32 v33, v3;
	v33 =	vadd.s32 v0, v21;
	vm0 =	veq.s32 v36, $0x40;
	v3 =	vld.idx.msk [tilespmem:v5+s14+$0x0], $0xffff  }
0x389: {  	v19 =	vmul.f32 v19, v12;
	v21 =	vsel vm0, $0x0, v36;
	v12 =	vld.idx.msk [tilespmem:v23+s13+$0x0], $0xffff  }
0x38a: {  	v29 =	vld.idx.msk [tilespmem:v29+s14+$0x0], $0xffff  }
0x38b: {  	v4 =	vmul.f32 v41, v4;
	v36 =	vld.idx.msk [tilespmem:v17+s13+$0x0], $0xffff  }
0x38c: {  	v41 =	vld.idx.msk [tilespmem:v23+s14+$0x0], $0xffff  }
0x38d: {  	v14 =	vand.u32 $0x7F, v24;
	v24 =	vadd.s32 v0, v39;
	v22 =	vmul.f32 v22, v18;
	v18 =	vld.idx.msk [tilespmem:v17+s0+$0x0], $0xffff  }
0x38e: {  	v24 =	vor.u32 v14, v24;
	v23 =	vld.idx.msk [tilespmem:v23+s15+$0x0], $0xffff  }
0x38f: {  	v39 =	vmul.f32 v12, v25;
	v12 =	vand.u32 $0x7F, v7;
	v14 =	vld.idx.msk [tilespmem:v17+s15+$0x0], $0xffff  }
0x390: {  	v7 =	vmul.f32 v37, v29;
	v25 =	vor.u32 v12, v38  }
0x391: {  	v29 =	vld.idx.msk [tilespmem:v9+s15+$0x0], $0xffff  }
0x392: {  	v6 =	vadd.f32 v34, v6;
	v12 =	vld.idx.msk [tilespmem:v5+s0+$0x0], $0xffff  }
0x393: {  	v9 =	vadd.f32 v8, v35;
	v8 =	vmul.f32 v36, v18;
	v34 =	vld.idx.msk [tilespmem:v24+s0+$0x0], $0xffff  }
0x394: {  	v6 =	vadd.f32 v31, v6;
	v31 =	vmul.f32 v23, v41;
	v23 =	vld.idx.msk [tilespmem:v24+s13+$0x0], $0xffff  }
0x395: {  	v16 =	vadd.f32 v16, v9;
	v9 =	vand.u32 $0x7F, v27;
	v18 =	vld.idx.msk [tilespmem:v25+s0+$0x0], $0xffff  }
0x396: {  	v9 =	vor.u32 v9, v42;
	v35 =	vld.idx.msk [tilespmem:v24+s14+$0x0], $0xffff  }
0x397: {  	v6 =	vadd.f32 v26, v6;
	v27 =	vadd.f32 v40, v16;
	v26 =	vmul.f32 v29, v28;
	v28 =	vld.idx.msk [tilespmem:v24+s15+$0x0], $0xffff  }
0x398: {  	v16 =	vor.u32 v20, v10;
	v20 =	vld.idx.msk [tilespmem:v25+s13+$0x0], $0xffff  }
.Ltmp8:
0x399: {  	v19 =	vadd.f32 v19, v27;
	v27 =	vand.u32 $0x7F, v30;
	v6 =	vadd.f32 v26, v6;
	v24 =	vld.idx.msk [tilespmem:v25+s14+$0x0], $0xffff;
	(pc) =	sbr.rel @p0 .LBB2_19-.Ltmp8, $4  }
0x39a: {  	v10 =	vmul.f32 v23, v34;
	v23 =	vor.u32 v27, v33;
	v26 =	vld.idx.msk [tilespmem:v25+s15+$0x0], $0xffff  }
0x39b: {  	v19 =	vadd.f32 v22, v19;
	v6 =	vadd.f32 v32, v6;
	v22 =	vld.idx.msk [tilespmem:v9+s0+$0x0], $0xffff  }
0x39c: {  	v25 =	vld.idx.msk [tilespmem:v17+s14+$0x0], $0xffff  }
0x39d: {  	v17 =	vadd.f32 v39, v19;
	v27 =	vadd.f32 v31, v6;
	v6 =	vmul.f32 v28, v35;
	v19 =	vld.idx.msk [tilespmem:v16+s0+$0x0], $0xffff  }
0x39e: {  	_ =	sdelay $0x3  }
0x39f: {  	v0 =	vld.idx.msk [tilespmem:v1+s0+$0x0], $0xffff  }
0x3a0: {  	v45 =	vld.idx.msk [tilespmem:v5+s13+$0x0], $0xffff  }
0x3a1: {  	v46 =	vld.idx.msk [tilespmem:v5+s15+$0x0], $0xffff  }
0x3a2: {  	v47 =	vld.idx.msk [tilespmem:v16+s13+$0x0], $0xffff  }
0x3a3: {  	v21 =	vld.idx.msk [tilespmem:v16+s14+$0x0], $0xffff;
	v11 =	vadd.f32 v11, v17;
	v13 =	vadd.f32 v13, v27  }
0x3a4: {  	v48 =	vld.idx.msk [tilespmem:v16+s15+$0x0], $0xffff  }
0x3a5: {  	v11 =	vadd.f32 v15, v11;
	v7 =	vadd.f32 v7, v13;
	v0 =	vmul.f32 v2, v0  }
0x3a6: {  	v1 =	vmul.f32 v45, v12  }
0x3a7: {  	v3 =	vmul.f32 v46, v3;
	v4 =	vadd.f32 v4, v7;
	v0 =	vadd.f32 v0, v11  }
0x3a8: {  	v49 =	vld.idx.msk [tilespmem:v9+s13+$0x0], $0xffff;
	v50 =	vmul.f32 v47, v19  }
0x3a9: {  	v51 =	vld.idx.msk [tilespmem:v23+s0+$0x0], $0xffff;
	v52 =	vmul.f32 v48, v21;
	v53 =	vadd.f32 v3, v4;
	v0 =	vadd.f32 v1, v0  }
0x3aa: {  	v54 =	vld.idx.msk [tilespmem:v9+s14+$0x0], $0xffff  }
0x3ab: {  	v55 =	vld.idx.msk [tilespmem:v23+s13+$0x0], $0xffff;
	v56 =	vmul.f32 v14, v25;
	v1 =	vadd.f32 v52, v53;
	v0 =	vadd.f32 v50, v0  }
0x3ac: {  	v57 =	vld.idx.msk [tilespmem:v9+s15+$0x0], $0xffff  }
0x3ad: {  	v58 =	vld.idx.msk [tilespmem:v23+s14+$0x0], $0xffff;
	v1 =	vadd.f32 v56, v1;
	v0 =	vadd.f32 v8, v0  }
0x3ae: {  	v60 =	vld.idx.msk [tilespmem:v23+s15+$0x0], $0xffff;
	v61 =	vmul.f32 v20, v18  }
0x3af: {  	v59 =	vmul.f32 v26, v24;
	v1 =	vadd.f32 v6, v1;
	v0 =	vadd.f32 v10, v0  }
0x3b0: {  	v5 =	vmul.f32 v49, v22  }
0x3b1: {  	v2 =	vmul.f32 v57, v54;
	v1 =	vadd.f32 v59, v1;
	v0 =	vadd.f32 v61, v0  }
0x3b2: {  	v62 =	vmul.f32 v55, v51  }
0x3b3: {  	s25 =	sadd.s32 $0x1, s25;
	v63 =	vmul.f32 v60, v58;
	v1 =	vadd.f32 v2, v1;
	v0 =	vadd.f32 v5, v0  }
0x3b4: {  	p0 =	sne.s32 s25, $0x4  }
.Ltmp9:
0x3b5: {  	v1 =	vadd.f32 v63, v1;
	v0 =	vadd.f32 v62, v0;
	(pc) =	sbr.rel @p0 .LBB2_18-.Ltmp9, $3  }
0x3b6: {  	_ = 	snop  }
0x3b7: {  	v0 =	vadd.f32 v1, v0;
	_ =	sdelay $0x1  }
0x3b8: {  	[tilespmem:s26+$0x10000] =	vst v0  }
0x3b9: {  	_ =	swait.ge [sflag:s23], $0x40  }
0x3ba: {  	[sflag:s23] =	ssyncset.done $0x0  }
0x3bb: {  	s25 =	simm.s32 $0x0;
	[sflag:s23] =	ssyncadd.s32 $0xFFFFFFC0  }
0x3bc: {  	[hbm4b:s8+s25] =	stream.linear.scatter [tilespmem:s21], [sflag:$0x2], $0x40, $0x38;
	[tilespmem:$0x10100] =	vst v63  }
0x3bd: {  	_ =	swait.ge [sflag:s16], $0x2000  }
0x3be: {  	[sflag:s16] =	ssyncset.done $0x0  }
0x3bf: {  	[sflag:s16] =	ssyncadd.s32 $0xFFFFE000  }
0x3c0: {  	_ =	swait.ge [sflag:s16], $0x2000  }
0x3c1: {  	[sflag:s16] =	ssyncset.done $0x0  }
0x3c2: {  	[sflag:s16] =	ssyncadd.s32 $0xFFFFE000  }
0x3c3: {  	_ =	swait.ge [sflag:s16], $0x2000  }
0x3c4: {  	[sflag:s16] =	ssyncset.done $0x0  }
0x3c5: {  	[sflag:s16] =	ssyncadd.s32 $0xFFFFE000  }
0x3c6: {  	_ =	swait.ge [sflag:s16], $0x2000  }
0x3c7: {  	[sflag:s16] =	ssyncset.done $0x0  }
0x3c8: {  	s26 =	rddreg [dreg:$0x1b];
	[sflag:s16] =	ssyncadd.s32 $0xFFFFE000  }
0x3c9: {  	[tilespmem:s25], [sflag:$0x1] =	stream.linear.gather [hbm4b:s26+s25], $0x2000, $0x38;
	[tilespmem:$0x10100] =	vst v63  }
0x3ca: {  	s28 =	rddreg [dreg:$0x1c]  }
0x3cb: {  	[tilespmem:s13], [sflag:$0x1] =	stream.linear.gather [hbm4b:s28+s25], $0x2000, $0x38;
	[tilespmem:$0x10100] =	vst v63  }
0x3cc: {  	_ = 	snop  }
0x3cd: {  	[tilespmem:s14], [sflag:$0x1] =	stream.linear.gather [hbm4b:s29+s25], $0x2000, $0x38;
	[tilespmem:$0x10100] =	vst v63  }
0x3ce: {  	_ = 	snop  }
0x3cf: {  	[tilespmem:s15], [sflag:$0x1] =	stream.linear.gather [hbm4b:s30+s25], $0x2000, $0x38;
	[tilespmem:$0x10100] =	vst v63  }
.LBB2_22:
0x3d0: {  	v1 =	vlaneseq.u32  }
0x3d1: {  	v0 =	vadd.s32 $0x1, v1  }
0x3d2: {  	s26 =	sshll.u32 s25, $0x4;
	vm0 =	veq.s32 v0, $0x40  }
0x3d3: {  	v2 =	vmov s26;
	v3 =	vmul.u32 $0x80, v1;
	v4 =	vsel vm0, $0x0, v0  }
0x3d4: {  	v0 =	vshll.u32 v2, $0x7;
	v2 =	vadd.s32 $0x1, v4  }
0x3d5: {  	v0 =	vor.u32 v3, v0;
	v3 =	vand.u32 $0xFFFFFF80, v1;
	v5 =	vand.u32 $0xFFFFFF80, v4  }
0x3d6: {  	v1 =	vand.u32 $0x7F, v1;
	v4 =	vand.u32 $0x7F, v4;
	v5 =	vadd.s32 v0, v5  }
0x3d7: {  	vm13 =	veq.s32 v2, $0x40;
	v3 =	vadd.s32 v0, v3;
	v4 =	vor.u32 v4, v5  }
0x3d8: {  	v2 =	vsel vm13, $0x0, v2;
	v1 =	vor.u32 v1, v3  }
0x3d9: {  	v6 =	vadd.s32 $0x1, v2  }
0x3da: {  	vm14 =	veq.s32 v6, $0x40  }
0x3db: {  	v5 =	vsel vm14, $0x0, v6  }
0x3dc: {  	v6 =	vadd.s32 $0x1, v5;
	v8 =	vld.idx.msk [tilespmem:v4+s18+$0x0], $0xffff  }
0x3dd: {  	v3 =	vand.u32 $0xFFFFFF80, v5;
	vm15 =	veq.s32 v6, $0x40;
	v9 =	vld.idx.msk [tilespmem:v1+s18+$0x0], $0xffff  }
0x3de: {  	v5 =	vand.u32 $0x7F, v5;
	v3 =	vadd.s32 v0, v3;
	v10 =	vld.idx.msk [tilespmem:v4+s17+$0x0], $0xffff;
	v6 =	vsel vm15, $0x0, v6  }
0x3df: {  	v12 =	vld.idx.msk [tilespmem:v1+s17+$0x0], $0xffff;
	v7 =	vor.u32 v5, v3;
	v3 =	vadd.s32 $0x1, v6  }
0x3e0: {  	v13 =	vld.idx.msk [tilespmem:v1+s19+$0x0], $0xffff;
	vm4 =	veq.s32 v3, $0x40  }
0x3e1: {  	v15 =	vld.idx.msk [tilespmem:v4+s20+$0x0], $0xffff;
	v5 =	vand.u32 $0xFFFFFF80, v2;
	v3 =	vsel vm4, $0x0, v3  }
0x3e2: {  	v4 =	vld.idx.msk [tilespmem:v4+s19+$0x0], $0xffff;
	v2 =	vand.u32 $0x7F, v2;
	v5 =	vadd.s32 v0, v5;
	v11 =	vadd.s32 $0x1, v3  }
0x3e3: {  	v21 =	vld.idx.msk [tilespmem:v1+s20+$0x0], $0xffff;
	v2 =	vor.u32 v2, v5;
	vm5 =	veq.s32 v11, $0x40  }
0x3e4: {  	v16 =	vld.idx.msk [tilespmem:v7+s17+$0x0], $0xffff;
	v5 =	vsel vm5, $0x0, v11  }
0x3e5: {  	v17 =	vld.idx.msk [tilespmem:v7+s18+$0x0], $0xffff;
	v11 =	vand.u32 $0xFFFFFF80, v5  }
0x3e6: {  	v33 =	vld.idx.msk [tilespmem:v7+s19+$0x0], $0xffff;
	v14 =	vand.u32 $0x7F, v5;
	v11 =	vadd.s32 v0, v11  }
0x3e7: {  	v7 =	vld.idx.msk [tilespmem:v7+s20+$0x0], $0xffff;
	v11 =	vor.u32 v14, v11  }
0x3e8: {  	v18 =	vld.idx.msk [tilespmem:v2+s20+$0x0], $0xffff  }
0x3e9: {  	v19 =	vld.idx.msk [tilespmem:v2+s17+$0x0], $0xffff;
	v14 =	vand.u32 $0xFFFFFF80, v6  }
0x3ea: {  	v5 =	vadd.s32 $0x1, v5;
	v24 =	vld.idx.msk [tilespmem:v2+s18+$0x0], $0xffff;
	v6 =	vand.u32 $0x7F, v6;
	v14 =	vadd.s32 v0, v14  }
0x3eb: {  	vm6 =	veq.s32 v5, $0x40;
	v6 =	vor.u32 v6, v14;
	v14 =	vld.idx.msk [tilespmem:v2+s19+$0x0], $0xffff  }
0x3ec: {  	v20 =	vand.u32 $0xFFFFFF80, v3;
	v5 =	vsel vm6, $0x0, v5;
	v23 =	vld.idx.msk [tilespmem:v11+s19+$0x0], $0xffff  }
0x3ed: {  	v1 =	vadd.s32 v0, v20;
	v20 =	vand.u32 $0xFFFFFF80, v5;
	v22 =	vadd.s32 $0x1, v5;
	v25 =	vld.idx.msk [tilespmem:v11+s20+$0x0], $0xffff  }
0x3ee: {  	v3 =	vand.u32 $0x7F, v3;
	v20 =	vadd.s32 v0, v20;
	vm7 =	veq.s32 v22, $0x40;
	v28 =	vld.idx.msk [tilespmem:v11+s17+$0x0], $0xffff  }
0x3ef: {  	v2 =	vand.u32 $0x7F, v5;
	v5 =	vsel vm7, $0x0, v22;
	v22 =	vor.u32 v3, v1;
	v11 =	vld.idx.msk [tilespmem:v11+s18+$0x0], $0xffff  }
0x3f0: {  	v20 =	vor.u32 v2, v20;
	v1 =	vadd.s32 $0x1, v5;
	v26 =	vld.idx.msk [tilespmem:v6+s19+$0x0], $0xffff  }
0x3f1: {  	v9 =	vmul.f32 v9, v12;
	vm8 =	veq.s32 v1, $0x40;
	v27 =	vld.idx.msk [tilespmem:v6+s20+$0x0], $0xffff  }
0x3f2: {  	v4 =	vmul.f32 v15, v4;
	v2 =	vand.u32 $0xFFFFFF80, v5;
	v3 =	vsel vm8, $0x0, v1;
	v39 =	vld.idx.msk [tilespmem:v6+s17+$0x0], $0xffff  }
0x3f3: {  	v1 =	vadd.s32 v0, v2;
	v2 =	vand.u32 $0x7F, v5;
	v5 =	vadd.s32 $0x1, v3;
	v6 =	vld.idx.msk [tilespmem:v6+s18+$0x0], $0xffff  }
0x3f4: {  	v15 =	vmul.f32 v21, v13;
	v8 =	vmul.f32 v8, v10;
	vm9 =	veq.s32 v5, $0x40;
	v29 =	vld.idx.msk [tilespmem:v22+s17+$0x0], $0xffff  }
0x3f5: {  	v17 =	vmul.f32 v17, v16;
	v7 =	vmul.f32 v7, v33;
	v31 =	vld.idx.msk [tilespmem:v20+s20+$0x0], $0xffff;
	v30 =	vsel vm9, $0x0, v5  }
0x3f6: {  	v19 =	vmul.f32 v24, v19;
	v1 =	vor.u32 v2, v1;
	v32 =	vld.idx.msk [tilespmem:v20+s17+$0x0], $0xffff;
	v2 =	vadd.s32 $0x1, v30  }
0x3f7: {  	v35 =	vld.idx.msk [tilespmem:v20+s18+$0x0], $0xffff;
	v5 =	vand.u32 $0xFFFFFF80, v3;
	v3 =	vand.u32 $0x7F, v3;
	vm10 =	veq.s32 v2, $0x40  }
0x3f8: {  	v40 =	vld.idx.msk [tilespmem:v22+s18+$0x0], $0xffff;
	v5 =	vadd.s32 v0, v5;
	v11 =	vmul.f32 v11, v28;
	v34 =	vsel vm10, $0x0, v2  }
0x3f9: {  	v28 =	vld.idx.msk [tilespmem:v22+s19+$0x0], $0xffff;
	v5 =	vor.u32 v3, v5;
	v36 =	vadd.s32 $0x1, v34;
	v3 =	vand.u32 $0xFFFFFF80, v34  }
0x3fa: {  	v22 =	vld.idx.msk [tilespmem:v22+s20+$0x0], $0xffff;
	v34 =	vand.u32 $0x7F, v34;
	vm11 =	veq.s32 v36, $0x40;
	v3 =	vadd.s32 v0, v3  }
0x3fb: {  	v24 =	vmul.f32 v18, v14;
	v2 =	vld.idx.msk [tilespmem:v1+s18+$0x0], $0xffff;
	v36 =	vsel vm11, $0x0, v36;
	v34 =	vor.u32 v34, v3  }
0x3fc: {  	v37 =	vld.idx.msk [tilespmem:v1+s19+$0x0], $0xffff;
	v27 =	vmul.f32 v27, v26;
	v3 =	vadd.s32 $0x1, v36;
	v13 =	vand.u32 $0xFFFFFF80, v36  }
0x3fd: {  	v38 =	vld.idx.msk [tilespmem:v1+s20+$0x0], $0xffff;
	v14 =	vand.u32 $0x7F, v36;
	vm12 =	veq.s32 v3, $0x40;
	v13 =	vadd.s32 v0, v13  }
0x3fe: {  	v26 =	vld.idx.msk [tilespmem:v20+s19+$0x0], $0xffff;
	v6 =	vmul.f32 v6, v39;
	v12 =	vsel vm12, $0x0, v3;
	v36 =	vor.u32 v14, v13  }
0x3ff: {  	v29 =	vmul.f32 v40, v29;
	v3 =	vld.idx.msk [tilespmem:v5+s19+$0x0], $0xffff;
	v13 =	vmul.f32 v25, v23;
	v21 =	vadd.s32 $0x1, v12  }
0x400: {  	v20 =	vand.u32 $0xFFFFFF80, v12;
	v12 =	vand.u32 $0x7F, v12;
	vm13 =	veq.s32 v21, $0x40;
	v41 =	vld.idx.msk [tilespmem:v34+s18+$0x0], $0xffff  }
0x401: {  	v20 =	vadd.s32 v0, v20;
	v42 =	vld.idx.msk [tilespmem:v34+s17+$0x0], $0xffff;
	v18 =	vsel vm13, $0x0, v21;
	v21 =	vimm.f32 $0.0e+00  }
0x402: {  	v14 =	vld.idx.msk [tilespmem:v34+s20+$0x0], $0xffff;
	v23 =	vor.u32 v12, v20;
	v12 =	vand.u32 $0xFFFFFF80, v30;
	v30 =	vand.u32 $0x7F, v30  }
0x403: {  	v10 =	vadd.s32 $0x1, v18;
	v20 =	vadd.f32 v15, v21;
	v9 =	vadd.f32 v9, v21;
	v61 =	vld.idx.msk [tilespmem:v36+s17+$0x0], $0xffff  }
0x404: {  	v25 =	vadd.s32 v0, v12;
	v15 =	vmul.f32 v35, v32;
	vm14 =	veq.s32 v10, $0x40;
	v62 =	vld.idx.msk [tilespmem:v36+s18+$0x0], $0xffff  }
0x405: {  	v21 =	vand.u32 $0xFFFFFF80, v18;
	v43 =	vld.idx.msk [tilespmem:v36+s19+$0x0], $0xffff;
	v10 =	vsel vm14, $0x0, v10;
	v8 =	vadd.f32 v8, v9  }
0x406: {  	v63 =	vld.idx.msk [tilespmem:v36+s20+$0x0], $0xffff;
	v4 =	vadd.f32 v4, v20;
	v20 =	vadd.s32 v0, v21;
	v9 =	vand.u32 $0x7F, v18  }
0x407: {  	v16 =	vand.u32 $0xFFFFFF80, v10;
	v9 =	vor.u32 v9, v20;
	v18 =	vld.idx.msk [tilespmem:v23+s17+$0x0], $0xffff;
	v8 =	vadd.f32 v19, v8  }
0x408: {  	v19 =	vadd.s32 $0x1, v10;
	v21 =	vadd.f32 v24, v4;
	v44 =	vadd.s32 v0, v16;
	v20 =	vld.idx.msk [tilespmem:v23+s18+$0x0], $0xffff  }
0x409: {  	v16 =	vor.u32 v30, v25;
	v24 =	vld.idx.msk [tilespmem:v23+s19+$0x0], $0xffff;
	vm15 =	veq.s32 v19, $0x40;
	v8 =	vadd.f32 v17, v8  }
0x40a: {  	v17 =	vadd.f32 v7, v21;
	v7 =	vmul.f32 v31, v26;
	v26 =	vld.idx.msk [tilespmem:v23+s20+$0x0], $0xffff;
	v23 =	vand.u32 $0x7F, v10  }
0x40b: {  	v12 =	vld.idx.msk [tilespmem:v5+s17+$0x0], $0xffff;
	v4 =	vmul.f32 v38, v37;
	v21 =	vsel vm15, $0x0, v19;
	v23 =	vor.u32 v23, v44  }
0x40c: {  	v25 =	vld.idx.msk [tilespmem:v34+s19+$0x0], $0xffff;
	v19 =	vmul.f32 v22, v28;
	v6 =	vadd.f32 v6, v8;
	v27 =	vadd.f32 v27, v17  }
0x40d: {  	v10 =	vmul.f32 v62, v61;
	v22 =	vld.idx.msk [tilespmem:v9+s17+$0x0], $0xffff;
	v8 =	vmul.f32 v41, v42  }
0x40e: {  	s28 =	simm.s32 $0x0;
	v17 =	vadd.f32 v29, v6;
	v27 =	vadd.f32 v19, v27;
	v19 =	vld.idx.msk [tilespmem:v16+s17+$0x0], $0xffff;
	v6 =	vmul.f32 v63, v43  }
.LBB2_23:
0x40f: {  	v28 =	vand.u32 $0xFFFFFF80, v21;
	v29 =	vadd.s32 $0x1, v21;
	s28 =	sadd.s32 $0x10, s28;
	v30 =	vld.idx.msk [tilespmem:v9+s18+$0x0], $0xffff  }
0x410: {  	v21 =	vand.u32 $0x7F, v21;
	vm0 =	veq.s32 v29, $0x40;
	p0 =	slt.u32 s28, $0x30;
	v31 =	vadd.f32 v11, v17;
	v32 =	vld.idx.msk [tilespmem:v23+s17+$0x0], $0xffff  }
0x411: {  	v28 =	vadd.s32 v0, v28;
	v11 =	vmul.f32 v26, v24;
	v29 =	vsel vm0, $0x0, v29;
	v24 =	vld.idx.msk [tilespmem:v9+s19+$0x0], $0xffff  }
0x412: {  	v17 =	vmul.f32 v20, v18;
	v26 =	vand.u32 $0xFFFFFF80, v29;
	v33 =	vadd.s32 $0x1, v29;
	v18 =	vld.idx.msk [tilespmem:v23+s18+$0x0], $0xffff  }
0x413: {  	v20 =	vadd.s32 v0, v26;
	vm0 =	veq.s32 v33, $0x40;
	v26 =	vadd.f32 v15, v31;
	v15 =	vld.idx.msk [tilespmem:v1+s17+$0x0], $0xffff  }
0x414: {  	v27 =	vadd.f32 v13, v27;
	v29 =	vand.u32 $0x7F, v29;
	v31 =	vsel vm0, $0x0, v33;
	v33 =	vld.idx.msk [tilespmem:v23+s19+$0x0], $0xffff  }
0x415: {  	v1 =	vmul.f32 v30, v22;
	v13 =	vand.u32 $0xFFFFFF80, v31;
	v34 =	vadd.s32 $0x1, v31;
	v22 =	vld.idx.msk [tilespmem:v23+s20+$0x0], $0xffff  }
0x416: {  	v23 =	vadd.s32 v0, v13;
	vm0 =	veq.s32 v34, $0x40;
	v13 =	vmul.f32 v14, v25;
	v25 =	vld.idx.msk [tilespmem:v9+s20+$0x0], $0xffff  }
0x417: {  	v20 =	vor.u32 v29, v20;
	v29 =	vand.u32 $0x7F, v31;
	v9 =	vsel vm0, $0x0, v34;
	v30 =	vld.idx.msk [tilespmem:v5+s18+$0x0], $0xffff  }
0x418: {  	v14 =	vand.u32 $0xFFFFFF80, v9;
	v31 =	vadd.s32 $0x1, v9;
	v34 =	vld.idx.msk [tilespmem:v5+s20+$0x0], $0xffff;
	v5 =	vmul.f32 v18, v32  }
0x419: {  	v2 =	vmul.f32 v2, v15;
	v14 =	vadd.s32 v0, v14;
	vm0 =	veq.s32 v31, $0x40;
	v18 =	vld.idx.msk [tilespmem:v16+s18+$0x0], $0xffff  }
0x41a: {  	v21 =	vor.u32 v21, v28;
	v9 =	vand.u32 $0x7F, v9;
	v15 =	vsel vm0, $0x0, v31;
	v28 =	vld.idx.msk [tilespmem:v16+s19+$0x0], $0xffff  }
0x41b: {  	v9 =	vor.u32 v9, v14;
	v14 =	vand.u32 $0xFFFFFF80, v15;
	v31 =	vadd.s32 $0x1, v15;
	v32 =	vld.idx.msk [tilespmem:v16+s20+$0x0], $0xffff  }
0x41c: {  	v35 =	vadd.s32 v0, v14;
	vm0 =	veq.s32 v31, $0x40;
	v14 =	vmul.f32 v22, v33  }
0x41d: {  	v22 =	vand.u32 $0x7F, v15;
	v15 =	vmul.f32 v25, v24;
	v31 =	vsel vm0, $0x0, v31  }
0x41e: {  	v2 =	vadd.f32 v2, v26;
	v24 =	vand.u32 $0xFFFFFF80, v31;
	v25 =	vadd.s32 $0x1, v31  }
0x41f: {  	v12 =	vmul.f32 v30, v12;
	v16 =	vld.idx.msk [tilespmem:v20+s18+$0x0], $0xffff;
	v24 =	vadd.s32 v0, v24;
	vm0 =	veq.s32 v25, $0x40  }
0x420: {  	v30 =	vand.u32 $0x7F, v31;
	v31 =	vmul.f32 v18, v19;
	v26 =	vld.idx.msk [tilespmem:v21+s18+$0x0], $0xffff;
	v25 =	vsel vm0, $0x0, v25  }
0x421: {  	v3 =	vmul.f32 v34, v3;
	v18 =	vld.idx.msk [tilespmem:v20+s17+$0x0], $0xffff;
	v19 =	vand.u32 $0xFFFFFF80, v25;
	v33 =	vadd.s32 $0x1, v25  }
0x422: {  	v2 =	vadd.f32 v12, v2;
	v34 =	vld.idx.msk [tilespmem:v21+s17+$0x0], $0xffff;
	v36 =	vadd.s32 v0, v19;
	vm0 =	veq.s32 v33, $0x40  }
0x423: {  	v23 =	vor.u32 v29, v23;
	v25 =	vand.u32 $0x7F, v25;
	v12 =	vld.idx.msk [tilespmem:v9+s17+$0x0], $0xffff;
	v29 =	vsel vm0, $0x0, v33  }
0x424: {  	v22 =	vor.u32 v22, v35;
	v19 =	vld.idx.msk [tilespmem:v9+s18+$0x0], $0xffff;
	v33 =	vand.u32 $0xFFFFFF80, v29;
	v35 =	vadd.s32 $0x1, v29  }
0x425: {  	v28 =	vmul.f32 v32, v28;
	v37 =	vld.idx.msk [tilespmem:v21+s19+$0x0], $0xffff;
	v33 =	vadd.s32 v0, v33;
	vm0 =	veq.s32 v35, $0x40  }
0x426: {  	v2 =	vadd.f32 v31, v2;
	v29 =	vand.u32 $0x7F, v29;
	v32 =	vld.idx.msk [tilespmem:v20+s20+$0x0], $0xffff;
	v35 =	vsel vm0, $0x0, v35  }
0x427: {  	v25 =	vor.u32 v25, v36;
	v31 =	vld.idx.msk [tilespmem:v20+s19+$0x0], $0xffff;
	v20 =	vand.u32 $0xFFFFFF80, v35;
	v36 =	vadd.s32 $0x1, v35  }
0x428: {  	v2 =	vadd.f32 v8, v2;
	v38 =	vld.idx.msk [tilespmem:v23+s20+$0x0], $0xffff;
	v39 =	vadd.s32 v0, v20;
	vm0 =	veq.s32 v36, $0x40  }
0x429: {  	v7 =	vadd.f32 v7, v27;
	v35 =	vand.u32 $0x7F, v35;
	v40 =	vld.idx.msk [tilespmem:v23+s17+$0x0], $0xffff;
	v20 =	vsel vm0, $0x0, v36  }
0x42a: {  	v8 =	vmul.f32 v26, v34;
	v26 =	vld.idx.msk [tilespmem:v23+s19+$0x0], $0xffff;
	v27 =	vand.u32 $0xFFFFFF80, v20;
	v34 =	vadd.s32 $0x1, v20  }
0x42b: {  	v2 =	vadd.f32 v10, v2;
	v21 =	vld.idx.msk [tilespmem:v21+s20+$0x0], $0xffff;
	v27 =	vadd.s32 v0, v27;
	vm0 =	veq.s32 v34, $0x40  }
0x42c: {  	v4 =	vadd.f32 v4, v7;
	v41 =	vand.u32 $0x7F, v20;
	v36 =	vld.idx.msk [tilespmem:v25+s19+$0x0], $0xffff;
	v20 =	vsel vm0, $0x0, v34  }
0x42d: {  	v7 =	vld.idx.msk [tilespmem:v23+s18+$0x0], $0xffff;
	v23 =	vor.u32 v30, v24;
	v10 =	vand.u32 $0xFFFFFF80, v20;
	v24 =	vadd.s32 $0x1, v20  }
0x42e: {  	v29 =	vor.u32 v29, v33;
	v30 =	vld.idx.msk [tilespmem:v25+s20+$0x0], $0xffff;
	v10 =	vadd.s32 v0, v10;
	vm0 =	veq.s32 v24, $0x40  }
0x42f: {  	v2 =	vadd.f32 v17, v2;
	v20 =	vand.u32 $0x7F, v20;
	v33 =	vld.idx.msk [tilespmem:v22+s19+$0x0], $0xffff;
	v24 =	vsel vm0, $0x0, v24  }
0x430: {  	v31 =	vmul.f32 v32, v31;
	v32 =	vld.idx.msk [tilespmem:v22+s20+$0x0], $0xffff;
	v17 =	vand.u32 $0xFFFFFF80, v24;
	v34 =	vand.u32 $0x7F, v24  }
0x431: {  	v3 =	vadd.f32 v3, v4;
	v24 =	vadd.s32 $0x1, v24;
	v17 =	vadd.s32 v0, v17  }
0x432: {  	v2 =	vadd.f32 v1, v2;
	vm0 =	veq.s32 v24, $0x40;
	v4 =	vld.idx.msk [tilespmem:v25+s17+$0x0], $0xffff;
	v17 =	vor.u32 v34, v17  }
0x433: {  	v3 =	vadd.f32 v28, v3;
	v34 =	vmul.f32 v21, v37;
	v24 =	vsel vm0, $0x0, v24;
	v21 =	vld.idx.msk [tilespmem:v25+s18+$0x0], $0xffff  }
0x434: {  	v1 =	vor.u32 v35, v39;
	v35 =	vadd.f32 v5, v2;
	v28 =	vadd.s32 $0x1, v24;
	v25 =	vld.idx.msk [tilespmem:v23+s17+$0x0], $0xffff  }
0x435: {  	v2 =	vadd.f32 v13, v3;
	v39 =	vand.u32 $0xFFFFFF80, v24;
	vm0 =	veq.s32 v28, $0x40;
	v37 =	vld.idx.msk [tilespmem:v29+s20+$0x0], $0xffff  }
0x436: {  	v40 =	vmul.f32 v7, v40;
	v32 =	vmul.f32 v32, v33;
	v7 =	vsel vm0, $0x0, v28;
	v3 =	vld.idx.msk [tilespmem:v29+s17+$0x0], $0xffff  }
0x437: {  	v6 =	vadd.f32 v6, v2;
	v5 =	vand.u32 $0xFFFFFF80, v7;
	v13 =	vadd.s32 $0x1, v7;
	v28 =	vld.idx.msk [tilespmem:v9+s19+$0x0], $0xffff  }
0x438: {  	v26 =	vmul.f32 v38, v26;
	v38 =	vadd.s32 v0, v5;
	vm0 =	veq.s32 v13, $0x40;
	v33 =	vld.idx.msk [tilespmem:v29+s18+$0x0], $0xffff  }
0x439: {  	v6 =	vadd.f32 v11, v6;
	v5 =	vor.u32 v41, v27;
	v27 =	vsel vm0, $0x0, v13;
	v2 =	vld.idx.msk [tilespmem:v1+s18+$0x0], $0xffff  }
0x43a: {  	v11 =	vmul.f32 v21, v4;
	v13 =	vand.u32 $0xFFFFFF80, v27;
	v21 =	vadd.s32 $0x1, v27;
	v4 =	vld.idx.msk [tilespmem:v1+s19+$0x0], $0xffff  }
0x43b: {  	v6 =	vadd.f32 v15, v6;
	v42 =	vadd.s32 v0, v13;
	vm0 =	veq.s32 v21, $0x40;
	v41 =	vld.idx.msk [tilespmem:v1+s20+$0x0], $0xffff  }
0x43c: {  	v16 =	vmul.f32 v16, v18;
	v13 =	vmul.f32 v30, v36;
	v30 =	vsel vm0, $0x0, v21;
	v18 =	vld.idx.msk [tilespmem:v22+s17+$0x0], $0xffff  }
0x43d: {  	v6 =	vadd.f32 v14, v6;
	v21 =	vand.u32 $0xFFFFFF80, v30;
	v36 =	vadd.s32 $0x1, v30;
	v22 =	vld.idx.msk [tilespmem:v22+s18+$0x0], $0xffff  }
0x43e: {  	v15 =	vmul.f32 v33, v3;
	v33 =	vadd.s32 v0, v21;
	vm0 =	veq.s32 v36, $0x40;
	v3 =	vld.idx.msk [tilespmem:v5+s19+$0x0], $0xffff  }
0x43f: {  	v19 =	vmul.f32 v19, v12;
	v21 =	vsel vm0, $0x0, v36;
	v12 =	vld.idx.msk [tilespmem:v23+s18+$0x0], $0xffff  }
0x440: {  	v29 =	vld.idx.msk [tilespmem:v29+s19+$0x0], $0xffff  }
0x441: {  	v4 =	vmul.f32 v41, v4;
	v36 =	vld.idx.msk [tilespmem:v17+s18+$0x0], $0xffff  }
0x442: {  	v41 =	vld.idx.msk [tilespmem:v23+s19+$0x0], $0xffff  }
0x443: {  	v14 =	vand.u32 $0x7F, v24;
	v24 =	vadd.s32 v0, v39;
	v22 =	vmul.f32 v22, v18;
	v18 =	vld.idx.msk [tilespmem:v17+s17+$0x0], $0xffff  }
0x444: {  	v24 =	vor.u32 v14, v24;
	v23 =	vld.idx.msk [tilespmem:v23+s20+$0x0], $0xffff  }
0x445: {  	v39 =	vmul.f32 v12, v25;
	v12 =	vand.u32 $0x7F, v7;
	v14 =	vld.idx.msk [tilespmem:v17+s20+$0x0], $0xffff  }
0x446: {  	v7 =	vmul.f32 v37, v29;
	v25 =	vor.u32 v12, v38  }
0x447: {  	v29 =	vld.idx.msk [tilespmem:v9+s20+$0x0], $0xffff  }
0x448: {  	v6 =	vadd.f32 v34, v6;
	v12 =	vld.idx.msk [tilespmem:v5+s17+$0x0], $0xffff  }
0x449: {  	v9 =	vadd.f32 v8, v35;
	v8 =	vmul.f32 v36, v18;
	v34 =	vld.idx.msk [tilespmem:v24+s17+$0x0], $0xffff  }
0x44a: {  	v6 =	vadd.f32 v31, v6;
	v31 =	vmul.f32 v23, v41;
	v23 =	vld.idx.msk [tilespmem:v24+s18+$0x0], $0xffff  }
0x44b: {  	v16 =	vadd.f32 v16, v9;
	v9 =	vand.u32 $0x7F, v27;
	v18 =	vld.idx.msk [tilespmem:v25+s17+$0x0], $0xffff  }
0x44c: {  	v9 =	vor.u32 v9, v42;
	v35 =	vld.idx.msk [tilespmem:v24+s19+$0x0], $0xffff  }
0x44d: {  	v6 =	vadd.f32 v26, v6;
	v27 =	vadd.f32 v40, v16;
	v26 =	vmul.f32 v29, v28;
	v28 =	vld.idx.msk [tilespmem:v24+s20+$0x0], $0xffff  }
0x44e: {  	v16 =	vor.u32 v20, v10;
	v20 =	vld.idx.msk [tilespmem:v25+s18+$0x0], $0xffff  }
.Ltmp10:
0x44f: {  	v19 =	vadd.f32 v19, v27;
	v27 =	vand.u32 $0x7F, v30;
	v6 =	vadd.f32 v26, v6;
	v24 =	vld.idx.msk [tilespmem:v25+s19+$0x0], $0xffff;
	(pc) =	sbr.rel @p0 .LBB2_23-.Ltmp10, $4  }
0x450: {  	v10 =	vmul.f32 v23, v34;
	v23 =	vor.u32 v27, v33;
	v26 =	vld.idx.msk [tilespmem:v25+s20+$0x0], $0xffff  }
0x451: {  	v19 =	vadd.f32 v22, v19;
	v6 =	vadd.f32 v32, v6;
	v22 =	vld.idx.msk [tilespmem:v9+s17+$0x0], $0xffff  }
0x452: {  	v25 =	vld.idx.msk [tilespmem:v17+s19+$0x0], $0xffff  }
0x453: {  	v17 =	vadd.f32 v39, v19;
	v27 =	vadd.f32 v31, v6;
	v6 =	vmul.f32 v28, v35;
	v19 =	vld.idx.msk [tilespmem:v16+s17+$0x0], $0xffff  }
0x454: {  	_ =	sdelay $0x3  }
0x455: {  	v0 =	vld.idx.msk [tilespmem:v1+s17+$0x0], $0xffff  }
0x456: {  	v45 =	vld.idx.msk [tilespmem:v5+s18+$0x0], $0xffff  }
0x457: {  	v46 =	vld.idx.msk [tilespmem:v5+s20+$0x0], $0xffff  }
0x458: {  	v47 =	vld.idx.msk [tilespmem:v16+s18+$0x0], $0xffff  }
0x459: {  	v21 =	vld.idx.msk [tilespmem:v16+s19+$0x0], $0xffff;
	v11 =	vadd.f32 v11, v17;
	v13 =	vadd.f32 v13, v27  }
0x45a: {  	v48 =	vld.idx.msk [tilespmem:v16+s20+$0x0], $0xffff  }
0x45b: {  	v11 =	vadd.f32 v15, v11;
	v7 =	vadd.f32 v7, v13;
	v0 =	vmul.f32 v2, v0  }
0x45c: {  	v1 =	vmul.f32 v45, v12  }
0x45d: {  	v3 =	vmul.f32 v46, v3;
	v4 =	vadd.f32 v4, v7;
	v0 =	vadd.f32 v0, v11  }
0x45e: {  	v49 =	vld.idx.msk [tilespmem:v9+s18+$0x0], $0xffff;
	v50 =	vmul.f32 v47, v19  }
0x45f: {  	v51 =	vld.idx.msk [tilespmem:v23+s17+$0x0], $0xffff;
	v52 =	vmul.f32 v48, v21;
	v53 =	vadd.f32 v3, v4;
	v0 =	vadd.f32 v1, v0  }
0x460: {  	v54 =	vld.idx.msk [tilespmem:v9+s19+$0x0], $0xffff  }
0x461: {  	v55 =	vld.idx.msk [tilespmem:v23+s18+$0x0], $0xffff;
	v56 =	vmul.f32 v14, v25;
	v1 =	vadd.f32 v52, v53;
	v0 =	vadd.f32 v50, v0  }
0x462: {  	v57 =	vld.idx.msk [tilespmem:v9+s20+$0x0], $0xffff  }
0x463: {  	v58 =	vld.idx.msk [tilespmem:v23+s19+$0x0], $0xffff;
	v1 =	vadd.f32 v56, v1;
	v0 =	vadd.f32 v8, v0  }
0x464: {  	v60 =	vld.idx.msk [tilespmem:v23+s20+$0x0], $0xffff;
	v61 =	vmul.f32 v20, v18  }
0x465: {  	v59 =	vmul.f32 v26, v24;
	v1 =	vadd.f32 v6, v1;
	v0 =	vadd.f32 v10, v0  }
0x466: {  	v5 =	vmul.f32 v49, v22  }
0x467: {  	v2 =	vmul.f32 v57, v54;
	v1 =	vadd.f32 v59, v1;
	v0 =	vadd.f32 v61, v0  }
0x468: {  	v62 =	vmul.f32 v55, v51  }
0x469: {  	s25 =	sadd.s32 $0x1, s25;
	v63 =	vmul.f32 v60, v58;
	v1 =	vadd.f32 v2, v1;
	v0 =	vadd.f32 v5, v0  }
0x46a: {  	p0 =	sne.s32 s25, $0x4  }
.Ltmp11:
0x46b: {  	v1 =	vadd.f32 v63, v1;
	v0 =	vadd.f32 v62, v0;
	(pc) =	sbr.rel @p0 .LBB2_22-.Ltmp11, $3  }
0x46c: {  	_ = 	snop  }
0x46d: {  	v0 =	vadd.f32 v1, v0;
	_ =	sdelay $0x1  }
0x46e: {  	[tilespmem:s26+$0x10080] =	vst v0  }
0x46f: {  	_ =	swait.ge [sflag:s23], $0x40  }
0x470: {  	[sflag:s23] =	ssyncset.done $0x0  }
0x471: {  	s25 =	simm.s32 $0x0;
	[sflag:s23] =	ssyncadd.s32 $0xFFFFFFC0  }
0x472: {  	[hbm4b:s9+s25] =	stream.linear.scatter [tilespmem:s22], [sflag:$0x2], $0x40, $0x38;
	[tilespmem:$0x10100] =	vst v63  }
0x473: {  	_ =	swait.ge [sflag:s16], $0x2000  }
0x474: {  	[sflag:s16] =	ssyncset.done $0x0  }
0x475: {  	[sflag:s16] =	ssyncadd.s32 $0xFFFFE000  }
0x476: {  	_ =	swait.ge [sflag:s16], $0x2000  }
0x477: {  	[sflag:s16] =	ssyncset.done $0x0  }
0x478: {  	[sflag:s16] =	ssyncadd.s32 $0xFFFFE000  }
0x479: {  	_ =	swait.ge [sflag:s16], $0x2000  }
0x47a: {  	[sflag:s16] =	ssyncset.done $0x0  }
0x47b: {  	[sflag:s16] =	ssyncadd.s32 $0xFFFFE000  }
0x47c: {  	_ =	swait.ge [sflag:s16], $0x2000  }
0x47d: {  	[sflag:s16] =	ssyncset.done $0x0  }
0x47e: {  	[sflag:s16] =	ssyncadd.s32 $0xFFFFE000  }
0x47f: {  	[tilespmem:s17], [sflag:$0x1] =	stream.linear.gather [hbm4b:s31+s25], $0x2000, $0x38;
	[tilespmem:$0x10100] =	vst v63  }
0x480: {  	_ = 	snop  }
0x481: {  	[tilespmem:s18], [sflag:$0x1] =	stream.linear.gather [hbm4b:s1+s25], $0x2000, $0x38;
	[tilespmem:$0x10100] =	vst v63  }
0x482: {  	_ = 	snop  }
0x483: {  	[tilespmem:s19], [sflag:$0x1] =	stream.linear.gather [hbm4b:s2+s25], $0x2000, $0x38;
	[tilespmem:$0x10100] =	vst v63  }
0x484: {  	_ = 	snop  }
0x485: {  	[tilespmem:s20], [sflag:$0x1] =	stream.linear.gather [hbm4b:s3+s25], $0x2000, $0x38;
	[tilespmem:$0x10100] =	vst v63  }
.LBB2_26:
0x486: {  	v1 =	vlaneseq.u32  }
0x487: {  	v0 =	vadd.s32 $0x1, v1  }
0x488: {  	s26 =	sshll.u32 s25, $0x4;
	vm0 =	veq.s32 v0, $0x40  }
0x489: {  	v2 =	vmov s26;
	v3 =	vmul.u32 $0x80, v1;
	v4 =	vsel vm0, $0x0, v0  }
0x48a: {  	v0 =	vshll.u32 v2, $0x7;
	v2 =	vadd.s32 $0x1, v4  }
0x48b: {  	v0 =	vor.u32 v3, v0;
	v3 =	vand.u32 $0xFFFFFF80, v1;
	v5 =	vand.u32 $0xFFFFFF80, v4  }
0x48c: {  	v1 =	vand.u32 $0x7F, v1;
	v4 =	vand.u32 $0x7F, v4;
	v5 =	vadd.s32 v0, v5  }
0x48d: {  	vm13 =	veq.s32 v2, $0x40;
	v3 =	vadd.s32 v0, v3;
	v4 =	vor.u32 v4, v5  }
0x48e: {  	v2 =	vsel vm13, $0x0, v2;
	v1 =	vor.u32 v1, v3  }
0x48f: {  	v6 =	vadd.s32 $0x1, v2  }
0x490: {  	vm14 =	veq.s32 v6, $0x40  }
0x491: {  	v5 =	vsel vm14, $0x0, v6  }
0x492: {  	v6 =	vadd.s32 $0x1, v5;
	v8 =	vld.idx.msk [tilespmem:v4+s13+$0x0], $0xffff  }
0x493: {  	v3 =	vand.u32 $0xFFFFFF80, v5;
	vm15 =	veq.s32 v6, $0x40;
	v9 =	vld.idx.msk [tilespmem:v1+s13+$0x0], $0xffff  }
0x494: {  	v5 =	vand.u32 $0x7F, v5;
	v3 =	vadd.s32 v0, v3;
	v10 =	vld.idx.msk [tilespmem:v4+s0+$0x0], $0xffff;
	v6 =	vsel vm15, $0x0, v6  }
0x495: {  	v12 =	vld.idx.msk [tilespmem:v1+s0+$0x0], $0xffff;
	v7 =	vor.u32 v5, v3;
	v3 =	vadd.s32 $0x1, v6  }
0x496: {  	v13 =	vld.idx.msk [tilespmem:v1+s14+$0x0], $0xffff;
	vm4 =	veq.s32 v3, $0x40  }
0x497: {  	v15 =	vld.idx.msk [tilespmem:v4+s15+$0x0], $0xffff;
	v5 =	vand.u32 $0xFFFFFF80, v2;
	v3 =	vsel vm4, $0x0, v3  }
0x498: {  	v4 =	vld.idx.msk [tilespmem:v4+s14+$0x0], $0xffff;
	v2 =	vand.u32 $0x7F, v2;
	v5 =	vadd.s32 v0, v5;
	v11 =	vadd.s32 $0x1, v3  }
0x499: {  	v21 =	vld.idx.msk [tilespmem:v1+s15+$0x0], $0xffff;
	v2 =	vor.u32 v2, v5;
	vm5 =	veq.s32 v11, $0x40  }
0x49a: {  	v16 =	vld.idx.msk [tilespmem:v7+s0+$0x0], $0xffff;
	v5 =	vsel vm5, $0x0, v11  }
0x49b: {  	v17 =	vld.idx.msk [tilespmem:v7+s13+$0x0], $0xffff;
	v11 =	vand.u32 $0xFFFFFF80, v5  }
0x49c: {  	v33 =	vld.idx.msk [tilespmem:v7+s14+$0x0], $0xffff;
	v14 =	vand.u32 $0x7F, v5;
	v11 =	vadd.s32 v0, v11  }
0x49d: {  	v7 =	vld.idx.msk [tilespmem:v7+s15+$0x0], $0xffff;
	v11 =	vor.u32 v14, v11  }
0x49e: {  	v18 =	vld.idx.msk [tilespmem:v2+s15+$0x0], $0xffff  }
0x49f: {  	v19 =	vld.idx.msk [tilespmem:v2+s0+$0x0], $0xffff;
	v14 =	vand.u32 $0xFFFFFF80, v6  }
0x4a0: {  	v5 =	vadd.s32 $0x1, v5;
	v24 =	vld.idx.msk [tilespmem:v2+s13+$0x0], $0xffff;
	v6 =	vand.u32 $0x7F, v6;
	v14 =	vadd.s32 v0, v14  }
0x4a1: {  	vm6 =	veq.s32 v5, $0x40;
	v6 =	vor.u32 v6, v14;
	v14 =	vld.idx.msk [tilespmem:v2+s14+$0x0], $0xffff  }
0x4a2: {  	v20 =	vand.u32 $0xFFFFFF80, v3;
	v5 =	vsel vm6, $0x0, v5;
	v23 =	vld.idx.msk [tilespmem:v11+s14+$0x0], $0xffff  }
0x4a3: {  	v1 =	vadd.s32 v0, v20;
	v20 =	vand.u32 $0xFFFFFF80, v5;
	v22 =	vadd.s32 $0x1, v5;
	v25 =	vld.idx.msk [tilespmem:v11+s15+$0x0], $0xffff  }
0x4a4: {  	v3 =	vand.u32 $0x7F, v3;
	v20 =	vadd.s32 v0, v20;
	vm7 =	veq.s32 v22, $0x40;
	v28 =	vld.idx.msk [tilespmem:v11+s0+$0x0], $0xffff  }
0x4a5: {  	v2 =	vand.u32 $0x7F, v5;
	v5 =	vsel vm7, $0x0, v22;
	v22 =	vor.u32 v3, v1;
	v11 =	vld.idx.msk [tilespmem:v11+s13+$0x0], $0xffff  }
0x4a6: {  	v20 =	vor.u32 v2, v20;
	v1 =	vadd.s32 $0x1, v5;
	v26 =	vld.idx.msk [tilespmem:v6+s14+$0x0], $0xffff  }
0x4a7: {  	v9 =	vmul.f32 v9, v12;
	vm8 =	veq.s32 v1, $0x40;
	v27 =	vld.idx.msk [tilespmem:v6+s15+$0x0], $0xffff  }
0x4a8: {  	v4 =	vmul.f32 v15, v4;
	v2 =	vand.u32 $0xFFFFFF80, v5;
	v3 =	vsel vm8, $0x0, v1;
	v39 =	vld.idx.msk [tilespmem:v6+s0+$0x0], $0xffff  }
0x4a9: {  	v1 =	vadd.s32 v0, v2;
	v2 =	vand.u32 $0x7F, v5;
	v5 =	vadd.s32 $0x1, v3;
	v6 =	vld.idx.msk [tilespmem:v6+s13+$0x0], $0xffff  }
0x4aa: {  	v15 =	vmul.f32 v21, v13;
	v8 =	vmul.f32 v8, v10;
	vm9 =	veq.s32 v5, $0x40;
	v29 =	vld.idx.msk [tilespmem:v22+s0+$0x0], $0xffff  }
0x4ab: {  	v17 =	vmul.f32 v17, v16;
	v7 =	vmul.f32 v7, v33;
	v31 =	vld.idx.msk [tilespmem:v20+s15+$0x0], $0xffff;
	v30 =	vsel vm9, $0x0, v5  }
0x4ac: {  	v19 =	vmul.f32 v24, v19;
	v1 =	vor.u32 v2, v1;
	v32 =	vld.idx.msk [tilespmem:v20+s0+$0x0], $0xffff;
	v2 =	vadd.s32 $0x1, v30  }
0x4ad: {  	v35 =	vld.idx.msk [tilespmem:v20+s13+$0x0], $0xffff;
	v5 =	vand.u32 $0xFFFFFF80, v3;
	v3 =	vand.u32 $0x7F, v3;
	vm10 =	veq.s32 v2, $0x40  }
0x4ae: {  	v40 =	vld.idx.msk [tilespmem:v22+s13+$0x0], $0xffff;
	v5 =	vadd.s32 v0, v5;
	v11 =	vmul.f32 v11, v28;
	v34 =	vsel vm10, $0x0, v2  }
0x4af: {  	v28 =	vld.idx.msk [tilespmem:v22+s14+$0x0], $0xffff;
	v5 =	vor.u32 v3, v5;
	v36 =	vadd.s32 $0x1, v34;
	v3 =	vand.u32 $0xFFFFFF80, v34  }
0x4b0: {  	v22 =	vld.idx.msk [tilespmem:v22+s15+$0x0], $0xffff;
	v34 =	vand.u32 $0x7F, v34;
	vm11 =	veq.s32 v36, $0x40;
	v3 =	vadd.s32 v0, v3  }
0x4b1: {  	v24 =	vmul.f32 v18, v14;
	v2 =	vld.idx.msk [tilespmem:v1+s13+$0x0], $0xffff;
	v36 =	vsel vm11, $0x0, v36;
	v34 =	vor.u32 v34, v3  }
0x4b2: {  	v37 =	vld.idx.msk [tilespmem:v1+s14+$0x0], $0xffff;
	v27 =	vmul.f32 v27, v26;
	v3 =	vadd.s32 $0x1, v36;
	v13 =	vand.u32 $0xFFFFFF80, v36  }
0x4b3: {  	v38 =	vld.idx.msk [tilespmem:v1+s15+$0x0], $0xffff;
	v14 =	vand.u32 $0x7F, v36;
	vm12 =	veq.s32 v3, $0x40;
	v13 =	vadd.s32 v0, v13  }
0x4b4: {  	v26 =	vld.idx.msk [tilespmem:v20+s14+$0x0], $0xffff;
	v6 =	vmul.f32 v6, v39;
	v12 =	vsel vm12, $0x0, v3;
	v36 =	vor.u32 v14, v13  }
0x4b5: {  	v29 =	vmul.f32 v40, v29;
	v3 =	vld.idx.msk [tilespmem:v5+s14+$0x0], $0xffff;
	v13 =	vmul.f32 v25, v23;
	v21 =	vadd.s32 $0x1, v12  }
0x4b6: {  	v20 =	vand.u32 $0xFFFFFF80, v12;
	v12 =	vand.u32 $0x7F, v12;
	vm13 =	veq.s32 v21, $0x40;
	v41 =	vld.idx.msk [tilespmem:v34+s13+$0x0], $0xffff  }
0x4b7: {  	v20 =	vadd.s32 v0, v20;
	v42 =	vld.idx.msk [tilespmem:v34+s0+$0x0], $0xffff;
	v18 =	vsel vm13, $0x0, v21;
	v21 =	vimm.f32 $0.0e+00  }
0x4b8: {  	v14 =	vld.idx.msk [tilespmem:v34+s15+$0x0], $0xffff;
	v23 =	vor.u32 v12, v20;
	v12 =	vand.u32 $0xFFFFFF80, v30;
	v30 =	vand.u32 $0x7F, v30  }
0x4b9: {  	v10 =	vadd.s32 $0x1, v18;
	v20 =	vadd.f32 v15, v21;
	v9 =	vadd.f32 v9, v21;
	v61 =	vld.idx.msk [tilespmem:v36+s0+$0x0], $0xffff  }
0x4ba: {  	v25 =	vadd.s32 v0, v12;
	v15 =	vmul.f32 v35, v32;
	vm14 =	veq.s32 v10, $0x40;
	v62 =	vld.idx.msk [tilespmem:v36+s13+$0x0], $0xffff  }
0x4bb: {  	v21 =	vand.u32 $0xFFFFFF80, v18;
	v43 =	vld.idx.msk [tilespmem:v36+s14+$0x0], $0xffff;
	v10 =	vsel vm14, $0x0, v10;
	v8 =	vadd.f32 v8, v9  }
0x4bc: {  	v63 =	vld.idx.msk [tilespmem:v36+s15+$0x0], $0xffff;
	v4 =	vadd.f32 v4, v20;
	v20 =	vadd.s32 v0, v21;
	v9 =	vand.u32 $0x7F, v18  }
0x4bd: {  	v16 =	vand.u32 $0xFFFFFF80, v10;
	v9 =	vor.u32 v9, v20;
	v18 =	vld.idx.msk [tilespmem:v23+s0+$0x0], $0xffff;
	v8 =	vadd.f32 v19, v8  }
0x4be: {  	v19 =	vadd.s32 $0x1, v10;
	v21 =	vadd.f32 v24, v4;
	v44 =	vadd.s32 v0, v16;
	v20 =	vld.idx.msk [tilespmem:v23+s13+$0x0], $0xffff  }
0x4bf: {  	v16 =	vor.u32 v30, v25;
	v24 =	vld.idx.msk [tilespmem:v23+s14+$0x0], $0xffff;
	vm15 =	veq.s32 v19, $0x40;
	v8 =	vadd.f32 v17, v8  }
0x4c0: {  	v17 =	vadd.f32 v7, v21;
	v7 =	vmul.f32 v31, v26;
	v26 =	vld.idx.msk [tilespmem:v23+s15+$0x0], $0xffff;
	v23 =	vand.u32 $0x7F, v10  }
0x4c1: {  	v12 =	vld.idx.msk [tilespmem:v5+s0+$0x0], $0xffff;
	v4 =	vmul.f32 v38, v37;
	v21 =	vsel vm15, $0x0, v19;
	v23 =	vor.u32 v23, v44  }
0x4c2: {  	v25 =	vld.idx.msk [tilespmem:v34+s14+$0x0], $0xffff;
	v19 =	vmul.f32 v22, v28;
	v6 =	vadd.f32 v6, v8;
	v27 =	vadd.f32 v27, v17  }
0x4c3: {  	v10 =	vmul.f32 v62, v61;
	v22 =	vld.idx.msk [tilespmem:v9+s0+$0x0], $0xffff;
	v8 =	vmul.f32 v41, v42  }
0x4c4: {  	s28 =	simm.s32 $0x0;
	v17 =	vadd.f32 v29, v6;
	v27 =	vadd.f32 v19, v27;
	v19 =	vld.idx.msk [tilespmem:v16+s0+$0x0], $0xffff;
	v6 =	vmul.f32 v63, v43  }
.LBB2_27:
0x4c5: {  	v28 =	vand.u32 $0xFFFFFF80, v21;
	v29 =	vadd.s32 $0x1, v21;
	s28 =	sadd.s32 $0x10, s28;
	v30 =	vld.idx.msk [tilespmem:v9+s13+$0x0], $0xffff  }
0x4c6: {  	v21 =	vand.u32 $0x7F, v21;
	vm0 =	veq.s32 v29, $0x40;
	p0 =	slt.u32 s28, $0x30;
	v31 =	vadd.f32 v11, v17;
	v32 =	vld.idx.msk [tilespmem:v23+s0+$0x0], $0xffff  }
0x4c7: {  	v28 =	vadd.s32 v0, v28;
	v11 =	vmul.f32 v26, v24;
	v29 =	vsel vm0, $0x0, v29;
	v24 =	vld.idx.msk [tilespmem:v9+s14+$0x0], $0xffff  }
0x4c8: {  	v17 =	vmul.f32 v20, v18;
	v26 =	vand.u32 $0xFFFFFF80, v29;
	v33 =	vadd.s32 $0x1, v29;
	v18 =	vld.idx.msk [tilespmem:v23+s13+$0x0], $0xffff  }
0x4c9: {  	v20 =	vadd.s32 v0, v26;
	vm0 =	veq.s32 v33, $0x40;
	v26 =	vadd.f32 v15, v31;
	v15 =	vld.idx.msk [tilespmem:v1+s0+$0x0], $0xffff  }
0x4ca: {  	v27 =	vadd.f32 v13, v27;
	v29 =	vand.u32 $0x7F, v29;
	v31 =	vsel vm0, $0x0, v33;
	v33 =	vld.idx.msk [tilespmem:v23+s14+$0x0], $0xffff  }
0x4cb: {  	v1 =	vmul.f32 v30, v22;
	v13 =	vand.u32 $0xFFFFFF80, v31;
	v34 =	vadd.s32 $0x1, v31;
	v22 =	vld.idx.msk [tilespmem:v23+s15+$0x0], $0xffff  }
0x4cc: {  	v23 =	vadd.s32 v0, v13;
	vm0 =	veq.s32 v34, $0x40;
	v13 =	vmul.f32 v14, v25;
	v25 =	vld.idx.msk [tilespmem:v9+s15+$0x0], $0xffff  }
0x4cd: {  	v20 =	vor.u32 v29, v20;
	v29 =	vand.u32 $0x7F, v31;
	v9 =	vsel vm0, $0x0, v34;
	v30 =	vld.idx.msk [tilespmem:v5+s13+$0x0], $0xffff  }
0x4ce: {  	v14 =	vand.u32 $0xFFFFFF80, v9;
	v31 =	vadd.s32 $0x1, v9;
	v34 =	vld.idx.msk [tilespmem:v5+s15+$0x0], $0xffff;
	v5 =	vmul.f32 v18, v32  }
0x4cf: {  	v2 =	vmul.f32 v2, v15;
	v14 =	vadd.s32 v0, v14;
	vm0 =	veq.s32 v31, $0x40;
	v18 =	vld.idx.msk [tilespmem:v16+s13+$0x0], $0xffff  }
0x4d0: {  	v21 =	vor.u32 v21, v28;
	v9 =	vand.u32 $0x7F, v9;
	v15 =	vsel vm0, $0x0, v31;
	v28 =	vld.idx.msk [tilespmem:v16+s14+$0x0], $0xffff  }
0x4d1: {  	v9 =	vor.u32 v9, v14;
	v14 =	vand.u32 $0xFFFFFF80, v15;
	v31 =	vadd.s32 $0x1, v15;
	v32 =	vld.idx.msk [tilespmem:v16+s15+$0x0], $0xffff  }
0x4d2: {  	v35 =	vadd.s32 v0, v14;
	vm0 =	veq.s32 v31, $0x40;
	v14 =	vmul.f32 v22, v33  }
0x4d3: {  	v22 =	vand.u32 $0x7F, v15;
	v15 =	vmul.f32 v25, v24;
	v31 =	vsel vm0, $0x0, v31  }
0x4d4: {  	v2 =	vadd.f32 v2, v26;
	v24 =	vand.u32 $0xFFFFFF80, v31;
	v25 =	vadd.s32 $0x1, v31  }
0x4d5: {  	v12 =	vmul.f32 v30, v12;
	v16 =	vld.idx.msk [tilespmem:v20+s13+$0x0], $0xffff;
	v24 =	vadd.s32 v0, v24;
	vm0 =	veq.s32 v25, $0x40  }
0x4d6: {  	v30 =	vand.u32 $0x7F, v31;
	v31 =	vmul.f32 v18, v19;
	v26 =	vld.idx.msk [tilespmem:v21+s13+$0x0], $0xffff;
	v25 =	vsel vm0, $0x0, v25  }
0x4d7: {  	v3 =	vmul.f32 v34, v3;
	v18 =	vld.idx.msk [tilespmem:v20+s0+$0x0], $0xffff;
	v19 =	vand.u32 $0xFFFFFF80, v25;
	v33 =	vadd.s32 $0x1, v25  }
0x4d8: {  	v2 =	vadd.f32 v12, v2;
	v34 =	vld.idx.msk [tilespmem:v21+s0+$0x0], $0xffff;
	v36 =	vadd.s32 v0, v19;
	vm0 =	veq.s32 v33, $0x40  }
0x4d9: {  	v23 =	vor.u32 v29, v23;
	v25 =	vand.u32 $0x7F, v25;
	v12 =	vld.idx.msk [tilespmem:v9+s0+$0x0], $0xffff;
	v29 =	vsel vm0, $0x0, v33  }
0x4da: {  	v22 =	vor.u32 v22, v35;
	v19 =	vld.idx.msk [tilespmem:v9+s13+$0x0], $0xffff;
	v33 =	vand.u32 $0xFFFFFF80, v29;
	v35 =	vadd.s32 $0x1, v29  }
0x4db: {  	v28 =	vmul.f32 v32, v28;
	v37 =	vld.idx.msk [tilespmem:v21+s14+$0x0], $0xffff;
	v33 =	vadd.s32 v0, v33;
	vm0 =	veq.s32 v35, $0x40  }
0x4dc: {  	v2 =	vadd.f32 v31, v2;
	v29 =	vand.u32 $0x7F, v29;
	v32 =	vld.idx.msk [tilespmem:v20+s15+$0x0], $0xffff;
	v35 =	vsel vm0, $0x0, v35  }
0x4dd: {  	v25 =	vor.u32 v25, v36;
	v31 =	vld.idx.msk [tilespmem:v20+s14+$0x0], $0xffff;
	v20 =	vand.u32 $0xFFFFFF80, v35;
	v36 =	vadd.s32 $0x1, v35  }
0x4de: {  	v2 =	vadd.f32 v8, v2;
	v38 =	vld.idx.msk [tilespmem:v23+s15+$0x0], $0xffff;
	v39 =	vadd.s32 v0, v20;
	vm0 =	veq.s32 v36, $0x40  }
0x4df: {  	v7 =	vadd.f32 v7, v27;
	v35 =	vand.u32 $0x7F, v35;
	v40 =	vld.idx.msk [tilespmem:v23+s0+$0x0], $0xffff;
	v20 =	vsel vm0, $0x0, v36  }
0x4e0: {  	v8 =	vmul.f32 v26, v34;
	v26 =	vld.idx.msk [tilespmem:v23+s14+$0x0], $0xffff;
	v27 =	vand.u32 $0xFFFFFF80, v20;
	v34 =	vadd.s32 $0x1, v20  }
0x4e1: {  	v2 =	vadd.f32 v10, v2;
	v21 =	vld.idx.msk [tilespmem:v21+s15+$0x0], $0xffff;
	v27 =	vadd.s32 v0, v27;
	vm0 =	veq.s32 v34, $0x40  }
0x4e2: {  	v4 =	vadd.f32 v4, v7;
	v41 =	vand.u32 $0x7F, v20;
	v36 =	vld.idx.msk [tilespmem:v25+s14+$0x0], $0xffff;
	v20 =	vsel vm0, $0x0, v34  }
0x4e3: {  	v7 =	vld.idx.msk [tilespmem:v23+s13+$0x0], $0xffff;
	v23 =	vor.u32 v30, v24;
	v10 =	vand.u32 $0xFFFFFF80, v20;
	v24 =	vadd.s32 $0x1, v20  }
0x4e4: {  	v29 =	vor.u32 v29, v33;
	v30 =	vld.idx.msk [tilespmem:v25+s15+$0x0], $0xffff;
	v10 =	vadd.s32 v0, v10;
	vm0 =	veq.s32 v24, $0x40  }
0x4e5: {  	v2 =	vadd.f32 v17, v2;
	v20 =	vand.u32 $0x7F, v20;
	v33 =	vld.idx.msk [tilespmem:v22+s14+$0x0], $0xffff;
	v24 =	vsel vm0, $0x0, v24  }
0x4e6: {  	v31 =	vmul.f32 v32, v31;
	v32 =	vld.idx.msk [tilespmem:v22+s15+$0x0], $0xffff;
	v17 =	vand.u32 $0xFFFFFF80, v24;
	v34 =	vand.u32 $0x7F, v24  }
0x4e7: {  	v3 =	vadd.f32 v3, v4;
	v24 =	vadd.s32 $0x1, v24;
	v17 =	vadd.s32 v0, v17  }
0x4e8: {  	v2 =	vadd.f32 v1, v2;
	vm0 =	veq.s32 v24, $0x40;
	v4 =	vld.idx.msk [tilespmem:v25+s0+$0x0], $0xffff;
	v17 =	vor.u32 v34, v17  }
0x4e9: {  	v3 =	vadd.f32 v28, v3;
	v34 =	vmul.f32 v21, v37;
	v24 =	vsel vm0, $0x0, v24;
	v21 =	vld.idx.msk [tilespmem:v25+s13+$0x0], $0xffff  }
0x4ea: {  	v1 =	vor.u32 v35, v39;
	v35 =	vadd.f32 v5, v2;
	v28 =	vadd.s32 $0x1, v24;
	v25 =	vld.idx.msk [tilespmem:v23+s0+$0x0], $0xffff  }
0x4eb: {  	v2 =	vadd.f32 v13, v3;
	v39 =	vand.u32 $0xFFFFFF80, v24;
	vm0 =	veq.s32 v28, $0x40;
	v37 =	vld.idx.msk [tilespmem:v29+s15+$0x0], $0xffff  }
0x4ec: {  	v40 =	vmul.f32 v7, v40;
	v32 =	vmul.f32 v32, v33;
	v7 =	vsel vm0, $0x0, v28;
	v3 =	vld.idx.msk [tilespmem:v29+s0+$0x0], $0xffff  }
0x4ed: {  	v6 =	vadd.f32 v6, v2;
	v5 =	vand.u32 $0xFFFFFF80, v7;
	v13 =	vadd.s32 $0x1, v7;
	v28 =	vld.idx.msk [tilespmem:v9+s14+$0x0], $0xffff  }
0x4ee: {  	v26 =	vmul.f32 v38, v26;
	v38 =	vadd.s32 v0, v5;
	vm0 =	veq.s32 v13, $0x40;
	v33 =	vld.idx.msk [tilespmem:v29+s13+$0x0], $0xffff  }
0x4ef: {  	v6 =	vadd.f32 v11, v6;
	v5 =	vor.u32 v41, v27;
	v27 =	vsel vm0, $0x0, v13;
	v2 =	vld.idx.msk [tilespmem:v1+s13+$0x0], $0xffff  }
0x4f0: {  	v11 =	vmul.f32 v21, v4;
	v13 =	vand.u32 $0xFFFFFF80, v27;
	v21 =	vadd.s32 $0x1, v27;
	v4 =	vld.idx.msk [tilespmem:v1+s14+$0x0], $0xffff  }
0x4f1: {  	v6 =	vadd.f32 v15, v6;
	v42 =	vadd.s32 v0, v13;
	vm0 =	veq.s32 v21, $0x40;
	v41 =	vld.idx.msk [tilespmem:v1+s15+$0x0], $0xffff  }
0x4f2: {  	v16 =	vmul.f32 v16, v18;
	v13 =	vmul.f32 v30, v36;
	v30 =	vsel vm0, $0x0, v21;
	v18 =	vld.idx.msk [tilespmem:v22+s0+$0x0], $0xffff  }
0x4f3: {  	v6 =	vadd.f32 v14, v6;
	v21 =	vand.u32 $0xFFFFFF80, v30;
	v36 =	vadd.s32 $0x1, v30;
	v22 =	vld.idx.msk [tilespmem:v22+s13+$0x0], $0xffff  }
0x4f4: {  	v15 =	vmul.f32 v33, v3;
	v33 =	vadd.s32 v0, v21;
	vm0 =	veq.s32 v36, $0x40;
	v3 =	vld.idx.msk [tilespmem:v5+s14+$0x0], $0xffff  }
0x4f5: {  	v19 =	vmul.f32 v19, v12;
	v21 =	vsel vm0, $0x0, v36;
	v12 =	vld.idx.msk [tilespmem:v23+s13+$0x0], $0xffff  }
0x4f6: {  	v29 =	vld.idx.msk [tilespmem:v29+s14+$0x0], $0xffff  }
0x4f7: {  	v4 =	vmul.f32 v41, v4;
	v36 =	vld.idx.msk [tilespmem:v17+s13+$0x0], $0xffff  }
0x4f8: {  	v41 =	vld.idx.msk [tilespmem:v23+s14+$0x0], $0xffff  }
0x4f9: {  	v14 =	vand.u32 $0x7F, v24;
	v24 =	vadd.s32 v0, v39;
	v22 =	vmul.f32 v22, v18;
	v18 =	vld.idx.msk [tilespmem:v17+s0+$0x0], $0xffff  }
0x4fa: {  	v24 =	vor.u32 v14, v24;
	v23 =	vld.idx.msk [tilespmem:v23+s15+$0x0], $0xffff  }
0x4fb: {  	v39 =	vmul.f32 v12, v25;
	v12 =	vand.u32 $0x7F, v7;
	v14 =	vld.idx.msk [tilespmem:v17+s15+$0x0], $0xffff  }
0x4fc: {  	v7 =	vmul.f32 v37, v29;
	v25 =	vor.u32 v12, v38  }
0x4fd: {  	v29 =	vld.idx.msk [tilespmem:v9+s15+$0x0], $0xffff  }
0x4fe: {  	v6 =	vadd.f32 v34, v6;
	v12 =	vld.idx.msk [tilespmem:v5+s0+$0x0], $0xffff  }
0x4ff: {  	v9 =	vadd.f32 v8, v35;
	v8 =	vmul.f32 v36, v18;
	v34 =	vld.idx.msk [tilespmem:v24+s0+$0x0], $0xffff  }
0x500: {  	v6 =	vadd.f32 v31, v6;
	v31 =	vmul.f32 v23, v41;
	v23 =	vld.idx.msk [tilespmem:v24+s13+$0x0], $0xffff  }
0x501: {  	v16 =	vadd.f32 v16, v9;
	v9 =	vand.u32 $0x7F, v27;
	v18 =	vld.idx.msk [tilespmem:v25+s0+$0x0], $0xffff  }
0x502: {  	v9 =	vor.u32 v9, v42;
	v35 =	vld.idx.msk [tilespmem:v24+s14+$0x0], $0xffff  }
0x503: {  	v6 =	vadd.f32 v26, v6;
	v27 =	vadd.f32 v40, v16;
	v26 =	vmul.f32 v29, v28;
	v28 =	vld.idx.msk [tilespmem:v24+s15+$0x0], $0xffff  }
0x504: {  	v16 =	vor.u32 v20, v10;
	v20 =	vld.idx.msk [tilespmem:v25+s13+$0x0], $0xffff  }
.Ltmp12:
0x505: {  	v19 =	vadd.f32 v19, v27;
	v27 =	vand.u32 $0x7F, v30;
	v6 =	vadd.f32 v26, v6;
	v24 =	vld.idx.msk [tilespmem:v25+s14+$0x0], $0xffff;
	(pc) =	sbr.rel @p0 .LBB2_27-.Ltmp12, $4  }
0x506: {  	v10 =	vmul.f32 v23, v34;
	v23 =	vor.u32 v27, v33;
	v26 =	vld.idx.msk [tilespmem:v25+s15+$0x0], $0xffff  }
0x507: {  	v19 =	vadd.f32 v22, v19;
	v6 =	vadd.f32 v32, v6;
	v22 =	vld.idx.msk [tilespmem:v9+s0+$0x0], $0xffff  }
0x508: {  	v25 =	vld.idx.msk [tilespmem:v17+s14+$0x0], $0xffff  }
0x509: {  	v17 =	vadd.f32 v39, v19;
	v27 =	vadd.f32 v31, v6;
	v6 =	vmul.f32 v28, v35;
	v19 =	vld.idx.msk [tilespmem:v16+s0+$0x0], $0xffff  }
0x50a: {  	_ =	sdelay $0x3  }
0x50b: {  	v0 =	vld.idx.msk [tilespmem:v1+s0+$0x0], $0xffff  }
0x50c: {  	v45 =	vld.idx.msk [tilespmem:v5+s13+$0x0], $0xffff  }
0x50d: {  	v46 =	vld.idx.msk [tilespmem:v5+s15+$0x0], $0xffff  }
0x50e: {  	v47 =	vld.idx.msk [tilespmem:v16+s13+$0x0], $0xffff  }
0x50f: {  	v21 =	vld.idx.msk [tilespmem:v16+s14+$0x0], $0xffff;
	v11 =	vadd.f32 v11, v17;
	v13 =	vadd.f32 v13, v27  }
0x510: {  	v48 =	vld.idx.msk [tilespmem:v16+s15+$0x0], $0xffff  }
0x511: {  	v11 =	vadd.f32 v15, v11;
	v7 =	vadd.f32 v7, v13;
	v0 =	vmul.f32 v2, v0  }
0x512: {  	v1 =	vmul.f32 v45, v12  }
0x513: {  	v3 =	vmul.f32 v46, v3;
	v4 =	vadd.f32 v4, v7;
	v0 =	vadd.f32 v0, v11  }
0x514: {  	v49 =	vld.idx.msk [tilespmem:v9+s13+$0x0], $0xffff;
	v50 =	vmul.f32 v47, v19  }
0x515: {  	v51 =	vld.idx.msk [tilespmem:v23+s0+$0x0], $0xffff;
	v52 =	vmul.f32 v48, v21;
	v53 =	vadd.f32 v3, v4;
	v0 =	vadd.f32 v1, v0  }
0x516: {  	v54 =	vld.idx.msk [tilespmem:v9+s14+$0x0], $0xffff  }
0x517: {  	v55 =	vld.idx.msk [tilespmem:v23+s13+$0x0], $0xffff;
	v56 =	vmul.f32 v14, v25;
	v1 =	vadd.f32 v52, v53;
	v0 =	vadd.f32 v50, v0  }
0x518: {  	v57 =	vld.idx.msk [tilespmem:v9+s15+$0x0], $0xffff  }
0x519: {  	v58 =	vld.idx.msk [tilespmem:v23+s14+$0x0], $0xffff;
	v1 =	vadd.f32 v56, v1;
	v0 =	vadd.f32 v8, v0  }
0x51a: {  	v60 =	vld.idx.msk [tilespmem:v23+s15+$0x0], $0xffff;
	v61 =	vmul.f32 v20, v18  }
0x51b: {  	v59 =	vmul.f32 v26, v24;
	v1 =	vadd.f32 v6, v1;
	v0 =	vadd.f32 v10, v0  }
0x51c: {  	v5 =	vmul.f32 v49, v22  }
0x51d: {  	v2 =	vmul.f32 v57, v54;
	v1 =	vadd.f32 v59, v1;
	v0 =	vadd.f32 v61, v0  }
0x51e: {  	v62 =	vmul.f32 v55, v51  }
0x51f: {  	s25 =	sadd.s32 $0x1, s25;
	v63 =	vmul.f32 v60, v58;
	v1 =	vadd.f32 v2, v1;
	v0 =	vadd.f32 v5, v0  }
0x520: {  	p0 =	sne.s32 s25, $0x4  }
.Ltmp13:
0x521: {  	v1 =	vadd.f32 v63, v1;
	v0 =	vadd.f32 v62, v0;
	(pc) =	sbr.rel @p0 .LBB2_26-.Ltmp13, $3  }
0x522: {  	_ = 	snop  }
0x523: {  	v0 =	vadd.f32 v1, v0;
	_ =	sdelay $0x1  }
0x524: {  	[tilespmem:s26+$0x10000] =	vst v0  }
0x525: {  	_ =	swait.ge [sflag:s23], $0x40  }
0x526: {  	[sflag:s23] =	ssyncset.done $0x0  }
0x527: {  	s25 =	simm.s32 $0x0;
	[sflag:s23] =	ssyncadd.s32 $0xFFFFFFC0  }
0x528: {  	[hbm4b:s10+s25] =	stream.linear.scatter [tilespmem:s21], [sflag:$0x2], $0x40, $0x38;
	[tilespmem:$0x10100] =	vst v63  }
0x529: {  	_ =	swait.ge [sflag:s16], $0x2000  }
0x52a: {  	[sflag:s16] =	ssyncset.done $0x0  }
0x52b: {  	[sflag:s16] =	ssyncadd.s32 $0xFFFFE000  }
0x52c: {  	_ =	swait.ge [sflag:s16], $0x2000  }
0x52d: {  	[sflag:s16] =	ssyncset.done $0x0  }
0x52e: {  	[sflag:s16] =	ssyncadd.s32 $0xFFFFE000  }
0x52f: {  	_ =	swait.ge [sflag:s16], $0x2000  }
0x530: {  	[sflag:s16] =	ssyncset.done $0x0  }
0x531: {  	[sflag:s16] =	ssyncadd.s32 $0xFFFFE000  }
0x532: {  	_ =	swait.ge [sflag:s16], $0x2000  }
0x533: {  	[sflag:s16] =	ssyncset.done $0x0  }
0x534: {  	[sflag:s16] =	ssyncadd.s32 $0xFFFFE000  }
.LBB2_30:
0x535: {  	v1 =	vlaneseq.u32  }
0x536: {  	v0 =	vadd.s32 $0x1, v1  }
0x537: {  	s26 =	sshll.u32 s25, $0x4;
	vm0 =	veq.s32 v0, $0x40  }
0x538: {  	v2 =	vmov s26;
	v3 =	vmul.u32 $0x80, v1;
	v4 =	vsel vm0, $0x0, v0  }
0x539: {  	v0 =	vshll.u32 v2, $0x7;
	v2 =	vadd.s32 $0x1, v4  }
0x53a: {  	v0 =	vor.u32 v3, v0;
	v3 =	vand.u32 $0xFFFFFF80, v1;
	v5 =	vand.u32 $0xFFFFFF80, v4  }
0x53b: {  	v1 =	vand.u32 $0x7F, v1;
	v4 =	vand.u32 $0x7F, v4;
	v5 =	vadd.s32 v0, v5  }
0x53c: {  	vm13 =	veq.s32 v2, $0x40;
	v3 =	vadd.s32 v0, v3;
	v4 =	vor.u32 v4, v5  }
0x53d: {  	v2 =	vsel vm13, $0x0, v2;
	v1 =	vor.u32 v1, v3  }
0x53e: {  	v6 =	vadd.s32 $0x1, v2  }
0x53f: {  	vm14 =	veq.s32 v6, $0x40  }
0x540: {  	v5 =	vsel vm14, $0x0, v6  }
0x541: {  	v6 =	vadd.s32 $0x1, v5;
	v8 =	vld.idx.msk [tilespmem:v4+s18+$0x0], $0xffff  }
0x542: {  	v3 =	vand.u32 $0xFFFFFF80, v5;
	vm15 =	veq.s32 v6, $0x40;
	v9 =	vld.idx.msk [tilespmem:v1+s18+$0x0], $0xffff  }
0x543: {  	v5 =	vand.u32 $0x7F, v5;
	v3 =	vadd.s32 v0, v3;
	v10 =	vld.idx.msk [tilespmem:v4+s17+$0x0], $0xffff;
	v6 =	vsel vm15, $0x0, v6  }
0x544: {  	v12 =	vld.idx.msk [tilespmem:v1+s17+$0x0], $0xffff;
	v7 =	vor.u32 v5, v3;
	v3 =	vadd.s32 $0x1, v6  }
0x545: {  	v13 =	vld.idx.msk [tilespmem:v1+s19+$0x0], $0xffff;
	vm4 =	veq.s32 v3, $0x40  }
0x546: {  	v15 =	vld.idx.msk [tilespmem:v4+s20+$0x0], $0xffff;
	v5 =	vand.u32 $0xFFFFFF80, v2;
	v3 =	vsel vm4, $0x0, v3  }
0x547: {  	v4 =	vld.idx.msk [tilespmem:v4+s19+$0x0], $0xffff;
	v2 =	vand.u32 $0x7F, v2;
	v5 =	vadd.s32 v0, v5;
	v11 =	vadd.s32 $0x1, v3  }
0x548: {  	v21 =	vld.idx.msk [tilespmem:v1+s20+$0x0], $0xffff;
	v2 =	vor.u32 v2, v5;
	vm5 =	veq.s32 v11, $0x40  }
0x549: {  	v16 =	vld.idx.msk [tilespmem:v7+s17+$0x0], $0xffff;
	v5 =	vsel vm5, $0x0, v11  }
0x54a: {  	v17 =	vld.idx.msk [tilespmem:v7+s18+$0x0], $0xffff;
	v11 =	vand.u32 $0xFFFFFF80, v5  }
0x54b: {  	v33 =	vld.idx.msk [tilespmem:v7+s19+$0x0], $0xffff;
	v14 =	vand.u32 $0x7F, v5;
	v11 =	vadd.s32 v0, v11  }
0x54c: {  	v7 =	vld.idx.msk [tilespmem:v7+s20+$0x0], $0xffff;
	v11 =	vor.u32 v14, v11  }
0x54d: {  	v18 =	vld.idx.msk [tilespmem:v2+s20+$0x0], $0xffff  }
0x54e: {  	v19 =	vld.idx.msk [tilespmem:v2+s17+$0x0], $0xffff;
	v14 =	vand.u32 $0xFFFFFF80, v6  }
0x54f: {  	v5 =	vadd.s32 $0x1, v5;
	v24 =	vld.idx.msk [tilespmem:v2+s18+$0x0], $0xffff;
	v6 =	vand.u32 $0x7F, v6;
	v14 =	vadd.s32 v0, v14  }
0x550: {  	vm6 =	veq.s32 v5, $0x40;
	v6 =	vor.u32 v6, v14;
	v14 =	vld.idx.msk [tilespmem:v2+s19+$0x0], $0xffff  }
0x551: {  	v20 =	vand.u32 $0xFFFFFF80, v3;
	v5 =	vsel vm6, $0x0, v5;
	v23 =	vld.idx.msk [tilespmem:v11+s19+$0x0], $0xffff  }
0x552: {  	v1 =	vadd.s32 v0, v20;
	v20 =	vand.u32 $0xFFFFFF80, v5;
	v22 =	vadd.s32 $0x1, v5;
	v25 =	vld.idx.msk [tilespmem:v11+s20+$0x0], $0xffff  }
0x553: {  	v3 =	vand.u32 $0x7F, v3;
	v20 =	vadd.s32 v0, v20;
	vm7 =	veq.s32 v22, $0x40;
	v28 =	vld.idx.msk [tilespmem:v11+s17+$0x0], $0xffff  }
0x554: {  	v2 =	vand.u32 $0x7F, v5;
	v5 =	vsel vm7, $0x0, v22;
	v22 =	vor.u32 v3, v1;
	v11 =	vld.idx.msk [tilespmem:v11+s18+$0x0], $0xffff  }
0x555: {  	v20 =	vor.u32 v2, v20;
	v1 =	vadd.s32 $0x1, v5;
	v26 =	vld.idx.msk [tilespmem:v6+s19+$0x0], $0xffff  }
0x556: {  	v9 =	vmul.f32 v9, v12;
	vm8 =	veq.s32 v1, $0x40;
	v27 =	vld.idx.msk [tilespmem:v6+s20+$0x0], $0xffff  }
0x557: {  	v4 =	vmul.f32 v15, v4;
	v2 =	vand.u32 $0xFFFFFF80, v5;
	v3 =	vsel vm8, $0x0, v1;
	v39 =	vld.idx.msk [tilespmem:v6+s17+$0x0], $0xffff  }
0x558: {  	v1 =	vadd.s32 v0, v2;
	v2 =	vand.u32 $0x7F, v5;
	v5 =	vadd.s32 $0x1, v3;
	v6 =	vld.idx.msk [tilespmem:v6+s18+$0x0], $0xffff  }
0x559: {  	v15 =	vmul.f32 v21, v13;
	v8 =	vmul.f32 v8, v10;
	vm9 =	veq.s32 v5, $0x40;
	v29 =	vld.idx.msk [tilespmem:v22+s17+$0x0], $0xffff  }
0x55a: {  	v17 =	vmul.f32 v17, v16;
	v7 =	vmul.f32 v7, v33;
	v31 =	vld.idx.msk [tilespmem:v20+s20+$0x0], $0xffff;
	v30 =	vsel vm9, $0x0, v5  }
0x55b: {  	v19 =	vmul.f32 v24, v19;
	v1 =	vor.u32 v2, v1;
	v32 =	vld.idx.msk [tilespmem:v20+s17+$0x0], $0xffff;
	v2 =	vadd.s32 $0x1, v30  }
0x55c: {  	v35 =	vld.idx.msk [tilespmem:v20+s18+$0x0], $0xffff;
	v5 =	vand.u32 $0xFFFFFF80, v3;
	v3 =	vand.u32 $0x7F, v3;
	vm10 =	veq.s32 v2, $0x40  }
0x55d: {  	v40 =	vld.idx.msk [tilespmem:v22+s18+$0x0], $0xffff;
	v5 =	vadd.s32 v0, v5;
	v11 =	vmul.f32 v11, v28;
	v34 =	vsel vm10, $0x0, v2  }
0x55e: {  	v28 =	vld.idx.msk [tilespmem:v22+s19+$0x0], $0xffff;
	v5 =	vor.u32 v3, v5;
	v36 =	vadd.s32 $0x1, v34;
	v3 =	vand.u32 $0xFFFFFF80, v34  }
0x55f: {  	v22 =	vld.idx.msk [tilespmem:v22+s20+$0x0], $0xffff;
	v34 =	vand.u32 $0x7F, v34;
	vm11 =	veq.s32 v36, $0x40;
	v3 =	vadd.s32 v0, v3  }
0x560: {  	v24 =	vmul.f32 v18, v14;
	v2 =	vld.idx.msk [tilespmem:v1+s18+$0x0], $0xffff;
	v36 =	vsel vm11, $0x0, v36;
	v34 =	vor.u32 v34, v3  }
0x561: {  	v37 =	vld.idx.msk [tilespmem:v1+s19+$0x0], $0xffff;
	v27 =	vmul.f32 v27, v26;
	v3 =	vadd.s32 $0x1, v36;
	v13 =	vand.u32 $0xFFFFFF80, v36  }
0x562: {  	v38 =	vld.idx.msk [tilespmem:v1+s20+$0x0], $0xffff;
	v14 =	vand.u32 $0x7F, v36;
	vm12 =	veq.s32 v3, $0x40;
	v13 =	vadd.s32 v0, v13  }
0x563: {  	v26 =	vld.idx.msk [tilespmem:v20+s19+$0x0], $0xffff;
	v6 =	vmul.f32 v6, v39;
	v12 =	vsel vm12, $0x0, v3;
	v36 =	vor.u32 v14, v13  }
0x564: {  	v29 =	vmul.f32 v40, v29;
	v3 =	vld.idx.msk [tilespmem:v5+s19+$0x0], $0xffff;
	v13 =	vmul.f32 v25, v23;
	v21 =	vadd.s32 $0x1, v12  }
0x565: {  	v20 =	vand.u32 $0xFFFFFF80, v12;
	v12 =	vand.u32 $0x7F, v12;
	vm13 =	veq.s32 v21, $0x40;
	v41 =	vld.idx.msk [tilespmem:v34+s18+$0x0], $0xffff  }
0x566: {  	v20 =	vadd.s32 v0, v20;
	v42 =	vld.idx.msk [tilespmem:v34+s17+$0x0], $0xffff;
	v18 =	vsel vm13, $0x0, v21;
	v21 =	vimm.f32 $0.0e+00  }
0x567: {  	v14 =	vld.idx.msk [tilespmem:v34+s20+$0x0], $0xffff;
	v23 =	vor.u32 v12, v20;
	v12 =	vand.u32 $0xFFFFFF80, v30;
	v30 =	vand.u32 $0x7F, v30  }
0x568: {  	v10 =	vadd.s32 $0x1, v18;
	v20 =	vadd.f32 v15, v21;
	v9 =	vadd.f32 v9, v21;
	v61 =	vld.idx.msk [tilespmem:v36+s17+$0x0], $0xffff  }
0x569: {  	v25 =	vadd.s32 v0, v12;
	v15 =	vmul.f32 v35, v32;
	vm14 =	veq.s32 v10, $0x40;
	v62 =	vld.idx.msk [tilespmem:v36+s18+$0x0], $0xffff  }
0x56a: {  	v21 =	vand.u32 $0xFFFFFF80, v18;
	v43 =	vld.idx.msk [tilespmem:v36+s19+$0x0], $0xffff;
	v10 =	vsel vm14, $0x0, v10;
	v8 =	vadd.f32 v8, v9  }
0x56b: {  	v63 =	vld.idx.msk [tilespmem:v36+s20+$0x0], $0xffff;
	v4 =	vadd.f32 v4, v20;
	v20 =	vadd.s32 v0, v21;
	v9 =	vand.u32 $0x7F, v18  }
0x56c: {  	v16 =	vand.u32 $0xFFFFFF80, v10;
	v9 =	vor.u32 v9, v20;
	v18 =	vld.idx.msk [tilespmem:v23+s17+$0x0], $0xffff;
	v8 =	vadd.f32 v19, v8  }
0x56d: {  	v19 =	vadd.s32 $0x1, v10;
	v21 =	vadd.f32 v24, v4;
	v44 =	vadd.s32 v0, v16;
	v20 =	vld.idx.msk [tilespmem:v23+s18+$0x0], $0xffff  }
0x56e: {  	v16 =	vor.u32 v30, v25;
	v24 =	vld.idx.msk [tilespmem:v23+s19+$0x0], $0xffff;
	vm15 =	veq.s32 v19, $0x40;
	v8 =	vadd.f32 v17, v8  }
0x56f: {  	v17 =	vadd.f32 v7, v21;
	v7 =	vmul.f32 v31, v26;
	v26 =	vld.idx.msk [tilespmem:v23+s20+$0x0], $0xffff;
	v23 =	vand.u32 $0x7F, v10  }
0x570: {  	v12 =	vld.idx.msk [tilespmem:v5+s17+$0x0], $0xffff;
	v4 =	vmul.f32 v38, v37;
	v21 =	vsel vm15, $0x0, v19;
	v23 =	vor.u32 v23, v44  }
0x571: {  	v25 =	vld.idx.msk [tilespmem:v34+s19+$0x0], $0xffff;
	v19 =	vmul.f32 v22, v28;
	v6 =	vadd.f32 v6, v8;
	v27 =	vadd.f32 v27, v17  }
0x572: {  	v10 =	vmul.f32 v62, v61;
	v22 =	vld.idx.msk [tilespmem:v9+s17+$0x0], $0xffff;
	v8 =	vmul.f32 v41, v42  }
0x573: {  	s28 =	simm.s32 $0x0;
	v17 =	vadd.f32 v29, v6;
	v27 =	vadd.f32 v19, v27;
	v19 =	vld.idx.msk [tilespmem:v16+s17+$0x0], $0xffff;
	v6 =	vmul.f32 v63, v43  }
.LBB2_31:
0x574: {  	v28 =	vand.u32 $0xFFFFFF80, v21;
	v29 =	vadd.s32 $0x1, v21;
	s28 =	sadd.s32 $0x10, s28;
	v30 =	vld.idx.msk [tilespmem:v9+s18+$0x0], $0xffff  }
0x575: {  	v21 =	vand.u32 $0x7F, v21;
	vm0 =	veq.s32 v29, $0x40;
	p0 =	slt.u32 s28, $0x30;
	v31 =	vadd.f32 v11, v17;
	v32 =	vld.idx.msk [tilespmem:v23+s17+$0x0], $0xffff  }
0x576: {  	v28 =	vadd.s32 v0, v28;
	v11 =	vmul.f32 v26, v24;
	v29 =	vsel vm0, $0x0, v29;
	v24 =	vld.idx.msk [tilespmem:v9+s19+$0x0], $0xffff  }
0x577: {  	v17 =	vmul.f32 v20, v18;
	v26 =	vand.u32 $0xFFFFFF80, v29;
	v33 =	vadd.s32 $0x1, v29;
	v18 =	vld.idx.msk [tilespmem:v23+s18+$0x0], $0xffff  }
0x578: {  	v20 =	vadd.s32 v0, v26;
	vm0 =	veq.s32 v33, $0x40;
	v26 =	vadd.f32 v15, v31;
	v15 =	vld.idx.msk [tilespmem:v1+s17+$0x0], $0xffff  }
0x579: {  	v27 =	vadd.f32 v13, v27;
	v29 =	vand.u32 $0x7F, v29;
	v31 =	vsel vm0, $0x0, v33;
	v33 =	vld.idx.msk [tilespmem:v23+s19+$0x0], $0xffff  }
0x57a: {  	v1 =	vmul.f32 v30, v22;
	v13 =	vand.u32 $0xFFFFFF80, v31;
	v34 =	vadd.s32 $0x1, v31;
	v22 =	vld.idx.msk [tilespmem:v23+s20+$0x0], $0xffff  }
0x57b: {  	v23 =	vadd.s32 v0, v13;
	vm0 =	veq.s32 v34, $0x40;
	v13 =	vmul.f32 v14, v25;
	v25 =	vld.idx.msk [tilespmem:v9+s20+$0x0], $0xffff  }
0x57c: {  	v20 =	vor.u32 v29, v20;
	v29 =	vand.u32 $0x7F, v31;
	v9 =	vsel vm0, $0x0, v34;
	v30 =	vld.idx.msk [tilespmem:v5+s18+$0x0], $0xffff  }
0x57d: {  	v14 =	vand.u32 $0xFFFFFF80, v9;
	v31 =	vadd.s32 $0x1, v9;
	v34 =	vld.idx.msk [tilespmem:v5+s20+$0x0], $0xffff;
	v5 =	vmul.f32 v18, v32  }
0x57e: {  	v2 =	vmul.f32 v2, v15;
	v14 =	vadd.s32 v0, v14;
	vm0 =	veq.s32 v31, $0x40;
	v18 =	vld.idx.msk [tilespmem:v16+s18+$0x0], $0xffff  }
0x57f: {  	v21 =	vor.u32 v21, v28;
	v9 =	vand.u32 $0x7F, v9;
	v15 =	vsel vm0, $0x0, v31;
	v28 =	vld.idx.msk [tilespmem:v16+s19+$0x0], $0xffff  }
0x580: {  	v9 =	vor.u32 v9, v14;
	v14 =	vand.u32 $0xFFFFFF80, v15;
	v31 =	vadd.s32 $0x1, v15;
	v32 =	vld.idx.msk [tilespmem:v16+s20+$0x0], $0xffff  }
0x581: {  	v35 =	vadd.s32 v0, v14;
	vm0 =	veq.s32 v31, $0x40;
	v14 =	vmul.f32 v22, v33  }
0x582: {  	v22 =	vand.u32 $0x7F, v15;
	v15 =	vmul.f32 v25, v24;
	v31 =	vsel vm0, $0x0, v31  }
0x583: {  	v2 =	vadd.f32 v2, v26;
	v24 =	vand.u32 $0xFFFFFF80, v31;
	v25 =	vadd.s32 $0x1, v31  }
0x584: {  	v12 =	vmul.f32 v30, v12;
	v16 =	vld.idx.msk [tilespmem:v20+s18+$0x0], $0xffff;
	v24 =	vadd.s32 v0, v24;
	vm0 =	veq.s32 v25, $0x40  }
0x585: {  	v30 =	vand.u32 $0x7F, v31;
	v31 =	vmul.f32 v18, v19;
	v26 =	vld.idx.msk [tilespmem:v21+s18+$0x0], $0xffff;
	v25 =	vsel vm0, $0x0, v25  }
0x586: {  	v3 =	vmul.f32 v34, v3;
	v18 =	vld.idx.msk [tilespmem:v20+s17+$0x0], $0xffff;
	v19 =	vand.u32 $0xFFFFFF80, v25;
	v33 =	vadd.s32 $0x1, v25  }
0x587: {  	v2 =	vadd.f32 v12, v2;
	v34 =	vld.idx.msk [tilespmem:v21+s17+$0x0], $0xffff;
	v36 =	vadd.s32 v0, v19;
	vm0 =	veq.s32 v33, $0x40  }
0x588: {  	v23 =	vor.u32 v29, v23;
	v25 =	vand.u32 $0x7F, v25;
	v12 =	vld.idx.msk [tilespmem:v9+s17+$0x0], $0xffff;
	v29 =	vsel vm0, $0x0, v33  }
0x589: {  	v22 =	vor.u32 v22, v35;
	v19 =	vld.idx.msk [tilespmem:v9+s18+$0x0], $0xffff;
	v33 =	vand.u32 $0xFFFFFF80, v29;
	v35 =	vadd.s32 $0x1, v29  }
0x58a: {  	v28 =	vmul.f32 v32, v28;
	v37 =	vld.idx.msk [tilespmem:v21+s19+$0x0], $0xffff;
	v33 =	vadd.s32 v0, v33;
	vm0 =	veq.s32 v35, $0x40  }
0x58b: {  	v2 =	vadd.f32 v31, v2;
	v29 =	vand.u32 $0x7F, v29;
	v32 =	vld.idx.msk [tilespmem:v20+s20+$0x0], $0xffff;
	v35 =	vsel vm0, $0x0, v35  }
0x58c: {  	v25 =	vor.u32 v25, v36;
	v31 =	vld.idx.msk [tilespmem:v20+s19+$0x0], $0xffff;
	v20 =	vand.u32 $0xFFFFFF80, v35;
	v36 =	vadd.s32 $0x1, v35  }
0x58d: {  	v2 =	vadd.f32 v8, v2;
	v38 =	vld.idx.msk [tilespmem:v23+s20+$0x0], $0xffff;
	v39 =	vadd.s32 v0, v20;
	vm0 =	veq.s32 v36, $0x40  }
0x58e: {  	v7 =	vadd.f32 v7, v27;
	v35 =	vand.u32 $0x7F, v35;
	v40 =	vld.idx.msk [tilespmem:v23+s17+$0x0], $0xffff;
	v20 =	vsel vm0, $0x0, v36  }
0x58f: {  	v8 =	vmul.f32 v26, v34;
	v26 =	vld.idx.msk [tilespmem:v23+s19+$0x0], $0xffff;
	v27 =	vand.u32 $0xFFFFFF80, v20;
	v34 =	vadd.s32 $0x1, v20  }
0x590: {  	v2 =	vadd.f32 v10, v2;
	v21 =	vld.idx.msk [tilespmem:v21+s20+$0x0], $0xffff;
	v27 =	vadd.s32 v0, v27;
	vm0 =	veq.s32 v34, $0x40  }
0x591: {  	v4 =	vadd.f32 v4, v7;
	v41 =	vand.u32 $0x7F, v20;
	v36 =	vld.idx.msk [tilespmem:v25+s19+$0x0], $0xffff;
	v20 =	vsel vm0, $0x0, v34  }
0x592: {  	v7 =	vld.idx.msk [tilespmem:v23+s18+$0x0], $0xffff;
	v23 =	vor.u32 v30, v24;
	v10 =	vand.u32 $0xFFFFFF80, v20;
	v24 =	vadd.s32 $0x1, v20  }
0x593: {  	v29 =	vor.u32 v29, v33;
	v30 =	vld.idx.msk [tilespmem:v25+s20+$0x0], $0xffff;
	v10 =	vadd.s32 v0, v10;
	vm0 =	veq.s32 v24, $0x40  }
0x594: {  	v2 =	vadd.f32 v17, v2;
	v20 =	vand.u32 $0x7F, v20;
	v33 =	vld.idx.msk [tilespmem:v22+s19+$0x0], $0xffff;
	v24 =	vsel vm0, $0x0, v24  }
0x595: {  	v31 =	vmul.f32 v32, v31;
	v32 =	vld.idx.msk [tilespmem:v22+s20+$0x0], $0xffff;
	v17 =	vand.u32 $0xFFFFFF80, v24;
	v34 =	vand.u32 $0x7F, v24  }
0x596: {  	v3 =	vadd.f32 v3, v4;
	v24 =	vadd.s32 $0x1, v24;
	v17 =	vadd.s32 v0, v17  }
0x597: {  	v2 =	vadd.f32 v1, v2;
	vm0 =	veq.s32 v24, $0x40;
	v4 =	vld.idx.msk [tilespmem:v25+s17+$0x0], $0xffff;
	v17 =	vor.u32 v34, v17  }
0x598: {  	v3 =	vadd.f32 v28, v3;
	v34 =	vmul.f32 v21, v37;
	v24 =	vsel vm0, $0x0, v24;
	v21 =	vld.idx.msk [tilespmem:v25+s18+$0x0], $0xffff  }
0x599: {  	v1 =	vor.u32 v35, v39;
	v35 =	vadd.f32 v5, v2;
	v28 =	vadd.s32 $0x1, v24;
	v25 =	vld.idx.msk [tilespmem:v23+s17+$0x0], $0xffff  }
0x59a: {  	v2 =	vadd.f32 v13, v3;
	v39 =	vand.u32 $0xFFFFFF80, v24;
	vm0 =	veq.s32 v28, $0x40;
	v37 =	vld.idx.msk [tilespmem:v29+s20+$0x0], $0xffff  }
0x59b: {  	v40 =	vmul.f32 v7, v40;
	v32 =	vmul.f32 v32, v33;
	v7 =	vsel vm0, $0x0, v28;
	v3 =	vld.idx.msk [tilespmem:v29+s17+$0x0], $0xffff  }
0x59c: {  	v6 =	vadd.f32 v6, v2;
	v5 =	vand.u32 $0xFFFFFF80, v7;
	v13 =	vadd.s32 $0x1, v7;
	v28 =	vld.idx.msk [tilespmem:v9+s19+$0x0], $0xffff  }
0x59d: {  	v26 =	vmul.f32 v38, v26;
	v38 =	vadd.s32 v0, v5;
	vm0 =	veq.s32 v13, $0x40;
	v33 =	vld.idx.msk [tilespmem:v29+s18+$0x0], $0xffff  }
0x59e: {  	v6 =	vadd.f32 v11, v6;
	v5 =	vor.u32 v41, v27;
	v27 =	vsel vm0, $0x0, v13;
	v2 =	vld.idx.msk [tilespmem:v1+s18+$0x0], $0xffff  }
0x59f: {  	v11 =	vmul.f32 v21, v4;
	v13 =	vand.u32 $0xFFFFFF80, v27;
	v21 =	vadd.s32 $0x1, v27;
	v4 =	vld.idx.msk [tilespmem:v1+s19+$0x0], $0xffff  }
0x5a0: {  	v6 =	vadd.f32 v15, v6;
	v42 =	vadd.s32 v0, v13;
	vm0 =	veq.s32 v21, $0x40;
	v41 =	vld.idx.msk [tilespmem:v1+s20+$0x0], $0xffff  }
0x5a1: {  	v16 =	vmul.f32 v16, v18;
	v13 =	vmul.f32 v30, v36;
	v30 =	vsel vm0, $0x0, v21;
	v18 =	vld.idx.msk [tilespmem:v22+s17+$0x0], $0xffff  }
0x5a2: {  	v6 =	vadd.f32 v14, v6;
	v21 =	vand.u32 $0xFFFFFF80, v30;
	v36 =	vadd.s32 $0x1, v30;
	v22 =	vld.idx.msk [tilespmem:v22+s18+$0x0], $0xffff  }
0x5a3: {  	v15 =	vmul.f32 v33, v3;
	v33 =	vadd.s32 v0, v21;
	vm0 =	veq.s32 v36, $0x40;
	v3 =	vld.idx.msk [tilespmem:v5+s19+$0x0], $0xffff  }
0x5a4: {  	v19 =	vmul.f32 v19, v12;
	v21 =	vsel vm0, $0x0, v36;
	v12 =	vld.idx.msk [tilespmem:v23+s18+$0x0], $0xffff  }
0x5a5: {  	v29 =	vld.idx.msk [tilespmem:v29+s19+$0x0], $0xffff  }
0x5a6: {  	v4 =	vmul.f32 v41, v4;
	v36 =	vld.idx.msk [tilespmem:v17+s18+$0x0], $0xffff  }
0x5a7: {  	v41 =	vld.idx.msk [tilespmem:v23+s19+$0x0], $0xffff  }
0x5a8: {  	v14 =	vand.u32 $0x7F, v24;
	v24 =	vadd.s32 v0, v39;
	v22 =	vmul.f32 v22, v18;
	v18 =	vld.idx.msk [tilespmem:v17+s17+$0x0], $0xffff  }
0x5a9: {  	v24 =	vor.u32 v14, v24;
	v23 =	vld.idx.msk [tilespmem:v23+s20+$0x0], $0xffff  }
0x5aa: {  	v39 =	vmul.f32 v12, v25;
	v12 =	vand.u32 $0x7F, v7;
	v14 =	vld.idx.msk [tilespmem:v17+s20+$0x0], $0xffff  }
0x5ab: {  	v7 =	vmul.f32 v37, v29;
	v25 =	vor.u32 v12, v38  }
0x5ac: {  	v29 =	vld.idx.msk [tilespmem:v9+s20+$0x0], $0xffff  }
0x5ad: {  	v6 =	vadd.f32 v34, v6;
	v12 =	vld.idx.msk [tilespmem:v5+s17+$0x0], $0xffff  }
0x5ae: {  	v9 =	vadd.f32 v8, v35;
	v8 =	vmul.f32 v36, v18;
	v34 =	vld.idx.msk [tilespmem:v24+s17+$0x0], $0xffff  }
0x5af: {  	v6 =	vadd.f32 v31, v6;
	v31 =	vmul.f32 v23, v41;
	v23 =	vld.idx.msk [tilespmem:v24+s18+$0x0], $0xffff  }
0x5b0: {  	v16 =	vadd.f32 v16, v9;
	v9 =	vand.u32 $0x7F, v27;
	v18 =	vld.idx.msk [tilespmem:v25+s17+$0x0], $0xffff  }
0x5b1: {  	v9 =	vor.u32 v9, v42;
	v35 =	vld.idx.msk [tilespmem:v24+s19+$0x0], $0xffff  }
0x5b2: {  	v6 =	vadd.f32 v26, v6;
	v27 =	vadd.f32 v40, v16;
	v26 =	vmul.f32 v29, v28;
	v28 =	vld.idx.msk [tilespmem:v24+s20+$0x0], $0xffff  }
0x5b3: {  	v16 =	vor.u32 v20, v10;
	v20 =	vld.idx.msk [tilespmem:v25+s18+$0x0], $0xffff  }
.Ltmp14:
0x5b4: {  	v19 =	vadd.f32 v19, v27;
	v27 =	vand.u32 $0x7F, v30;
	v6 =	vadd.f32 v26, v6;
	v24 =	vld.idx.msk [tilespmem:v25+s19+$0x0], $0xffff;
	(pc) =	sbr.rel @p0 .LBB2_31-.Ltmp14, $4  }
0x5b5: {  	v10 =	vmul.f32 v23, v34;
	v23 =	vor.u32 v27, v33;
	v26 =	vld.idx.msk [tilespmem:v25+s20+$0x0], $0xffff  }
0x5b6: {  	v19 =	vadd.f32 v22, v19;
	v6 =	vadd.f32 v32, v6;
	v22 =	vld.idx.msk [tilespmem:v9+s17+$0x0], $0xffff  }
0x5b7: {  	v25 =	vld.idx.msk [tilespmem:v17+s19+$0x0], $0xffff  }
0x5b8: {  	v17 =	vadd.f32 v39, v19;
	v27 =	vadd.f32 v31, v6;
	v6 =	vmul.f32 v28, v35;
	v19 =	vld.idx.msk [tilespmem:v16+s17+$0x0], $0xffff  }
0x5b9: {  	_ =	sdelay $0x3  }
0x5ba: {  	v0 =	vld.idx.msk [tilespmem:v1+s17+$0x0], $0xffff  }
0x5bb: {  	v45 =	vld.idx.msk [tilespmem:v5+s18+$0x0], $0xffff  }
0x5bc: {  	v46 =	vld.idx.msk [tilespmem:v5+s20+$0x0], $0xffff  }
0x5bd: {  	v47 =	vld.idx.msk [tilespmem:v16+s18+$0x0], $0xffff  }
0x5be: {  	v21 =	vld.idx.msk [tilespmem:v16+s19+$0x0], $0xffff;
	v11 =	vadd.f32 v11, v17;
	v13 =	vadd.f32 v13, v27  }
0x5bf: {  	v48 =	vld.idx.msk [tilespmem:v16+s20+$0x0], $0xffff  }
0x5c0: {  	v11 =	vadd.f32 v15, v11;
	v7 =	vadd.f32 v7, v13;
	v0 =	vmul.f32 v2, v0  }
0x5c1: {  	v1 =	vmul.f32 v45, v12  }
0x5c2: {  	v3 =	vmul.f32 v46, v3;
	v4 =	vadd.f32 v4, v7;
	v0 =	vadd.f32 v0, v11  }
0x5c3: {  	v49 =	vld.idx.msk [tilespmem:v9+s18+$0x0], $0xffff;
	v50 =	vmul.f32 v47, v19  }
0x5c4: {  	v51 =	vld.idx.msk [tilespmem:v23+s17+$0x0], $0xffff;
	v52 =	vmul.f32 v48, v21;
	v53 =	vadd.f32 v3, v4;
	v0 =	vadd.f32 v1, v0  }
0x5c5: {  	v54 =	vld.idx.msk [tilespmem:v9+s19+$0x0], $0xffff  }
0x5c6: {  	v55 =	vld.idx.msk [tilespmem:v23+s18+$0x0], $0xffff;
	v56 =	vmul.f32 v14, v25;
	v1 =	vadd.f32 v52, v53;
	v0 =	vadd.f32 v50, v0  }
0x5c7: {  	v57 =	vld.idx.msk [tilespmem:v9+s20+$0x0], $0xffff  }
0x5c8: {  	v58 =	vld.idx.msk [tilespmem:v23+s19+$0x0], $0xffff;
	v1 =	vadd.f32 v56, v1;
	v0 =	vadd.f32 v8, v0  }
0x5c9: {  	v60 =	vld.idx.msk [tilespmem:v23+s20+$0x0], $0xffff;
	v61 =	vmul.f32 v20, v18  }
0x5ca: {  	v59 =	vmul.f32 v26, v24;
	v1 =	vadd.f32 v6, v1;
	v0 =	vadd.f32 v10, v0  }
0x5cb: {  	v5 =	vmul.f32 v49, v22  }
0x5cc: {  	v2 =	vmul.f32 v57, v54;
	v1 =	vadd.f32 v59, v1;
	v0 =	vadd.f32 v61, v0  }
0x5cd: {  	v62 =	vmul.f32 v55, v51  }
0x5ce: {  	s25 =	sadd.s32 $0x1, s25;
	v63 =	vmul.f32 v60, v58;
	v1 =	vadd.f32 v2, v1;
	v0 =	vadd.f32 v5, v0  }
0x5cf: {  	p0 =	sne.s32 s25, $0x4  }
.Ltmp15:
0x5d0: {  	v1 =	vadd.f32 v63, v1;
	v0 =	vadd.f32 v62, v0;
	(pc) =	sbr.rel @p0 .LBB2_30-.Ltmp15, $3  }
0x5d1: {  	_ = 	snop  }
0x5d2: {  	v0 =	vadd.f32 v1, v0;
	_ =	sdelay $0x1  }
0x5d3: {  	[tilespmem:s26+$0x10080] =	vst v0  }
0x5d4: {  	_ =	swait.ge [sflag:s23], $0x40  }
0x5d5: {  	[sflag:s23] =	ssyncset.done $0x0  }
0x5d6: {  	s24 =	sadd.s32 $0x1, s24;
	[sflag:s23] =	ssyncadd.s32 $0xFFFFFFC0  }
0x5d7: {  	[hbm4b:s11+s0] =	stream.linear.scatter [tilespmem:s22], [sflag:$0x2], $0x40, $0x38;
	[tilespmem:$0x10100] =	vst v63  }
0x5d8: {  	p0 =	sne.s32 s24, s12;
	_ =	swait.ge [sflag:s23], $0x40  }
.Ltmp16:
0x5d9: {  	[sflag:s23] =	ssyncset.done $0x0;
	(pc) =	sbr.rel @p0 .LBB2_1-.Ltmp16, $4  }
0x5da: {  	[sflag:s23] =	ssyncadd.s32 $0xFFFFFFC0  }
0x5db: {  	_ =	swait.ge [sflag:s23], $0x40  }
0x5dc: {  	[sflag:s23] =	ssyncset.done $0x0  }
0x5dd: {  	[sflag:s23] =	ssyncadd.s32 $0xFFFFFFC0  }
0x5de: {  	_ =	sfence.sel $0x180000  }
0x5df: {  	[bflag:$0x0] =	sbarrier.arrive $0xFFFF  }
0x5e0: {  	_ =	strace $0x90000047  }
0x5e1: {  	s0 =	stileid.u32;
	[bflag:$0x2] =	sbarrier.arrive $0xFFFF  }
0x5e2: {  	p0 =	sne.s32 s0, $0x0;
	s0 =	rddreg [dreg:$0x2]  }
0x5e3: {  	s0 =	sadd.s32 @!p0 $0x100000, s0  }
0x5e4: {  	[sflag:s0] =	ssyncadd.tile.s32 @!p0 $0x1;
	_ =	shalt  }
.Lfunc_end2:
_tile_overlayer_lowered:
.L_overlay_start_2:
0x5e5: {  	(tag) =	ssettag $0x2  }
0x5e6: {  	s0 =	rddreg [dreg:$0x0];
	s2 =	stileid.u32  }
0x5e7: {  	s1 =	rddreg [dreg:$0x1];
	p0 =	sne.s32 s2, $0x0  }
0x5e8: {  	s3 =	rddreg [dreg:$0x2];
	[bflag:$0x3] =	sbarrier.arrive $0xFFFF;
	s2 =	simm.s32 @!p0 $0x1C03  }
0x5e9: {  	[timem:s3], [sflag:s2] =	dma.local @!p0 [hbm:s0], s1  }
0x5ea: {  	s0 =	simm.s32 @!p0 $0x3  }
0x5eb: {  	_ =	swait.ge @!p0 [sflag:s0], s1  }
0x5ec: {  	s1 =	ssub.s32 @!p0 $0x0, s1;
	[sflag:s0] =	ssyncset.done @!p0 $0x0  }
0x5ed: {  	[sflag:s0] =	ssyncadd.s32 @!p0 s1  }
0x5ee: {  	[bflag:$0x3] =	sbarrier.arrive $0xFFFF  }
0x5ef: {  	_ =	shalt  }

</sc_bundles>
